<compile_context>
chip_gen: v7x
topology: tpu7x:2x2x1
jax: 0.10.2.dev20260603
libtpu: 0.0.44.dev20260713+nightly
codegen_flags: <defaults>
</compile_context>

<pallas_src>
import functools

import jax
import jax.numpy as jnp
from jax import lax
from jax.experimental import pallas as pl
from jax.experimental.pallas import tpu as pltpu
from jax.experimental.pallas import tpu_sc as plsc

NUM_TOKENS = 32768
NUM_EXPERTS = 64
TOPK = 8
LANES = 16
TBLK = 128
EBLK = 8
NEB = NUM_EXPERTS // EBLK
NTB = NUM_TOKENS // TBLK

_NET8 = (
    (0, 1), (2, 3), (4, 5), (6, 7),
    (0, 2), (1, 3), (4, 6), (5, 7),
    (1, 2), (5, 6), (0, 4), (3, 7),
    (1, 5), (2, 6),
    (1, 4), (3, 6),
    (2, 4), (3, 5),
    (3, 4),
)
_BMERGE8 = (
    (0, 4), (1, 5), (2, 6), (3, 7),
    (0, 2), (1, 3), (4, 6), (5, 7),
    (0, 1), (2, 3), (4, 5), (6, 7),
)


def _top8_keys(keys):
    acc = None
    for g in range(8):
        gv = list(keys[8 * g:8 * g + 8])
        for (i, j) in _NET8:
            hi = jnp.maximum(gv[i], gv[j])
            lo = jnp.minimum(gv[i], gv[j])
            gv[i], gv[j] = hi, lo
        if acc is None:
            acc = gv
        else:
            lv = [jnp.maximum(acc[i], gv[7 - i]) for i in range(8)]
            for (i, j) in _BMERGE8:
                hi = jnp.maximum(lv[i], lv[j])
                lo = jnp.minimum(lv[i], lv[j])
                lv[i], lv[j] = hi, lo
            acc = lv
    return acc


def _make_router():
    info = plsc.get_sparse_core_info()
    nc, ns = info.num_cores, info.num_subcores
    nw = nc * ns
    tpw = NUM_TOKENS // nw
    tbpw = tpw // TBLK
    ngroups = tpw // LANES

    mesh = plsc.VectorSubcoreMesh(core_axis_name="c", subcore_axis_name="s")

    @functools.partial(
        pl.kernel,
        mesh=mesh,
        out_type=(
            jax.ShapeDtypeStruct((NTB, TOPK, TBLK), jnp.float32),
            jax.ShapeDtypeStruct((NTB, TOPK, TBLK), jnp.int32),
        ),
        scratch_types=[
            pltpu.VMEM((NEB, tbpw, EBLK, TBLK), jnp.float32),
            pltpu.VMEM((tbpw, TOPK, TBLK), jnp.float32),
            pltpu.VMEM((tbpw, TOPK, TBLK), jnp.int32),
            pltpu.SemaphoreType.DMA,
            pltpu.SemaphoreType.DMA,
            pltpu.SemaphoreType.DMA,
        ],
        compiler_params=pltpu.CompilerParams(
            needs_layout_passes=False, use_tc_tiling_on_sc=False),
    )
    def router(logits_hbm, w_hbm, i_hbm, logits_v, w_v, i_v,
               sem_a, sem_b, sem_out):
        wid = lax.axis_index("s") * nc + lax.axis_index("c")
        tb0 = wid * tbpw
        half = tbpw // 2
        copy_a = pltpu.async_copy(
            logits_hbm.at[:, pl.ds(tb0, half)],
            logits_v.at[:, pl.ds(0, half)], sem_a)
        copy_b = pltpu.async_copy(
            logits_hbm.at[:, pl.ds(tb0 + half, half)],
            logits_v.at[:, pl.ds(half, half)], sem_b)

        def group(tb, gg):
            tr0 = gg * LANES
            keys = []
            for e in range(NUM_EXPERTS):
                v = logits_v[e // EBLK, tb, e % EBLK, pl.ds(tr0, LANES)]
                kb = (lax.bitcast_convert_type(v, jnp.int32)
                      & jnp.int32(-64)) | jnp.int32(63 - e)
                keys.append(lax.bitcast_convert_type(kb, jnp.float32))
            top = _top8_keys(keys)
            ids = [63 - (lax.bitcast_convert_type(k, jnp.int32)
                         & jnp.int32(63))
                   for k in top]
            es = ([jnp.full((LANES,), 1.0, jnp.float32)]
                  + [jnp.exp(v - top[0]) for v in top[1:]])
            total = es[0]
            for j in range(1, TOPK):
                total = total + es[j]
            inv = 1.0 / total
            for j in range(TOPK):
                w_v[tb, j, pl.ds(tr0, LANES)] = es[j] * inv
                i_v[tb, j, pl.ds(tr0, LANES)] = ids[j]

        def tb_body(tb, carry):
            @plsc.parallel_loop(0, TBLK // LANES, unroll=2)
            def g_body(gg):
                group(tb, gg)
            pltpu.async_copy(w_v.at[pl.ds(tb, 1)],
                             w_hbm.at[pl.ds(tb0 + tb, 1)], sem_out)
            pltpu.async_copy(i_v.at[pl.ds(tb, 1)],
                             i_hbm.at[pl.ds(tb0 + tb, 1)], sem_out)
            return carry

        copy_a.wait()
        lax.fori_loop(0, half, tb_body, 0)
        copy_b.wait()
        lax.fori_loop(half, tbpw, tb_body, 0)

        for t in range(tbpw):
            pltpu.make_async_copy(
                w_hbm.at[pl.ds(tb0 + t, 1)], w_v.at[pl.ds(t, 1)],
                sem_out).wait()
            pltpu.make_async_copy(
                i_hbm.at[pl.ds(tb0 + t, 1)], i_v.at[pl.ds(t, 1)],
                sem_out).wait()

    return router


@functools.cache
def _get_router():
    return _make_router()


def kernel(gate_logits):
    x4 = (gate_logits.T
          .reshape(NEB, EBLK, NTB, TBLK)
          .transpose(0, 2, 1, 3))
    w3, i3 = _get_router()(x4)
    weights = w3.transpose(0, 2, 1).reshape(NUM_TOKENS, TOPK)
    indices = i3.transpose(0, 2, 1).reshape(NUM_TOKENS, TOPK)
    return (weights, indices)

# --- scband reference (transcript-rebuilt; emitter-appended) ---
"""Pipeline reference for scband-model-2619930051446 (READ-ONLY COPY).

The authoritative reference and input builder live on the scoring server;
editing this copy changes nothing except your own understanding.
"""

import jax, jax.numpy as jnp
import numpy as np

EXPERTS_PER_TOKEN = 8

def setup_inputs(seed: int = 0) -> dict:
    key = jax.random.key(seed)
    gate_logits = jax.random.normal(key, (32768, 64), dtype=jnp.float32)
    return {"gate_logits": gate_logits}

def reference(gate_logits):
    # torch.topk(gate_logits, k, dim=-1, sorted=True)
    values, indices = jax.lax.top_k(gate_logits, EXPERTS_PER_TOKEN)
    # softmax over dim=1 (last dim of [tokens, k])
    expert_weights = jax.nn.softmax(values, axis=1)
    expert_indices = indices
    return (expert_weights, expert_indices)

if __name__ == "__main__":
    import jax
    _d = setup_inputs()
    print(jax.jit(kernel)(*tuple(_d.values())))

</pallas_src>

<mosaic_0001>
#map = affine_map<(d0, d1) -> (0, 0, 0, 0)>
#map1 = affine_map<(d0, d1) -> (0, 0, 0)>
module attributes {stable_mosaic.version = 14 : i64} {
  func.func @router(%arg0: i32, %arg1: i32, %arg2: memref<8x256x8x128xf32, #tpu.memory_space<hbm>>, %arg3: memref<256x8x128xf32, #tpu.memory_space<hbm>>, %arg4: memref<256x8x128xi32, #tpu.memory_space<hbm>>, %arg5: memref<8x8x8x128xf32, #tpu.memory_space<vmem>>, %arg6: memref<8x8x128xf32, #tpu.memory_space<vmem>>, %arg7: memref<8x8x128xi32, #tpu.memory_space<vmem>>, %arg8: memref<!tpu.dma_semaphore, #tpu.memory_space<semaphore_mem>>, %arg9: memref<!tpu.dma_semaphore, #tpu.memory_space<semaphore_mem>>, %arg10: memref<!tpu.dma_semaphore, #tpu.memory_space<semaphore_mem>>) attributes {dimension_semantics = [#tpu.dimension_semantics<core_parallel>, #tpu.dimension_semantics<subcore_parallel>], iteration_bounds = array<i64: 2, 16>, scalar_prefetch = 0 : i64, scratch_operands = 6 : i64, tpu.core_type = #tpu.core_type<sc_vector_subcore>, window_params = [{transform_indices = #map}, {transform_indices = #map1}, {transform_indices = #map1}]} {
    %mul3A = arith.constant 2 : i32
    %mul3A_0 = arith.muli %arg1, %mul3A : i32
    %add3A = arith.addi %mul3A_0, %arg0 : i32
    %mul3A_1 = arith.constant 8 : i32
    %mul3A_2 = arith.muli %add3A, %mul3A_1 : i32
    %dma_start3A = arith.constant 0 : i32
    %dma_start3A_3 = arith.constant 0 : i32
    %dma_start3A_4 = arith.constant 0 : i32
    %dma_start3A_5 = arith.constant 0 : i32
    %dma_start3A_6 = tpu.memref_slice %arg5[%dma_start3A, %dma_start3A_3, %dma_start3A_4, %dma_start3A_5] : memref<8x8x8x128xf32, #tpu.memory_space<vmem>> -> memref<8x4x8x128xf32, #tpu.memory_space<vmem>>
    %dma_start3A_7 = arith.constant 0 : i32
    %dma_start3A_8 = arith.constant 0 : i32
    %dma_start3A_9 = arith.constant 0 : i32
    %dma_start3A_10 = tpu.memref_slice %arg2[%dma_start3A_7, %mul3A_2, %dma_start3A_8, %dma_start3A_9] : memref<8x256x8x128xf32, #tpu.memory_space<hbm>> -> memref<8x4x8x128xf32, #tpu.memory_space<hbm>>
    %dma_start3A_11 = arith.constant 0 : i32
    %dma_start3A_12 = arith.constant 0 : i32
    %dma_start3A_13 = arith.constant 0 : i32
    %dma_start3A_14 = arith.constant 0 : i32
    %dma_start3A_15 = tpu.memref_slice %arg5[%dma_start3A_11, %dma_start3A_12, %dma_start3A_13, %dma_start3A_14] : memref<8x8x8x128xf32, #tpu.memory_space<vmem>> -> memref<8x4x8x128xf32, #tpu.memory_space<vmem>>
    %dma_start3A_16 = arith.constant 0 : i32
    %dma_start3A_17 = arith.constant 0 : i32
    %dma_start3A_18 = arith.constant 0 : i32
    %dma_start3A_19 = tpu.memref_slice %arg2[%dma_start3A_16, %mul3A_2, %dma_start3A_17, %dma_start3A_18] : memref<8x256x8x128xf32, #tpu.memory_space<hbm>> -> memref<8x4x8x128xf32, #tpu.memory_space<hbm>>
    tpu.enqueue_dma source(%dma_start3A_19 : memref<8x4x8x128xf32, #tpu.memory_space<hbm>>) target(%dma_start3A_15 : memref<8x4x8x128xf32, #tpu.memory_space<vmem>>) target_semaphore(%arg8 : memref<!tpu.dma_semaphore, #tpu.memory_space<semaphore_mem>>)
    %add3A_20 = arith.constant 4 : i32
    %add3A_21 = arith.addi %mul3A_2, %add3A_20 : i32
    %dma_start3A_22 = arith.constant 0 : i32
    %dma_start3A_23 = arith.constant 4 : i32
    %dma_start3A_24 = arith.constant 0 : i32
    %dma_start3A_25 = arith.constant 0 : i32
    %dma_start3A_26 = tpu.memref_slice %arg5[%dma_start3A_22, %dma_start3A_23, %dma_start3A_24, %dma_start3A_25] : memref<8x8x8x128xf32, #tpu.memory_space<vmem>> -> memref<8x4x8x128xf32, #tpu.memory_space<vmem>>
    %dma_start3A_27 = arith.constant 0 : i32
    %dma_start3A_28 = arith.constant 0 : i32
    %dma_start3A_29 = arith.constant 0 : i32
    %dma_start3A_30 = tpu.memref_slice %arg2[%dma_start3A_27, %add3A_21, %dma_start3A_28, %dma_start3A_29] : memref<8x256x8x128xf32, #tpu.memory_space<hbm>> -> memref<8x4x8x128xf32, #tpu.memory_space<hbm>>
    %dma_start3A_31 = arith.constant 0 : i32
    %dma_start3A_32 = arith.constant 4 : i32
    %dma_start3A_33 = arith.constant 0 : i32
    %dma_start3A_34 = arith.constant 0 : i32
    %dma_start3A_35 = tpu.memref_slice %arg5[%dma_start3A_31, %dma_start3A_32, %dma_start3A_33, %dma_start3A_34] : memref<8x8x8x128xf32, #tpu.memory_space<vmem>> -> memref<8x4x8x128xf32, #tpu.memory_space<vmem>>
    %dma_start3A_36 = arith.constant 0 : i32
    %dma_start3A_37 = arith.constant 0 : i32
    %dma_start3A_38 = arith.constant 0 : i32
    %dma_start3A_39 = tpu.memref_slice %arg2[%dma_start3A_36, %add3A_21, %dma_start3A_37, %dma_start3A_38] : memref<8x256x8x128xf32, #tpu.memory_space<hbm>> -> memref<8x4x8x128xf32, #tpu.memory_space<hbm>>
    tpu.enqueue_dma source(%dma_start3A_39 : memref<8x4x8x128xf32, #tpu.memory_space<hbm>>) target(%dma_start3A_35 : memref<8x4x8x128xf32, #tpu.memory_space<vmem>>) target_semaphore(%arg9 : memref<!tpu.dma_semaphore, #tpu.memory_space<semaphore_mem>>)
    %dma_wait3A = arith.constant 0 : i32
    %dma_wait3A_40 = arith.constant 0 : i32
    %dma_wait3A_41 = arith.constant 0 : i32
    %dma_wait3A_42 = arith.constant 0 : i32
    %dma_wait3A_43 = tpu.memref_slice %arg5[%dma_wait3A, %dma_wait3A_40, %dma_wait3A_41, %dma_wait3A_42] : memref<8x8x8x128xf32, #tpu.memory_space<vmem>> -> memref<8x4x8x128xf32, #tpu.memory_space<vmem>>
    %dma_wait3A_44 = arith.constant 0 : i32
    %dma_wait3A_45 = arith.constant 0 : i32
    %dma_wait3A_46 = arith.constant 0 : i32
    %dma_wait3A_47 = tpu.memref_slice %arg2[%dma_wait3A_44, %mul3A_2, %dma_wait3A_45, %dma_wait3A_46] : memref<8x256x8x128xf32, #tpu.memory_space<hbm>> -> memref<8x4x8x128xf32, #tpu.memory_space<hbm>>
    %dma_wait3A_48 = arith.constant 0 : i32
    %dma_wait3A_49 = arith.constant 0 : i32
    %dma_wait3A_50 = arith.constant 0 : i32
    %dma_wait3A_51 = arith.constant 0 : i32
    %dma_wait3A_52 = tpu.memref_slice %arg5[%dma_wait3A_48, %dma_wait3A_49, %dma_wait3A_50, %dma_wait3A_51] : memref<8x8x8x128xf32, #tpu.memory_space<vmem>> -> memref<8x4x8x128xf32, #tpu.memory_space<vmem>>
    %dma_wait3A_53 = arith.constant 0 : i32
    %dma_wait3A_54 = arith.constant 0 : i32
    %dma_wait3A_55 = arith.constant 0 : i32
    %dma_wait3A_56 = tpu.memref_slice %arg2[%dma_wait3A_53, %mul3A_2, %dma_wait3A_54, %dma_wait3A_55] : memref<8x256x8x128xf32, #tpu.memory_space<hbm>> -> memref<8x4x8x128xf32, #tpu.memory_space<hbm>>
    tpu.wait_dma2 semaphore(%arg8 : memref<!tpu.dma_semaphore, #tpu.memory_space<semaphore_mem>>) src(%dma_wait3A_56 : memref<8x4x8x128xf32, #tpu.memory_space<hbm>>) dst(%dma_wait3A_52 : memref<8x4x8x128xf32, #tpu.memory_space<vmem>>)
    %scan3A = arith.constant 0 : i32
    %scan3A_57 = arith.constant 0 : i32
    %scan3A_58 = arith.constant 4 : i32
    %scan3A_59 = arith.addi %scan3A_57, %scan3A_58 : i32
    %scan3A_60 = arith.constant 1 : i32
    scf.for %scan3A_342 = %scan3A_57 to %scan3A_59 step %scan3A_60  : i32 {
      %parallel_loop3A = arith.constant 0 : i32
      %parallel_loop3A_343 = arith.constant 8 : i32
      %parallel_loop3A_344 = arith.constant 1 : i32
      scf.for %parallel_loop3A_371 = %parallel_loop3A to %parallel_loop3A_343 step %parallel_loop3A_344  : i32 {
        %parallel_loop3A_372 = arith.constant 16 : i32
        %parallel_loop3A_373 = arith.muli %parallel_loop3A_371, %parallel_loop3A_372 : i32
        %parallel_loop3A_374 = arith.constant 0 : i32
        %parallel_loop3A_375 = arith.constant 0 : i32
        %parallel_loop3A_376 = arith.index_cast %parallel_loop3A_374 : i32 to index
        %parallel_loop3A_377 = arith.index_cast %scan3A_342 : i32 to index
        %parallel_loop3A_378 = arith.index_cast %parallel_loop3A_375 : i32 to index
        %parallel_loop3A_379 = arith.index_cast %parallel_loop3A_373 : i32 to index
        %parallel_loop3A_380 = tpu.vector_load %arg5[%parallel_loop3A_376, %parallel_loop3A_377, %parallel_loop3A_378, %parallel_loop3A_379] {strides = array<i32>} : memref<8x8x8x128xf32, #tpu.memory_space<vmem>>, vector<16xf32>,
        %parallel_loop3A_381 = tpu.bitcast %parallel_loop3A_380 : vector<16xf32> -> vector<16xi32>
        %parallel_loop3A_382 = arith.constant -64 : i32
        %parallel_loop3A_383 = vector.broadcast %parallel_loop3A_382 : i32 to vector<16xi32>
        %parallel_loop3A_384 = arith.andi %parallel_loop3A_381, %parallel_loop3A_383 : vector<16xi32>
        %parallel_loop3A_385 = arith.constant 63 : i32
        %parallel_loop3A_386 = vector.broadcast %parallel_loop3A_385 : i32 to vector<16xi32>
        %parallel_loop3A_387 = arith.ori %parallel_loop3A_384, %parallel_loop3A_386 : vector<16xi32>
        %parallel_loop3A_388 = tpu.bitcast %parallel_loop3A_387 : vector<16xi32> -> vector<16xf32>
        %parallel_loop3A_389 = arith.constant 0 : i32
        %parallel_loop3A_390 = arith.constant 1 : i32
        %parallel_loop3A_391 = arith.index_cast %parallel_loop3A_389 : i32 to index
        %parallel_loop3A_392 = arith.index_cast %scan3A_342 : i32 to index
        %parallel_loop3A_393 = arith.index_cast %parallel_loop3A_390 : i32 to index
        %parallel_loop3A_394 = arith.index_cast %parallel_loop3A_373 : i32 to index
        %parallel_loop3A_395 = tpu.vector_load %arg5[%parallel_loop3A_391, %parallel_loop3A_392, %parallel_loop3A_393, %parallel_loop3A_394] {strides = array<i32>} : memref<8x8x8x128xf32, #tpu.memory_space<vmem>>, vector<16xf32>,
        %parallel_loop3A_396 = tpu.bitcast %parallel_loop3A_395 : vector<16xf32> -> vector<16xi32>
        %parallel_loop3A_397 = arith.constant -64 : i32
        %parallel_loop3A_398 = vector.broadcast %parallel_loop3A_397 : i32 to vector<16xi32>
        %parallel_loop3A_399 = arith.andi %parallel_loop3A_396, %parallel_loop3A_398 : vector<16xi32>
        %parallel_loop3A_400 = arith.constant 62 : i32
        %parallel_loop3A_401 = vector.broadcast %parallel_loop3A_400 : i32 to vector<16xi32>
        %parallel_loop3A_402 = arith.ori %parallel_loop3A_399, %parallel_loop3A_401 : vector<16xi32>
        %parallel_loop3A_403 = tpu.bitcast %parallel_loop3A_402 : vector<16xi32> -> vector<16xf32>
        %parallel_loop3A_404 = arith.constant 0 : i32
        %parallel_loop3A_405 = arith.constant 2 : i32
        %parallel_loop3A_406 = arith.index_cast %parallel_loop3A_404 : i32 to index
        %parallel_loop3A_407 = arith.index_cast %scan3A_342 : i32 to index
        %parallel_loop3A_408 = arith.index_cast %parallel_loop3A_405 : i32 to index
        %parallel_loop3A_409 = arith.index_cast %parallel_loop3A_373 : i32 to index
        %parallel_loop3A_410 = tpu.vector_load %arg5[%parallel_loop3A_406, %parallel_loop3A_407, %parallel_loop3A_408, %parallel_loop3A_409] {strides = array<i32>} : memref<8x8x8x128xf32, #tpu.memory_space<vmem>>, vector<16xf32>,
        %parallel_loop3A_411 = tpu.bitcast %parallel_loop3A_410 : vector<16xf32> -> vector<16xi32>
        %parallel_loop3A_412 = arith.constant -64 : i32
        %parallel_loop3A_413 = vector.broadcast %parallel_loop3A_412 : i32 to vector<16xi32>
        %parallel_loop3A_414 = arith.andi %parallel_loop3A_411, %parallel_loop3A_413 : vector<16xi32>
        %parallel_loop3A_415 = arith.constant 61 : i32
        %parallel_loop3A_416 = vector.broadcast %parallel_loop3A_415 : i32 to vector<16xi32>
        %parallel_loop3A_417 = arith.ori %parallel_loop3A_414, %parallel_loop3A_416 : vector<16xi32>
        %parallel_loop3A_418 = tpu.bitcast %parallel_loop3A_417 : vector<16xi32> -> vector<16xf32>
        %parallel_loop3A_419 = arith.constant 0 : i32
        %parallel_loop3A_420 = arith.constant 3 : i32
        %parallel_loop3A_421 = arith.index_cast %parallel_loop3A_419 : i32 to index
        %parallel_loop3A_422 = arith.index_cast %scan3A_342 : i32 to index
        %parallel_loop3A_423 = arith.index_cast %parallel_loop3A_420 : i32 to index
        %parallel_loop3A_424 = arith.index_cast %parallel_loop3A_373 : i32 to index
        %parallel_loop3A_425 = tpu.vector_load %arg5[%parallel_loop3A_421, %parallel_loop3A_422, %parallel_loop3A_423, %parallel_loop3A_424] {strides = array<i32>} : memref<8x8x8x128xf32, #tpu.memory_space<vmem>>, vector<16xf32>,
        %parallel_loop3A_426 = tpu.bitcast %parallel_loop3A_425 : vector<16xf32> -> vector<16xi32>
        %parallel_loop3A_427 = arith.constant -64 : i32
        %parallel_loop3A_428 = vector.broadcast %parallel_loop3A_427 : i32 to vector<16xi32>
        %parallel_loop3A_429 = arith.andi %parallel_loop3A_426, %parallel_loop3A_428 : vector<16xi32>
        %parallel_loop3A_430 = arith.constant 60 : i32
        %parallel_loop3A_431 = vector.broadcast %parallel_loop3A_430 : i32 to vector<16xi32>
        %parallel_loop3A_432 = arith.ori %parallel_loop3A_429, %parallel_loop3A_431 : vector<16xi32>
        %parallel_loop3A_433 = tpu.bitcast %parallel_loop3A_432 : vector<16xi32> -> vector<16xf32>
        %parallel_loop3A_434 = arith.constant 0 : i32
        %parallel_loop3A_435 = arith.constant 4 : i32
        %parallel_loop3A_436 = arith.index_cast %parallel_loop3A_434 : i32 to index
        %parallel_loop3A_437 = arith.index_cast %scan3A_342 : i32 to index
        %parallel_loop3A_438 = arith.index_cast %parallel_loop3A_435 : i32 to index
        %parallel_loop3A_439 = arith.index_cast %parallel_loop3A_373 : i32 to index
        %parallel_loop3A_440 = tpu.vector_load %arg5[%parallel_loop3A_436, %parallel_loop3A_437, %parallel_loop3A_438, %parallel_loop3A_439] {strides = array<i32>} : memref<8x8x8x128xf32, #tpu.memory_space<vmem>>, vector<16xf32>,
        %parallel_loop3A_441 = tpu.bitcast %parallel_loop3A_440 : vector<16xf32> -> vector<16xi32>
        %parallel_loop3A_442 = arith.constant -64 : i32
        %parallel_loop3A_443 = vector.broadcast %parallel_loop3A_442 : i32 to vector<16xi32>
        %parallel_loop3A_444 = arith.andi %parallel_loop3A_441, %parallel_loop3A_443 : vector<16xi32>
        %parallel_loop3A_445 = arith.constant 59 : i32
        %parallel_loop3A_446 = vector.broadcast %parallel_loop3A_445 : i32 to vector<16xi32>
        %parallel_loop3A_447 = arith.ori %parallel_loop3A_444, %parallel_loop3A_446 : vector<16xi32>
        %parallel_loop3A_448 = tpu.bitcast %parallel_loop3A_447 : vector<16xi32> -> vector<16xf32>
        %parallel_loop3A_449 = arith.constant 0 : i32
        %parallel_loop3A_450 = arith.constant 5 : i32
        %parallel_loop3A_451 = arith.index_cast %parallel_loop3A_449 : i32 to index
        %parallel_loop3A_452 = arith.index_cast %scan3A_342 : i32 to index
        %parallel_loop3A_453 = arith.index_cast %parallel_loop3A_450 : i32 to index
        %parallel_loop3A_454 = arith.index_cast %parallel_loop3A_373 : i32 to index
        %parallel_loop3A_455 = tpu.vector_load %arg5[%parallel_loop3A_451, %parallel_loop3A_452, %parallel_loop3A_453, %parallel_loop3A_454] {strides = array<i32>} : memref<8x8x8x128xf32, #tpu.memory_space<vmem>>, vector<16xf32>,
        %parallel_loop3A_456 = tpu.bitcast %parallel_loop3A_455 : vector<16xf32> -> vector<16xi32>
        %parallel_loop3A_457 = arith.constant -64 : i32
        %parallel_loop3A_458 = vector.broadcast %parallel_loop3A_457 : i32 to vector<16xi32>
        %parallel_loop3A_459 = arith.andi %parallel_loop3A_456, %parallel_loop3A_458 : vector<16xi32>
        %parallel_loop3A_460 = arith.constant 58 : i32
        %parallel_loop3A_461 = vector.broadcast %parallel_loop3A_460 : i32 to vector<16xi32>
        %parallel_loop3A_462 = arith.ori %parallel_loop3A_459, %parallel_loop3A_461 : vector<16xi32>
        %parallel_loop3A_463 = tpu.bitcast %parallel_loop3A_462 : vector<16xi32> -> vector<16xf32>
        %parallel_loop3A_464 = arith.constant 0 : i32
        %parallel_loop3A_465 = arith.constant 6 : i32
        %parallel_loop3A_466 = arith.index_cast %parallel_loop3A_464 : i32 to index
        %parallel_loop3A_467 = arith.index_cast %scan3A_342 : i32 to index
        %parallel_loop3A_468 = arith.index_cast %parallel_loop3A_465 : i32 to index
        %parallel_loop3A_469 = arith.index_cast %parallel_loop3A_373 : i32 to index
        %parallel_loop3A_470 = tpu.vector_load %arg5[%parallel_loop3A_466, %parallel_loop3A_467, %parallel_loop3A_468, %parallel_loop3A_469] {strides = array<i32>} : memref<8x8x8x128xf32, #tpu.memory_space<vmem>>, vector<16xf32>,
        %parallel_loop3A_471 = tpu.bitcast %parallel_loop3A_470 : vector<16xf32> -> vector<16xi32>
        %parallel_loop3A_472 = arith.constant -64 : i32
        %parallel_loop3A_473 = vector.broadcast %parallel_loop3A_472 : i32 to vector<16xi32>
        %parallel_loop3A_474 = arith.andi %parallel_loop3A_471, %parallel_loop3A_473 : vector<16xi32>
        %parallel_loop3A_475 = arith.constant 57 : i32
        %parallel_loop3A_476 = vector.broadcast %parallel_loop3A_475 : i32 to vector<16xi32>
        %parallel_loop3A_477 = arith.ori %parallel_loop3A_474, %parallel_loop3A_476 : vector<16xi32>
        %parallel_loop3A_478 = tpu.bitcast %parallel_loop3A_477 : vector<16xi32> -> vector<16xf32>
        %parallel_loop3A_479 = arith.constant 0 : i32
        %parallel_loop3A_480 = arith.constant 7 : i32
        %parallel_loop3A_481 = arith.index_cast %parallel_loop3A_479 : i32 to index
        %parallel_loop3A_482 = arith.index_cast %scan3A_342 : i32 to index
        %parallel_loop3A_483 = arith.index_cast %parallel_loop3A_480 : i32 to index
        %parallel_loop3A_484 = arith.index_cast %parallel_loop3A_373 : i32 to index
        %parallel_loop3A_485 = tpu.vector_load %arg5[%parallel_loop3A_481, %parallel_loop3A_482, %parallel_loop3A_483, %parallel_loop3A_484] {strides = array<i32>} : memref<8x8x8x128xf32, #tpu.memory_space<vmem>>, vector<16xf32>,
        %parallel_loop3A_486 = tpu.bitcast %parallel_loop3A_485 : vector<16xf32> -> vector<16xi32>
        %parallel_loop3A_487 = arith.constant -64 : i32
        %parallel_loop3A_488 = vector.broadcast %parallel_loop3A_487 : i32 to vector<16xi32>
        %parallel_loop3A_489 = arith.andi %parallel_loop3A_486, %parallel_loop3A_488 : vector<16xi32>
        %parallel_loop3A_490 = arith.constant 56 : i32
        %parallel_loop3A_491 = vector.broadcast %parallel_loop3A_490 : i32 to vector<16xi32>
        %parallel_loop3A_492 = arith.ori %parallel_loop3A_489, %parallel_loop3A_491 : vector<16xi32>
        %parallel_loop3A_493 = tpu.bitcast %parallel_loop3A_492 : vector<16xi32> -> vector<16xf32>
        %parallel_loop3A_494 = arith.constant 1 : i32
        %parallel_loop3A_495 = arith.constant 0 : i32
        %parallel_loop3A_496 = arith.index_cast %parallel_loop3A_494 : i32 to index
        %parallel_loop3A_497 = arith.index_cast %scan3A_342 : i32 to index
        %parallel_loop3A_498 = arith.index_cast %parallel_loop3A_495 : i32 to index
        %parallel_loop3A_499 = arith.index_cast %parallel_loop3A_373 : i32 to index
        %parallel_loop3A_500 = tpu.vector_load %arg5[%parallel_loop3A_496, %parallel_loop3A_497, %parallel_loop3A_498, %parallel_loop3A_499] {strides = array<i32>} : memref<8x8x8x128xf32, #tpu.memory_space<vmem>>, vector<16xf32>,
        %parallel_loop3A_501 = tpu.bitcast %parallel_loop3A_500 : vector<16xf32> -> vector<16xi32>
        %parallel_loop3A_502 = arith.constant -64 : i32
        %parallel_loop3A_503 = vector.broadcast %parallel_loop3A_502 : i32 to vector<16xi32>
        %parallel_loop3A_504 = arith.andi %parallel_loop3A_501, %parallel_loop3A_503 : vector<16xi32>
        %parallel_loop3A_505 = arith.constant 55 : i32
        %parallel_loop3A_506 = vector.broadcast %parallel_loop3A_505 : i32 to vector<16xi32>
        %parallel_loop3A_507 = arith.ori %parallel_loop3A_504, %parallel_loop3A_506 : vector<16xi32>
        %parallel_loop3A_508 = tpu.bitcast %parallel_loop3A_507 : vector<16xi32> -> vector<16xf32>
        %parallel_loop3A_509 = arith.constant 1 : i32
        %parallel_loop3A_510 = arith.constant 1 : i32
        %parallel_loop3A_511 = arith.index_cast %parallel_loop3A_509 : i32 to index
        %parallel_loop3A_512 = arith.index_cast %scan3A_342 : i32 to index
        %parallel_loop3A_513 = arith.index_cast %parallel_loop3A_510 : i32 to index
        %parallel_loop3A_514 = arith.index_cast %parallel_loop3A_373 : i32 to index
        %parallel_loop3A_515 = tpu.vector_load %arg5[%parallel_loop3A_511, %parallel_loop3A_512, %parallel_loop3A_513, %parallel_loop3A_514] {strides = array<i32>} : memref<8x8x8x128xf32, #tpu.memory_space<vmem>>, vector<16xf32>,
        %parallel_loop3A_516 = tpu.bitcast %parallel_loop3A_515 : vector<16xf32> -> vector<16xi32>
        %parallel_loop3A_517 = arith.constant -64 : i32
        %parallel_loop3A_518 = vector.broadcast %parallel_loop3A_517 : i32 to vector<16xi32>
        %parallel_loop3A_519 = arith.andi %parallel_loop3A_516, %parallel_loop3A_518 : vector<16xi32>
        %parallel_loop3A_520 = arith.constant 54 : i32
        %parallel_loop3A_521 = vector.broadcast %parallel_loop3A_520 : i32 to vector<16xi32>
        %parallel_loop3A_522 = arith.ori %parallel_loop3A_519, %parallel_loop3A_521 : vector<16xi32>
        %parallel_loop3A_523 = tpu.bitcast %parallel_loop3A_522 : vector<16xi32> -> vector<16xf32>
        %parallel_loop3A_524 = arith.constant 1 : i32
        %parallel_loop3A_525 = arith.constant 2 : i32
        %parallel_loop3A_526 = arith.index_cast %parallel_loop3A_524 : i32 to index
        %parallel_loop3A_527 = arith.index_cast %scan3A_342 : i32 to index
        %parallel_loop3A_528 = arith.index_cast %parallel_loop3A_525 : i32 to index
        %parallel_loop3A_529 = arith.index_cast %parallel_loop3A_373 : i32 to index
        %parallel_loop3A_530 = tpu.vector_load %arg5[%parallel_loop3A_526, %parallel_loop3A_527, %parallel_loop3A_528, %parallel_loop3A_529] {strides = array<i32>} : memref<8x8x8x128xf32, #tpu.memory_space<vmem>>, vector<16xf32>,
        %parallel_loop3A_531 = tpu.bitcast %parallel_loop3A_530 : vector<16xf32> -> vector<16xi32>
        %parallel_loop3A_532 = arith.constant -64 : i32
        %parallel_loop3A_533 = vector.broadcast %parallel_loop3A_532 : i32 to vector<16xi32>
        %parallel_loop3A_534 = arith.andi %parallel_loop3A_531, %parallel_loop3A_533 : vector<16xi32>
        %parallel_loop3A_535 = arith.constant 53 : i32
        %parallel_loop3A_536 = vector.broadcast %parallel_loop3A_535 : i32 to vector<16xi32>
        %parallel_loop3A_537 = arith.ori %parallel_loop3A_534, %parallel_loop3A_536 : vector<16xi32>
        %parallel_loop3A_538 = tpu.bitcast %parallel_loop3A_537 : vector<16xi32> -> vector<16xf32>
        %parallel_loop3A_539 = arith.constant 1 : i32
        %parallel_loop3A_540 = arith.constant 3 : i32
        %parallel_loop3A_541 = arith.index_cast %parallel_loop3A_539 : i32 to index
        %parallel_loop3A_542 = arith.index_cast %scan3A_342 : i32 to index
        %parallel_loop3A_543 = arith.index_cast %parallel_loop3A_540 : i32 to index
        %parallel_loop3A_544 = arith.index_cast %parallel_loop3A_373 : i32 to index
        %parallel_loop3A_545 = tpu.vector_load %arg5[%parallel_loop3A_541, %parallel_loop3A_542, %parallel_loop3A_543, %parallel_loop3A_544] {strides = array<i32>} : memref<8x8x8x128xf32, #tpu.memory_space<vmem>>, vector<16xf32>,
        %parallel_loop3A_546 = tpu.bitcast %parallel_loop3A_545 : vector<16xf32> -> vector<16xi32>
        %parallel_loop3A_547 = arith.constant -64 : i32
        %parallel_loop3A_548 = vector.broadcast %parallel_loop3A_547 : i32 to vector<16xi32>
        %parallel_loop3A_549 = arith.andi %parallel_loop3A_546, %parallel_loop3A_548 : vector<16xi32>
        %parallel_loop3A_550 = arith.constant 52 : i32
        %parallel_loop3A_551 = vector.broadcast %parallel_loop3A_550 : i32 to vector<16xi32>
        %parallel_loop3A_552 = arith.ori %parallel_loop3A_549, %parallel_loop3A_551 : vector<16xi32>
        %parallel_loop3A_553 = tpu.bitcast %parallel_loop3A_552 : vector<16xi32> -> vector<16xf32>
        %parallel_loop3A_554 = arith.constant 1 : i32
        %parallel_loop3A_555 = arith.constant 4 : i32
        %parallel_loop3A_556 = arith.index_cast %parallel_loop3A_554 : i32 to index
        %parallel_loop3A_557 = arith.index_cast %scan3A_342 : i32 to index
        %parallel_loop3A_558 = arith.index_cast %parallel_loop3A_555 : i32 to index
        %parallel_loop3A_559 = arith.index_cast %parallel_loop3A_373 : i32 to index
        %parallel_loop3A_560 = tpu.vector_load %arg5[%parallel_loop3A_556, %parallel_loop3A_557, %parallel_loop3A_558, %parallel_loop3A_559] {strides = array<i32>} : memref<8x8x8x128xf32, #tpu.memory_space<vmem>>, vector<16xf32>,
        %parallel_loop3A_561 = tpu.bitcast %parallel_loop3A_560 : vector<16xf32> -> vector<16xi32>
        %parallel_loop3A_562 = arith.constant -64 : i32
        %parallel_loop3A_563 = vector.broadcast %parallel_loop3A_562 : i32 to vector<16xi32>
        %parallel_loop3A_564 = arith.andi %parallel_loop3A_561, %parallel_loop3A_563 : vector<16xi32>
        %parallel_loop3A_565 = arith.constant 51 : i32
        %parallel_loop3A_566 = vector.broadcast %parallel_loop3A_565 : i32 to vector<16xi32>
        %parallel_loop3A_567 = arith.ori %parallel_loop3A_564, %parallel_loop3A_566 : vector<16xi32>
        %parallel_loop3A_568 = tpu.bitcast %parallel_loop3A_567 : vector<16xi32> -> vector<16xf32>
        %parallel_loop3A_569 = arith.constant 1 : i32
        %parallel_loop3A_570 = arith.constant 5 : i32
        %parallel_loop3A_571 = arith.index_cast %parallel_loop3A_569 : i32 to index
        %parallel_loop3A_572 = arith.index_cast %scan3A_342 : i32 to index
        %parallel_loop3A_573 = arith.index_cast %parallel_loop3A_570 : i32 to index
        %parallel_loop3A_574 = arith.index_cast %parallel_loop3A_373 : i32 to index
        %parallel_loop3A_575 = tpu.vector_load %arg5[%parallel_loop3A_571, %parallel_loop3A_572, %parallel_loop3A_573, %parallel_loop3A_574] {strides = array<i32>} : memref<8x8x8x128xf32, #tpu.memory_space<vmem>>, vector<16xf32>,
        %parallel_loop3A_576 = tpu.bitcast %parallel_loop3A_575 : vector<16xf32> -> vector<16xi32>
        %parallel_loop3A_577 = arith.constant -64 : i32
        %parallel_loop3A_578 = vector.broadcast %parallel_loop3A_577 : i32 to vector<16xi32>
        %parallel_loop3A_579 = arith.andi %parallel_loop3A_576, %parallel_loop3A_578 : vector<16xi32>
        %parallel_loop3A_580 = arith.constant 50 : i32
        %parallel_loop3A_581 = vector.broadcast %parallel_loop3A_580 : i32 to vector<16xi32>
        %parallel_loop3A_582 = arith.ori %parallel_loop3A_579, %parallel_loop3A_581 : vector<16xi32>
        %parallel_loop3A_583 = tpu.bitcast %parallel_loop3A_582 : vector<16xi32> -> vector<16xf32>
        %parallel_loop3A_584 = arith.constant 1 : i32
        %parallel_loop3A_585 = arith.constant 6 : i32
        %parallel_loop3A_586 = arith.index_cast %parallel_loop3A_584 : i32 to index
        %parallel_loop3A_587 = arith.index_cast %scan3A_342 : i32 to index
        %parallel_loop3A_588 = arith.index_cast %parallel_loop3A_585 : i32 to index
        %parallel_loop3A_589 = arith.index_cast %parallel_loop3A_373 : i32 to index
        %parallel_loop3A_590 = tpu.vector_load %arg5[%parallel_loop3A_586, %parallel_loop3A_587, %parallel_loop3A_588, %parallel_loop3A_589] {strides = array<i32>} : memref<8x8x8x128xf32, #tpu.memory_space<vmem>>, vector<16xf32>,
        %parallel_loop3A_591 = tpu.bitcast %parallel_loop3A_590 : vector<16xf32> -> vector<16xi32>
        %parallel_loop3A_592 = arith.constant -64 : i32
        %parallel_loop3A_593 = vector.broadcast %parallel_loop3A_592 : i32 to vector<16xi32>
        %parallel_loop3A_594 = arith.andi %parallel_loop3A_591, %parallel_loop3A_593 : vector<16xi32>
        %parallel_loop3A_595 = arith.constant 49 : i32
        %parallel_loop3A_596 = vector.broadcast %parallel_loop3A_595 : i32 to vector<16xi32>
        %parallel_loop3A_597 = arith.ori %parallel_loop3A_594, %parallel_loop3A_596 : vector<16xi32>
        %parallel_loop3A_598 = tpu.bitcast %parallel_loop3A_597 : vector<16xi32> -> vector<16xf32>
        %parallel_loop3A_599 = arith.constant 1 : i32
        %parallel_loop3A_600 = arith.constant 7 : i32
        %parallel_loop3A_601 = arith.index_cast %parallel_loop3A_599 : i32 to index
        %parallel_loop3A_602 = arith.index_cast %scan3A_342 : i32 to index
        %parallel_loop3A_603 = arith.index_cast %parallel_loop3A_600 : i32 to index
        %parallel_loop3A_604 = arith.index_cast %parallel_loop3A_373 : i32 to index
        %parallel_loop3A_605 = tpu.vector_load %arg5[%parallel_loop3A_601, %parallel_loop3A_602, %parallel_loop3A_603, %parallel_loop3A_604] {strides = array<i32>} : memref<8x8x8x128xf32, #tpu.memory_space<vmem>>, vector<16xf32>,
        %parallel_loop3A_606 = tpu.bitcast %parallel_loop3A_605 : vector<16xf32> -> vector<16xi32>
        %parallel_loop3A_607 = arith.constant -64 : i32
        %parallel_loop3A_608 = vector.broadcast %parallel_loop3A_607 : i32 to vector<16xi32>
        %parallel_loop3A_609 = arith.andi %parallel_loop3A_606, %parallel_loop3A_608 : vector<16xi32>
        %parallel_loop3A_610 = arith.constant 48 : i32
        %parallel_loop3A_611 = vector.broadcast %parallel_loop3A_610 : i32 to vector<16xi32>
        %parallel_loop3A_612 = arith.ori %parallel_loop3A_609, %parallel_loop3A_611 : vector<16xi32>
        %parallel_loop3A_613 = tpu.bitcast %parallel_loop3A_612 : vector<16xi32> -> vector<16xf32>
        %parallel_loop3A_614 = arith.constant 2 : i32
        %parallel_loop3A_615 = arith.constant 0 : i32
        %parallel_loop3A_616 = arith.index_cast %parallel_loop3A_614 : i32 to index
        %parallel_loop3A_617 = arith.index_cast %scan3A_342 : i32 to index
        %parallel_loop3A_618 = arith.index_cast %parallel_loop3A_615 : i32 to index
        %parallel_loop3A_619 = arith.index_cast %parallel_loop3A_373 : i32 to index
        %parallel_loop3A_620 = tpu.vector_load %arg5[%parallel_loop3A_616, %parallel_loop3A_617, %parallel_loop3A_618, %parallel_loop3A_619] {strides = array<i32>} : memref<8x8x8x128xf32, #tpu.memory_space<vmem>>, vector<16xf32>,
        %parallel_loop3A_621 = tpu.bitcast %parallel_loop3A_620 : vector<16xf32> -> vector<16xi32>
        %parallel_loop3A_622 = arith.constant -64 : i32
        %parallel_loop3A_623 = vector.broadcast %parallel_loop3A_622 : i32 to vector<16xi32>
        %parallel_loop3A_624 = arith.andi %parallel_loop3A_621, %parallel_loop3A_623 : vector<16xi32>
        %parallel_loop3A_625 = arith.constant 47 : i32
        %parallel_loop3A_626 = vector.broadcast %parallel_loop3A_625 : i32 to vector<16xi32>
        %parallel_loop3A_627 = arith.ori %parallel_loop3A_624, %parallel_loop3A_626 : vector<16xi32>
        %parallel_loop3A_628 = tpu.bitcast %parallel_loop3A_627 : vector<16xi32> -> vector<16xf32>
        %parallel_loop3A_629 = arith.constant 2 : i32
        %parallel_loop3A_630 = arith.constant 1 : i32
        %parallel_loop3A_631 = arith.index_cast %parallel_loop3A_629 : i32 to index
        %parallel_loop3A_632 = arith.index_cast %scan3A_342 : i32 to index
        %parallel_loop3A_633 = arith.index_cast %parallel_loop3A_630 : i32 to index
        %parallel_loop3A_634 = arith.index_cast %parallel_loop3A_373 : i32 to index
        %parallel_loop3A_635 = tpu.vector_load %arg5[%parallel_loop3A_631, %parallel_loop3A_632, %parallel_loop3A_633, %parallel_loop3A_634] {strides = array<i32>} : memref<8x8x8x128xf32, #tpu.memory_space<vmem>>, vector<16xf32>,
        %parallel_loop3A_636 = tpu.bitcast %parallel_loop3A_635 : vector<16xf32> -> vector<16xi32>
        %parallel_loop3A_637 = arith.constant -64 : i32
        %parallel_loop3A_638 = vector.broadcast %parallel_loop3A_637 : i32 to vector<16xi32>
        %parallel_loop3A_639 = arith.andi %parallel_loop3A_636, %parallel_loop3A_638 : vector<16xi32>
        %parallel_loop3A_640 = arith.constant 46 : i32
        %parallel_loop3A_641 = vector.broadcast %parallel_loop3A_640 : i32 to vector<16xi32>
        %parallel_loop3A_642 = arith.ori %parallel_loop3A_639, %parallel_loop3A_641 : vector<16xi32>
        %parallel_loop3A_643 = tpu.bitcast %parallel_loop3A_642 : vector<16xi32> -> vector<16xf32>
        %parallel_loop3A_644 = arith.constant 2 : i32
        %parallel_loop3A_645 = arith.constant 2 : i32
        %parallel_loop3A_646 = arith.index_cast %parallel_loop3A_644 : i32 to index
        %parallel_loop3A_647 = arith.index_cast %scan3A_342 : i32 to index
        %parallel_loop3A_648 = arith.index_cast %parallel_loop3A_645 : i32 to index
        %parallel_loop3A_649 = arith.index_cast %parallel_loop3A_373 : i32 to index
        %parallel_loop3A_650 = tpu.vector_load %arg5[%parallel_loop3A_646, %parallel_loop3A_647, %parallel_loop3A_648, %parallel_loop3A_649] {strides = array<i32>} : memref<8x8x8x128xf32, #tpu.memory_space<vmem>>, vector<16xf32>,
        %parallel_loop3A_651 = tpu.bitcast %parallel_loop3A_650 : vector<16xf32> -> vector<16xi32>
        %parallel_loop3A_652 = arith.constant -64 : i32
        %parallel_loop3A_653 = vector.broadcast %parallel_loop3A_652 : i32 to vector<16xi32>
        %parallel_loop3A_654 = arith.andi %parallel_loop3A_651, %parallel_loop3A_653 : vector<16xi32>
        %parallel_loop3A_655 = arith.constant 45 : i32
        %parallel_loop3A_656 = vector.broadcast %parallel_loop3A_655 : i32 to vector<16xi32>
        %parallel_loop3A_657 = arith.ori %parallel_loop3A_654, %parallel_loop3A_656 : vector<16xi32>
        %parallel_loop3A_658 = tpu.bitcast %parallel_loop3A_657 : vector<16xi32> -> vector<16xf32>
        %parallel_loop3A_659 = arith.constant 2 : i32
        %parallel_loop3A_660 = arith.constant 3 : i32
        %parallel_loop3A_661 = arith.index_cast %parallel_loop3A_659 : i32 to index
        %parallel_loop3A_662 = arith.index_cast %scan3A_342 : i32 to index
        %parallel_loop3A_663 = arith.index_cast %parallel_loop3A_660 : i32 to index
        %parallel_loop3A_664 = arith.index_cast %parallel_loop3A_373 : i32 to index
        %parallel_loop3A_665 = tpu.vector_load %arg5[%parallel_loop3A_661, %parallel_loop3A_662, %parallel_loop3A_663, %parallel_loop3A_664] {strides = array<i32>} : memref<8x8x8x128xf32, #tpu.memory_space<vmem>>, vector<16xf32>,
        %parallel_loop3A_666 = tpu.bitcast %parallel_loop3A_665 : vector<16xf32> -> vector<16xi32>
        %parallel_loop3A_667 = arith.constant -64 : i32
        %parallel_loop3A_668 = vector.broadcast %parallel_loop3A_667 : i32 to vector<16xi32>
        %parallel_loop3A_669 = arith.andi %parallel_loop3A_666, %parallel_loop3A_668 : vector<16xi32>
        %parallel_loop3A_670 = arith.constant 44 : i32
        %parallel_loop3A_671 = vector.broadcast %parallel_loop3A_670 : i32 to vector<16xi32>
        %parallel_loop3A_672 = arith.ori %parallel_loop3A_669, %parallel_loop3A_671 : vector<16xi32>
        %parallel_loop3A_673 = tpu.bitcast %parallel_loop3A_672 : vector<16xi32> -> vector<16xf32>
        %parallel_loop3A_674 = arith.constant 2 : i32
        %parallel_loop3A_675 = arith.constant 4 : i32
        %parallel_loop3A_676 = arith.index_cast %parallel_loop3A_674 : i32 to index
        %parallel_loop3A_677 = arith.index_cast %scan3A_342 : i32 to index
        %parallel_loop3A_678 = arith.index_cast %parallel_loop3A_675 : i32 to index
        %parallel_loop3A_679 = arith.index_cast %parallel_loop3A_373 : i32 to index
        %parallel_loop3A_680 = tpu.vector_load %arg5[%parallel_loop3A_676, %parallel_loop3A_677, %parallel_loop3A_678, %parallel_loop3A_679] {strides = array<i32>} : memref<8x8x8x128xf32, #tpu.memory_space<vmem>>, vector<16xf32>,
        %parallel_loop3A_681 = tpu.bitcast %parallel_loop3A_680 : vector<16xf32> -> vector<16xi32>
        %parallel_loop3A_682 = arith.constant -64 : i32
        %parallel_loop3A_683 = vector.broadcast %parallel_loop3A_682 : i32 to vector<16xi32>
        %parallel_loop3A_684 = arith.andi %parallel_loop3A_681, %parallel_loop3A_683 : vector<16xi32>
        %parallel_loop3A_685 = arith.constant 43 : i32
        %parallel_loop3A_686 = vector.broadcast %parallel_loop3A_685 : i32 to vector<16xi32>
        %parallel_loop3A_687 = arith.ori %parallel_loop3A_684, %parallel_loop3A_686 : vector<16xi32>
        %parallel_loop3A_688 = tpu.bitcast %parallel_loop3A_687 : vector<16xi32> -> vector<16xf32>
        %parallel_loop3A_689 = arith.constant 2 : i32
        %parallel_loop3A_690 = arith.constant 5 : i32
        %parallel_loop3A_691 = arith.index_cast %parallel_loop3A_689 : i32 to index
        %parallel_loop3A_692 = arith.index_cast %scan3A_342 : i32 to index
        %parallel_loop3A_693 = arith.index_cast %parallel_loop3A_690 : i32 to index
        %parallel_loop3A_694 = arith.index_cast %parallel_loop3A_373 : i32 to index
        %parallel_loop3A_695 = tpu.vector_load %arg5[%parallel_loop3A_691, %parallel_loop3A_692, %parallel_loop3A_693, %parallel_loop3A_694] {strides = array<i32>} : memref<8x8x8x128xf32, #tpu.memory_space<vmem>>, vector<16xf32>,
        %parallel_loop3A_696 = tpu.bitcast %parallel_loop3A_695 : vector<16xf32> -> vector<16xi32>
        %parallel_loop3A_697 = arith.constant -64 : i32
        %parallel_loop3A_698 = vector.broadcast %parallel_loop3A_697 : i32 to vector<16xi32>
        %parallel_loop3A_699 = arith.andi %parallel_loop3A_696, %parallel_loop3A_698 : vector<16xi32>
        %parallel_loop3A_700 = arith.constant 42 : i32
        %parallel_loop3A_701 = vector.broadcast %parallel_loop3A_700 : i32 to vector<16xi32>
        %parallel_loop3A_702 = arith.ori %parallel_loop3A_699, %parallel_loop3A_701 : vector<16xi32>
        %parallel_loop3A_703 = tpu.bitcast %parallel_loop3A_702 : vector<16xi32> -> vector<16xf32>
        %parallel_loop3A_704 = arith.constant 2 : i32
        %parallel_loop3A_705 = arith.constant 6 : i32
        %parallel_loop3A_706 = arith.index_cast %parallel_loop3A_704 : i32 to index
        %parallel_loop3A_707 = arith.index_cast %scan3A_342 : i32 to index
        %parallel_loop3A_708 = arith.index_cast %parallel_loop3A_705 : i32 to index
        %parallel_loop3A_709 = arith.index_cast %parallel_loop3A_373 : i32 to index
        %parallel_loop3A_710 = tpu.vector_load %arg5[%parallel_loop3A_706, %parallel_loop3A_707, %parallel_loop3A_708, %parallel_loop3A_709] {strides = array<i32>} : memref<8x8x8x128xf32, #tpu.memory_space<vmem>>, vector<16xf32>,
        %parallel_loop3A_711 = tpu.bitcast %parallel_loop3A_710 : vector<16xf32> -> vector<16xi32>
        %parallel_loop3A_712 = arith.constant -64 : i32
        %parallel_loop3A_713 = vector.broadcast %parallel_loop3A_712 : i32 to vector<16xi32>
        %parallel_loop3A_714 = arith.andi %parallel_loop3A_711, %parallel_loop3A_713 : vector<16xi32>
        %parallel_loop3A_715 = arith.constant 41 : i32
        %parallel_loop3A_716 = vector.broadcast %parallel_loop3A_715 : i32 to vector<16xi32>
        %parallel_loop3A_717 = arith.ori %parallel_loop3A_714, %parallel_loop3A_716 : vector<16xi32>
        %parallel_loop3A_718 = tpu.bitcast %parallel_loop3A_717 : vector<16xi32> -> vector<16xf32>
        %parallel_loop3A_719 = arith.constant 2 : i32
        %parallel_loop3A_720 = arith.constant 7 : i32
        %parallel_loop3A_721 = arith.index_cast %parallel_loop3A_719 : i32 to index
        %parallel_loop3A_722 = arith.index_cast %scan3A_342 : i32 to index
        %parallel_loop3A_723 = arith.index_cast %parallel_loop3A_720 : i32 to index
        %parallel_loop3A_724 = arith.index_cast %parallel_loop3A_373 : i32 to index
        %parallel_loop3A_725 = tpu.vector_load %arg5[%parallel_loop3A_721, %parallel_loop3A_722, %parallel_loop3A_723, %parallel_loop3A_724] {strides = array<i32>} : memref<8x8x8x128xf32, #tpu.memory_space<vmem>>, vector<16xf32>,
        %parallel_loop3A_726 = tpu.bitcast %parallel_loop3A_725 : vector<16xf32> -> vector<16xi32>
        %parallel_loop3A_727 = arith.constant -64 : i32
        %parallel_loop3A_728 = vector.broadcast %parallel_loop3A_727 : i32 to vector<16xi32>
        %parallel_loop3A_729 = arith.andi %parallel_loop3A_726, %parallel_loop3A_728 : vector<16xi32>
        %parallel_loop3A_730 = arith.constant 40 : i32
        %parallel_loop3A_731 = vector.broadcast %parallel_loop3A_730 : i32 to vector<16xi32>
        %parallel_loop3A_732 = arith.ori %parallel_loop3A_729, %parallel_loop3A_731 : vector<16xi32>
        %parallel_loop3A_733 = tpu.bitcast %parallel_loop3A_732 : vector<16xi32> -> vector<16xf32>
        %parallel_loop3A_734 = arith.constant 3 : i32
        %parallel_loop3A_735 = arith.constant 0 : i32
        %parallel_loop3A_736 = arith.index_cast %parallel_loop3A_734 : i32 to index
        %parallel_loop3A_737 = arith.index_cast %scan3A_342 : i32 to index
        %parallel_loop3A_738 = arith.index_cast %parallel_loop3A_735 : i32 to index
        %parallel_loop3A_739 = arith.index_cast %parallel_loop3A_373 : i32 to index
        %parallel_loop3A_740 = tpu.vector_load %arg5[%parallel_loop3A_736, %parallel_loop3A_737, %parallel_loop3A_738, %parallel_loop3A_739] {strides = array<i32>} : memref<8x8x8x128xf32, #tpu.memory_space<vmem>>, vector<16xf32>,
        %parallel_loop3A_741 = tpu.bitcast %parallel_loop3A_740 : vector<16xf32> -> vector<16xi32>
        %parallel_loop3A_742 = arith.constant -64 : i32
        %parallel_loop3A_743 = vector.broadcast %parallel_loop3A_742 : i32 to vector<16xi32>
        %parallel_loop3A_744 = arith.andi %parallel_loop3A_741, %parallel_loop3A_743 : vector<16xi32>
        %parallel_loop3A_745 = arith.constant 39 : i32
        %parallel_loop3A_746 = vector.broadcast %parallel_loop3A_745 : i32 to vector<16xi32>
        %parallel_loop3A_747 = arith.ori %parallel_loop3A_744, %parallel_loop3A_746 : vector<16xi32>
        %parallel_loop3A_748 = tpu.bitcast %parallel_loop3A_747 : vector<16xi32> -> vector<16xf32>
        %parallel_loop3A_749 = arith.constant 3 : i32
        %parallel_loop3A_750 = arith.constant 1 : i32
        %parallel_loop3A_751 = arith.index_cast %parallel_loop3A_749 : i32 to index
        %parallel_loop3A_752 = arith.index_cast %scan3A_342 : i32 to index
        %parallel_loop3A_753 = arith.index_cast %parallel_loop3A_750 : i32 to index
        %parallel_loop3A_754 = arith.index_cast %parallel_loop3A_373 : i32 to index
        %parallel_loop3A_755 = tpu.vector_load %arg5[%parallel_loop3A_751, %parallel_loop3A_752, %parallel_loop3A_753, %parallel_loop3A_754] {strides = array<i32>} : memref<8x8x8x128xf32, #tpu.memory_space<vmem>>, vector<16xf32>,
        %parallel_loop3A_756 = tpu.bitcast %parallel_loop3A_755 : vector<16xf32> -> vector<16xi32>
        %parallel_loop3A_757 = arith.constant -64 : i32
        %parallel_loop3A_758 = vector.broadcast %parallel_loop3A_757 : i32 to vector<16xi32>
        %parallel_loop3A_759 = arith.andi %parallel_loop3A_756, %parallel_loop3A_758 : vector<16xi32>
        %parallel_loop3A_760 = arith.constant 38 : i32
        %parallel_loop3A_761 = vector.broadcast %parallel_loop3A_760 : i32 to vector<16xi32>
        %parallel_loop3A_762 = arith.ori %parallel_loop3A_759, %parallel_loop3A_761 : vector<16xi32>
        %parallel_loop3A_763 = tpu.bitcast %parallel_loop3A_762 : vector<16xi32> -> vector<16xf32>
        %parallel_loop3A_764 = arith.constant 3 : i32
        %parallel_loop3A_765 = arith.constant 2 : i32
        %parallel_loop3A_766 = arith.index_cast %parallel_loop3A_764 : i32 to index
        %parallel_loop3A_767 = arith.index_cast %scan3A_342 : i32 to index
        %parallel_loop3A_768 = arith.index_cast %parallel_loop3A_765 : i32 to index
        %parallel_loop3A_769 = arith.index_cast %parallel_loop3A_373 : i32 to index
        %parallel_loop3A_770 = tpu.vector_load %arg5[%parallel_loop3A_766, %parallel_loop3A_767, %parallel_loop3A_768, %parallel_loop3A_769] {strides = array<i32>} : memref<8x8x8x128xf32, #tpu.memory_space<vmem>>, vector<16xf32>,
        %parallel_loop3A_771 = tpu.bitcast %parallel_loop3A_770 : vector<16xf32> -> vector<16xi32>
        %parallel_loop3A_772 = arith.constant -64 : i32
        %parallel_loop3A_773 = vector.broadcast %parallel_loop3A_772 : i32 to vector<16xi32>
        %parallel_loop3A_774 = arith.andi %parallel_loop3A_771, %parallel_loop3A_773 : vector<16xi32>
        %parallel_loop3A_775 = arith.constant 37 : i32
        %parallel_loop3A_776 = vector.broadcast %parallel_loop3A_775 : i32 to vector<16xi32>
        %parallel_loop3A_777 = arith.ori %parallel_loop3A_774, %parallel_loop3A_776 : vector<16xi32>
        %parallel_loop3A_778 = tpu.bitcast %parallel_loop3A_777 : vector<16xi32> -> vector<16xf32>
        %parallel_loop3A_779 = arith.constant 3 : i32
        %parallel_loop3A_780 = arith.constant 3 : i32
        %parallel_loop3A_781 = arith.index_cast %parallel_loop3A_779 : i32 to index
        %parallel_loop3A_782 = arith.index_cast %scan3A_342 : i32 to index
        %parallel_loop3A_783 = arith.index_cast %parallel_loop3A_780 : i32 to index
        %parallel_loop3A_784 = arith.index_cast %parallel_loop3A_373 : i32 to index
        %parallel_loop3A_785 = tpu.vector_load %arg5[%parallel_loop3A_781, %parallel_loop3A_782, %parallel_loop3A_783, %parallel_loop3A_784] {strides = array<i32>} : memref<8x8x8x128xf32, #tpu.memory_space<vmem>>, vector<16xf32>,
        %parallel_loop3A_786 = tpu.bitcast %parallel_loop3A_785 : vector<16xf32> -> vector<16xi32>
        %parallel_loop3A_787 = arith.constant -64 : i32
        %parallel_loop3A_788 = vector.broadcast %parallel_loop3A_787 : i32 to vector<16xi32>
        %parallel_loop3A_789 = arith.andi %parallel_loop3A_786, %parallel_loop3A_788 : vector<16xi32>
        %parallel_loop3A_790 = arith.constant 36 : i32
        %parallel_loop3A_791 = vector.broadcast %parallel_loop3A_790 : i32 to vector<16xi32>
        %parallel_loop3A_792 = arith.ori %parallel_loop3A_789, %parallel_loop3A_791 : vector<16xi32>
        %parallel_loop3A_793 = tpu.bitcast %parallel_loop3A_792 : vector<16xi32> -> vector<16xf32>
        %parallel_loop3A_794 = arith.constant 3 : i32
        %parallel_loop3A_795 = arith.constant 4 : i32
        %parallel_loop3A_796 = arith.index_cast %parallel_loop3A_794 : i32 to index
        %parallel_loop3A_797 = arith.index_cast %scan3A_342 : i32 to index
        %parallel_loop3A_798 = arith.index_cast %parallel_loop3A_795 : i32 to index
        %parallel_loop3A_799 = arith.index_cast %parallel_loop3A_373 : i32 to index
        %parallel_loop3A_800 = tpu.vector_load %arg5[%parallel_loop3A_796, %parallel_loop3A_797, %parallel_loop3A_798, %parallel_loop3A_799] {strides = array<i32>} : memref<8x8x8x128xf32, #tpu.memory_space<vmem>>, vector<16xf32>,
        %parallel_loop3A_801 = tpu.bitcast %parallel_loop3A_800 : vector<16xf32> -> vector<16xi32>
        %parallel_loop3A_802 = arith.constant -64 : i32
        %parallel_loop3A_803 = vector.broadcast %parallel_loop3A_802 : i32 to vector<16xi32>
        %parallel_loop3A_804 = arith.andi %parallel_loop3A_801, %parallel_loop3A_803 : vector<16xi32>
        %parallel_loop3A_805 = arith.constant 35 : i32
        %parallel_loop3A_806 = vector.broadcast %parallel_loop3A_805 : i32 to vector<16xi32>
        %parallel_loop3A_807 = arith.ori %parallel_loop3A_804, %parallel_loop3A_806 : vector<16xi32>
        %parallel_loop3A_808 = tpu.bitcast %parallel_loop3A_807 : vector<16xi32> -> vector<16xf32>
        %parallel_loop3A_809 = arith.constant 3 : i32
        %parallel_loop3A_810 = arith.constant 5 : i32
        %parallel_loop3A_811 = arith.index_cast %parallel_loop3A_809 : i32 to index
        %parallel_loop3A_812 = arith.index_cast %scan3A_342 : i32 to index
        %parallel_loop3A_813 = arith.index_cast %parallel_loop3A_810 : i32 to index
        %parallel_loop3A_814 = arith.index_cast %parallel_loop3A_373 : i32 to index
        %parallel_loop3A_815 = tpu.vector_load %arg5[%parallel_loop3A_811, %parallel_loop3A_812, %parallel_loop3A_813, %parallel_loop3A_814] {strides = array<i32>} : memref<8x8x8x128xf32, #tpu.memory_space<vmem>>, vector<16xf32>,
        %parallel_loop3A_816 = tpu.bitcast %parallel_loop3A_815 : vector<16xf32> -> vector<16xi32>
        %parallel_loop3A_817 = arith.constant -64 : i32
        %parallel_loop3A_818 = vector.broadcast %parallel_loop3A_817 : i32 to vector<16xi32>
        %parallel_loop3A_819 = arith.andi %parallel_loop3A_816, %parallel_loop3A_818 : vector<16xi32>
        %parallel_loop3A_820 = arith.constant 34 : i32
        %parallel_loop3A_821 = vector.broadcast %parallel_loop3A_820 : i32 to vector<16xi32>
        %parallel_loop3A_822 = arith.ori %parallel_loop3A_819, %parallel_loop3A_821 : vector<16xi32>
        %parallel_loop3A_823 = tpu.bitcast %parallel_loop3A_822 : vector<16xi32> -> vector<16xf32>
        %parallel_loop3A_824 = arith.constant 3 : i32
        %parallel_loop3A_825 = arith.constant 6 : i32
        %parallel_loop3A_826 = arith.index_cast %parallel_loop3A_824 : i32 to index
        %parallel_loop3A_827 = arith.index_cast %scan3A_342 : i32 to index
        %parallel_loop3A_828 = arith.index_cast %parallel_loop3A_825 : i32 to index
        %parallel_loop3A_829 = arith.index_cast %parallel_loop3A_373 : i32 to index
        %parallel_loop3A_830 = tpu.vector_load %arg5[%parallel_loop3A_826, %parallel_loop3A_827, %parallel_loop3A_828, %parallel_loop3A_829] {strides = array<i32>} : memref<8x8x8x128xf32, #tpu.memory_space<vmem>>, vector<16xf32>,
        %parallel_loop3A_831 = tpu.bitcast %parallel_loop3A_830 : vector<16xf32> -> vector<16xi32>
        %parallel_loop3A_832 = arith.constant -64 : i32
        %parallel_loop3A_833 = vector.broadcast %parallel_loop3A_832 : i32 to vector<16xi32>
        %parallel_loop3A_834 = arith.andi %parallel_loop3A_831, %parallel_loop3A_833 : vector<16xi32>
        %parallel_loop3A_835 = arith.constant 33 : i32
        %parallel_loop3A_836 = vector.broadcast %parallel_loop3A_835 : i32 to vector<16xi32>
        %parallel_loop3A_837 = arith.ori %parallel_loop3A_834, %parallel_loop3A_836 : vector<16xi32>
        %parallel_loop3A_838 = tpu.bitcast %parallel_loop3A_837 : vector<16xi32> -> vector<16xf32>
        %parallel_loop3A_839 = arith.constant 3 : i32
        %parallel_loop3A_840 = arith.constant 7 : i32
        %parallel_loop3A_841 = arith.index_cast %parallel_loop3A_839 : i32 to index
        %parallel_loop3A_842 = arith.index_cast %scan3A_342 : i32 to index
        %parallel_loop3A_843 = arith.index_cast %parallel_loop3A_840 : i32 to index
        %parallel_loop3A_844 = arith.index_cast %parallel_loop3A_373 : i32 to index
        %parallel_loop3A_845 = tpu.vector_load %arg5[%parallel_loop3A_841, %parallel_loop3A_842, %parallel_loop3A_843, %parallel_loop3A_844] {strides = array<i32>} : memref<8x8x8x128xf32, #tpu.memory_space<vmem>>, vector<16xf32>,
        %parallel_loop3A_846 = tpu.bitcast %parallel_loop3A_845 : vector<16xf32> -> vector<16xi32>
        %parallel_loop3A_847 = arith.constant -64 : i32
        %parallel_loop3A_848 = vector.broadcast %parallel_loop3A_847 : i32 to vector<16xi32>
        %parallel_loop3A_849 = arith.andi %parallel_loop3A_846, %parallel_loop3A_848 : vector<16xi32>
        %parallel_loop3A_850 = arith.constant 32 : i32
        %parallel_loop3A_851 = vector.broadcast %parallel_loop3A_850 : i32 to vector<16xi32>
        %parallel_loop3A_852 = arith.ori %parallel_loop3A_849, %parallel_loop3A_851 : vector<16xi32>
        %parallel_loop3A_853 = tpu.bitcast %parallel_loop3A_852 : vector<16xi32> -> vector<16xf32>
        %parallel_loop3A_854 = arith.constant 4 : i32
        %parallel_loop3A_855 = arith.constant 0 : i32
        %parallel_loop3A_856 = arith.index_cast %parallel_loop3A_854 : i32 to index
        %parallel_loop3A_857 = arith.index_cast %scan3A_342 : i32 to index
        %parallel_loop3A_858 = arith.index_cast %parallel_loop3A_855 : i32 to index
        %parallel_loop3A_859 = arith.index_cast %parallel_loop3A_373 : i32 to index
        %parallel_loop3A_860 = tpu.vector_load %arg5[%parallel_loop3A_856, %parallel_loop3A_857, %parallel_loop3A_858, %parallel_loop3A_859] {strides = array<i32>} : memref<8x8x8x128xf32, #tpu.memory_space<vmem>>, vector<16xf32>,
        %parallel_loop3A_861 = tpu.bitcast %parallel_loop3A_860 : vector<16xf32> -> vector<16xi32>
        %parallel_loop3A_862 = arith.constant -64 : i32
        %parallel_loop3A_863 = vector.broadcast %parallel_loop3A_862 : i32 to vector<16xi32>
        %parallel_loop3A_864 = arith.andi %parallel_loop3A_861, %parallel_loop3A_863 : vector<16xi32>
        %parallel_loop3A_865 = arith.constant 31 : i32
        %parallel_loop3A_866 = vector.broadcast %parallel_loop3A_865 : i32 to vector<16xi32>
        %parallel_loop3A_867 = arith.ori %parallel_loop3A_864, %parallel_loop3A_866 : vector<16xi32>
        %parallel_loop3A_868 = tpu.bitcast %parallel_loop3A_867 : vector<16xi32> -> vector<16xf32>
        %parallel_loop3A_869 = arith.constant 4 : i32
        %parallel_loop3A_870 = arith.constant 1 : i32
        %parallel_loop3A_871 = arith.index_cast %parallel_loop3A_869 : i32 to index
        %parallel_loop3A_872 = arith.index_cast %scan3A_342 : i32 to index
        %parallel_loop3A_873 = arith.index_cast %parallel_loop3A_870 : i32 to index
        %parallel_loop3A_874 = arith.index_cast %parallel_loop3A_373 : i32 to index
        %parallel_loop3A_875 = tpu.vector_load %arg5[%parallel_loop3A_871, %parallel_loop3A_872, %parallel_loop3A_873, %parallel_loop3A_874] {strides = array<i32>} : memref<8x8x8x128xf32, #tpu.memory_space<vmem>>, vector<16xf32>,
        %parallel_loop3A_876 = tpu.bitcast %parallel_loop3A_875 : vector<16xf32> -> vector<16xi32>
        %parallel_loop3A_877 = arith.constant -64 : i32
        %parallel_loop3A_878 = vector.broadcast %parallel_loop3A_877 : i32 to vector<16xi32>
        %parallel_loop3A_879 = arith.andi %parallel_loop3A_876, %parallel_loop3A_878 : vector<16xi32>
        %parallel_loop3A_880 = arith.constant 30 : i32
        %parallel_loop3A_881 = vector.broadcast %parallel_loop3A_880 : i32 to vector<16xi32>
        %parallel_loop3A_882 = arith.ori %parallel_loop3A_879, %parallel_loop3A_881 : vector<16xi32>
        %parallel_loop3A_883 = tpu.bitcast %parallel_loop3A_882 : vector<16xi32> -> vector<16xf32>
        %parallel_loop3A_884 = arith.constant 4 : i32
        %parallel_loop3A_885 = arith.constant 2 : i32
        %parallel_loop3A_886 = arith.index_cast %parallel_loop3A_884 : i32 to index
        %parallel_loop3A_887 = arith.index_cast %scan3A_342 : i32 to index
        %parallel_loop3A_888 = arith.index_cast %parallel_loop3A_885 : i32 to index
        %parallel_loop3A_889 = arith.index_cast %parallel_loop3A_373 : i32 to index
        %parallel_loop3A_890 = tpu.vector_load %arg5[%parallel_loop3A_886, %parallel_loop3A_887, %parallel_loop3A_888, %parallel_loop3A_889] {strides = array<i32>} : memref<8x8x8x128xf32, #tpu.memory_space<vmem>>, vector<16xf32>,
        %parallel_loop3A_891 = tpu.bitcast %parallel_loop3A_890 : vector<16xf32> -> vector<16xi32>
        %parallel_loop3A_892 = arith.constant -64 : i32
        %parallel_loop3A_893 = vector.broadcast %parallel_loop3A_892 : i32 to vector<16xi32>
        %parallel_loop3A_894 = arith.andi %parallel_loop3A_891, %parallel_loop3A_893 : vector<16xi32>
        %parallel_loop3A_895 = arith.constant 29 : i32
        %parallel_loop3A_896 = vector.broadcast %parallel_loop3A_895 : i32 to vector<16xi32>
        %parallel_loop3A_897 = arith.ori %parallel_loop3A_894, %parallel_loop3A_896 : vector<16xi32>
        %parallel_loop3A_898 = tpu.bitcast %parallel_loop3A_897 : vector<16xi32> -> vector<16xf32>
        %parallel_loop3A_899 = arith.constant 4 : i32
        %parallel_loop3A_900 = arith.constant 3 : i32
        %parallel_loop3A_901 = arith.index_cast %parallel_loop3A_899 : i32 to index
        %parallel_loop3A_902 = arith.index_cast %scan3A_342 : i32 to index
        %parallel_loop3A_903 = arith.index_cast %parallel_loop3A_900 : i32 to index
        %parallel_loop3A_904 = arith.index_cast %parallel_loop3A_373 : i32 to index
        %parallel_loop3A_905 = tpu.vector_load %arg5[%parallel_loop3A_901, %parallel_loop3A_902, %parallel_loop3A_903, %parallel_loop3A_904] {strides = array<i32>} : memref<8x8x8x128xf32, #tpu.memory_space<vmem>>, vector<16xf32>,
        %parallel_loop3A_906 = tpu.bitcast %parallel_loop3A_905 : vector<16xf32> -> vector<16xi32>
        %parallel_loop3A_907 = arith.constant -64 : i32
        %parallel_loop3A_908 = vector.broadcast %parallel_loop3A_907 : i32 to vector<16xi32>
        %parallel_loop3A_909 = arith.andi %parallel_loop3A_906, %parallel_loop3A_908 : vector<16xi32>
        %parallel_loop3A_910 = arith.constant 28 : i32
        %parallel_loop3A_911 = vector.broadcast %parallel_loop3A_910 : i32 to vector<16xi32>
        %parallel_loop3A_912 = arith.ori %parallel_loop3A_909, %parallel_loop3A_911 : vector<16xi32>
        %parallel_loop3A_913 = tpu.bitcast %parallel_loop3A_912 : vector<16xi32> -> vector<16xf32>
        %parallel_loop3A_914 = arith.constant 4 : i32
        %parallel_loop3A_915 = arith.constant 4 : i32
        %parallel_loop3A_916 = arith.index_cast %parallel_loop3A_914 : i32 to index
        %parallel_loop3A_917 = arith.index_cast %scan3A_342 : i32 to index
        %parallel_loop3A_918 = arith.index_cast %parallel_loop3A_915 : i32 to index
        %parallel_loop3A_919 = arith.index_cast %parallel_loop3A_373 : i32 to index
        %parallel_loop3A_920 = tpu.vector_load %arg5[%parallel_loop3A_916, %parallel_loop3A_917, %parallel_loop3A_918, %parallel_loop3A_919] {strides = array<i32>} : memref<8x8x8x128xf32, #tpu.memory_space<vmem>>, vector<16xf32>,
        %parallel_loop3A_921 = tpu.bitcast %parallel_loop3A_920 : vector<16xf32> -> vector<16xi32>
        %parallel_loop3A_922 = arith.constant -64 : i32
        %parallel_loop3A_923 = vector.broadcast %parallel_loop3A_922 : i32 to vector<16xi32>
        %parallel_loop3A_924 = arith.andi %parallel_loop3A_921, %parallel_loop3A_923 : vector<16xi32>
        %parallel_loop3A_925 = arith.constant 27 : i32
        %parallel_loop3A_926 = vector.broadcast %parallel_loop3A_925 : i32 to vector<16xi32>
        %parallel_loop3A_927 = arith.ori %parallel_loop3A_924, %parallel_loop3A_926 : vector<16xi32>
        %parallel_loop3A_928 = tpu.bitcast %parallel_loop3A_927 : vector<16xi32> -> vector<16xf32>
        %parallel_loop3A_929 = arith.constant 4 : i32
        %parallel_loop3A_930 = arith.constant 5 : i32
        %parallel_loop3A_931 = arith.index_cast %parallel_loop3A_929 : i32 to index
        %parallel_loop3A_932 = arith.index_cast %scan3A_342 : i32 to index
        %parallel_loop3A_933 = arith.index_cast %parallel_loop3A_930 : i32 to index
        %parallel_loop3A_934 = arith.index_cast %parallel_loop3A_373 : i32 to index
        %parallel_loop3A_935 = tpu.vector_load %arg5[%parallel_loop3A_931, %parallel_loop3A_932, %parallel_loop3A_933, %parallel_loop3A_934] {strides = array<i32>} : memref<8x8x8x128xf32, #tpu.memory_space<vmem>>, vector<16xf32>,
        %parallel_loop3A_936 = tpu.bitcast %parallel_loop3A_935 : vector<16xf32> -> vector<16xi32>
        %parallel_loop3A_937 = arith.constant -64 : i32
        %parallel_loop3A_938 = vector.broadcast %parallel_loop3A_937 : i32 to vector<16xi32>
        %parallel_loop3A_939 = arith.andi %parallel_loop3A_936, %parallel_loop3A_938 : vector<16xi32>
        %parallel_loop3A_940 = arith.constant 26 : i32
        %parallel_loop3A_941 = vector.broadcast %parallel_loop3A_940 : i32 to vector<16xi32>
        %parallel_loop3A_942 = arith.ori %parallel_loop3A_939, %parallel_loop3A_941 : vector<16xi32>
        %parallel_loop3A_943 = tpu.bitcast %parallel_loop3A_942 : vector<16xi32> -> vector<16xf32>
        %parallel_loop3A_944 = arith.constant 4 : i32
        %parallel_loop3A_945 = arith.constant 6 : i32
        %parallel_loop3A_946 = arith.index_cast %parallel_loop3A_944 : i32 to index
        %parallel_loop3A_947 = arith.index_cast %scan3A_342 : i32 to index
        %parallel_loop3A_948 = arith.index_cast %parallel_loop3A_945 : i32 to index
        %parallel_loop3A_949 = arith.index_cast %parallel_loop3A_373 : i32 to index
        %parallel_loop3A_950 = tpu.vector_load %arg5[%parallel_loop3A_946, %parallel_loop3A_947, %parallel_loop3A_948, %parallel_loop3A_949] {strides = array<i32>} : memref<8x8x8x128xf32, #tpu.memory_space<vmem>>, vector<16xf32>,
        %parallel_loop3A_951 = tpu.bitcast %parallel_loop3A_950 : vector<16xf32> -> vector<16xi32>
        %parallel_loop3A_952 = arith.constant -64 : i32
        %parallel_loop3A_953 = vector.broadcast %parallel_loop3A_952 : i32 to vector<16xi32>
        %parallel_loop3A_954 = arith.andi %parallel_loop3A_951, %parallel_loop3A_953 : vector<16xi32>
        %parallel_loop3A_955 = arith.constant 25 : i32
        %parallel_loop3A_956 = vector.broadcast %parallel_loop3A_955 : i32 to vector<16xi32>
        %parallel_loop3A_957 = arith.ori %parallel_loop3A_954, %parallel_loop3A_956 : vector<16xi32>
        %parallel_loop3A_958 = tpu.bitcast %parallel_loop3A_957 : vector<16xi32> -> vector<16xf32>
        %parallel_loop3A_959 = arith.constant 4 : i32
        %parallel_loop3A_960 = arith.constant 7 : i32
        %parallel_loop3A_961 = arith.index_cast %parallel_loop3A_959 : i32 to index
        %parallel_loop3A_962 = arith.index_cast %scan3A_342 : i32 to index
        %parallel_loop3A_963 = arith.index_cast %parallel_loop3A_960 : i32 to index
        %parallel_loop3A_964 = arith.index_cast %parallel_loop3A_373 : i32 to index
        %parallel_loop3A_965 = tpu.vector_load %arg5[%parallel_loop3A_961, %parallel_loop3A_962, %parallel_loop3A_963, %parallel_loop3A_964] {strides = array<i32>} : memref<8x8x8x128xf32, #tpu.memory_space<vmem>>, vector<16xf32>,
        %parallel_loop3A_966 = tpu.bitcast %parallel_loop3A_965 : vector<16xf32> -> vector<16xi32>
        %parallel_loop3A_967 = arith.constant -64 : i32
        %parallel_loop3A_968 = vector.broadcast %parallel_loop3A_967 : i32 to vector<16xi32>
        %parallel_loop3A_969 = arith.andi %parallel_loop3A_966, %parallel_loop3A_968 : vector<16xi32>
        %parallel_loop3A_970 = arith.constant 24 : i32
        %parallel_loop3A_971 = vector.broadcast %parallel_loop3A_970 : i32 to vector<16xi32>
        %parallel_loop3A_972 = arith.ori %parallel_loop3A_969, %parallel_loop3A_971 : vector<16xi32>
        %parallel_loop3A_973 = tpu.bitcast %parallel_loop3A_972 : vector<16xi32> -> vector<16xf32>
        %parallel_loop3A_974 = arith.constant 5 : i32
        %parallel_loop3A_975 = arith.constant 0 : i32
        %parallel_loop3A_976 = arith.index_cast %parallel_loop3A_974 : i32 to index
        %parallel_loop3A_977 = arith.index_cast %scan3A_342 : i32 to index
        %parallel_loop3A_978 = arith.index_cast %parallel_loop3A_975 : i32 to index
        %parallel_loop3A_979 = arith.index_cast %parallel_loop3A_373 : i32 to index
        %parallel_loop3A_980 = tpu.vector_load %arg5[%parallel_loop3A_976, %parallel_loop3A_977, %parallel_loop3A_978, %parallel_loop3A_979] {strides = array<i32>} : memref<8x8x8x128xf32, #tpu.memory_space<vmem>>, vector<16xf32>,
        %parallel_loop3A_981 = tpu.bitcast %parallel_loop3A_980 : vector<16xf32> -> vector<16xi32>
        %parallel_loop3A_982 = arith.constant -64 : i32
        %parallel_loop3A_983 = vector.broadcast %parallel_loop3A_982 : i32 to vector<16xi32>
        %parallel_loop3A_984 = arith.andi %parallel_loop3A_981, %parallel_loop3A_983 : vector<16xi32>
        %parallel_loop3A_985 = arith.constant 23 : i32
        %parallel_loop3A_986 = vector.broadcast %parallel_loop3A_985 : i32 to vector<16xi32>
        %parallel_loop3A_987 = arith.ori %parallel_loop3A_984, %parallel_loop3A_986 : vector<16xi32>
        %parallel_loop3A_988 = tpu.bitcast %parallel_loop3A_987 : vector<16xi32> -> vector<16xf32>
        %parallel_loop3A_989 = arith.constant 5 : i32
        %parallel_loop3A_990 = arith.constant 1 : i32
        %parallel_loop3A_991 = arith.index_cast %parallel_loop3A_989 : i32 to index
        %parallel_loop3A_992 = arith.index_cast %scan3A_342 : i32 to index
        %parallel_loop3A_993 = arith.index_cast %parallel_loop3A_990 : i32 to index
        %parallel_loop3A_994 = arith.index_cast %parallel_loop3A_373 : i32 to index
        %parallel_loop3A_995 = tpu.vector_load %arg5[%parallel_loop3A_991, %parallel_loop3A_992, %parallel_loop3A_993, %parallel_loop3A_994] {strides = array<i32>} : memref<8x8x8x128xf32, #tpu.memory_space<vmem>>, vector<16xf32>,
        %parallel_loop3A_996 = tpu.bitcast %parallel_loop3A_995 : vector<16xf32> -> vector<16xi32>
        %parallel_loop3A_997 = arith.constant -64 : i32
        %parallel_loop3A_998 = vector.broadcast %parallel_loop3A_997 : i32 to vector<16xi32>
        %parallel_loop3A_999 = arith.andi %parallel_loop3A_996, %parallel_loop3A_998 : vector<16xi32>
        %parallel_loop3A_1000 = arith.constant 22 : i32
        %parallel_loop3A_1001 = vector.broadcast %parallel_loop3A_1000 : i32 to vector<16xi32>
        %parallel_loop3A_1002 = arith.ori %parallel_loop3A_999, %parallel_loop3A_1001 : vector<16xi32>
        %parallel_loop3A_1003 = tpu.bitcast %parallel_loop3A_1002 : vector<16xi32> -> vector<16xf32>
        %parallel_loop3A_1004 = arith.constant 5 : i32
        %parallel_loop3A_1005 = arith.constant 2 : i32
        %parallel_loop3A_1006 = arith.index_cast %parallel_loop3A_1004 : i32 to index
        %parallel_loop3A_1007 = arith.index_cast %scan3A_342 : i32 to index
        %parallel_loop3A_1008 = arith.index_cast %parallel_loop3A_1005 : i32 to index
        %parallel_loop3A_1009 = arith.index_cast %parallel_loop3A_373 : i32 to index
        %parallel_loop3A_1010 = tpu.vector_load %arg5[%parallel_loop3A_1006, %parallel_loop3A_1007, %parallel_loop3A_1008, %parallel_loop3A_1009] {strides = array<i32>} : memref<8x8x8x128xf32, #tpu.memory_space<vmem>>, vector<16xf32>,
        %parallel_loop3A_1011 = tpu.bitcast %parallel_loop3A_1010 : vector<16xf32> -> vector<16xi32>
        %parallel_loop3A_1012 = arith.constant -64 : i32
        %parallel_loop3A_1013 = vector.broadcast %parallel_loop3A_1012 : i32 to vector<16xi32>
        %parallel_loop3A_1014 = arith.andi %parallel_loop3A_1011, %parallel_loop3A_1013 : vector<16xi32>
        %parallel_loop3A_1015 = arith.constant 21 : i32
        %parallel_loop3A_1016 = vector.broadcast %parallel_loop3A_1015 : i32 to vector<16xi32>
        %parallel_loop3A_1017 = arith.ori %parallel_loop3A_1014, %parallel_loop3A_1016 : vector<16xi32>
        %parallel_loop3A_1018 = tpu.bitcast %parallel_loop3A_1017 : vector<16xi32> -> vector<16xf32>
        %parallel_loop3A_1019 = arith.constant 5 : i32
        %parallel_loop3A_1020 = arith.constant 3 : i32
        %parallel_loop3A_1021 = arith.index_cast %parallel_loop3A_1019 : i32 to index
        %parallel_loop3A_1022 = arith.index_cast %scan3A_342 : i32 to index
        %parallel_loop3A_1023 = arith.index_cast %parallel_loop3A_1020 : i32 to index
        %parallel_loop3A_1024 = arith.index_cast %parallel_loop3A_373 : i32 to index
        %parallel_loop3A_1025 = tpu.vector_load %arg5[%parallel_loop3A_1021, %parallel_loop3A_1022, %parallel_loop3A_1023, %parallel_loop3A_1024] {strides = array<i32>} : memref<8x8x8x128xf32, #tpu.memory_space<vmem>>, vector<16xf32>,
        %parallel_loop3A_1026 = tpu.bitcast %parallel_loop3A_1025 : vector<16xf32> -> vector<16xi32>
        %parallel_loop3A_1027 = arith.constant -64 : i32
        %parallel_loop3A_1028 = vector.broadcast %parallel_loop3A_1027 : i32 to vector<16xi32>
        %parallel_loop3A_1029 = arith.andi %parallel_loop3A_1026, %parallel_loop3A_1028 : vector<16xi32>
        %parallel_loop3A_1030 = arith.constant 20 : i32
        %parallel_loop3A_1031 = vector.broadcast %parallel_loop3A_1030 : i32 to vector<16xi32>
        %parallel_loop3A_1032 = arith.ori %parallel_loop3A_1029, %parallel_loop3A_1031 : vector<16xi32>
        %parallel_loop3A_1033 = tpu.bitcast %parallel_loop3A_1032 : vector<16xi32> -> vector<16xf32>
        %parallel_loop3A_1034 = arith.constant 5 : i32
        %parallel_loop3A_1035 = arith.constant 4 : i32
        %parallel_loop3A_1036 = arith.index_cast %parallel_loop3A_1034 : i32 to index
        %parallel_loop3A_1037 = arith.index_cast %scan3A_342 : i32 to index
        %parallel_loop3A_1038 = arith.index_cast %parallel_loop3A_1035 : i32 to index
        %parallel_loop3A_1039 = arith.index_cast %parallel_loop3A_373 : i32 to index
        %parallel_loop3A_1040 = tpu.vector_load %arg5[%parallel_loop3A_1036, %parallel_loop3A_1037, %parallel_loop3A_1038, %parallel_loop3A_1039] {strides = array<i32>} : memref<8x8x8x128xf32, #tpu.memory_space<vmem>>, vector<16xf32>,
        %parallel_loop3A_1041 = tpu.bitcast %parallel_loop3A_1040 : vector<16xf32> -> vector<16xi32>
        %parallel_loop3A_1042 = arith.constant -64 : i32
        %parallel_loop3A_1043 = vector.broadcast %parallel_loop3A_1042 : i32 to vector<16xi32>
        %parallel_loop3A_1044 = arith.andi %parallel_loop3A_1041, %parallel_loop3A_1043 : vector<16xi32>
        %parallel_loop3A_1045 = arith.constant 19 : i32
        %parallel_loop3A_1046 = vector.broadcast %parallel_loop3A_1045 : i32 to vector<16xi32>
        %parallel_loop3A_1047 = arith.ori %parallel_loop3A_1044, %parallel_loop3A_1046 : vector<16xi32>
        %parallel_loop3A_1048 = tpu.bitcast %parallel_loop3A_1047 : vector<16xi32> -> vector<16xf32>
        %parallel_loop3A_1049 = arith.constant 5 : i32
        %parallel_loop3A_1050 = arith.constant 5 : i32
        %parallel_loop3A_1051 = arith.index_cast %parallel_loop3A_1049 : i32 to index
        %parallel_loop3A_1052 = arith.index_cast %scan3A_342 : i32 to index
        %parallel_loop3A_1053 = arith.index_cast %parallel_loop3A_1050 : i32 to index
        %parallel_loop3A_1054 = arith.index_cast %parallel_loop3A_373 : i32 to index
        %parallel_loop3A_1055 = tpu.vector_load %arg5[%parallel_loop3A_1051, %parallel_loop3A_1052, %parallel_loop3A_1053, %parallel_loop3A_1054] {strides = array<i32>} : memref<8x8x8x128xf32, #tpu.memory_space<vmem>>, vector<16xf32>,
        %parallel_loop3A_1056 = tpu.bitcast %parallel_loop3A_1055 : vector<16xf32> -> vector<16xi32>
        %parallel_loop3A_1057 = arith.constant -64 : i32
        %parallel_loop3A_1058 = vector.broadcast %parallel_loop3A_1057 : i32 to vector<16xi32>
        %parallel_loop3A_1059 = arith.andi %parallel_loop3A_1056, %parallel_loop3A_1058 : vector<16xi32>
        %parallel_loop3A_1060 = arith.constant 18 : i32
        %parallel_loop3A_1061 = vector.broadcast %parallel_loop3A_1060 : i32 to vector<16xi32>
        %parallel_loop3A_1062 = arith.ori %parallel_loop3A_1059, %parallel_loop3A_1061 : vector<16xi32>
        %parallel_loop3A_1063 = tpu.bitcast %parallel_loop3A_1062 : vector<16xi32> -> vector<16xf32>
        %parallel_loop3A_1064 = arith.constant 5 : i32
        %parallel_loop3A_1065 = arith.constant 6 : i32
        %parallel_loop3A_1066 = arith.index_cast %parallel_loop3A_1064 : i32 to index
        %parallel_loop3A_1067 = arith.index_cast %scan3A_342 : i32 to index
        %parallel_loop3A_1068 = arith.index_cast %parallel_loop3A_1065 : i32 to index
        %parallel_loop3A_1069 = arith.index_cast %parallel_loop3A_373 : i32 to index
        %parallel_loop3A_1070 = tpu.vector_load %arg5[%parallel_loop3A_1066, %parallel_loop3A_1067, %parallel_loop3A_1068, %parallel_loop3A_1069] {strides = array<i32>} : memref<8x8x8x128xf32, #tpu.memory_space<vmem>>, vector<16xf32>,
        %parallel_loop3A_1071 = tpu.bitcast %parallel_loop3A_1070 : vector<16xf32> -> vector<16xi32>
        %parallel_loop3A_1072 = arith.constant -64 : i32
        %parallel_loop3A_1073 = vector.broadcast %parallel_loop3A_1072 : i32 to vector<16xi32>
        %parallel_loop3A_1074 = arith.andi %parallel_loop3A_1071, %parallel_loop3A_1073 : vector<16xi32>
        %parallel_loop3A_1075 = arith.constant 17 : i32
        %parallel_loop3A_1076 = vector.broadcast %parallel_loop3A_1075 : i32 to vector<16xi32>
        %parallel_loop3A_1077 = arith.ori %parallel_loop3A_1074, %parallel_loop3A_1076 : vector<16xi32>
        %parallel_loop3A_1078 = tpu.bitcast %parallel_loop3A_1077 : vector<16xi32> -> vector<16xf32>
        %parallel_loop3A_1079 = arith.constant 5 : i32
        %parallel_loop3A_1080 = arith.constant 7 : i32
        %parallel_loop3A_1081 = arith.index_cast %parallel_loop3A_1079 : i32 to index
        %parallel_loop3A_1082 = arith.index_cast %scan3A_342 : i32 to index
        %parallel_loop3A_1083 = arith.index_cast %parallel_loop3A_1080 : i32 to index
        %parallel_loop3A_1084 = arith.index_cast %parallel_loop3A_373 : i32 to index
        %parallel_loop3A_1085 = tpu.vector_load %arg5[%parallel_loop3A_1081, %parallel_loop3A_1082, %parallel_loop3A_1083, %parallel_loop3A_1084] {strides = array<i32>} : memref<8x8x8x128xf32, #tpu.memory_space<vmem>>, vector<16xf32>,
        %parallel_loop3A_1086 = tpu.bitcast %parallel_loop3A_1085 : vector<16xf32> -> vector<16xi32>
        %parallel_loop3A_1087 = arith.constant -64 : i32
        %parallel_loop3A_1088 = vector.broadcast %parallel_loop3A_1087 : i32 to vector<16xi32>
        %parallel_loop3A_1089 = arith.andi %parallel_loop3A_1086, %parallel_loop3A_1088 : vector<16xi32>
        %parallel_loop3A_1090 = arith.constant 16 : i32
        %parallel_loop3A_1091 = vector.broadcast %parallel_loop3A_1090 : i32 to vector<16xi32>
        %parallel_loop3A_1092 = arith.ori %parallel_loop3A_1089, %parallel_loop3A_1091 : vector<16xi32>
        %parallel_loop3A_1093 = tpu.bitcast %parallel_loop3A_1092 : vector<16xi32> -> vector<16xf32>
        %parallel_loop3A_1094 = arith.constant 6 : i32
        %parallel_loop3A_1095 = arith.constant 0 : i32
        %parallel_loop3A_1096 = arith.index_cast %parallel_loop3A_1094 : i32 to index
        %parallel_loop3A_1097 = arith.index_cast %scan3A_342 : i32 to index
        %parallel_loop3A_1098 = arith.index_cast %parallel_loop3A_1095 : i32 to index
        %parallel_loop3A_1099 = arith.index_cast %parallel_loop3A_373 : i32 to index
        %parallel_loop3A_1100 = tpu.vector_load %arg5[%parallel_loop3A_1096, %parallel_loop3A_1097, %parallel_loop3A_1098, %parallel_loop3A_1099] {strides = array<i32>} : memref<8x8x8x128xf32, #tpu.memory_space<vmem>>, vector<16xf32>,
        %parallel_loop3A_1101 = tpu.bitcast %parallel_loop3A_1100 : vector<16xf32> -> vector<16xi32>
        %parallel_loop3A_1102 = arith.constant -64 : i32
        %parallel_loop3A_1103 = vector.broadcast %parallel_loop3A_1102 : i32 to vector<16xi32>
        %parallel_loop3A_1104 = arith.andi %parallel_loop3A_1101, %parallel_loop3A_1103 : vector<16xi32>
        %parallel_loop3A_1105 = arith.constant 15 : i32
        %parallel_loop3A_1106 = vector.broadcast %parallel_loop3A_1105 : i32 to vector<16xi32>
        %parallel_loop3A_1107 = arith.ori %parallel_loop3A_1104, %parallel_loop3A_1106 : vector<16xi32>
        %parallel_loop3A_1108 = tpu.bitcast %parallel_loop3A_1107 : vector<16xi32> -> vector<16xf32>
        %parallel_loop3A_1109 = arith.constant 6 : i32
        %parallel_loop3A_1110 = arith.constant 1 : i32
        %parallel_loop3A_1111 = arith.index_cast %parallel_loop3A_1109 : i32 to index
        %parallel_loop3A_1112 = arith.index_cast %scan3A_342 : i32 to index
        %parallel_loop3A_1113 = arith.index_cast %parallel_loop3A_1110 : i32 to index
        %parallel_loop3A_1114 = arith.index_cast %parallel_loop3A_373 : i32 to index
        %parallel_loop3A_1115 = tpu.vector_load %arg5[%parallel_loop3A_1111, %parallel_loop3A_1112, %parallel_loop3A_1113, %parallel_loop3A_1114] {strides = array<i32>} : memref<8x8x8x128xf32, #tpu.memory_space<vmem>>, vector<16xf32>,
        %parallel_loop3A_1116 = tpu.bitcast %parallel_loop3A_1115 : vector<16xf32> -> vector<16xi32>
        %parallel_loop3A_1117 = arith.constant -64 : i32
        %parallel_loop3A_1118 = vector.broadcast %parallel_loop3A_1117 : i32 to vector<16xi32>
        %parallel_loop3A_1119 = arith.andi %parallel_loop3A_1116, %parallel_loop3A_1118 : vector<16xi32>
        %parallel_loop3A_1120 = arith.constant 14 : i32
        %parallel_loop3A_1121 = vector.broadcast %parallel_loop3A_1120 : i32 to vector<16xi32>
        %parallel_loop3A_1122 = arith.ori %parallel_loop3A_1119, %parallel_loop3A_1121 : vector<16xi32>
        %parallel_loop3A_1123 = tpu.bitcast %parallel_loop3A_1122 : vector<16xi32> -> vector<16xf32>
        %parallel_loop3A_1124 = arith.constant 6 : i32
        %parallel_loop3A_1125 = arith.constant 2 : i32
        %parallel_loop3A_1126 = arith.index_cast %parallel_loop3A_1124 : i32 to index
        %parallel_loop3A_1127 = arith.index_cast %scan3A_342 : i32 to index
        %parallel_loop3A_1128 = arith.index_cast %parallel_loop3A_1125 : i32 to index
        %parallel_loop3A_1129 = arith.index_cast %parallel_loop3A_373 : i32 to index
        %parallel_loop3A_1130 = tpu.vector_load %arg5[%parallel_loop3A_1126, %parallel_loop3A_1127, %parallel_loop3A_1128, %parallel_loop3A_1129] {strides = array<i32>} : memref<8x8x8x128xf32, #tpu.memory_space<vmem>>, vector<16xf32>,
        %parallel_loop3A_1131 = tpu.bitcast %parallel_loop3A_1130 : vector<16xf32> -> vector<16xi32>
        %parallel_loop3A_1132 = arith.constant -64 : i32
        %parallel_loop3A_1133 = vector.broadcast %parallel_loop3A_1132 : i32 to vector<16xi32>
        %parallel_loop3A_1134 = arith.andi %parallel_loop3A_1131, %parallel_loop3A_1133 : vector<16xi32>
        %parallel_loop3A_1135 = arith.constant 13 : i32
        %parallel_loop3A_1136 = vector.broadcast %parallel_loop3A_1135 : i32 to vector<16xi32>
        %parallel_loop3A_1137 = arith.ori %parallel_loop3A_1134, %parallel_loop3A_1136 : vector<16xi32>
        %parallel_loop3A_1138 = tpu.bitcast %parallel_loop3A_1137 : vector<16xi32> -> vector<16xf32>
        %parallel_loop3A_1139 = arith.constant 6 : i32
        %parallel_loop3A_1140 = arith.constant 3 : i32
        %parallel_loop3A_1141 = arith.index_cast %parallel_loop3A_1139 : i32 to index
        %parallel_loop3A_1142 = arith.index_cast %scan3A_342 : i32 to index
        %parallel_loop3A_1143 = arith.index_cast %parallel_loop3A_1140 : i32 to index
        %parallel_loop3A_1144 = arith.index_cast %parallel_loop3A_373 : i32 to index
        %parallel_loop3A_1145 = tpu.vector_load %arg5[%parallel_loop3A_1141, %parallel_loop3A_1142, %parallel_loop3A_1143, %parallel_loop3A_1144] {strides = array<i32>} : memref<8x8x8x128xf32, #tpu.memory_space<vmem>>, vector<16xf32>,
        %parallel_loop3A_1146 = tpu.bitcast %parallel_loop3A_1145 : vector<16xf32> -> vector<16xi32>
        %parallel_loop3A_1147 = arith.constant -64 : i32
        %parallel_loop3A_1148 = vector.broadcast %parallel_loop3A_1147 : i32 to vector<16xi32>
        %parallel_loop3A_1149 = arith.andi %parallel_loop3A_1146, %parallel_loop3A_1148 : vector<16xi32>
        %parallel_loop3A_1150 = arith.constant 12 : i32
        %parallel_loop3A_1151 = vector.broadcast %parallel_loop3A_1150 : i32 to vector<16xi32>
        %parallel_loop3A_1152 = arith.ori %parallel_loop3A_1149, %parallel_loop3A_1151 : vector<16xi32>
        %parallel_loop3A_1153 = tpu.bitcast %parallel_loop3A_1152 : vector<16xi32> -> vector<16xf32>
        %parallel_loop3A_1154 = arith.constant 6 : i32
        %parallel_loop3A_1155 = arith.constant 4 : i32
        %parallel_loop3A_1156 = arith.index_cast %parallel_loop3A_1154 : i32 to index
        %parallel_loop3A_1157 = arith.index_cast %scan3A_342 : i32 to index
        %parallel_loop3A_1158 = arith.index_cast %parallel_loop3A_1155 : i32 to index
        %parallel_loop3A_1159 = arith.index_cast %parallel_loop3A_373 : i32 to index
        %parallel_loop3A_1160 = tpu.vector_load %arg5[%parallel_loop3A_1156, %parallel_loop3A_1157, %parallel_loop3A_1158, %parallel_loop3A_1159] {strides = array<i32>} : memref<8x8x8x128xf32, #tpu.memory_space<vmem>>, vector<16xf32>,
        %parallel_loop3A_1161 = tpu.bitcast %parallel_loop3A_1160 : vector<16xf32> -> vector<16xi32>
        %parallel_loop3A_1162 = arith.constant -64 : i32
        %parallel_loop3A_1163 = vector.broadcast %parallel_loop3A_1162 : i32 to vector<16xi32>
        %parallel_loop3A_1164 = arith.andi %parallel_loop3A_1161, %parallel_loop3A_1163 : vector<16xi32>
        %parallel_loop3A_1165 = arith.constant 11 : i32
        %parallel_loop3A_1166 = vector.broadcast %parallel_loop3A_1165 : i32 to vector<16xi32>
        %parallel_loop3A_1167 = arith.ori %parallel_loop3A_1164, %parallel_loop3A_1166 : vector<16xi32>
        %parallel_loop3A_1168 = tpu.bitcast %parallel_loop3A_1167 : vector<16xi32> -> vector<16xf32>
        %parallel_loop3A_1169 = arith.constant 6 : i32
        %parallel_loop3A_1170 = arith.constant 5 : i32
        %parallel_loop3A_1171 = arith.index_cast %parallel_loop3A_1169 : i32 to index
        %parallel_loop3A_1172 = arith.index_cast %scan3A_342 : i32 to index
        %parallel_loop3A_1173 = arith.index_cast %parallel_loop3A_1170 : i32 to index
        %parallel_loop3A_1174 = arith.index_cast %parallel_loop3A_373 : i32 to index
        %parallel_loop3A_1175 = tpu.vector_load %arg5[%parallel_loop3A_1171, %parallel_loop3A_1172, %parallel_loop3A_1173, %parallel_loop3A_1174] {strides = array<i32>} : memref<8x8x8x128xf32, #tpu.memory_space<vmem>>, vector<16xf32>,
        %parallel_loop3A_1176 = tpu.bitcast %parallel_loop3A_1175 : vector<16xf32> -> vector<16xi32>
        %parallel_loop3A_1177 = arith.constant -64 : i32
        %parallel_loop3A_1178 = vector.broadcast %parallel_loop3A_1177 : i32 to vector<16xi32>
        %parallel_loop3A_1179 = arith.andi %parallel_loop3A_1176, %parallel_loop3A_1178 : vector<16xi32>
        %parallel_loop3A_1180 = arith.constant 10 : i32
        %parallel_loop3A_1181 = vector.broadcast %parallel_loop3A_1180 : i32 to vector<16xi32>
        %parallel_loop3A_1182 = arith.ori %parallel_loop3A_1179, %parallel_loop3A_1181 : vector<16xi32>
        %parallel_loop3A_1183 = tpu.bitcast %parallel_loop3A_1182 : vector<16xi32> -> vector<16xf32>
        %parallel_loop3A_1184 = arith.constant 6 : i32
        %parallel_loop3A_1185 = arith.constant 6 : i32
        %parallel_loop3A_1186 = arith.index_cast %parallel_loop3A_1184 : i32 to index
        %parallel_loop3A_1187 = arith.index_cast %scan3A_342 : i32 to index
        %parallel_loop3A_1188 = arith.index_cast %parallel_loop3A_1185 : i32 to index
        %parallel_loop3A_1189 = arith.index_cast %parallel_loop3A_373 : i32 to index
        %parallel_loop3A_1190 = tpu.vector_load %arg5[%parallel_loop3A_1186, %parallel_loop3A_1187, %parallel_loop3A_1188, %parallel_loop3A_1189] {strides = array<i32>} : memref<8x8x8x128xf32, #tpu.memory_space<vmem>>, vector<16xf32>,
        %parallel_loop3A_1191 = tpu.bitcast %parallel_loop3A_1190 : vector<16xf32> -> vector<16xi32>
        %parallel_loop3A_1192 = arith.constant -64 : i32
        %parallel_loop3A_1193 = vector.broadcast %parallel_loop3A_1192 : i32 to vector<16xi32>
        %parallel_loop3A_1194 = arith.andi %parallel_loop3A_1191, %parallel_loop3A_1193 : vector<16xi32>
        %parallel_loop3A_1195 = arith.constant 9 : i32
        %parallel_loop3A_1196 = vector.broadcast %parallel_loop3A_1195 : i32 to vector<16xi32>
        %parallel_loop3A_1197 = arith.ori %parallel_loop3A_1194, %parallel_loop3A_1196 : vector<16xi32>
        %parallel_loop3A_1198 = tpu.bitcast %parallel_loop3A_1197 : vector<16xi32> -> vector<16xf32>
        %parallel_loop3A_1199 = arith.constant 6 : i32
        %parallel_loop3A_1200 = arith.constant 7 : i32
        %parallel_loop3A_1201 = arith.index_cast %parallel_loop3A_1199 : i32 to index
        %parallel_loop3A_1202 = arith.index_cast %scan3A_342 : i32 to index
        %parallel_loop3A_1203 = arith.index_cast %parallel_loop3A_1200 : i32 to index
        %parallel_loop3A_1204 = arith.index_cast %parallel_loop3A_373 : i32 to index
        %parallel_loop3A_1205 = tpu.vector_load %arg5[%parallel_loop3A_1201, %parallel_loop3A_1202, %parallel_loop3A_1203, %parallel_loop3A_1204] {strides = array<i32>} : memref<8x8x8x128xf32, #tpu.memory_space<vmem>>, vector<16xf32>,
        %parallel_loop3A_1206 = tpu.bitcast %parallel_loop3A_1205 : vector<16xf32> -> vector<16xi32>
        %parallel_loop3A_1207 = arith.constant -64 : i32
        %parallel_loop3A_1208 = vector.broadcast %parallel_loop3A_1207 : i32 to vector<16xi32>
        %parallel_loop3A_1209 = arith.andi %parallel_loop3A_1206, %parallel_loop3A_1208 : vector<16xi32>
        %parallel_loop3A_1210 = arith.constant 8 : i32
        %parallel_loop3A_1211 = vector.broadcast %parallel_loop3A_1210 : i32 to vector<16xi32>
        %parallel_loop3A_1212 = arith.ori %parallel_loop3A_1209, %parallel_loop3A_1211 : vector<16xi32>
        %parallel_loop3A_1213 = tpu.bitcast %parallel_loop3A_1212 : vector<16xi32> -> vector<16xf32>
        %parallel_loop3A_1214 = arith.constant 7 : i32
        %parallel_loop3A_1215 = arith.constant 0 : i32
        %parallel_loop3A_1216 = arith.index_cast %parallel_loop3A_1214 : i32 to index
        %parallel_loop3A_1217 = arith.index_cast %scan3A_342 : i32 to index
        %parallel_loop3A_1218 = arith.index_cast %parallel_loop3A_1215 : i32 to index
        %parallel_loop3A_1219 = arith.index_cast %parallel_loop3A_373 : i32 to index
        %parallel_loop3A_1220 = tpu.vector_load %arg5[%parallel_loop3A_1216, %parallel_loop3A_1217, %parallel_loop3A_1218, %parallel_loop3A_1219] {strides = array<i32>} : memref<8x8x8x128xf32, #tpu.memory_space<vmem>>, vector<16xf32>,
        %parallel_loop3A_1221 = tpu.bitcast %parallel_loop3A_1220 : vector<16xf32> -> vector<16xi32>
        %parallel_loop3A_1222 = arith.constant -64 : i32
        %parallel_loop3A_1223 = vector.broadcast %parallel_loop3A_1222 : i32 to vector<16xi32>
        %parallel_loop3A_1224 = arith.andi %parallel_loop3A_1221, %parallel_loop3A_1223 : vector<16xi32>
        %parallel_loop3A_1225 = arith.constant 7 : i32
        %parallel_loop3A_1226 = vector.broadcast %parallel_loop3A_1225 : i32 to vector<16xi32>
        %parallel_loop3A_1227 = arith.ori %parallel_loop3A_1224, %parallel_loop3A_1226 : vector<16xi32>
        %parallel_loop3A_1228 = tpu.bitcast %parallel_loop3A_1227 : vector<16xi32> -> vector<16xf32>
        %parallel_loop3A_1229 = arith.constant 7 : i32
        %parallel_loop3A_1230 = arith.constant 1 : i32
        %parallel_loop3A_1231 = arith.index_cast %parallel_loop3A_1229 : i32 to index
        %parallel_loop3A_1232 = arith.index_cast %scan3A_342 : i32 to index
        %parallel_loop3A_1233 = arith.index_cast %parallel_loop3A_1230 : i32 to index
        %parallel_loop3A_1234 = arith.index_cast %parallel_loop3A_373 : i32 to index
        %parallel_loop3A_1235 = tpu.vector_load %arg5[%parallel_loop3A_1231, %parallel_loop3A_1232, %parallel_loop3A_1233, %parallel_loop3A_1234] {strides = array<i32>} : memref<8x8x8x128xf32, #tpu.memory_space<vmem>>, vector<16xf32>,
        %parallel_loop3A_1236 = tpu.bitcast %parallel_loop3A_1235 : vector<16xf32> -> vector<16xi32>
        %parallel_loop3A_1237 = arith.constant -64 : i32
        %parallel_loop3A_1238 = vector.broadcast %parallel_loop3A_1237 : i32 to vector<16xi32>
        %parallel_loop3A_1239 = arith.andi %parallel_loop3A_1236, %parallel_loop3A_1238 : vector<16xi32>
        %parallel_loop3A_1240 = arith.constant 6 : i32
        %parallel_loop3A_1241 = vector.broadcast %parallel_loop3A_1240 : i32 to vector<16xi32>
        %parallel_loop3A_1242 = arith.ori %parallel_loop3A_1239, %parallel_loop3A_1241 : vector<16xi32>
        %parallel_loop3A_1243 = tpu.bitcast %parallel_loop3A_1242 : vector<16xi32> -> vector<16xf32>
        %parallel_loop3A_1244 = arith.constant 7 : i32
        %parallel_loop3A_1245 = arith.constant 2 : i32
        %parallel_loop3A_1246 = arith.index_cast %parallel_loop3A_1244 : i32 to index
        %parallel_loop3A_1247 = arith.index_cast %scan3A_342 : i32 to index
        %parallel_loop3A_1248 = arith.index_cast %parallel_loop3A_1245 : i32 to index
        %parallel_loop3A_1249 = arith.index_cast %parallel_loop3A_373 : i32 to index
        %parallel_loop3A_1250 = tpu.vector_load %arg5[%parallel_loop3A_1246, %parallel_loop3A_1247, %parallel_loop3A_1248, %parallel_loop3A_1249] {strides = array<i32>} : memref<8x8x8x128xf32, #tpu.memory_space<vmem>>, vector<16xf32>,
        %parallel_loop3A_1251 = tpu.bitcast %parallel_loop3A_1250 : vector<16xf32> -> vector<16xi32>
        %parallel_loop3A_1252 = arith.constant -64 : i32
        %parallel_loop3A_1253 = vector.broadcast %parallel_loop3A_1252 : i32 to vector<16xi32>
        %parallel_loop3A_1254 = arith.andi %parallel_loop3A_1251, %parallel_loop3A_1253 : vector<16xi32>
        %parallel_loop3A_1255 = arith.constant 5 : i32
        %parallel_loop3A_1256 = vector.broadcast %parallel_loop3A_1255 : i32 to vector<16xi32>
        %parallel_loop3A_1257 = arith.ori %parallel_loop3A_1254, %parallel_loop3A_1256 : vector<16xi32>
        %parallel_loop3A_1258 = tpu.bitcast %parallel_loop3A_1257 : vector<16xi32> -> vector<16xf32>
        %parallel_loop3A_1259 = arith.constant 7 : i32
        %parallel_loop3A_1260 = arith.constant 3 : i32
        %parallel_loop3A_1261 = arith.index_cast %parallel_loop3A_1259 : i32 to index
        %parallel_loop3A_1262 = arith.index_cast %scan3A_342 : i32 to index
        %parallel_loop3A_1263 = arith.index_cast %parallel_loop3A_1260 : i32 to index
        %parallel_loop3A_1264 = arith.index_cast %parallel_loop3A_373 : i32 to index
        %parallel_loop3A_1265 = tpu.vector_load %arg5[%parallel_loop3A_1261, %parallel_loop3A_1262, %parallel_loop3A_1263, %parallel_loop3A_1264] {strides = array<i32>} : memref<8x8x8x128xf32, #tpu.memory_space<vmem>>, vector<16xf32>,
        %parallel_loop3A_1266 = tpu.bitcast %parallel_loop3A_1265 : vector<16xf32> -> vector<16xi32>
        %parallel_loop3A_1267 = arith.constant -64 : i32
        %parallel_loop3A_1268 = vector.broadcast %parallel_loop3A_1267 : i32 to vector<16xi32>
        %parallel_loop3A_1269 = arith.andi %parallel_loop3A_1266, %parallel_loop3A_1268 : vector<16xi32>
        %parallel_loop3A_1270 = arith.constant 4 : i32
        %parallel_loop3A_1271 = vector.broadcast %parallel_loop3A_1270 : i32 to vector<16xi32>
        %parallel_loop3A_1272 = arith.ori %parallel_loop3A_1269, %parallel_loop3A_1271 : vector<16xi32>
        %parallel_loop3A_1273 = tpu.bitcast %parallel_loop3A_1272 : vector<16xi32> -> vector<16xf32>
        %parallel_loop3A_1274 = arith.constant 7 : i32
        %parallel_loop3A_1275 = arith.constant 4 : i32
        %parallel_loop3A_1276 = arith.index_cast %parallel_loop3A_1274 : i32 to index
        %parallel_loop3A_1277 = arith.index_cast %scan3A_342 : i32 to index
        %parallel_loop3A_1278 = arith.index_cast %parallel_loop3A_1275 : i32 to index
        %parallel_loop3A_1279 = arith.index_cast %parallel_loop3A_373 : i32 to index
        %parallel_loop3A_1280 = tpu.vector_load %arg5[%parallel_loop3A_1276, %parallel_loop3A_1277, %parallel_loop3A_1278, %parallel_loop3A_1279] {strides = array<i32>} : memref<8x8x8x128xf32, #tpu.memory_space<vmem>>, vector<16xf32>,
        %parallel_loop3A_1281 = tpu.bitcast %parallel_loop3A_1280 : vector<16xf32> -> vector<16xi32>
        %parallel_loop3A_1282 = arith.constant -64 : i32
        %parallel_loop3A_1283 = vector.broadcast %parallel_loop3A_1282 : i32 to vector<16xi32>
        %parallel_loop3A_1284 = arith.andi %parallel_loop3A_1281, %parallel_loop3A_1283 : vector<16xi32>
        %parallel_loop3A_1285 = arith.constant 3 : i32
        %parallel_loop3A_1286 = vector.broadcast %parallel_loop3A_1285 : i32 to vector<16xi32>
        %parallel_loop3A_1287 = arith.ori %parallel_loop3A_1284, %parallel_loop3A_1286 : vector<16xi32>
        %parallel_loop3A_1288 = tpu.bitcast %parallel_loop3A_1287 : vector<16xi32> -> vector<16xf32>
        %parallel_loop3A_1289 = arith.constant 7 : i32
        %parallel_loop3A_1290 = arith.constant 5 : i32
        %parallel_loop3A_1291 = arith.index_cast %parallel_loop3A_1289 : i32 to index
        %parallel_loop3A_1292 = arith.index_cast %scan3A_342 : i32 to index
        %parallel_loop3A_1293 = arith.index_cast %parallel_loop3A_1290 : i32 to index
        %parallel_loop3A_1294 = arith.index_cast %parallel_loop3A_373 : i32 to index
        %parallel_loop3A_1295 = tpu.vector_load %arg5[%parallel_loop3A_1291, %parallel_loop3A_1292, %parallel_loop3A_1293, %parallel_loop3A_1294] {strides = array<i32>} : memref<8x8x8x128xf32, #tpu.memory_space<vmem>>, vector<16xf32>,
        %parallel_loop3A_1296 = tpu.bitcast %parallel_loop3A_1295 : vector<16xf32> -> vector<16xi32>
        %parallel_loop3A_1297 = arith.constant -64 : i32
        %parallel_loop3A_1298 = vector.broadcast %parallel_loop3A_1297 : i32 to vector<16xi32>
        %parallel_loop3A_1299 = arith.andi %parallel_loop3A_1296, %parallel_loop3A_1298 : vector<16xi32>
        %parallel_loop3A_1300 = arith.constant 2 : i32
        %parallel_loop3A_1301 = vector.broadcast %parallel_loop3A_1300 : i32 to vector<16xi32>
        %parallel_loop3A_1302 = arith.ori %parallel_loop3A_1299, %parallel_loop3A_1301 : vector<16xi32>
        %parallel_loop3A_1303 = tpu.bitcast %parallel_loop3A_1302 : vector<16xi32> -> vector<16xf32>
        %parallel_loop3A_1304 = arith.constant 7 : i32
        %parallel_loop3A_1305 = arith.constant 6 : i32
        %parallel_loop3A_1306 = arith.index_cast %parallel_loop3A_1304 : i32 to index
        %parallel_loop3A_1307 = arith.index_cast %scan3A_342 : i32 to index
        %parallel_loop3A_1308 = arith.index_cast %parallel_loop3A_1305 : i32 to index
        %parallel_loop3A_1309 = arith.index_cast %parallel_loop3A_373 : i32 to index
        %parallel_loop3A_1310 = tpu.vector_load %arg5[%parallel_loop3A_1306, %parallel_loop3A_1307, %parallel_loop3A_1308, %parallel_loop3A_1309] {strides = array<i32>} : memref<8x8x8x128xf32, #tpu.memory_space<vmem>>, vector<16xf32>,
        %parallel_loop3A_1311 = tpu.bitcast %parallel_loop3A_1310 : vector<16xf32> -> vector<16xi32>
        %parallel_loop3A_1312 = arith.constant -64 : i32
        %parallel_loop3A_1313 = vector.broadcast %parallel_loop3A_1312 : i32 to vector<16xi32>
        %parallel_loop3A_1314 = arith.andi %parallel_loop3A_1311, %parallel_loop3A_1313 : vector<16xi32>
        %parallel_loop3A_1315 = arith.constant 1 : i32
        %parallel_loop3A_1316 = vector.broadcast %parallel_loop3A_1315 : i32 to vector<16xi32>
        %parallel_loop3A_1317 = arith.ori %parallel_loop3A_1314, %parallel_loop3A_1316 : vector<16xi32>
        %parallel_loop3A_1318 = tpu.bitcast %parallel_loop3A_1317 : vector<16xi32> -> vector<16xf32>
        %parallel_loop3A_1319 = arith.constant 7 : i32
        %parallel_loop3A_1320 = arith.constant 7 : i32
        %parallel_loop3A_1321 = arith.index_cast %parallel_loop3A_1319 : i32 to index
        %parallel_loop3A_1322 = arith.index_cast %scan3A_342 : i32 to index
        %parallel_loop3A_1323 = arith.index_cast %parallel_loop3A_1320 : i32 to index
        %parallel_loop3A_1324 = arith.index_cast %parallel_loop3A_373 : i32 to index
        %parallel_loop3A_1325 = tpu.vector_load %arg5[%parallel_loop3A_1321, %parallel_loop3A_1322, %parallel_loop3A_1323, %parallel_loop3A_1324] {strides = array<i32>} : memref<8x8x8x128xf32, #tpu.memory_space<vmem>>, vector<16xf32>,
        %parallel_loop3A_1326 = tpu.bitcast %parallel_loop3A_1325 : vector<16xf32> -> vector<16xi32>
        %parallel_loop3A_1327 = arith.constant -64 : i32
        %parallel_loop3A_1328 = vector.broadcast %parallel_loop3A_1327 : i32 to vector<16xi32>
        %parallel_loop3A_1329 = arith.andi %parallel_loop3A_1326, %parallel_loop3A_1328 : vector<16xi32>
        %parallel_loop3A_1330 = arith.constant 0 : i32
        %parallel_loop3A_1331 = vector.broadcast %parallel_loop3A_1330 : i32 to vector<16xi32>
        %parallel_loop3A_1332 = arith.ori %parallel_loop3A_1329, %parallel_loop3A_1331 : vector<16xi32>
        %parallel_loop3A_1333 = tpu.bitcast %parallel_loop3A_1332 : vector<16xi32> -> vector<16xf32>
        %parallel_loop3A_1334 = arith.maximumf %parallel_loop3A_388, %parallel_loop3A_403 : vector<16xf32>
        %parallel_loop3A_1335 = arith.minimumf %parallel_loop3A_388, %parallel_loop3A_403 : vector<16xf32>
        %parallel_loop3A_1336 = arith.maximumf %parallel_loop3A_418, %parallel_loop3A_433 : vector<16xf32>
        %parallel_loop3A_1337 = arith.minimumf %parallel_loop3A_418, %parallel_loop3A_433 : vector<16xf32>
        %parallel_loop3A_1338 = arith.maximumf %parallel_loop3A_448, %parallel_loop3A_463 : vector<16xf32>
        %parallel_loop3A_1339 = arith.minimumf %parallel_loop3A_448, %parallel_loop3A_463 : vector<16xf32>
        %parallel_loop3A_1340 = arith.maximumf %parallel_loop3A_478, %parallel_loop3A_493 : vector<16xf32>
        %parallel_loop3A_1341 = arith.minimumf %parallel_loop3A_478, %parallel_loop3A_493 : vector<16xf32>
        %parallel_loop3A_1342 = arith.maximumf %parallel_loop3A_1334, %parallel_loop3A_1336 : vector<16xf32>
        %parallel_loop3A_1343 = arith.minimumf %parallel_loop3A_1334, %parallel_loop3A_1336 : vector<16xf32>
        %parallel_loop3A_1344 = arith.maximumf %parallel_loop3A_1335, %parallel_loop3A_1337 : vector<16xf32>
        %parallel_loop3A_1345 = arith.minimumf %parallel_loop3A_1335, %parallel_loop3A_1337 : vector<16xf32>
        %parallel_loop3A_1346 = arith.maximumf %parallel_loop3A_1338, %parallel_loop3A_1340 : vector<16xf32>
        %parallel_loop3A_1347 = arith.minimumf %parallel_loop3A_1338, %parallel_loop3A_1340 : vector<16xf32>
        %parallel_loop3A_1348 = arith.maximumf %parallel_loop3A_1339, %parallel_loop3A_1341 : vector<16xf32>
        %parallel_loop3A_1349 = arith.minimumf %parallel_loop3A_1339, %parallel_loop3A_1341 : vector<16xf32>
        %parallel_loop3A_1350 = arith.maximumf %parallel_loop3A_1344, %parallel_loop3A_1343 : vector<16xf32>
        %parallel_loop3A_1351 = arith.minimumf %parallel_loop3A_1344, %parallel_loop3A_1343 : vector<16xf32>
        %parallel_loop3A_1352 = arith.maximumf %parallel_loop3A_1348, %parallel_loop3A_1347 : vector<16xf32>
        %parallel_loop3A_1353 = arith.minimumf %parallel_loop3A_1348, %parallel_loop3A_1347 : vector<16xf32>
        %parallel_loop3A_1354 = arith.maximumf %parallel_loop3A_1342, %parallel_loop3A_1346 : vector<16xf32>
        %parallel_loop3A_1355 = arith.minimumf %parallel_loop3A_1342, %parallel_loop3A_1346 : vector<16xf32>
        %parallel_loop3A_1356 = arith.maximumf %parallel_loop3A_1345, %parallel_loop3A_1349 : vector<16xf32>
        %parallel_loop3A_1357 = arith.minimumf %parallel_loop3A_1345, %parallel_loop3A_1349 : vector<16xf32>
        %parallel_loop3A_1358 = arith.maximumf %parallel_loop3A_1350, %parallel_loop3A_1352 : vector<16xf32>
        %parallel_loop3A_1359 = arith.minimumf %parallel_loop3A_1350, %parallel_loop3A_1352 : vector<16xf32>
        %parallel_loop3A_1360 = arith.maximumf %parallel_loop3A_1351, %parallel_loop3A_1353 : vector<16xf32>
        %parallel_loop3A_1361 = arith.minimumf %parallel_loop3A_1351, %parallel_loop3A_1353 : vector<16xf32>
        %parallel_loop3A_1362 = arith.maximumf %parallel_loop3A_1358, %parallel_loop3A_1355 : vector<16xf32>
        %parallel_loop3A_1363 = arith.minimumf %parallel_loop3A_1358, %parallel_loop3A_1355 : vector<16xf32>
        %parallel_loop3A_1364 = arith.maximumf %parallel_loop3A_1356, %parallel_loop3A_1361 : vector<16xf32>
        %parallel_loop3A_1365 = arith.minimumf %parallel_loop3A_1356, %parallel_loop3A_1361 : vector<16xf32>
        %parallel_loop3A_1366 = arith.maximumf %parallel_loop3A_1360, %parallel_loop3A_1363 : vector<16xf32>
        %parallel_loop3A_1367 = arith.minimumf %parallel_loop3A_1360, %parallel_loop3A_1363 : vector<16xf32>
        %parallel_loop3A_1368 = arith.maximumf %parallel_loop3A_1364, %parallel_loop3A_1359 : vector<16xf32>
        %parallel_loop3A_1369 = arith.minimumf %parallel_loop3A_1364, %parallel_loop3A_1359 : vector<16xf32>
        %parallel_loop3A_1370 = arith.maximumf %parallel_loop3A_1368, %parallel_loop3A_1367 : vector<16xf32>
        %parallel_loop3A_1371 = arith.minimumf %parallel_loop3A_1368, %parallel_loop3A_1367 : vector<16xf32>
        %parallel_loop3A_1372 = arith.maximumf %parallel_loop3A_508, %parallel_loop3A_523 : vector<16xf32>
        %parallel_loop3A_1373 = arith.minimumf %parallel_loop3A_508, %parallel_loop3A_523 : vector<16xf32>
        %parallel_loop3A_1374 = arith.maximumf %parallel_loop3A_538, %parallel_loop3A_553 : vector<16xf32>
        %parallel_loop3A_1375 = arith.minimumf %parallel_loop3A_538, %parallel_loop3A_553 : vector<16xf32>
        %parallel_loop3A_1376 = arith.maximumf %parallel_loop3A_568, %parallel_loop3A_583 : vector<16xf32>
        %parallel_loop3A_1377 = arith.minimumf %parallel_loop3A_568, %parallel_loop3A_583 : vector<16xf32>
        %parallel_loop3A_1378 = arith.maximumf %parallel_loop3A_598, %parallel_loop3A_613 : vector<16xf32>
        %parallel_loop3A_1379 = arith.minimumf %parallel_loop3A_598, %parallel_loop3A_613 : vector<16xf32>
        %parallel_loop3A_1380 = arith.maximumf %parallel_loop3A_1372, %parallel_loop3A_1374 : vector<16xf32>
        %parallel_loop3A_1381 = arith.minimumf %parallel_loop3A_1372, %parallel_loop3A_1374 : vector<16xf32>
        %parallel_loop3A_1382 = arith.maximumf %parallel_loop3A_1373, %parallel_loop3A_1375 : vector<16xf32>
        %parallel_loop3A_1383 = arith.minimumf %parallel_loop3A_1373, %parallel_loop3A_1375 : vector<16xf32>
        %parallel_loop3A_1384 = arith.maximumf %parallel_loop3A_1376, %parallel_loop3A_1378 : vector<16xf32>
        %parallel_loop3A_1385 = arith.minimumf %parallel_loop3A_1376, %parallel_loop3A_1378 : vector<16xf32>
        %parallel_loop3A_1386 = arith.maximumf %parallel_loop3A_1377, %parallel_loop3A_1379 : vector<16xf32>
        %parallel_loop3A_1387 = arith.minimumf %parallel_loop3A_1377, %parallel_loop3A_1379 : vector<16xf32>
        %parallel_loop3A_1388 = arith.maximumf %parallel_loop3A_1382, %parallel_loop3A_1381 : vector<16xf32>
        %parallel_loop3A_1389 = arith.minimumf %parallel_loop3A_1382, %parallel_loop3A_1381 : vector<16xf32>
        %parallel_loop3A_1390 = arith.maximumf %parallel_loop3A_1386, %parallel_loop3A_1385 : vector<16xf32>
        %parallel_loop3A_1391 = arith.minimumf %parallel_loop3A_1386, %parallel_loop3A_1385 : vector<16xf32>
        %parallel_loop3A_1392 = arith.maximumf %parallel_loop3A_1380, %parallel_loop3A_1384 : vector<16xf32>
        %parallel_loop3A_1393 = arith.minimumf %parallel_loop3A_1380, %parallel_loop3A_1384 : vector<16xf32>
        %parallel_loop3A_1394 = arith.maximumf %parallel_loop3A_1383, %parallel_loop3A_1387 : vector<16xf32>
        %parallel_loop3A_1395 = arith.minimumf %parallel_loop3A_1383, %parallel_loop3A_1387 : vector<16xf32>
        %parallel_loop3A_1396 = arith.maximumf %parallel_loop3A_1388, %parallel_loop3A_1390 : vector<16xf32>
        %parallel_loop3A_1397 = arith.minimumf %parallel_loop3A_1388, %parallel_loop3A_1390 : vector<16xf32>
        %parallel_loop3A_1398 = arith.maximumf %parallel_loop3A_1389, %parallel_loop3A_1391 : vector<16xf32>
        %parallel_loop3A_1399 = arith.minimumf %parallel_loop3A_1389, %parallel_loop3A_1391 : vector<16xf32>
        %parallel_loop3A_1400 = arith.maximumf %parallel_loop3A_1396, %parallel_loop3A_1393 : vector<16xf32>
        %parallel_loop3A_1401 = arith.minimumf %parallel_loop3A_1396, %parallel_loop3A_1393 : vector<16xf32>
        %parallel_loop3A_1402 = arith.maximumf %parallel_loop3A_1394, %parallel_loop3A_1399 : vector<16xf32>
        %parallel_loop3A_1403 = arith.minimumf %parallel_loop3A_1394, %parallel_loop3A_1399 : vector<16xf32>
        %parallel_loop3A_1404 = arith.maximumf %parallel_loop3A_1398, %parallel_loop3A_1401 : vector<16xf32>
        %parallel_loop3A_1405 = arith.minimumf %parallel_loop3A_1398, %parallel_loop3A_1401 : vector<16xf32>
        %parallel_loop3A_1406 = arith.maximumf %parallel_loop3A_1402, %parallel_loop3A_1397 : vector<16xf32>
        %parallel_loop3A_1407 = arith.minimumf %parallel_loop3A_1402, %parallel_loop3A_1397 : vector<16xf32>
        %parallel_loop3A_1408 = arith.maximumf %parallel_loop3A_1406, %parallel_loop3A_1405 : vector<16xf32>
        %parallel_loop3A_1409 = arith.minimumf %parallel_loop3A_1406, %parallel_loop3A_1405 : vector<16xf32>
        %parallel_loop3A_1410 = arith.maximumf %parallel_loop3A_1354, %parallel_loop3A_1395 : vector<16xf32>
        %parallel_loop3A_1411 = arith.maximumf %parallel_loop3A_1362, %parallel_loop3A_1403 : vector<16xf32>
        %parallel_loop3A_1412 = arith.maximumf %parallel_loop3A_1366, %parallel_loop3A_1407 : vector<16xf32>
        %parallel_loop3A_1413 = arith.maximumf %parallel_loop3A_1370, %parallel_loop3A_1409 : vector<16xf32>
        %parallel_loop3A_1414 = arith.maximumf %parallel_loop3A_1371, %parallel_loop3A_1408 : vector<16xf32>
        %parallel_loop3A_1415 = arith.maximumf %parallel_loop3A_1369, %parallel_loop3A_1404 : vector<16xf32>
        %parallel_loop3A_1416 = arith.maximumf %parallel_loop3A_1365, %parallel_loop3A_1400 : vector<16xf32>
        %parallel_loop3A_1417 = arith.maximumf %parallel_loop3A_1357, %parallel_loop3A_1392 : vector<16xf32>
        %parallel_loop3A_1418 = arith.maximumf %parallel_loop3A_1410, %parallel_loop3A_1414 : vector<16xf32>
        %parallel_loop3A_1419 = arith.minimumf %parallel_loop3A_1410, %parallel_loop3A_1414 : vector<16xf32>
        %parallel_loop3A_1420 = arith.maximumf %parallel_loop3A_1411, %parallel_loop3A_1415 : vector<16xf32>
        %parallel_loop3A_1421 = arith.minimumf %parallel_loop3A_1411, %parallel_loop3A_1415 : vector<16xf32>
        %parallel_loop3A_1422 = arith.maximumf %parallel_loop3A_1412, %parallel_loop3A_1416 : vector<16xf32>
        %parallel_loop3A_1423 = arith.minimumf %parallel_loop3A_1412, %parallel_loop3A_1416 : vector<16xf32>
        %parallel_loop3A_1424 = arith.maximumf %parallel_loop3A_1413, %parallel_loop3A_1417 : vector<16xf32>
        %parallel_loop3A_1425 = arith.minimumf %parallel_loop3A_1413, %parallel_loop3A_1417 : vector<16xf32>
        %parallel_loop3A_1426 = arith.maximumf %parallel_loop3A_1418, %parallel_loop3A_1422 : vector<16xf32>
        %parallel_loop3A_1427 = arith.minimumf %parallel_loop3A_1418, %parallel_loop3A_1422 : vector<16xf32>
        %parallel_loop3A_1428 = arith.maximumf %parallel_loop3A_1420, %parallel_loop3A_1424 : vector<16xf32>
        %parallel_loop3A_1429 = arith.minimumf %parallel_loop3A_1420, %parallel_loop3A_1424 : vector<16xf32>
        %parallel_loop3A_1430 = arith.maximumf %parallel_loop3A_1419, %parallel_loop3A_1423 : vector<16xf32>
        %parallel_loop3A_1431 = arith.minimumf %parallel_loop3A_1419, %parallel_loop3A_1423 : vector<16xf32>
        %parallel_loop3A_1432 = arith.maximumf %parallel_loop3A_1421, %parallel_loop3A_1425 : vector<16xf32>
        %parallel_loop3A_1433 = arith.minimumf %parallel_loop3A_1421, %parallel_loop3A_1425 : vector<16xf32>
        %parallel_loop3A_1434 = arith.maximumf %parallel_loop3A_1426, %parallel_loop3A_1428 : vector<16xf32>
        %parallel_loop3A_1435 = arith.minimumf %parallel_loop3A_1426, %parallel_loop3A_1428 : vector<16xf32>
        %parallel_loop3A_1436 = arith.maximumf %parallel_loop3A_1427, %parallel_loop3A_1429 : vector<16xf32>
        %parallel_loop3A_1437 = arith.minimumf %parallel_loop3A_1427, %parallel_loop3A_1429 : vector<16xf32>
        %parallel_loop3A_1438 = arith.maximumf %parallel_loop3A_1430, %parallel_loop3A_1432 : vector<16xf32>
        %parallel_loop3A_1439 = arith.minimumf %parallel_loop3A_1430, %parallel_loop3A_1432 : vector<16xf32>
        %parallel_loop3A_1440 = arith.maximumf %parallel_loop3A_1431, %parallel_loop3A_1433 : vector<16xf32>
        %parallel_loop3A_1441 = arith.minimumf %parallel_loop3A_1431, %parallel_loop3A_1433 : vector<16xf32>
        %parallel_loop3A_1442 = arith.maximumf %parallel_loop3A_628, %parallel_loop3A_643 : vector<16xf32>
        %parallel_loop3A_1443 = arith.minimumf %parallel_loop3A_628, %parallel_loop3A_643 : vector<16xf32>
        %parallel_loop3A_1444 = arith.maximumf %parallel_loop3A_658, %parallel_loop3A_673 : vector<16xf32>
        %parallel_loop3A_1445 = arith.minimumf %parallel_loop3A_658, %parallel_loop3A_673 : vector<16xf32>
        %parallel_loop3A_1446 = arith.maximumf %parallel_loop3A_688, %parallel_loop3A_703 : vector<16xf32>
        %parallel_loop3A_1447 = arith.minimumf %parallel_loop3A_688, %parallel_loop3A_703 : vector<16xf32>
        %parallel_loop3A_1448 = arith.maximumf %parallel_loop3A_718, %parallel_loop3A_733 : vector<16xf32>
        %parallel_loop3A_1449 = arith.minimumf %parallel_loop3A_718, %parallel_loop3A_733 : vector<16xf32>
        %parallel_loop3A_1450 = arith.maximumf %parallel_loop3A_1442, %parallel_loop3A_1444 : vector<16xf32>
        %parallel_loop3A_1451 = arith.minimumf %parallel_loop3A_1442, %parallel_loop3A_1444 : vector<16xf32>
        %parallel_loop3A_1452 = arith.maximumf %parallel_loop3A_1443, %parallel_loop3A_1445 : vector<16xf32>
        %parallel_loop3A_1453 = arith.minimumf %parallel_loop3A_1443, %parallel_loop3A_1445 : vector<16xf32>
        %parallel_loop3A_1454 = arith.maximumf %parallel_loop3A_1446, %parallel_loop3A_1448 : vector<16xf32>
        %parallel_loop3A_1455 = arith.minimumf %parallel_loop3A_1446, %parallel_loop3A_1448 : vector<16xf32>
        %parallel_loop3A_1456 = arith.maximumf %parallel_loop3A_1447, %parallel_loop3A_1449 : vector<16xf32>
        %parallel_loop3A_1457 = arith.minimumf %parallel_loop3A_1447, %parallel_loop3A_1449 : vector<16xf32>
        %parallel_loop3A_1458 = arith.maximumf %parallel_loop3A_1452, %parallel_loop3A_1451 : vector<16xf32>
        %parallel_loop3A_1459 = arith.minimumf %parallel_loop3A_1452, %parallel_loop3A_1451 : vector<16xf32>
        %parallel_loop3A_1460 = arith.maximumf %parallel_loop3A_1456, %parallel_loop3A_1455 : vector<16xf32>
        %parallel_loop3A_1461 = arith.minimumf %parallel_loop3A_1456, %parallel_loop3A_1455 : vector<16xf32>
        %parallel_loop3A_1462 = arith.maximumf %parallel_loop3A_1450, %parallel_loop3A_1454 : vector<16xf32>
        %parallel_loop3A_1463 = arith.minimumf %parallel_loop3A_1450, %parallel_loop3A_1454 : vector<16xf32>
        %parallel_loop3A_1464 = arith.maximumf %parallel_loop3A_1453, %parallel_loop3A_1457 : vector<16xf32>
        %parallel_loop3A_1465 = arith.minimumf %parallel_loop3A_1453, %parallel_loop3A_1457 : vector<16xf32>
        %parallel_loop3A_1466 = arith.maximumf %parallel_loop3A_1458, %parallel_loop3A_1460 : vector<16xf32>
        %parallel_loop3A_1467 = arith.minimumf %parallel_loop3A_1458, %parallel_loop3A_1460 : vector<16xf32>
        %parallel_loop3A_1468 = arith.maximumf %parallel_loop3A_1459, %parallel_loop3A_1461 : vector<16xf32>
        %parallel_loop3A_1469 = arith.minimumf %parallel_loop3A_1459, %parallel_loop3A_1461 : vector<16xf32>
        %parallel_loop3A_1470 = arith.maximumf %parallel_loop3A_1466, %parallel_loop3A_1463 : vector<16xf32>
        %parallel_loop3A_1471 = arith.minimumf %parallel_loop3A_1466, %parallel_loop3A_1463 : vector<16xf32>
        %parallel_loop3A_1472 = arith.maximumf %parallel_loop3A_1464, %parallel_loop3A_1469 : vector<16xf32>
        %parallel_loop3A_1473 = arith.minimumf %parallel_loop3A_1464, %parallel_loop3A_1469 : vector<16xf32>
        %parallel_loop3A_1474 = arith.maximumf %parallel_loop3A_1468, %parallel_loop3A_1471 : vector<16xf32>
        %parallel_loop3A_1475 = arith.minimumf %parallel_loop3A_1468, %parallel_loop3A_1471 : vector<16xf32>
        %parallel_loop3A_1476 = arith.maximumf %parallel_loop3A_1472, %parallel_loop3A_1467 : vector<16xf32>
        %parallel_loop3A_1477 = arith.minimumf %parallel_loop3A_1472, %parallel_loop3A_1467 : vector<16xf32>
        %parallel_loop3A_1478 = arith.maximumf %parallel_loop3A_1476, %parallel_loop3A_1475 : vector<16xf32>
        %parallel_loop3A_1479 = arith.minimumf %parallel_loop3A_1476, %parallel_loop3A_1475 : vector<16xf32>
        %parallel_loop3A_1480 = arith.maximumf %parallel_loop3A_1434, %parallel_loop3A_1465 : vector<16xf32>
        %parallel_loop3A_1481 = arith.maximumf %parallel_loop3A_1435, %parallel_loop3A_1473 : vector<16xf32>
        %parallel_loop3A_1482 = arith.maximumf %parallel_loop3A_1436, %parallel_loop3A_1477 : vector<16xf32>
        %parallel_loop3A_1483 = arith.maximumf %parallel_loop3A_1437, %parallel_loop3A_1479 : vector<16xf32>
        %parallel_loop3A_1484 = arith.maximumf %parallel_loop3A_1438, %parallel_loop3A_1478 : vector<16xf32>
        %parallel_loop3A_1485 = arith.maximumf %parallel_loop3A_1439, %parallel_loop3A_1474 : vector<16xf32>
        %parallel_loop3A_1486 = arith.maximumf %parallel_loop3A_1440, %parallel_loop3A_1470 : vector<16xf32>
        %parallel_loop3A_1487 = arith.maximumf %parallel_loop3A_1441, %parallel_loop3A_1462 : vector<16xf32>
        %parallel_loop3A_1488 = arith.maximumf %parallel_loop3A_1480, %parallel_loop3A_1484 : vector<16xf32>
        %parallel_loop3A_1489 = arith.minimumf %parallel_loop3A_1480, %parallel_loop3A_1484 : vector<16xf32>
        %parallel_loop3A_1490 = arith.maximumf %parallel_loop3A_1481, %parallel_loop3A_1485 : vector<16xf32>
        %parallel_loop3A_1491 = arith.minimumf %parallel_loop3A_1481, %parallel_loop3A_1485 : vector<16xf32>
        %parallel_loop3A_1492 = arith.maximumf %parallel_loop3A_1482, %parallel_loop3A_1486 : vector<16xf32>
        %parallel_loop3A_1493 = arith.minimumf %parallel_loop3A_1482, %parallel_loop3A_1486 : vector<16xf32>
        %parallel_loop3A_1494 = arith.maximumf %parallel_loop3A_1483, %parallel_loop3A_1487 : vector<16xf32>
        %parallel_loop3A_1495 = arith.minimumf %parallel_loop3A_1483, %parallel_loop3A_1487 : vector<16xf32>
        %parallel_loop3A_1496 = arith.maximumf %parallel_loop3A_1488, %parallel_loop3A_1492 : vector<16xf32>
        %parallel_loop3A_1497 = arith.minimumf %parallel_loop3A_1488, %parallel_loop3A_1492 : vector<16xf32>
        %parallel_loop3A_1498 = arith.maximumf %parallel_loop3A_1490, %parallel_loop3A_1494 : vector<16xf32>
        %parallel_loop3A_1499 = arith.minimumf %parallel_loop3A_1490, %parallel_loop3A_1494 : vector<16xf32>
        %parallel_loop3A_1500 = arith.maximumf %parallel_loop3A_1489, %parallel_loop3A_1493 : vector<16xf32>
        %parallel_loop3A_1501 = arith.minimumf %parallel_loop3A_1489, %parallel_loop3A_1493 : vector<16xf32>
        %parallel_loop3A_1502 = arith.maximumf %parallel_loop3A_1491, %parallel_loop3A_1495 : vector<16xf32>
        %parallel_loop3A_1503 = arith.minimumf %parallel_loop3A_1491, %parallel_loop3A_1495 : vector<16xf32>
        %parallel_loop3A_1504 = arith.maximumf %parallel_loop3A_1496, %parallel_loop3A_1498 : vector<16xf32>
        %parallel_loop3A_1505 = arith.minimumf %parallel_loop3A_1496, %parallel_loop3A_1498 : vector<16xf32>
        %parallel_loop3A_1506 = arith.maximumf %parallel_loop3A_1497, %parallel_loop3A_1499 : vector<16xf32>
        %parallel_loop3A_1507 = arith.minimumf %parallel_loop3A_1497, %parallel_loop3A_1499 : vector<16xf32>
        %parallel_loop3A_1508 = arith.maximumf %parallel_loop3A_1500, %parallel_loop3A_1502 : vector<16xf32>
        %parallel_loop3A_1509 = arith.minimumf %parallel_loop3A_1500, %parallel_loop3A_1502 : vector<16xf32>
        %parallel_loop3A_1510 = arith.maximumf %parallel_loop3A_1501, %parallel_loop3A_1503 : vector<16xf32>
        %parallel_loop3A_1511 = arith.minimumf %parallel_loop3A_1501, %parallel_loop3A_1503 : vector<16xf32>
        %parallel_loop3A_1512 = arith.maximumf %parallel_loop3A_748, %parallel_loop3A_763 : vector<16xf32>
        %parallel_loop3A_1513 = arith.minimumf %parallel_loop3A_748, %parallel_loop3A_763 : vector<16xf32>
        %parallel_loop3A_1514 = arith.maximumf %parallel_loop3A_778, %parallel_loop3A_793 : vector<16xf32>
        %parallel_loop3A_1515 = arith.minimumf %parallel_loop3A_778, %parallel_loop3A_793 : vector<16xf32>
        %parallel_loop3A_1516 = arith.maximumf %parallel_loop3A_808, %parallel_loop3A_823 : vector<16xf32>
        %parallel_loop3A_1517 = arith.minimumf %parallel_loop3A_808, %parallel_loop3A_823 : vector<16xf32>
        %parallel_loop3A_1518 = arith.maximumf %parallel_loop3A_838, %parallel_loop3A_853 : vector<16xf32>
        %parallel_loop3A_1519 = arith.minimumf %parallel_loop3A_838, %parallel_loop3A_853 : vector<16xf32>
        %parallel_loop3A_1520 = arith.maximumf %parallel_loop3A_1512, %parallel_loop3A_1514 : vector<16xf32>
        %parallel_loop3A_1521 = arith.minimumf %parallel_loop3A_1512, %parallel_loop3A_1514 : vector<16xf32>
        %parallel_loop3A_1522 = arith.maximumf %parallel_loop3A_1513, %parallel_loop3A_1515 : vector<16xf32>
        %parallel_loop3A_1523 = arith.minimumf %parallel_loop3A_1513, %parallel_loop3A_1515 : vector<16xf32>
        %parallel_loop3A_1524 = arith.maximumf %parallel_loop3A_1516, %parallel_loop3A_1518 : vector<16xf32>
        %parallel_loop3A_1525 = arith.minimumf %parallel_loop3A_1516, %parallel_loop3A_1518 : vector<16xf32>
        %parallel_loop3A_1526 = arith.maximumf %parallel_loop3A_1517, %parallel_loop3A_1519 : vector<16xf32>
        %parallel_loop3A_1527 = arith.minimumf %parallel_loop3A_1517, %parallel_loop3A_1519 : vector<16xf32>
        %parallel_loop3A_1528 = arith.maximumf %parallel_loop3A_1522, %parallel_loop3A_1521 : vector<16xf32>
        %parallel_loop3A_1529 = arith.minimumf %parallel_loop3A_1522, %parallel_loop3A_1521 : vector<16xf32>
        %parallel_loop3A_1530 = arith.maximumf %parallel_loop3A_1526, %parallel_loop3A_1525 : vector<16xf32>
        %parallel_loop3A_1531 = arith.minimumf %parallel_loop3A_1526, %parallel_loop3A_1525 : vector<16xf32>
        %parallel_loop3A_1532 = arith.maximumf %parallel_loop3A_1520, %parallel_loop3A_1524 : vector<16xf32>
        %parallel_loop3A_1533 = arith.minimumf %parallel_loop3A_1520, %parallel_loop3A_1524 : vector<16xf32>
        %parallel_loop3A_1534 = arith.maximumf %parallel_loop3A_1523, %parallel_loop3A_1527 : vector<16xf32>
        %parallel_loop3A_1535 = arith.minimumf %parallel_loop3A_1523, %parallel_loop3A_1527 : vector<16xf32>
        %parallel_loop3A_1536 = arith.maximumf %parallel_loop3A_1528, %parallel_loop3A_1530 : vector<16xf32>
        %parallel_loop3A_1537 = arith.minimumf %parallel_loop3A_1528, %parallel_loop3A_1530 : vector<16xf32>
        %parallel_loop3A_1538 = arith.maximumf %parallel_loop3A_1529, %parallel_loop3A_1531 : vector<16xf32>
        %parallel_loop3A_1539 = arith.minimumf %parallel_loop3A_1529, %parallel_loop3A_1531 : vector<16xf32>
        %parallel_loop3A_1540 = arith.maximumf %parallel_loop3A_1536, %parallel_loop3A_1533 : vector<16xf32>
        %parallel_loop3A_1541 = arith.minimumf %parallel_loop3A_1536, %parallel_loop3A_1533 : vector<16xf32>
        %parallel_loop3A_1542 = arith.maximumf %parallel_loop3A_1534, %parallel_loop3A_1539 : vector<16xf32>
        %parallel_loop3A_1543 = arith.minimumf %parallel_loop3A_1534, %parallel_loop3A_1539 : vector<16xf32>
        %parallel_loop3A_1544 = arith.maximumf %parallel_loop3A_1538, %parallel_loop3A_1541 : vector<16xf32>
        %parallel_loop3A_1545 = arith.minimumf %parallel_loop3A_1538, %parallel_loop3A_1541 : vector<16xf32>
        %parallel_loop3A_1546 = arith.maximumf %parallel_loop3A_1542, %parallel_loop3A_1537 : vector<16xf32>
        %parallel_loop3A_1547 = arith.minimumf %parallel_loop3A_1542, %parallel_loop3A_1537 : vector<16xf32>
        %parallel_loop3A_1548 = arith.maximumf %parallel_loop3A_1546, %parallel_loop3A_1545 : vector<16xf32>
        %parallel_loop3A_1549 = arith.minimumf %parallel_loop3A_1546, %parallel_loop3A_1545 : vector<16xf32>
        %parallel_loop3A_1550 = arith.maximumf %parallel_loop3A_1504, %parallel_loop3A_1535 : vector<16xf32>
        %parallel_loop3A_1551 = arith.maximumf %parallel_loop3A_1505, %parallel_loop3A_1543 : vector<16xf32>
        %parallel_loop3A_1552 = arith.maximumf %parallel_loop3A_1506, %parallel_loop3A_1547 : vector<16xf32>
        %parallel_loop3A_1553 = arith.maximumf %parallel_loop3A_1507, %parallel_loop3A_1549 : vector<16xf32>
        %parallel_loop3A_1554 = arith.maximumf %parallel_loop3A_1508, %parallel_loop3A_1548 : vector<16xf32>
        %parallel_loop3A_1555 = arith.maximumf %parallel_loop3A_1509, %parallel_loop3A_1544 : vector<16xf32>
        %parallel_loop3A_1556 = arith.maximumf %parallel_loop3A_1510, %parallel_loop3A_1540 : vector<16xf32>
        %parallel_loop3A_1557 = arith.maximumf %parallel_loop3A_1511, %parallel_loop3A_1532 : vector<16xf32>
        %parallel_loop3A_1558 = arith.maximumf %parallel_loop3A_1550, %parallel_loop3A_1554 : vector<16xf32>
        %parallel_loop3A_1559 = arith.minimumf %parallel_loop3A_1550, %parallel_loop3A_1554 : vector<16xf32>
        %parallel_loop3A_1560 = arith.maximumf %parallel_loop3A_1551, %parallel_loop3A_1555 : vector<16xf32>
        %parallel_loop3A_1561 = arith.minimumf %parallel_loop3A_1551, %parallel_loop3A_1555 : vector<16xf32>
        %parallel_loop3A_1562 = arith.maximumf %parallel_loop3A_1552, %parallel_loop3A_1556 : vector<16xf32>
        %parallel_loop3A_1563 = arith.minimumf %parallel_loop3A_1552, %parallel_loop3A_1556 : vector<16xf32>
        %parallel_loop3A_1564 = arith.maximumf %parallel_loop3A_1553, %parallel_loop3A_1557 : vector<16xf32>
        %parallel_loop3A_1565 = arith.minimumf %parallel_loop3A_1553, %parallel_loop3A_1557 : vector<16xf32>
        %parallel_loop3A_1566 = arith.maximumf %parallel_loop3A_1558, %parallel_loop3A_1562 : vector<16xf32>
        %parallel_loop3A_1567 = arith.minimumf %parallel_loop3A_1558, %parallel_loop3A_1562 : vector<16xf32>
        %parallel_loop3A_1568 = arith.maximumf %parallel_loop3A_1560, %parallel_loop3A_1564 : vector<16xf32>
        %parallel_loop3A_1569 = arith.minimumf %parallel_loop3A_1560, %parallel_loop3A_1564 : vector<16xf32>
        %parallel_loop3A_1570 = arith.maximumf %parallel_loop3A_1559, %parallel_loop3A_1563 : vector<16xf32>
        %parallel_loop3A_1571 = arith.minimumf %parallel_loop3A_1559, %parallel_loop3A_1563 : vector<16xf32>
        %parallel_loop3A_1572 = arith.maximumf %parallel_loop3A_1561, %parallel_loop3A_1565 : vector<16xf32>
        %parallel_loop3A_1573 = arith.minimumf %parallel_loop3A_1561, %parallel_loop3A_1565 : vector<16xf32>
        %parallel_loop3A_1574 = arith.maximumf %parallel_loop3A_1566, %parallel_loop3A_1568 : vector<16xf32>
        %parallel_loop3A_1575 = arith.minimumf %parallel_loop3A_1566, %parallel_loop3A_1568 : vector<16xf32>
        %parallel_loop3A_1576 = arith.maximumf %parallel_loop3A_1567, %parallel_loop3A_1569 : vector<16xf32>
        %parallel_loop3A_1577 = arith.minimumf %parallel_loop3A_1567, %parallel_loop3A_1569 : vector<16xf32>
        %parallel_loop3A_1578 = arith.maximumf %parallel_loop3A_1570, %parallel_loop3A_1572 : vector<16xf32>
        %parallel_loop3A_1579 = arith.minimumf %parallel_loop3A_1570, %parallel_loop3A_1572 : vector<16xf32>
        %parallel_loop3A_1580 = arith.maximumf %parallel_loop3A_1571, %parallel_loop3A_1573 : vector<16xf32>
        %parallel_loop3A_1581 = arith.minimumf %parallel_loop3A_1571, %parallel_loop3A_1573 : vector<16xf32>
        %parallel_loop3A_1582 = arith.maximumf %parallel_loop3A_868, %parallel_loop3A_883 : vector<16xf32>
        %parallel_loop3A_1583 = arith.minimumf %parallel_loop3A_868, %parallel_loop3A_883 : vector<16xf32>
        %parallel_loop3A_1584 = arith.maximumf %parallel_loop3A_898, %parallel_loop3A_913 : vector<16xf32>
        %parallel_loop3A_1585 = arith.minimumf %parallel_loop3A_898, %parallel_loop3A_913 : vector<16xf32>
        %parallel_loop3A_1586 = arith.maximumf %parallel_loop3A_928, %parallel_loop3A_943 : vector<16xf32>
        %parallel_loop3A_1587 = arith.minimumf %parallel_loop3A_928, %parallel_loop3A_943 : vector<16xf32>
        %parallel_loop3A_1588 = arith.maximumf %parallel_loop3A_958, %parallel_loop3A_973 : vector<16xf32>
        %parallel_loop3A_1589 = arith.minimumf %parallel_loop3A_958, %parallel_loop3A_973 : vector<16xf32>
        %parallel_loop3A_1590 = arith.maximumf %parallel_loop3A_1582, %parallel_loop3A_1584 : vector<16xf32>
        %parallel_loop3A_1591 = arith.minimumf %parallel_loop3A_1582, %parallel_loop3A_1584 : vector<16xf32>
        %parallel_loop3A_1592 = arith.maximumf %parallel_loop3A_1583, %parallel_loop3A_1585 : vector<16xf32>
        %parallel_loop3A_1593 = arith.minimumf %parallel_loop3A_1583, %parallel_loop3A_1585 : vector<16xf32>
        %parallel_loop3A_1594 = arith.maximumf %parallel_loop3A_1586, %parallel_loop3A_1588 : vector<16xf32>
        %parallel_loop3A_1595 = arith.minimumf %parallel_loop3A_1586, %parallel_loop3A_1588 : vector<16xf32>
        %parallel_loop3A_1596 = arith.maximumf %parallel_loop3A_1587, %parallel_loop3A_1589 : vector<16xf32>
        %parallel_loop3A_1597 = arith.minimumf %parallel_loop3A_1587, %parallel_loop3A_1589 : vector<16xf32>
        %parallel_loop3A_1598 = arith.maximumf %parallel_loop3A_1592, %parallel_loop3A_1591 : vector<16xf32>
        %parallel_loop3A_1599 = arith.minimumf %parallel_loop3A_1592, %parallel_loop3A_1591 : vector<16xf32>
        %parallel_loop3A_1600 = arith.maximumf %parallel_loop3A_1596, %parallel_loop3A_1595 : vector<16xf32>
        %parallel_loop3A_1601 = arith.minimumf %parallel_loop3A_1596, %parallel_loop3A_1595 : vector<16xf32>
        %parallel_loop3A_1602 = arith.maximumf %parallel_loop3A_1590, %parallel_loop3A_1594 : vector<16xf32>
        %parallel_loop3A_1603 = arith.minimumf %parallel_loop3A_1590, %parallel_loop3A_1594 : vector<16xf32>
        %parallel_loop3A_1604 = arith.maximumf %parallel_loop3A_1593, %parallel_loop3A_1597 : vector<16xf32>
        %parallel_loop3A_1605 = arith.minimumf %parallel_loop3A_1593, %parallel_loop3A_1597 : vector<16xf32>
        %parallel_loop3A_1606 = arith.maximumf %parallel_loop3A_1598, %parallel_loop3A_1600 : vector<16xf32>
        %parallel_loop3A_1607 = arith.minimumf %parallel_loop3A_1598, %parallel_loop3A_1600 : vector<16xf32>
        %parallel_loop3A_1608 = arith.maximumf %parallel_loop3A_1599, %parallel_loop3A_1601 : vector<16xf32>
        %parallel_loop3A_1609 = arith.minimumf %parallel_loop3A_1599, %parallel_loop3A_1601 : vector<16xf32>
        %parallel_loop3A_1610 = arith.maximumf %parallel_loop3A_1606, %parallel_loop3A_1603 : vector<16xf32>
        %parallel_loop3A_1611 = arith.minimumf %parallel_loop3A_1606, %parallel_loop3A_1603 : vector<16xf32>
        %parallel_loop3A_1612 = arith.maximumf %parallel_loop3A_1604, %parallel_loop3A_1609 : vector<16xf32>
        %parallel_loop3A_1613 = arith.minimumf %parallel_loop3A_1604, %parallel_loop3A_1609 : vector<16xf32>
        %parallel_loop3A_1614 = arith.maximumf %parallel_loop3A_1608, %parallel_loop3A_1611 : vector<16xf32>
        %parallel_loop3A_1615 = arith.minimumf %parallel_loop3A_1608, %parallel_loop3A_1611 : vector<16xf32>
        %parallel_loop3A_1616 = arith.maximumf %parallel_loop3A_1612, %parallel_loop3A_1607 : vector<16xf32>
        %parallel_loop3A_1617 = arith.minimumf %parallel_loop3A_1612, %parallel_loop3A_1607 : vector<16xf32>
        %parallel_loop3A_1618 = arith.maximumf %parallel_loop3A_1616, %parallel_loop3A_1615 : vector<16xf32>
        %parallel_loop3A_1619 = arith.minimumf %parallel_loop3A_1616, %parallel_loop3A_1615 : vector<16xf32>
        %parallel_loop3A_1620 = arith.maximumf %parallel_loop3A_1574, %parallel_loop3A_1605 : vector<16xf32>
        %parallel_loop3A_1621 = arith.maximumf %parallel_loop3A_1575, %parallel_loop3A_1613 : vector<16xf32>
        %parallel_loop3A_1622 = arith.maximumf %parallel_loop3A_1576, %parallel_loop3A_1617 : vector<16xf32>
        %parallel_loop3A_1623 = arith.maximumf %parallel_loop3A_1577, %parallel_loop3A_1619 : vector<16xf32>
        %parallel_loop3A_1624 = arith.maximumf %parallel_loop3A_1578, %parallel_loop3A_1618 : vector<16xf32>
        %parallel_loop3A_1625 = arith.maximumf %parallel_loop3A_1579, %parallel_loop3A_1614 : vector<16xf32>
        %parallel_loop3A_1626 = arith.maximumf %parallel_loop3A_1580, %parallel_loop3A_1610 : vector<16xf32>
        %parallel_loop3A_1627 = arith.maximumf %parallel_loop3A_1581, %parallel_loop3A_1602 : vector<16xf32>
        %parallel_loop3A_1628 = arith.maximumf %parallel_loop3A_1620, %parallel_loop3A_1624 : vector<16xf32>
        %parallel_loop3A_1629 = arith.minimumf %parallel_loop3A_1620, %parallel_loop3A_1624 : vector<16xf32>
        %parallel_loop3A_1630 = arith.maximumf %parallel_loop3A_1621, %parallel_loop3A_1625 : vector<16xf32>
        %parallel_loop3A_1631 = arith.minimumf %parallel_loop3A_1621, %parallel_loop3A_1625 : vector<16xf32>
        %parallel_loop3A_1632 = arith.maximumf %parallel_loop3A_1622, %parallel_loop3A_1626 : vector<16xf32>
        %parallel_loop3A_1633 = arith.minimumf %parallel_loop3A_1622, %parallel_loop3A_1626 : vector<16xf32>
        %parallel_loop3A_1634 = arith.maximumf %parallel_loop3A_1623, %parallel_loop3A_1627 : vector<16xf32>
        %parallel_loop3A_1635 = arith.minimumf %parallel_loop3A_1623, %parallel_loop3A_1627 : vector<16xf32>
        %parallel_loop3A_1636 = arith.maximumf %parallel_loop3A_1628, %parallel_loop3A_1632 : vector<16xf32>
        %parallel_loop3A_1637 = arith.minimumf %parallel_loop3A_1628, %parallel_loop3A_1632 : vector<16xf32>
        %parallel_loop3A_1638 = arith.maximumf %parallel_loop3A_1630, %parallel_loop3A_1634 : vector<16xf32>
        %parallel_loop3A_1639 = arith.minimumf %parallel_loop3A_1630, %parallel_loop3A_1634 : vector<16xf32>
        %parallel_loop3A_1640 = arith.maximumf %parallel_loop3A_1629, %parallel_loop3A_1633 : vector<16xf32>
        %parallel_loop3A_1641 = arith.minimumf %parallel_loop3A_1629, %parallel_loop3A_1633 : vector<16xf32>
        %parallel_loop3A_1642 = arith.maximumf %parallel_loop3A_1631, %parallel_loop3A_1635 : vector<16xf32>
        %parallel_loop3A_1643 = arith.minimumf %parallel_loop3A_1631, %parallel_loop3A_1635 : vector<16xf32>
        %parallel_loop3A_1644 = arith.maximumf %parallel_loop3A_1636, %parallel_loop3A_1638 : vector<16xf32>
        %parallel_loop3A_1645 = arith.minimumf %parallel_loop3A_1636, %parallel_loop3A_1638 : vector<16xf32>
        %parallel_loop3A_1646 = arith.maximumf %parallel_loop3A_1637, %parallel_loop3A_1639 : vector<16xf32>
        %parallel_loop3A_1647 = arith.minimumf %parallel_loop3A_1637, %parallel_loop3A_1639 : vector<16xf32>
        %parallel_loop3A_1648 = arith.maximumf %parallel_loop3A_1640, %parallel_loop3A_1642 : vector<16xf32>
        %parallel_loop3A_1649 = arith.minimumf %parallel_loop3A_1640, %parallel_loop3A_1642 : vector<16xf32>
        %parallel_loop3A_1650 = arith.maximumf %parallel_loop3A_1641, %parallel_loop3A_1643 : vector<16xf32>
        %parallel_loop3A_1651 = arith.minimumf %parallel_loop3A_1641, %parallel_loop3A_1643 : vector<16xf32>
        %parallel_loop3A_1652 = arith.maximumf %parallel_loop3A_988, %parallel_loop3A_1003 : vector<16xf32>
        %parallel_loop3A_1653 = arith.minimumf %parallel_loop3A_988, %parallel_loop3A_1003 : vector<16xf32>
        %parallel_loop3A_1654 = arith.maximumf %parallel_loop3A_1018, %parallel_loop3A_1033 : vector<16xf32>
        %parallel_loop3A_1655 = arith.minimumf %parallel_loop3A_1018, %parallel_loop3A_1033 : vector<16xf32>
        %parallel_loop3A_1656 = arith.maximumf %parallel_loop3A_1048, %parallel_loop3A_1063 : vector<16xf32>
        %parallel_loop3A_1657 = arith.minimumf %parallel_loop3A_1048, %parallel_loop3A_1063 : vector<16xf32>
        %parallel_loop3A_1658 = arith.maximumf %parallel_loop3A_1078, %parallel_loop3A_1093 : vector<16xf32>
        %parallel_loop3A_1659 = arith.minimumf %parallel_loop3A_1078, %parallel_loop3A_1093 : vector<16xf32>
        %parallel_loop3A_1660 = arith.maximumf %parallel_loop3A_1652, %parallel_loop3A_1654 : vector<16xf32>
        %parallel_loop3A_1661 = arith.minimumf %parallel_loop3A_1652, %parallel_loop3A_1654 : vector<16xf32>
        %parallel_loop3A_1662 = arith.maximumf %parallel_loop3A_1653, %parallel_loop3A_1655 : vector<16xf32>
        %parallel_loop3A_1663 = arith.minimumf %parallel_loop3A_1653, %parallel_loop3A_1655 : vector<16xf32>
        %parallel_loop3A_1664 = arith.maximumf %parallel_loop3A_1656, %parallel_loop3A_1658 : vector<16xf32>
        %parallel_loop3A_1665 = arith.minimumf %parallel_loop3A_1656, %parallel_loop3A_1658 : vector<16xf32>
        %parallel_loop3A_1666 = arith.maximumf %parallel_loop3A_1657, %parallel_loop3A_1659 : vector<16xf32>
        %parallel_loop3A_1667 = arith.minimumf %parallel_loop3A_1657, %parallel_loop3A_1659 : vector<16xf32>
        %parallel_loop3A_1668 = arith.maximumf %parallel_loop3A_1662, %parallel_loop3A_1661 : vector<16xf32>
        %parallel_loop3A_1669 = arith.minimumf %parallel_loop3A_1662, %parallel_loop3A_1661 : vector<16xf32>
        %parallel_loop3A_1670 = arith.maximumf %parallel_loop3A_1666, %parallel_loop3A_1665 : vector<16xf32>
        %parallel_loop3A_1671 = arith.minimumf %parallel_loop3A_1666, %parallel_loop3A_1665 : vector<16xf32>
        %parallel_loop3A_1672 = arith.maximumf %parallel_loop3A_1660, %parallel_loop3A_1664 : vector<16xf32>
        %parallel_loop3A_1673 = arith.minimumf %parallel_loop3A_1660, %parallel_loop3A_1664 : vector<16xf32>
        %parallel_loop3A_1674 = arith.maximumf %parallel_loop3A_1663, %parallel_loop3A_1667 : vector<16xf32>
        %parallel_loop3A_1675 = arith.minimumf %parallel_loop3A_1663, %parallel_loop3A_1667 : vector<16xf32>
        %parallel_loop3A_1676 = arith.maximumf %parallel_loop3A_1668, %parallel_loop3A_1670 : vector<16xf32>
        %parallel_loop3A_1677 = arith.minimumf %parallel_loop3A_1668, %parallel_loop3A_1670 : vector<16xf32>
        %parallel_loop3A_1678 = arith.maximumf %parallel_loop3A_1669, %parallel_loop3A_1671 : vector<16xf32>
        %parallel_loop3A_1679 = arith.minimumf %parallel_loop3A_1669, %parallel_loop3A_1671 : vector<16xf32>
        %parallel_loop3A_1680 = arith.maximumf %parallel_loop3A_1676, %parallel_loop3A_1673 : vector<16xf32>
        %parallel_loop3A_1681 = arith.minimumf %parallel_loop3A_1676, %parallel_loop3A_1673 : vector<16xf32>
        %parallel_loop3A_1682 = arith.maximumf %parallel_loop3A_1674, %parallel_loop3A_1679 : vector<16xf32>
        %parallel_loop3A_1683 = arith.minimumf %parallel_loop3A_1674, %parallel_loop3A_1679 : vector<16xf32>
        %parallel_loop3A_1684 = arith.maximumf %parallel_loop3A_1678, %parallel_loop3A_1681 : vector<16xf32>
        %parallel_loop3A_1685 = arith.minimumf %parallel_loop3A_1678, %parallel_loop3A_1681 : vector<16xf32>
        %parallel_loop3A_1686 = arith.maximumf %parallel_loop3A_1682, %parallel_loop3A_1677 : vector<16xf32>
        %parallel_loop3A_1687 = arith.minimumf %parallel_loop3A_1682, %parallel_loop3A_1677 : vector<16xf32>
        %parallel_loop3A_1688 = arith.maximumf %parallel_loop3A_1686, %parallel_loop3A_1685 : vector<16xf32>
        %parallel_loop3A_1689 = arith.minimumf %parallel_loop3A_1686, %parallel_loop3A_1685 : vector<16xf32>
        %parallel_loop3A_1690 = arith.maximumf %parallel_loop3A_1644, %parallel_loop3A_1675 : vector<16xf32>
        %parallel_loop3A_1691 = arith.maximumf %parallel_loop3A_1645, %parallel_loop3A_1683 : vector<16xf32>
        %parallel_loop3A_1692 = arith.maximumf %parallel_loop3A_1646, %parallel_loop3A_1687 : vector<16xf32>
        %parallel_loop3A_1693 = arith.maximumf %parallel_loop3A_1647, %parallel_loop3A_1689 : vector<16xf32>
        %parallel_loop3A_1694 = arith.maximumf %parallel_loop3A_1648, %parallel_loop3A_1688 : vector<16xf32>
        %parallel_loop3A_1695 = arith.maximumf %parallel_loop3A_1649, %parallel_loop3A_1684 : vector<16xf32>
        %parallel_loop3A_1696 = arith.maximumf %parallel_loop3A_1650, %parallel_loop3A_1680 : vector<16xf32>
        %parallel_loop3A_1697 = arith.maximumf %parallel_loop3A_1651, %parallel_loop3A_1672 : vector<16xf32>
        %parallel_loop3A_1698 = arith.maximumf %parallel_loop3A_1690, %parallel_loop3A_1694 : vector<16xf32>
        %parallel_loop3A_1699 = arith.minimumf %parallel_loop3A_1690, %parallel_loop3A_1694 : vector<16xf32>
        %parallel_loop3A_1700 = arith.maximumf %parallel_loop3A_1691, %parallel_loop3A_1695 : vector<16xf32>
        %parallel_loop3A_1701 = arith.minimumf %parallel_loop3A_1691, %parallel_loop3A_1695 : vector<16xf32>
        %parallel_loop3A_1702 = arith.maximumf %parallel_loop3A_1692, %parallel_loop3A_1696 : vector<16xf32>
        %parallel_loop3A_1703 = arith.minimumf %parallel_loop3A_1692, %parallel_loop3A_1696 : vector<16xf32>
        %parallel_loop3A_1704 = arith.maximumf %parallel_loop3A_1693, %parallel_loop3A_1697 : vector<16xf32>
        %parallel_loop3A_1705 = arith.minimumf %parallel_loop3A_1693, %parallel_loop3A_1697 : vector<16xf32>
        %parallel_loop3A_1706 = arith.maximumf %parallel_loop3A_1698, %parallel_loop3A_1702 : vector<16xf32>
        %parallel_loop3A_1707 = arith.minimumf %parallel_loop3A_1698, %parallel_loop3A_1702 : vector<16xf32>
        %parallel_loop3A_1708 = arith.maximumf %parallel_loop3A_1700, %parallel_loop3A_1704 : vector<16xf32>
        %parallel_loop3A_1709 = arith.minimumf %parallel_loop3A_1700, %parallel_loop3A_1704 : vector<16xf32>
        %parallel_loop3A_1710 = arith.maximumf %parallel_loop3A_1699, %parallel_loop3A_1703 : vector<16xf32>
        %parallel_loop3A_1711 = arith.minimumf %parallel_loop3A_1699, %parallel_loop3A_1703 : vector<16xf32>
        %parallel_loop3A_1712 = arith.maximumf %parallel_loop3A_1701, %parallel_loop3A_1705 : vector<16xf32>
        %parallel_loop3A_1713 = arith.minimumf %parallel_loop3A_1701, %parallel_loop3A_1705 : vector<16xf32>
        %parallel_loop3A_1714 = arith.maximumf %parallel_loop3A_1706, %parallel_loop3A_1708 : vector<16xf32>
        %parallel_loop3A_1715 = arith.minimumf %parallel_loop3A_1706, %parallel_loop3A_1708 : vector<16xf32>
        %parallel_loop3A_1716 = arith.maximumf %parallel_loop3A_1707, %parallel_loop3A_1709 : vector<16xf32>
        %parallel_loop3A_1717 = arith.minimumf %parallel_loop3A_1707, %parallel_loop3A_1709 : vector<16xf32>
        %parallel_loop3A_1718 = arith.maximumf %parallel_loop3A_1710, %parallel_loop3A_1712 : vector<16xf32>
        %parallel_loop3A_1719 = arith.minimumf %parallel_loop3A_1710, %parallel_loop3A_1712 : vector<16xf32>
        %parallel_loop3A_1720 = arith.maximumf %parallel_loop3A_1711, %parallel_loop3A_1713 : vector<16xf32>
        %parallel_loop3A_1721 = arith.minimumf %parallel_loop3A_1711, %parallel_loop3A_1713 : vector<16xf32>
        %parallel_loop3A_1722 = arith.maximumf %parallel_loop3A_1108, %parallel_loop3A_1123 : vector<16xf32>
        %parallel_loop3A_1723 = arith.minimumf %parallel_loop3A_1108, %parallel_loop3A_1123 : vector<16xf32>
        %parallel_loop3A_1724 = arith.maximumf %parallel_loop3A_1138, %parallel_loop3A_1153 : vector<16xf32>
        %parallel_loop3A_1725 = arith.minimumf %parallel_loop3A_1138, %parallel_loop3A_1153 : vector<16xf32>
        %parallel_loop3A_1726 = arith.maximumf %parallel_loop3A_1168, %parallel_loop3A_1183 : vector<16xf32>
        %parallel_loop3A_1727 = arith.minimumf %parallel_loop3A_1168, %parallel_loop3A_1183 : vector<16xf32>
        %parallel_loop3A_1728 = arith.maximumf %parallel_loop3A_1198, %parallel_loop3A_1213 : vector<16xf32>
        %parallel_loop3A_1729 = arith.minimumf %parallel_loop3A_1198, %parallel_loop3A_1213 : vector<16xf32>
        %parallel_loop3A_1730 = arith.maximumf %parallel_loop3A_1722, %parallel_loop3A_1724 : vector<16xf32>
        %parallel_loop3A_1731 = arith.minimumf %parallel_loop3A_1722, %parallel_loop3A_1724 : vector<16xf32>
        %parallel_loop3A_1732 = arith.maximumf %parallel_loop3A_1723, %parallel_loop3A_1725 : vector<16xf32>
        %parallel_loop3A_1733 = arith.minimumf %parallel_loop3A_1723, %parallel_loop3A_1725 : vector<16xf32>
        %parallel_loop3A_1734 = arith.maximumf %parallel_loop3A_1726, %parallel_loop3A_1728 : vector<16xf32>
        %parallel_loop3A_1735 = arith.minimumf %parallel_loop3A_1726, %parallel_loop3A_1728 : vector<16xf32>
        %parallel_loop3A_1736 = arith.maximumf %parallel_loop3A_1727, %parallel_loop3A_1729 : vector<16xf32>
        %parallel_loop3A_1737 = arith.minimumf %parallel_loop3A_1727, %parallel_loop3A_1729 : vector<16xf32>
        %parallel_loop3A_1738 = arith.maximumf %parallel_loop3A_1732, %parallel_loop3A_1731 : vector<16xf32>
        %parallel_loop3A_1739 = arith.minimumf %parallel_loop3A_1732, %parallel_loop3A_1731 : vector<16xf32>
        %parallel_loop3A_1740 = arith.maximumf %parallel_loop3A_1736, %parallel_loop3A_1735 : vector<16xf32>
        %parallel_loop3A_1741 = arith.minimumf %parallel_loop3A_1736, %parallel_loop3A_1735 : vector<16xf32>
        %parallel_loop3A_1742 = arith.maximumf %parallel_loop3A_1730, %parallel_loop3A_1734 : vector<16xf32>
        %parallel_loop3A_1743 = arith.minimumf %parallel_loop3A_1730, %parallel_loop3A_1734 : vector<16xf32>
        %parallel_loop3A_1744 = arith.maximumf %parallel_loop3A_1733, %parallel_loop3A_1737 : vector<16xf32>
        %parallel_loop3A_1745 = arith.minimumf %parallel_loop3A_1733, %parallel_loop3A_1737 : vector<16xf32>
        %parallel_loop3A_1746 = arith.maximumf %parallel_loop3A_1738, %parallel_loop3A_1740 : vector<16xf32>
        %parallel_loop3A_1747 = arith.minimumf %parallel_loop3A_1738, %parallel_loop3A_1740 : vector<16xf32>
        %parallel_loop3A_1748 = arith.maximumf %parallel_loop3A_1739, %parallel_loop3A_1741 : vector<16xf32>
        %parallel_loop3A_1749 = arith.minimumf %parallel_loop3A_1739, %parallel_loop3A_1741 : vector<16xf32>
        %parallel_loop3A_1750 = arith.maximumf %parallel_loop3A_1746, %parallel_loop3A_1743 : vector<16xf32>
        %parallel_loop3A_1751 = arith.minimumf %parallel_loop3A_1746, %parallel_loop3A_1743 : vector<16xf32>
        %parallel_loop3A_1752 = arith.maximumf %parallel_loop3A_1744, %parallel_loop3A_1749 : vector<16xf32>
        %parallel_loop3A_1753 = arith.minimumf %parallel_loop3A_1744, %parallel_loop3A_1749 : vector<16xf32>
        %parallel_loop3A_1754 = arith.maximumf %parallel_loop3A_1748, %parallel_loop3A_1751 : vector<16xf32>
        %parallel_loop3A_1755 = arith.minimumf %parallel_loop3A_1748, %parallel_loop3A_1751 : vector<16xf32>
        %parallel_loop3A_1756 = arith.maximumf %parallel_loop3A_1752, %parallel_loop3A_1747 : vector<16xf32>
        %parallel_loop3A_1757 = arith.minimumf %parallel_loop3A_1752, %parallel_loop3A_1747 : vector<16xf32>
        %parallel_loop3A_1758 = arith.maximumf %parallel_loop3A_1756, %parallel_loop3A_1755 : vector<16xf32>
        %parallel_loop3A_1759 = arith.minimumf %parallel_loop3A_1756, %parallel_loop3A_1755 : vector<16xf32>
        %parallel_loop3A_1760 = arith.maximumf %parallel_loop3A_1714, %parallel_loop3A_1745 : vector<16xf32>
        %parallel_loop3A_1761 = arith.maximumf %parallel_loop3A_1715, %parallel_loop3A_1753 : vector<16xf32>
        %parallel_loop3A_1762 = arith.maximumf %parallel_loop3A_1716, %parallel_loop3A_1757 : vector<16xf32>
        %parallel_loop3A_1763 = arith.maximumf %parallel_loop3A_1717, %parallel_loop3A_1759 : vector<16xf32>
        %parallel_loop3A_1764 = arith.maximumf %parallel_loop3A_1718, %parallel_loop3A_1758 : vector<16xf32>
        %parallel_loop3A_1765 = arith.maximumf %parallel_loop3A_1719, %parallel_loop3A_1754 : vector<16xf32>
        %parallel_loop3A_1766 = arith.maximumf %parallel_loop3A_1720, %parallel_loop3A_1750 : vector<16xf32>
        %parallel_loop3A_1767 = arith.maximumf %parallel_loop3A_1721, %parallel_loop3A_1742 : vector<16xf32>
        %parallel_loop3A_1768 = arith.maximumf %parallel_loop3A_1760, %parallel_loop3A_1764 : vector<16xf32>
        %parallel_loop3A_1769 = arith.minimumf %parallel_loop3A_1760, %parallel_loop3A_1764 : vector<16xf32>
        %parallel_loop3A_1770 = arith.maximumf %parallel_loop3A_1761, %parallel_loop3A_1765 : vector<16xf32>
        %parallel_loop3A_1771 = arith.minimumf %parallel_loop3A_1761, %parallel_loop3A_1765 : vector<16xf32>
        %parallel_loop3A_1772 = arith.maximumf %parallel_loop3A_1762, %parallel_loop3A_1766 : vector<16xf32>
        %parallel_loop3A_1773 = arith.minimumf %parallel_loop3A_1762, %parallel_loop3A_1766 : vector<16xf32>
        %parallel_loop3A_1774 = arith.maximumf %parallel_loop3A_1763, %parallel_loop3A_1767 : vector<16xf32>
        %parallel_loop3A_1775 = arith.minimumf %parallel_loop3A_1763, %parallel_loop3A_1767 : vector<16xf32>
        %parallel_loop3A_1776 = arith.maximumf %parallel_loop3A_1768, %parallel_loop3A_1772 : vector<16xf32>
        %parallel_loop3A_1777 = arith.minimumf %parallel_loop3A_1768, %parallel_loop3A_1772 : vector<16xf32>
        %parallel_loop3A_1778 = arith.maximumf %parallel_loop3A_1770, %parallel_loop3A_1774 : vector<16xf32>
        %parallel_loop3A_1779 = arith.minimumf %parallel_loop3A_1770, %parallel_loop3A_1774 : vector<16xf32>
        %parallel_loop3A_1780 = arith.maximumf %parallel_loop3A_1769, %parallel_loop3A_1773 : vector<16xf32>
        %parallel_loop3A_1781 = arith.minimumf %parallel_loop3A_1769, %parallel_loop3A_1773 : vector<16xf32>
        %parallel_loop3A_1782 = arith.maximumf %parallel_loop3A_1771, %parallel_loop3A_1775 : vector<16xf32>
        %parallel_loop3A_1783 = arith.minimumf %parallel_loop3A_1771, %parallel_loop3A_1775 : vector<16xf32>
        %parallel_loop3A_1784 = arith.maximumf %parallel_loop3A_1776, %parallel_loop3A_1778 : vector<16xf32>
        %parallel_loop3A_1785 = arith.minimumf %parallel_loop3A_1776, %parallel_loop3A_1778 : vector<16xf32>
        %parallel_loop3A_1786 = arith.maximumf %parallel_loop3A_1777, %parallel_loop3A_1779 : vector<16xf32>
        %parallel_loop3A_1787 = arith.minimumf %parallel_loop3A_1777, %parallel_loop3A_1779 : vector<16xf32>
        %parallel_loop3A_1788 = arith.maximumf %parallel_loop3A_1780, %parallel_loop3A_1782 : vector<16xf32>
        %parallel_loop3A_1789 = arith.minimumf %parallel_loop3A_1780, %parallel_loop3A_1782 : vector<16xf32>
        %parallel_loop3A_1790 = arith.maximumf %parallel_loop3A_1781, %parallel_loop3A_1783 : vector<16xf32>
        %parallel_loop3A_1791 = arith.minimumf %parallel_loop3A_1781, %parallel_loop3A_1783 : vector<16xf32>
        %parallel_loop3A_1792 = arith.maximumf %parallel_loop3A_1228, %parallel_loop3A_1243 : vector<16xf32>
        %parallel_loop3A_1793 = arith.minimumf %parallel_loop3A_1228, %parallel_loop3A_1243 : vector<16xf32>
        %parallel_loop3A_1794 = arith.maximumf %parallel_loop3A_1258, %parallel_loop3A_1273 : vector<16xf32>
        %parallel_loop3A_1795 = arith.minimumf %parallel_loop3A_1258, %parallel_loop3A_1273 : vector<16xf32>
        %parallel_loop3A_1796 = arith.maximumf %parallel_loop3A_1288, %parallel_loop3A_1303 : vector<16xf32>
        %parallel_loop3A_1797 = arith.minimumf %parallel_loop3A_1288, %parallel_loop3A_1303 : vector<16xf32>
        %parallel_loop3A_1798 = arith.maximumf %parallel_loop3A_1318, %parallel_loop3A_1333 : vector<16xf32>
        %parallel_loop3A_1799 = arith.minimumf %parallel_loop3A_1318, %parallel_loop3A_1333 : vector<16xf32>
        %parallel_loop3A_1800 = arith.maximumf %parallel_loop3A_1792, %parallel_loop3A_1794 : vector<16xf32>
        %parallel_loop3A_1801 = arith.minimumf %parallel_loop3A_1792, %parallel_loop3A_1794 : vector<16xf32>
        %parallel_loop3A_1802 = arith.maximumf %parallel_loop3A_1793, %parallel_loop3A_1795 : vector<16xf32>
        %parallel_loop3A_1803 = arith.minimumf %parallel_loop3A_1793, %parallel_loop3A_1795 : vector<16xf32>
        %parallel_loop3A_1804 = arith.maximumf %parallel_loop3A_1796, %parallel_loop3A_1798 : vector<16xf32>
        %parallel_loop3A_1805 = arith.minimumf %parallel_loop3A_1796, %parallel_loop3A_1798 : vector<16xf32>
        %parallel_loop3A_1806 = arith.maximumf %parallel_loop3A_1797, %parallel_loop3A_1799 : vector<16xf32>
        %parallel_loop3A_1807 = arith.minimumf %parallel_loop3A_1797, %parallel_loop3A_1799 : vector<16xf32>
        %parallel_loop3A_1808 = arith.maximumf %parallel_loop3A_1802, %parallel_loop3A_1801 : vector<16xf32>
        %parallel_loop3A_1809 = arith.minimumf %parallel_loop3A_1802, %parallel_loop3A_1801 : vector<16xf32>
        %parallel_loop3A_1810 = arith.maximumf %parallel_loop3A_1806, %parallel_loop3A_1805 : vector<16xf32>
        %parallel_loop3A_1811 = arith.minimumf %parallel_loop3A_1806, %parallel_loop3A_1805 : vector<16xf32>
        %parallel_loop3A_1812 = arith.maximumf %parallel_loop3A_1800, %parallel_loop3A_1804 : vector<16xf32>
        %parallel_loop3A_1813 = arith.minimumf %parallel_loop3A_1800, %parallel_loop3A_1804 : vector<16xf32>
        %parallel_loop3A_1814 = arith.maximumf %parallel_loop3A_1803, %parallel_loop3A_1807 : vector<16xf32>
        %parallel_loop3A_1815 = arith.minimumf %parallel_loop3A_1803, %parallel_loop3A_1807 : vector<16xf32>
        %parallel_loop3A_1816 = arith.maximumf %parallel_loop3A_1808, %parallel_loop3A_1810 : vector<16xf32>
        %parallel_loop3A_1817 = arith.minimumf %parallel_loop3A_1808, %parallel_loop3A_1810 : vector<16xf32>
        %parallel_loop3A_1818 = arith.maximumf %parallel_loop3A_1809, %parallel_loop3A_1811 : vector<16xf32>
        %parallel_loop3A_1819 = arith.minimumf %parallel_loop3A_1809, %parallel_loop3A_1811 : vector<16xf32>
        %parallel_loop3A_1820 = arith.maximumf %parallel_loop3A_1816, %parallel_loop3A_1813 : vector<16xf32>
        %parallel_loop3A_1821 = arith.minimumf %parallel_loop3A_1816, %parallel_loop3A_1813 : vector<16xf32>
        %parallel_loop3A_1822 = arith.maximumf %parallel_loop3A_1814, %parallel_loop3A_1819 : vector<16xf32>
        %parallel_loop3A_1823 = arith.minimumf %parallel_loop3A_1814, %parallel_loop3A_1819 : vector<16xf32>
        %parallel_loop3A_1824 = arith.maximumf %parallel_loop3A_1818, %parallel_loop3A_1821 : vector<16xf32>
        %parallel_loop3A_1825 = arith.minimumf %parallel_loop3A_1818, %parallel_loop3A_1821 : vector<16xf32>
        %parallel_loop3A_1826 = arith.maximumf %parallel_loop3A_1822, %parallel_loop3A_1817 : vector<16xf32>
        %parallel_loop3A_1827 = arith.minimumf %parallel_loop3A_1822, %parallel_loop3A_1817 : vector<16xf32>
        %parallel_loop3A_1828 = arith.maximumf %parallel_loop3A_1826, %parallel_loop3A_1825 : vector<16xf32>
        %parallel_loop3A_1829 = arith.minimumf %parallel_loop3A_1826, %parallel_loop3A_1825 : vector<16xf32>
        %parallel_loop3A_1830 = arith.maximumf %parallel_loop3A_1784, %parallel_loop3A_1815 : vector<16xf32>
        %parallel_loop3A_1831 = arith.maximumf %parallel_loop3A_1785, %parallel_loop3A_1823 : vector<16xf32>
        %parallel_loop3A_1832 = arith.maximumf %parallel_loop3A_1786, %parallel_loop3A_1827 : vector<16xf32>
        %parallel_loop3A_1833 = arith.maximumf %parallel_loop3A_1787, %parallel_loop3A_1829 : vector<16xf32>
        %parallel_loop3A_1834 = arith.maximumf %parallel_loop3A_1788, %parallel_loop3A_1828 : vector<16xf32>
        %parallel_loop3A_1835 = arith.maximumf %parallel_loop3A_1789, %parallel_loop3A_1824 : vector<16xf32>
        %parallel_loop3A_1836 = arith.maximumf %parallel_loop3A_1790, %parallel_loop3A_1820 : vector<16xf32>
        %parallel_loop3A_1837 = arith.maximumf %parallel_loop3A_1791, %parallel_loop3A_1812 : vector<16xf32>
        %parallel_loop3A_1838 = arith.maximumf %parallel_loop3A_1830, %parallel_loop3A_1834 : vector<16xf32>
        %parallel_loop3A_1839 = arith.minimumf %parallel_loop3A_1830, %parallel_loop3A_1834 : vector<16xf32>
        %parallel_loop3A_1840 = arith.maximumf %parallel_loop3A_1831, %parallel_loop3A_1835 : vector<16xf32>
        %parallel_loop3A_1841 = arith.minimumf %parallel_loop3A_1831, %parallel_loop3A_1835 : vector<16xf32>
        %parallel_loop3A_1842 = arith.maximumf %parallel_loop3A_1832, %parallel_loop3A_1836 : vector<16xf32>
        %parallel_loop3A_1843 = arith.minimumf %parallel_loop3A_1832, %parallel_loop3A_1836 : vector<16xf32>
        %parallel_loop3A_1844 = arith.maximumf %parallel_loop3A_1833, %parallel_loop3A_1837 : vector<16xf32>
        %parallel_loop3A_1845 = arith.minimumf %parallel_loop3A_1833, %parallel_loop3A_1837 : vector<16xf32>
        %parallel_loop3A_1846 = arith.maximumf %parallel_loop3A_1838, %parallel_loop3A_1842 : vector<16xf32>
        %parallel_loop3A_1847 = arith.minimumf %parallel_loop3A_1838, %parallel_loop3A_1842 : vector<16xf32>
        %parallel_loop3A_1848 = arith.maximumf %parallel_loop3A_1840, %parallel_loop3A_1844 : vector<16xf32>
        %parallel_loop3A_1849 = arith.minimumf %parallel_loop3A_1840, %parallel_loop3A_1844 : vector<16xf32>
        %parallel_loop3A_1850 = arith.maximumf %parallel_loop3A_1839, %parallel_loop3A_1843 : vector<16xf32>
        %parallel_loop3A_1851 = arith.minimumf %parallel_loop3A_1839, %parallel_loop3A_1843 : vector<16xf32>
        %parallel_loop3A_1852 = arith.maximumf %parallel_loop3A_1841, %parallel_loop3A_1845 : vector<16xf32>
        %parallel_loop3A_1853 = arith.minimumf %parallel_loop3A_1841, %parallel_loop3A_1845 : vector<16xf32>
        %parallel_loop3A_1854 = arith.maximumf %parallel_loop3A_1846, %parallel_loop3A_1848 : vector<16xf32>
        %parallel_loop3A_1855 = arith.minimumf %parallel_loop3A_1846, %parallel_loop3A_1848 : vector<16xf32>
        %parallel_loop3A_1856 = arith.maximumf %parallel_loop3A_1847, %parallel_loop3A_1849 : vector<16xf32>
        %parallel_loop3A_1857 = arith.minimumf %parallel_loop3A_1847, %parallel_loop3A_1849 : vector<16xf32>
        %parallel_loop3A_1858 = arith.maximumf %parallel_loop3A_1850, %parallel_loop3A_1852 : vector<16xf32>
        %parallel_loop3A_1859 = arith.minimumf %parallel_loop3A_1850, %parallel_loop3A_1852 : vector<16xf32>
        %parallel_loop3A_1860 = arith.maximumf %parallel_loop3A_1851, %parallel_loop3A_1853 : vector<16xf32>
        %parallel_loop3A_1861 = arith.minimumf %parallel_loop3A_1851, %parallel_loop3A_1853 : vector<16xf32>
        %parallel_loop3A_1862 = tpu.bitcast %parallel_loop3A_1854 : vector<16xf32> -> vector<16xi32>
        %parallel_loop3A_1863 = arith.constant 63 : i32
        %parallel_loop3A_1864 = vector.broadcast %parallel_loop3A_1863 : i32 to vector<16xi32>
        %parallel_loop3A_1865 = arith.andi %parallel_loop3A_1862, %parallel_loop3A_1864 : vector<16xi32>
        %parallel_loop3A_1866 = arith.constant 63 : i32
        %parallel_loop3A_1867 = vector.broadcast %parallel_loop3A_1866 : i32 to vector<16xi32>
        %parallel_loop3A_1868 = arith.subi %parallel_loop3A_1867, %parallel_loop3A_1865 : vector<16xi32>
        %parallel_loop3A_1869 = tpu.bitcast %parallel_loop3A_1855 : vector<16xf32> -> vector<16xi32>
        %parallel_loop3A_1870 = arith.constant 63 : i32
        %parallel_loop3A_1871 = vector.broadcast %parallel_loop3A_1870 : i32 to vector<16xi32>
        %parallel_loop3A_1872 = arith.andi %parallel_loop3A_1869, %parallel_loop3A_1871 : vector<16xi32>
        %parallel_loop3A_1873 = arith.constant 63 : i32
        %parallel_loop3A_1874 = vector.broadcast %parallel_loop3A_1873 : i32 to vector<16xi32>
        %parallel_loop3A_1875 = arith.subi %parallel_loop3A_1874, %parallel_loop3A_1872 : vector<16xi32>
        %parallel_loop3A_1876 = tpu.bitcast %parallel_loop3A_1856 : vector<16xf32> -> vector<16xi32>
        %parallel_loop3A_1877 = arith.constant 63 : i32
        %parallel_loop3A_1878 = vector.broadcast %parallel_loop3A_1877 : i32 to vector<16xi32>
        %parallel_loop3A_1879 = arith.andi %parallel_loop3A_1876, %parallel_loop3A_1878 : vector<16xi32>
        %parallel_loop3A_1880 = arith.constant 63 : i32
        %parallel_loop3A_1881 = vector.broadcast %parallel_loop3A_1880 : i32 to vector<16xi32>
        %parallel_loop3A_1882 = arith.subi %parallel_loop3A_1881, %parallel_loop3A_1879 : vector<16xi32>
        %parallel_loop3A_1883 = tpu.bitcast %parallel_loop3A_1857 : vector<16xf32> -> vector<16xi32>
        %parallel_loop3A_1884 = arith.constant 63 : i32
        %parallel_loop3A_1885 = vector.broadcast %parallel_loop3A_1884 : i32 to vector<16xi32>
        %parallel_loop3A_1886 = arith.andi %parallel_loop3A_1883, %parallel_loop3A_1885 : vector<16xi32>
        %parallel_loop3A_1887 = arith.constant 63 : i32
        %parallel_loop3A_1888 = vector.broadcast %parallel_loop3A_1887 : i32 to vector<16xi32>
        %parallel_loop3A_1889 = arith.subi %parallel_loop3A_1888, %parallel_loop3A_1886 : vector<16xi32>
        %parallel_loop3A_1890 = tpu.bitcast %parallel_loop3A_1858 : vector<16xf32> -> vector<16xi32>
        %parallel_loop3A_1891 = arith.constant 63 : i32
        %parallel_loop3A_1892 = vector.broadcast %parallel_loop3A_1891 : i32 to vector<16xi32>
        %parallel_loop3A_1893 = arith.andi %parallel_loop3A_1890, %parallel_loop3A_1892 : vector<16xi32>
        %parallel_loop3A_1894 = arith.constant 63 : i32
        %parallel_loop3A_1895 = vector.broadcast %parallel_loop3A_1894 : i32 to vector<16xi32>
        %parallel_loop3A_1896 = arith.subi %parallel_loop3A_1895, %parallel_loop3A_1893 : vector<16xi32>
        %parallel_loop3A_1897 = tpu.bitcast %parallel_loop3A_1859 : vector<16xf32> -> vector<16xi32>
        %parallel_loop3A_1898 = arith.constant 63 : i32
        %parallel_loop3A_1899 = vector.broadcast %parallel_loop3A_1898 : i32 to vector<16xi32>
        %parallel_loop3A_1900 = arith.andi %parallel_loop3A_1897, %parallel_loop3A_1899 : vector<16xi32>
        %parallel_loop3A_1901 = arith.constant 63 : i32
        %parallel_loop3A_1902 = vector.broadcast %parallel_loop3A_1901 : i32 to vector<16xi32>
        %parallel_loop3A_1903 = arith.subi %parallel_loop3A_1902, %parallel_loop3A_1900 : vector<16xi32>
        %parallel_loop3A_1904 = tpu.bitcast %parallel_loop3A_1860 : vector<16xf32> -> vector<16xi32>
        %parallel_loop3A_1905 = arith.constant 63 : i32
        %parallel_loop3A_1906 = vector.broadcast %parallel_loop3A_1905 : i32 to vector<16xi32>
        %parallel_loop3A_1907 = arith.andi %parallel_loop3A_1904, %parallel_loop3A_1906 : vector<16xi32>
        %parallel_loop3A_1908 = arith.constant 63 : i32
        %parallel_loop3A_1909 = vector.broadcast %parallel_loop3A_1908 : i32 to vector<16xi32>
        %parallel_loop3A_1910 = arith.subi %parallel_loop3A_1909, %parallel_loop3A_1907 : vector<16xi32>
        %parallel_loop3A_1911 = tpu.bitcast %parallel_loop3A_1861 : vector<16xf32> -> vector<16xi32>
        %parallel_loop3A_1912 = arith.constant 63 : i32
        %parallel_loop3A_1913 = vector.broadcast %parallel_loop3A_1912 : i32 to vector<16xi32>
        %parallel_loop3A_1914 = arith.andi %parallel_loop3A_1911, %parallel_loop3A_1913 : vector<16xi32>
        %parallel_loop3A_1915 = arith.constant 63 : i32
        %parallel_loop3A_1916 = vector.broadcast %parallel_loop3A_1915 : i32 to vector<16xi32>
        %parallel_loop3A_1917 = arith.subi %parallel_loop3A_1916, %parallel_loop3A_1914 : vector<16xi32>
        %parallel_loop3A_1918 = arith.constant 1.000000e+00 : f32
        %parallel_loop3A_1919 = vector.broadcast %parallel_loop3A_1918 : f32 to vector<16xf32>
        %parallel_loop3A_1920 = arith.subf %parallel_loop3A_1855, %parallel_loop3A_1854 : vector<16xf32>
        %parallel_loop3A_1921 = math.exp %parallel_loop3A_1920 : vector<16xf32>
        %parallel_loop3A_1922 = arith.subf %parallel_loop3A_1856, %parallel_loop3A_1854 : vector<16xf32>
        %parallel_loop3A_1923 = math.exp %parallel_loop3A_1922 : vector<16xf32>
        %parallel_loop3A_1924 = arith.subf %parallel_loop3A_1857, %parallel_loop3A_1854 : vector<16xf32>
        %parallel_loop3A_1925 = math.exp %parallel_loop3A_1924 : vector<16xf32>
        %parallel_loop3A_1926 = arith.subf %parallel_loop3A_1858, %parallel_loop3A_1854 : vector<16xf32>
        %parallel_loop3A_1927 = math.exp %parallel_loop3A_1926 : vector<16xf32>
        %parallel_loop3A_1928 = arith.subf %parallel_loop3A_1859, %parallel_loop3A_1854 : vector<16xf32>
        %parallel_loop3A_1929 = math.exp %parallel_loop3A_1928 : vector<16xf32>
        %parallel_loop3A_1930 = arith.subf %parallel_loop3A_1860, %parallel_loop3A_1854 : vector<16xf32>
        %parallel_loop3A_1931 = math.exp %parallel_loop3A_1930 : vector<16xf32>
        %parallel_loop3A_1932 = arith.subf %parallel_loop3A_1861, %parallel_loop3A_1854 : vector<16xf32>
        %parallel_loop3A_1933 = math.exp %parallel_loop3A_1932 : vector<16xf32>
        %parallel_loop3A_1934 = arith.addf %parallel_loop3A_1919, %parallel_loop3A_1921 : vector<16xf32>
        %parallel_loop3A_1935 = arith.addf %parallel_loop3A_1934, %parallel_loop3A_1923 : vector<16xf32>
        %parallel_loop3A_1936 = arith.addf %parallel_loop3A_1935, %parallel_loop3A_1925 : vector<16xf32>
        %parallel_loop3A_1937 = arith.addf %parallel_loop3A_1936, %parallel_loop3A_1927 : vector<16xf32>
        %parallel_loop3A_1938 = arith.addf %parallel_loop3A_1937, %parallel_loop3A_1929 : vector<16xf32>
        %parallel_loop3A_1939 = arith.addf %parallel_loop3A_1938, %parallel_loop3A_1931 : vector<16xf32>
        %parallel_loop3A_1940 = arith.addf %parallel_loop3A_1939, %parallel_loop3A_1933 : vector<16xf32>
        %parallel_loop3A_1941 = arith.constant 1.000000e+00 : f32
        %parallel_loop3A_1942 = vector.broadcast %parallel_loop3A_1941 : f32 to vector<16xf32>
        %parallel_loop3A_1943 = arith.divf %parallel_loop3A_1942, %parallel_loop3A_1940 : vector<16xf32>
        %parallel_loop3A_1944 = arith.mulf %parallel_loop3A_1919, %parallel_loop3A_1943 : vector<16xf32>
        %parallel_loop3A_1945 = arith.constant 0 : i32
        %parallel_loop3A_1946 = arith.index_cast %scan3A_342 : i32 to index
        %parallel_loop3A_1947 = arith.index_cast %parallel_loop3A_1945 : i32 to index
        %parallel_loop3A_1948 = arith.index_cast %parallel_loop3A_373 : i32 to index
        %parallel_loop3A_1949 = tpu.vector_load %arg6[%parallel_loop3A_1946, %parallel_loop3A_1947, %parallel_loop3A_1948] {strides = array<i32>} : memref<8x8x128xf32, #tpu.memory_space<vmem>>, vector<16xf32>,
        tpu.vector_store %arg6[%parallel_loop3A_1946, %parallel_loop3A_1947, %parallel_loop3A_1948], %parallel_loop3A_1944 {strides = array<i32>} : memref<8x8x128xf32, #tpu.memory_space<vmem>>, vector<16xf32>,
        %parallel_loop3A_1950 = arith.constant 0 : i32
        %parallel_loop3A_1951 = arith.index_cast %scan3A_342 : i32 to index
        %parallel_loop3A_1952 = arith.index_cast %parallel_loop3A_1950 : i32 to index
        %parallel_loop3A_1953 = arith.index_cast %parallel_loop3A_373 : i32 to index
        %parallel_loop3A_1954 = tpu.vector_load %arg7[%parallel_loop3A_1951, %parallel_loop3A_1952, %parallel_loop3A_1953] {strides = array<i32>} : memref<8x8x128xi32, #tpu.memory_space<vmem>>, vector<16xi32>,
        tpu.vector_store %arg7[%parallel_loop3A_1951, %parallel_loop3A_1952, %parallel_loop3A_1953], %parallel_loop3A_1868 {strides = array<i32>} : memref<8x8x128xi32, #tpu.memory_space<vmem>>, vector<16xi32>,
        %parallel_loop3A_1955 = arith.mulf %parallel_loop3A_1921, %parallel_loop3A_1943 : vector<16xf32>
        %parallel_loop3A_1956 = arith.constant 1 : i32
        %parallel_loop3A_1957 = arith.index_cast %scan3A_342 : i32 to index
        %parallel_loop3A_1958 = arith.index_cast %parallel_loop3A_1956 : i32 to index
        %parallel_loop3A_1959 = arith.index_cast %parallel_loop3A_373 : i32 to index
        %parallel_loop3A_1960 = tpu.vector_load %arg6[%parallel_loop3A_1957, %parallel_loop3A_1958, %parallel_loop3A_1959] {strides = array<i32>} : memref<8x8x128xf32, #tpu.memory_space<vmem>>, vector<16xf32>,
        tpu.vector_store %arg6[%parallel_loop3A_1957, %parallel_loop3A_1958, %parallel_loop3A_1959], %parallel_loop3A_1955 {strides = array<i32>} : memref<8x8x128xf32, #tpu.memory_space<vmem>>, vector<16xf32>,
        %parallel_loop3A_1961 = arith.constant 1 : i32
        %parallel_loop3A_1962 = arith.index_cast %scan3A_342 : i32 to index
        %parallel_loop3A_1963 = arith.index_cast %parallel_loop3A_1961 : i32 to index
        %parallel_loop3A_1964 = arith.index_cast %parallel_loop3A_373 : i32 to index
        %parallel_loop3A_1965 = tpu.vector_load %arg7[%parallel_loop3A_1962, %parallel_loop3A_1963, %parallel_loop3A_1964] {strides = array<i32>} : memref<8x8x128xi32, #tpu.memory_space<vmem>>, vector<16xi32>,
        tpu.vector_store %arg7[%parallel_loop3A_1962, %parallel_loop3A_1963, %parallel_loop3A_1964], %parallel_loop3A_1875 {strides = array<i32>} : memref<8x8x128xi32, #tpu.memory_space<vmem>>, vector<16xi32>,
        %parallel_loop3A_1966 = arith.mulf %parallel_loop3A_1923, %parallel_loop3A_1943 : vector<16xf32>
        %parallel_loop3A_1967 = arith.constant 2 : i32
        %parallel_loop3A_1968 = arith.index_cast %scan3A_342 : i32 to index
        %parallel_loop3A_1969 = arith.index_cast %parallel_loop3A_1967 : i32 to index
        %parallel_loop3A_1970 = arith.index_cast %parallel_loop3A_373 : i32 to index
        %parallel_loop3A_1971 = tpu.vector_load %arg6[%parallel_loop3A_1968, %parallel_loop3A_1969, %parallel_loop3A_1970] {strides = array<i32>} : memref<8x8x128xf32, #tpu.memory_space<vmem>>, vector<16xf32>,
        tpu.vector_store %arg6[%parallel_loop3A_1968, %parallel_loop3A_1969, %parallel_loop3A_1970], %parallel_loop3A_1966 {strides = array<i32>} : memref<8x8x128xf32, #tpu.memory_space<vmem>>, vector<16xf32>,
        %parallel_loop3A_1972 = arith.constant 2 : i32
        %parallel_loop3A_1973 = arith.index_cast %scan3A_342 : i32 to index
        %parallel_loop3A_1974 = arith.index_cast %parallel_loop3A_1972 : i32 to index
        %parallel_loop3A_1975 = arith.index_cast %parallel_loop3A_373 : i32 to index
        %parallel_loop3A_1976 = tpu.vector_load %arg7[%parallel_loop3A_1973, %parallel_loop3A_1974, %parallel_loop3A_1975] {strides = array<i32>} : memref<8x8x128xi32, #tpu.memory_space<vmem>>, vector<16xi32>,
        tpu.vector_store %arg7[%parallel_loop3A_1973, %parallel_loop3A_1974, %parallel_loop3A_1975], %parallel_loop3A_1882 {strides = array<i32>} : memref<8x8x128xi32, #tpu.memory_space<vmem>>, vector<16xi32>,
        %parallel_loop3A_1977 = arith.mulf %parallel_loop3A_1925, %parallel_loop3A_1943 : vector<16xf32>
        %parallel_loop3A_1978 = arith.constant 3 : i32
        %parallel_loop3A_1979 = arith.index_cast %scan3A_342 : i32 to index
        %parallel_loop3A_1980 = arith.index_cast %parallel_loop3A_1978 : i32 to index
        %parallel_loop3A_1981 = arith.index_cast %parallel_loop3A_373 : i32 to index
        %parallel_loop3A_1982 = tpu.vector_load %arg6[%parallel_loop3A_1979, %parallel_loop3A_1980, %parallel_loop3A_1981] {strides = array<i32>} : memref<8x8x128xf32, #tpu.memory_space<vmem>>, vector<16xf32>,
        tpu.vector_store %arg6[%parallel_loop3A_1979, %parallel_loop3A_1980, %parallel_loop3A_1981], %parallel_loop3A_1977 {strides = array<i32>} : memref<8x8x128xf32, #tpu.memory_space<vmem>>, vector<16xf32>,
        %parallel_loop3A_1983 = arith.constant 3 : i32
        %parallel_loop3A_1984 = arith.index_cast %scan3A_342 : i32 to index
        %parallel_loop3A_1985 = arith.index_cast %parallel_loop3A_1983 : i32 to index
        %parallel_loop3A_1986 = arith.index_cast %parallel_loop3A_373 : i32 to index
        %parallel_loop3A_1987 = tpu.vector_load %arg7[%parallel_loop3A_1984, %parallel_loop3A_1985, %parallel_loop3A_1986] {strides = array<i32>} : memref<8x8x128xi32, #tpu.memory_space<vmem>>, vector<16xi32>,
        tpu.vector_store %arg7[%parallel_loop3A_1984, %parallel_loop3A_1985, %parallel_loop3A_1986], %parallel_loop3A_1889 {strides = array<i32>} : memref<8x8x128xi32, #tpu.memory_space<vmem>>, vector<16xi32>,
        %parallel_loop3A_1988 = arith.mulf %parallel_loop3A_1927, %parallel_loop3A_1943 : vector<16xf32>
        %parallel_loop3A_1989 = arith.constant 4 : i32
        %parallel_loop3A_1990 = arith.index_cast %scan3A_342 : i32 to index
        %parallel_loop3A_1991 = arith.index_cast %parallel_loop3A_1989 : i32 to index
        %parallel_loop3A_1992 = arith.index_cast %parallel_loop3A_373 : i32 to index
        %parallel_loop3A_1993 = tpu.vector_load %arg6[%parallel_loop3A_1990, %parallel_loop3A_1991, %parallel_loop3A_1992] {strides = array<i32>} : memref<8x8x128xf32, #tpu.memory_space<vmem>>, vector<16xf32>,
        tpu.vector_store %arg6[%parallel_loop3A_1990, %parallel_loop3A_1991, %parallel_loop3A_1992], %parallel_loop3A_1988 {strides = array<i32>} : memref<8x8x128xf32, #tpu.memory_space<vmem>>, vector<16xf32>,
        %parallel_loop3A_1994 = arith.constant 4 : i32
        %parallel_loop3A_1995 = arith.index_cast %scan3A_342 : i32 to index
        %parallel_loop3A_1996 = arith.index_cast %parallel_loop3A_1994 : i32 to index
        %parallel_loop3A_1997 = arith.index_cast %parallel_loop3A_373 : i32 to index
        %parallel_loop3A_1998 = tpu.vector_load %arg7[%parallel_loop3A_1995, %parallel_loop3A_1996, %parallel_loop3A_1997] {strides = array<i32>} : memref<8x8x128xi32, #tpu.memory_space<vmem>>, vector<16xi32>,
        tpu.vector_store %arg7[%parallel_loop3A_1995, %parallel_loop3A_1996, %parallel_loop3A_1997], %parallel_loop3A_1896 {strides = array<i32>} : memref<8x8x128xi32, #tpu.memory_space<vmem>>, vector<16xi32>,
        %parallel_loop3A_1999 = arith.mulf %parallel_loop3A_1929, %parallel_loop3A_1943 : vector<16xf32>
        %parallel_loop3A_2000 = arith.constant 5 : i32
        %parallel_loop3A_2001 = arith.index_cast %scan3A_342 : i32 to index
        %parallel_loop3A_2002 = arith.index_cast %parallel_loop3A_2000 : i32 to index
        %parallel_loop3A_2003 = arith.index_cast %parallel_loop3A_373 : i32 to index
        %parallel_loop3A_2004 = tpu.vector_load %arg6[%parallel_loop3A_2001, %parallel_loop3A_2002, %parallel_loop3A_2003] {strides = array<i32>} : memref<8x8x128xf32, #tpu.memory_space<vmem>>, vector<16xf32>,
        tpu.vector_store %arg6[%parallel_loop3A_2001, %parallel_loop3A_2002, %parallel_loop3A_2003], %parallel_loop3A_1999 {strides = array<i32>} : memref<8x8x128xf32, #tpu.memory_space<vmem>>, vector<16xf32>,
        %parallel_loop3A_2005 = arith.constant 5 : i32
        %parallel_loop3A_2006 = arith.index_cast %scan3A_342 : i32 to index
        %parallel_loop3A_2007 = arith.index_cast %parallel_loop3A_2005 : i32 to index
        %parallel_loop3A_2008 = arith.index_cast %parallel_loop3A_373 : i32 to index
        %parallel_loop3A_2009 = tpu.vector_load %arg7[%parallel_loop3A_2006, %parallel_loop3A_2007, %parallel_loop3A_2008] {strides = array<i32>} : memref<8x8x128xi32, #tpu.memory_space<vmem>>, vector<16xi32>,
        tpu.vector_store %arg7[%parallel_loop3A_2006, %parallel_loop3A_2007, %parallel_loop3A_2008], %parallel_loop3A_1903 {strides = array<i32>} : memref<8x8x128xi32, #tpu.memory_space<vmem>>, vector<16xi32>,
        %parallel_loop3A_2010 = arith.mulf %parallel_loop3A_1931, %parallel_loop3A_1943 : vector<16xf32>
        %parallel_loop3A_2011 = arith.constant 6 : i32
        %parallel_loop3A_2012 = arith.index_cast %scan3A_342 : i32 to index
        %parallel_loop3A_2013 = arith.index_cast %parallel_loop3A_2011 : i32 to index
        %parallel_loop3A_2014 = arith.index_cast %parallel_loop3A_373 : i32 to index
        %parallel_loop3A_2015 = tpu.vector_load %arg6[%parallel_loop3A_2012, %parallel_loop3A_2013, %parallel_loop3A_2014] {strides = array<i32>} : memref<8x8x128xf32, #tpu.memory_space<vmem>>, vector<16xf32>,
        tpu.vector_store %arg6[%parallel_loop3A_2012, %parallel_loop3A_2013, %parallel_loop3A_2014], %parallel_loop3A_2010 {strides = array<i32>} : memref<8x8x128xf32, #tpu.memory_space<vmem>>, vector<16xf32>,
        %parallel_loop3A_2016 = arith.constant 6 : i32
        %parallel_loop3A_2017 = arith.index_cast %scan3A_342 : i32 to index
        %parallel_loop3A_2018 = arith.index_cast %parallel_loop3A_2016 : i32 to index
        %parallel_loop3A_2019 = arith.index_cast %parallel_loop3A_373 : i32 to index
        %parallel_loop3A_2020 = tpu.vector_load %arg7[%parallel_loop3A_2017, %parallel_loop3A_2018, %parallel_loop3A_2019] {strides = array<i32>} : memref<8x8x128xi32, #tpu.memory_space<vmem>>, vector<16xi32>,
        tpu.vector_store %arg7[%parallel_loop3A_2017, %parallel_loop3A_2018, %parallel_loop3A_2019], %parallel_loop3A_1910 {strides = array<i32>} : memref<8x8x128xi32, #tpu.memory_space<vmem>>, vector<16xi32>,
        %parallel_loop3A_2021 = arith.mulf %parallel_loop3A_1933, %parallel_loop3A_1943 : vector<16xf32>
        %parallel_loop3A_2022 = arith.constant 7 : i32
        %parallel_loop3A_2023 = arith.index_cast %scan3A_342 : i32 to index
        %parallel_loop3A_2024 = arith.index_cast %parallel_loop3A_2022 : i32 to index
        %parallel_loop3A_2025 = arith.index_cast %parallel_loop3A_373 : i32 to index
        %parallel_loop3A_2026 = tpu.vector_load %arg6[%parallel_loop3A_2023, %parallel_loop3A_2024, %parallel_loop3A_2025] {strides = array<i32>} : memref<8x8x128xf32, #tpu.memory_space<vmem>>, vector<16xf32>,
        tpu.vector_store %arg6[%parallel_loop3A_2023, %parallel_loop3A_2024, %parallel_loop3A_2025], %parallel_loop3A_2021 {strides = array<i32>} : memref<8x8x128xf32, #tpu.memory_space<vmem>>, vector<16xf32>,
        %parallel_loop3A_2027 = arith.constant 7 : i32
        %parallel_loop3A_2028 = arith.index_cast %scan3A_342 : i32 to index
        %parallel_loop3A_2029 = arith.index_cast %parallel_loop3A_2027 : i32 to index
        %parallel_loop3A_2030 = arith.index_cast %parallel_loop3A_373 : i32 to index
        %parallel_loop3A_2031 = tpu.vector_load %arg7[%parallel_loop3A_2028, %parallel_loop3A_2029, %parallel_loop3A_2030] {strides = array<i32>} : memref<8x8x128xi32, #tpu.memory_space<vmem>>, vector<16xi32>,
        tpu.vector_store %arg7[%parallel_loop3A_2028, %parallel_loop3A_2029, %parallel_loop3A_2030], %parallel_loop3A_1917 {strides = array<i32>} : memref<8x8x128xi32, #tpu.memory_space<vmem>>, vector<16xi32>,
      } {sc.loop_unroll_factor = 2 : i64, sc.parallel_access}
      %add3A_345 = arith.addi %mul3A_2, %scan3A_342 : i32
      %dma_start3A_346 = arith.constant 0 : i32
      %dma_start3A_347 = arith.constant 0 : i32
      %dma_start3A_348 = tpu.memref_slice %arg6[%scan3A_342, %dma_start3A_346, %dma_start3A_347] : memref<8x8x128xf32, #tpu.memory_space<vmem>> -> memref<1x8x128xf32, #tpu.memory_space<vmem>>
      %dma_start3A_349 = arith.constant 0 : i32
      %dma_start3A_350 = arith.constant 0 : i32
      %dma_start3A_351 = tpu.memref_slice %arg3[%add3A_345, %dma_start3A_349, %dma_start3A_350] : memref<256x8x128xf32, #tpu.memory_space<hbm>> -> memref<1x8x128xf32, #tpu.memory_space<hbm>>
      %dma_start3A_352 = arith.constant 0 : i32
      %dma_start3A_353 = arith.constant 0 : i32
      %dma_start3A_354 = tpu.memref_slice %arg3[%add3A_345, %dma_start3A_352, %dma_start3A_353] : memref<256x8x128xf32, #tpu.memory_space<hbm>> -> memref<1x8x128xf32, #tpu.memory_space<hbm>>
      %dma_start3A_355 = arith.constant 0 : i32
      %dma_start3A_356 = arith.constant 0 : i32
      %dma_start3A_357 = tpu.memref_slice %arg6[%scan3A_342, %dma_start3A_355, %dma_start3A_356] : memref<8x8x128xf32, #tpu.memory_space<vmem>> -> memref<1x8x128xf32, #tpu.memory_space<vmem>>
      tpu.enqueue_dma source(%dma_start3A_357 : memref<1x8x128xf32, #tpu.memory_space<vmem>>) target(%dma_start3A_354 : memref<1x8x128xf32, #tpu.memory_space<hbm>>) target_semaphore(%arg10 : memref<!tpu.dma_semaphore, #tpu.memory_space<semaphore_mem>>)
      %add3A_358 = arith.addi %mul3A_2, %scan3A_342 : i32
      %dma_start3A_359 = arith.constant 0 : i32
      %dma_start3A_360 = arith.constant 0 : i32
      %dma_start3A_361 = tpu.memref_slice %arg7[%scan3A_342, %dma_start3A_359, %dma_start3A_360] : memref<8x8x128xi32, #tpu.memory_space<vmem>> -> memref<1x8x128xi32, #tpu.memory_space<vmem>>
      %dma_start3A_362 = arith.constant 0 : i32
      %dma_start3A_363 = arith.constant 0 : i32
      %dma_start3A_364 = tpu.memref_slice %arg4[%add3A_358, %dma_start3A_362, %dma_start3A_363] : memref<256x8x128xi32, #tpu.memory_space<hbm>> -> memref<1x8x128xi32, #tpu.memory_space<hbm>>
      %dma_start3A_365 = arith.constant 0 : i32
      %dma_start3A_366 = arith.constant 0 : i32
      %dma_start3A_367 = tpu.memref_slice %arg4[%add3A_358, %dma_start3A_365, %dma_start3A_366] : memref<256x8x128xi32, #tpu.memory_space<hbm>> -> memref<1x8x128xi32, #tpu.memory_space<hbm>>
      %dma_start3A_368 = arith.constant 0 : i32
      %dma_start3A_369 = arith.constant 0 : i32
      %dma_start3A_370 = tpu.memref_slice %arg7[%scan3A_342, %dma_start3A_368, %dma_start3A_369] : memref<8x8x128xi32, #tpu.memory_space<vmem>> -> memref<1x8x128xi32, #tpu.memory_space<vmem>>
      tpu.enqueue_dma source(%dma_start3A_370 : memref<1x8x128xi32, #tpu.memory_space<vmem>>) target(%dma_start3A_367 : memref<1x8x128xi32, #tpu.memory_space<hbm>>) target_semaphore(%arg10 : memref<!tpu.dma_semaphore, #tpu.memory_space<semaphore_mem>>)
    }
    %scan3A_61 = arith.constant 4 : i32
    %dma_wait3A_62 = arith.constant 0 : i32
    %dma_wait3A_63 = arith.constant 4 : i32
    %dma_wait3A_64 = arith.constant 0 : i32
    %dma_wait3A_65 = arith.constant 0 : i32
    %dma_wait3A_66 = tpu.memref_slice %arg5[%dma_wait3A_62, %dma_wait3A_63, %dma_wait3A_64, %dma_wait3A_65] : memref<8x8x8x128xf32, #tpu.memory_space<vmem>> -> memref<8x4x8x128xf32, #tpu.memory_space<vmem>>
    %dma_wait3A_67 = arith.constant 0 : i32
    %dma_wait3A_68 = arith.constant 0 : i32
    %dma_wait3A_69 = arith.constant 0 : i32
    %dma_wait3A_70 = tpu.memref_slice %arg2[%dma_wait3A_67, %add3A_21, %dma_wait3A_68, %dma_wait3A_69] : memref<8x256x8x128xf32, #tpu.memory_space<hbm>> -> memref<8x4x8x128xf32, #tpu.memory_space<hbm>>
    %dma_wait3A_71 = arith.constant 0 : i32
    %dma_wait3A_72 = arith.constant 4 : i32
    %dma_wait3A_73 = arith.constant 0 : i32
    %dma_wait3A_74 = arith.constant 0 : i32
    %dma_wait3A_75 = tpu.memref_slice %arg5[%dma_wait3A_71, %dma_wait3A_72, %dma_wait3A_73, %dma_wait3A_74] : memref<8x8x8x128xf32, #tpu.memory_space<vmem>> -> memref<8x4x8x128xf32, #tpu.memory_space<vmem>>
    %dma_wait3A_76 = arith.constant 0 : i32
    %dma_wait3A_77 = arith.constant 0 : i32
    %dma_wait3A_78 = arith.constant 0 : i32
    %dma_wait3A_79 = tpu.memref_slice %arg2[%dma_wait3A_76, %add3A_21, %dma_wait3A_77, %dma_wait3A_78] : memref<8x256x8x128xf32, #tpu.memory_space<hbm>> -> memref<8x4x8x128xf32, #tpu.memory_space<hbm>>
    tpu.wait_dma2 semaphore(%arg9 : memref<!tpu.dma_semaphore, #tpu.memory_space<semaphore_mem>>) src(%dma_wait3A_79 : memref<8x4x8x128xf32, #tpu.memory_space<hbm>>) dst(%dma_wait3A_75 : memref<8x4x8x128xf32, #tpu.memory_space<vmem>>)
    %scan3A_80 = arith.constant 0 : i32
    %scan3A_81 = arith.constant 4 : i32
    %scan3A_82 = arith.constant 4 : i32
    %scan3A_83 = arith.addi %scan3A_81, %scan3A_82 : i32
    %scan3A_84 = arith.constant 1 : i32
    scf.for %scan3A_342 = %scan3A_81 to %scan3A_83 step %scan3A_84  : i32 {
      %parallel_loop3A = arith.constant 0 : i32
      %parallel_loop3A_343 = arith.constant 8 : i32
      %parallel_loop3A_344 = arith.constant 1 : i32
      scf.for %parallel_loop3A_371 = %parallel_loop3A to %parallel_loop3A_343 step %parallel_loop3A_344  : i32 {
        %parallel_loop3A_372 = arith.constant 16 : i32
        %parallel_loop3A_373 = arith.muli %parallel_loop3A_371, %parallel_loop3A_372 : i32
        %parallel_loop3A_374 = arith.constant 0 : i32
        %parallel_loop3A_375 = arith.constant 0 : i32
        %parallel_loop3A_376 = arith.index_cast %parallel_loop3A_374 : i32 to index
        %parallel_loop3A_377 = arith.index_cast %scan3A_342 : i32 to index
        %parallel_loop3A_378 = arith.index_cast %parallel_loop3A_375 : i32 to index
        %parallel_loop3A_379 = arith.index_cast %parallel_loop3A_373 : i32 to index
        %parallel_loop3A_380 = tpu.vector_load %arg5[%parallel_loop3A_376, %parallel_loop3A_377, %parallel_loop3A_378, %parallel_loop3A_379] {strides = array<i32>} : memref<8x8x8x128xf32, #tpu.memory_space<vmem>>, vector<16xf32>,
        %parallel_loop3A_381 = tpu.bitcast %parallel_loop3A_380 : vector<16xf32> -> vector<16xi32>
        %parallel_loop3A_382 = arith.constant -64 : i32
        %parallel_loop3A_383 = vector.broadcast %parallel_loop3A_382 : i32 to vector<16xi32>
        %parallel_loop3A_384 = arith.andi %parallel_loop3A_381, %parallel_loop3A_383 : vector<16xi32>
        %parallel_loop3A_385 = arith.constant 63 : i32
        %parallel_loop3A_386 = vector.broadcast %parallel_loop3A_385 : i32 to vector<16xi32>
        %parallel_loop3A_387 = arith.ori %parallel_loop3A_384, %parallel_loop3A_386 : vector<16xi32>
        %parallel_loop3A_388 = tpu.bitcast %parallel_loop3A_387 : vector<16xi32> -> vector<16xf32>
        %parallel_loop3A_389 = arith.constant 0 : i32
        %parallel_loop3A_390 = arith.constant 1 : i32
        %parallel_loop3A_391 = arith.index_cast %parallel_loop3A_389 : i32 to index
        %parallel_loop3A_392 = arith.index_cast %scan3A_342 : i32 to index
        %parallel_loop3A_393 = arith.index_cast %parallel_loop3A_390 : i32 to index
        %parallel_loop3A_394 = arith.index_cast %parallel_loop3A_373 : i32 to index
        %parallel_loop3A_395 = tpu.vector_load %arg5[%parallel_loop3A_391, %parallel_loop3A_392, %parallel_loop3A_393, %parallel_loop3A_394] {strides = array<i32>} : memref<8x8x8x128xf32, #tpu.memory_space<vmem>>, vector<16xf32>,
        %parallel_loop3A_396 = tpu.bitcast %parallel_loop3A_395 : vector<16xf32> -> vector<16xi32>
        %parallel_loop3A_397 = arith.constant -64 : i32
        %parallel_loop3A_398 = vector.broadcast %parallel_loop3A_397 : i32 to vector<16xi32>
        %parallel_loop3A_399 = arith.andi %parallel_loop3A_396, %parallel_loop3A_398 : vector<16xi32>
        %parallel_loop3A_400 = arith.constant 62 : i32
        %parallel_loop3A_401 = vector.broadcast %parallel_loop3A_400 : i32 to vector<16xi32>
        %parallel_loop3A_402 = arith.ori %parallel_loop3A_399, %parallel_loop3A_401 : vector<16xi32>
        %parallel_loop3A_403 = tpu.bitcast %parallel_loop3A_402 : vector<16xi32> -> vector<16xf32>
        %parallel_loop3A_404 = arith.constant 0 : i32
        %parallel_loop3A_405 = arith.constant 2 : i32
        %parallel_loop3A_406 = arith.index_cast %parallel_loop3A_404 : i32 to index
        %parallel_loop3A_407 = arith.index_cast %scan3A_342 : i32 to index
        %parallel_loop3A_408 = arith.index_cast %parallel_loop3A_405 : i32 to index
        %parallel_loop3A_409 = arith.index_cast %parallel_loop3A_373 : i32 to index
        %parallel_loop3A_410 = tpu.vector_load %arg5[%parallel_loop3A_406, %parallel_loop3A_407, %parallel_loop3A_408, %parallel_loop3A_409] {strides = array<i32>} : memref<8x8x8x128xf32, #tpu.memory_space<vmem>>, vector<16xf32>,
        %parallel_loop3A_411 = tpu.bitcast %parallel_loop3A_410 : vector<16xf32> -> vector<16xi32>
        %parallel_loop3A_412 = arith.constant -64 : i32
        %parallel_loop3A_413 = vector.broadcast %parallel_loop3A_412 : i32 to vector<16xi32>
        %parallel_loop3A_414 = arith.andi %parallel_loop3A_411, %parallel_loop3A_413 : vector<16xi32>
        %parallel_loop3A_415 = arith.constant 61 : i32
        %parallel_loop3A_416 = vector.broadcast %parallel_loop3A_415 : i32 to vector<16xi32>
        %parallel_loop3A_417 = arith.ori %parallel_loop3A_414, %parallel_loop3A_416 : vector<16xi32>
        %parallel_loop3A_418 = tpu.bitcast %parallel_loop3A_417 : vector<16xi32> -> vector<16xf32>
        %parallel_loop3A_419 = arith.constant 0 : i32
        %parallel_loop3A_420 = arith.constant 3 : i32
        %parallel_loop3A_421 = arith.index_cast %parallel_loop3A_419 : i32 to index
        %parallel_loop3A_422 = arith.index_cast %scan3A_342 : i32 to index
        %parallel_loop3A_423 = arith.index_cast %parallel_loop3A_420 : i32 to index
        %parallel_loop3A_424 = arith.index_cast %parallel_loop3A_373 : i32 to index
        %parallel_loop3A_425 = tpu.vector_load %arg5[%parallel_loop3A_421, %parallel_loop3A_422, %parallel_loop3A_423, %parallel_loop3A_424] {strides = array<i32>} : memref<8x8x8x128xf32, #tpu.memory_space<vmem>>, vector<16xf32>,
        %parallel_loop3A_426 = tpu.bitcast %parallel_loop3A_425 : vector<16xf32> -> vector<16xi32>
        %parallel_loop3A_427 = arith.constant -64 : i32
        %parallel_loop3A_428 = vector.broadcast %parallel_loop3A_427 : i32 to vector<16xi32>
        %parallel_loop3A_429 = arith.andi %parallel_loop3A_426, %parallel_loop3A_428 : vector<16xi32>
        %parallel_loop3A_430 = arith.constant 60 : i32
        %parallel_loop3A_431 = vector.broadcast %parallel_loop3A_430 : i32 to vector<16xi32>
        %parallel_loop3A_432 = arith.ori %parallel_loop3A_429, %parallel_loop3A_431 : vector<16xi32>
        %parallel_loop3A_433 = tpu.bitcast %parallel_loop3A_432 : vector<16xi32> -> vector<16xf32>
        %parallel_loop3A_434 = arith.constant 0 : i32
        %parallel_loop3A_435 = arith.constant 4 : i32
        %parallel_loop3A_436 = arith.index_cast %parallel_loop3A_434 : i32 to index
        %parallel_loop3A_437 = arith.index_cast %scan3A_342 : i32 to index
        %parallel_loop3A_438 = arith.index_cast %parallel_loop3A_435 : i32 to index
        %parallel_loop3A_439 = arith.index_cast %parallel_loop3A_373 : i32 to index
        %parallel_loop3A_440 = tpu.vector_load %arg5[%parallel_loop3A_436, %parallel_loop3A_437, %parallel_loop3A_438, %parallel_loop3A_439] {strides = array<i32>} : memref<8x8x8x128xf32, #tpu.memory_space<vmem>>, vector<16xf32>,
        %parallel_loop3A_441 = tpu.bitcast %parallel_loop3A_440 : vector<16xf32> -> vector<16xi32>
        %parallel_loop3A_442 = arith.constant -64 : i32
        %parallel_loop3A_443 = vector.broadcast %parallel_loop3A_442 : i32 to vector<16xi32>
        %parallel_loop3A_444 = arith.andi %parallel_loop3A_441, %parallel_loop3A_443 : vector<16xi32>
        %parallel_loop3A_445 = arith.constant 59 : i32
        %parallel_loop3A_446 = vector.broadcast %parallel_loop3A_445 : i32 to vector<16xi32>
        %parallel_loop3A_447 = arith.ori %parallel_loop3A_444, %parallel_loop3A_446 : vector<16xi32>
        %parallel_loop3A_448 = tpu.bitcast %parallel_loop3A_447 : vector<16xi32> -> vector<16xf32>
        %parallel_loop3A_449 = arith.constant 0 : i32
        %parallel_loop3A_450 = arith.constant 5 : i32
        %parallel_loop3A_451 = arith.index_cast %parallel_loop3A_449 : i32 to index
        %parallel_loop3A_452 = arith.index_cast %scan3A_342 : i32 to index
        %parallel_loop3A_453 = arith.index_cast %parallel_loop3A_450 : i32 to index
        %parallel_loop3A_454 = arith.index_cast %parallel_loop3A_373 : i32 to index
        %parallel_loop3A_455 = tpu.vector_load %arg5[%parallel_loop3A_451, %parallel_loop3A_452, %parallel_loop3A_453, %parallel_loop3A_454] {strides = array<i32>} : memref<8x8x8x128xf32, #tpu.memory_space<vmem>>, vector<16xf32>,
        %parallel_loop3A_456 = tpu.bitcast %parallel_loop3A_455 : vector<16xf32> -> vector<16xi32>
        %parallel_loop3A_457 = arith.constant -64 : i32
        %parallel_loop3A_458 = vector.broadcast %parallel_loop3A_457 : i32 to vector<16xi32>
        %parallel_loop3A_459 = arith.andi %parallel_loop3A_456, %parallel_loop3A_458 : vector<16xi32>
        %parallel_loop3A_460 = arith.constant 58 : i32
        %parallel_loop3A_461 = vector.broadcast %parallel_loop3A_460 : i32 to vector<16xi32>
        %parallel_loop3A_462 = arith.ori %parallel_loop3A_459, %parallel_loop3A_461 : vector<16xi32>
        %parallel_loop3A_463 = tpu.bitcast %parallel_loop3A_462 : vector<16xi32> -> vector<16xf32>
        %parallel_loop3A_464 = arith.constant 0 : i32
        %parallel_loop3A_465 = arith.constant 6 : i32
        %parallel_loop3A_466 = arith.index_cast %parallel_loop3A_464 : i32 to index
        %parallel_loop3A_467 = arith.index_cast %scan3A_342 : i32 to index
        %parallel_loop3A_468 = arith.index_cast %parallel_loop3A_465 : i32 to index
        %parallel_loop3A_469 = arith.index_cast %parallel_loop3A_373 : i32 to index
        %parallel_loop3A_470 = tpu.vector_load %arg5[%parallel_loop3A_466, %parallel_loop3A_467, %parallel_loop3A_468, %parallel_loop3A_469] {strides = array<i32>} : memref<8x8x8x128xf32, #tpu.memory_space<vmem>>, vector<16xf32>,
        %parallel_loop3A_471 = tpu.bitcast %parallel_loop3A_470 : vector<16xf32> -> vector<16xi32>
        %parallel_loop3A_472 = arith.constant -64 : i32
        %parallel_loop3A_473 = vector.broadcast %parallel_loop3A_472 : i32 to vector<16xi32>
        %parallel_loop3A_474 = arith.andi %parallel_loop3A_471, %parallel_loop3A_473 : vector<16xi32>
        %parallel_loop3A_475 = arith.constant 57 : i32
        %parallel_loop3A_476 = vector.broadcast %parallel_loop3A_475 : i32 to vector<16xi32>
        %parallel_loop3A_477 = arith.ori %parallel_loop3A_474, %parallel_loop3A_476 : vector<16xi32>
        %parallel_loop3A_478 = tpu.bitcast %parallel_loop3A_477 : vector<16xi32> -> vector<16xf32>
        %parallel_loop3A_479 = arith.constant 0 : i32
        %parallel_loop3A_480 = arith.constant 7 : i32
        %parallel_loop3A_481 = arith.index_cast %parallel_loop3A_479 : i32 to index
        %parallel_loop3A_482 = arith.index_cast %scan3A_342 : i32 to index
        %parallel_loop3A_483 = arith.index_cast %parallel_loop3A_480 : i32 to index
        %parallel_loop3A_484 = arith.index_cast %parallel_loop3A_373 : i32 to index
        %parallel_loop3A_485 = tpu.vector_load %arg5[%parallel_loop3A_481, %parallel_loop3A_482, %parallel_loop3A_483, %parallel_loop3A_484] {strides = array<i32>} : memref<8x8x8x128xf32, #tpu.memory_space<vmem>>, vector<16xf32>,
        %parallel_loop3A_486 = tpu.bitcast %parallel_loop3A_485 : vector<16xf32> -> vector<16xi32>
        %parallel_loop3A_487 = arith.constant -64 : i32
        %parallel_loop3A_488 = vector.broadcast %parallel_loop3A_487 : i32 to vector<16xi32>
        %parallel_loop3A_489 = arith.andi %parallel_loop3A_486, %parallel_loop3A_488 : vector<16xi32>
        %parallel_loop3A_490 = arith.constant 56 : i32
        %parallel_loop3A_491 = vector.broadcast %parallel_loop3A_490 : i32 to vector<16xi32>
        %parallel_loop3A_492 = arith.ori %parallel_loop3A_489, %parallel_loop3A_491 : vector<16xi32>
        %parallel_loop3A_493 = tpu.bitcast %parallel_loop3A_492 : vector<16xi32> -> vector<16xf32>
        %parallel_loop3A_494 = arith.constant 1 : i32
        %parallel_loop3A_495 = arith.constant 0 : i32
        %parallel_loop3A_496 = arith.index_cast %parallel_loop3A_494 : i32 to index
        %parallel_loop3A_497 = arith.index_cast %scan3A_342 : i32 to index
        %parallel_loop3A_498 = arith.index_cast %parallel_loop3A_495 : i32 to index
        %parallel_loop3A_499 = arith.index_cast %parallel_loop3A_373 : i32 to index
        %parallel_loop3A_500 = tpu.vector_load %arg5[%parallel_loop3A_496, %parallel_loop3A_497, %parallel_loop3A_498, %parallel_loop3A_499] {strides = array<i32>} : memref<8x8x8x128xf32, #tpu.memory_space<vmem>>, vector<16xf32>,
        %parallel_loop3A_501 = tpu.bitcast %parallel_loop3A_500 : vector<16xf32> -> vector<16xi32>
        %parallel_loop3A_502 = arith.constant -64 : i32
        %parallel_loop3A_503 = vector.broadcast %parallel_loop3A_502 : i32 to vector<16xi32>
        %parallel_loop3A_504 = arith.andi %parallel_loop3A_501, %parallel_loop3A_503 : vector<16xi32>
        %parallel_loop3A_505 = arith.constant 55 : i32
        %parallel_loop3A_506 = vector.broadcast %parallel_loop3A_505 : i32 to vector<16xi32>
        %parallel_loop3A_507 = arith.ori %parallel_loop3A_504, %parallel_loop3A_506 : vector<16xi32>
        %parallel_loop3A_508 = tpu.bitcast %parallel_loop3A_507 : vector<16xi32> -> vector<16xf32>
        %parallel_loop3A_509 = arith.constant 1 : i32
        %parallel_loop3A_510 = arith.constant 1 : i32
        %parallel_loop3A_511 = arith.index_cast %parallel_loop3A_509 : i32 to index
        %parallel_loop3A_512 = arith.index_cast %scan3A_342 : i32 to index
        %parallel_loop3A_513 = arith.index_cast %parallel_loop3A_510 : i32 to index
        %parallel_loop3A_514 = arith.index_cast %parallel_loop3A_373 : i32 to index
        %parallel_loop3A_515 = tpu.vector_load %arg5[%parallel_loop3A_511, %parallel_loop3A_512, %parallel_loop3A_513, %parallel_loop3A_514] {strides = array<i32>} : memref<8x8x8x128xf32, #tpu.memory_space<vmem>>, vector<16xf32>,
        %parallel_loop3A_516 = tpu.bitcast %parallel_loop3A_515 : vector<16xf32> -> vector<16xi32>
        %parallel_loop3A_517 = arith.constant -64 : i32
        %parallel_loop3A_518 = vector.broadcast %parallel_loop3A_517 : i32 to vector<16xi32>
        %parallel_loop3A_519 = arith.andi %parallel_loop3A_516, %parallel_loop3A_518 : vector<16xi32>
        %parallel_loop3A_520 = arith.constant 54 : i32
        %parallel_loop3A_521 = vector.broadcast %parallel_loop3A_520 : i32 to vector<16xi32>
        %parallel_loop3A_522 = arith.ori %parallel_loop3A_519, %parallel_loop3A_521 : vector<16xi32>
        %parallel_loop3A_523 = tpu.bitcast %parallel_loop3A_522 : vector<16xi32> -> vector<16xf32>
        %parallel_loop3A_524 = arith.constant 1 : i32
        %parallel_loop3A_525 = arith.constant 2 : i32
        %parallel_loop3A_526 = arith.index_cast %parallel_loop3A_524 : i32 to index
        %parallel_loop3A_527 = arith.index_cast %scan3A_342 : i32 to index
        %parallel_loop3A_528 = arith.index_cast %parallel_loop3A_525 : i32 to index
        %parallel_loop3A_529 = arith.index_cast %parallel_loop3A_373 : i32 to index
        %parallel_loop3A_530 = tpu.vector_load %arg5[%parallel_loop3A_526, %parallel_loop3A_527, %parallel_loop3A_528, %parallel_loop3A_529] {strides = array<i32>} : memref<8x8x8x128xf32, #tpu.memory_space<vmem>>, vector<16xf32>,
        %parallel_loop3A_531 = tpu.bitcast %parallel_loop3A_530 : vector<16xf32> -> vector<16xi32>
        %parallel_loop3A_532 = arith.constant -64 : i32
        %parallel_loop3A_533 = vector.broadcast %parallel_loop3A_532 : i32 to vector<16xi32>
        %parallel_loop3A_534 = arith.andi %parallel_loop3A_531, %parallel_loop3A_533 : vector<16xi32>
        %parallel_loop3A_535 = arith.constant 53 : i32
        %parallel_loop3A_536 = vector.broadcast %parallel_loop3A_535 : i32 to vector<16xi32>
        %parallel_loop3A_537 = arith.ori %parallel_loop3A_534, %parallel_loop3A_536 : vector<16xi32>
        %parallel_loop3A_538 = tpu.bitcast %parallel_loop3A_537 : vector<16xi32> -> vector<16xf32>
        %parallel_loop3A_539 = arith.constant 1 : i32
        %parallel_loop3A_540 = arith.constant 3 : i32
        %parallel_loop3A_541 = arith.index_cast %parallel_loop3A_539 : i32 to index
        %parallel_loop3A_542 = arith.index_cast %scan3A_342 : i32 to index
        %parallel_loop3A_543 = arith.index_cast %parallel_loop3A_540 : i32 to index
        %parallel_loop3A_544 = arith.index_cast %parallel_loop3A_373 : i32 to index
        %parallel_loop3A_545 = tpu.vector_load %arg5[%parallel_loop3A_541, %parallel_loop3A_542, %parallel_loop3A_543, %parallel_loop3A_544] {strides = array<i32>} : memref<8x8x8x128xf32, #tpu.memory_space<vmem>>, vector<16xf32>,
        %parallel_loop3A_546 = tpu.bitcast %parallel_loop3A_545 : vector<16xf32> -> vector<16xi32>
        %parallel_loop3A_547 = arith.constant -64 : i32
        %parallel_loop3A_548 = vector.broadcast %parallel_loop3A_547 : i32 to vector<16xi32>
        %parallel_loop3A_549 = arith.andi %parallel_loop3A_546, %parallel_loop3A_548 : vector<16xi32>
        %parallel_loop3A_550 = arith.constant 52 : i32
        %parallel_loop3A_551 = vector.broadcast %parallel_loop3A_550 : i32 to vector<16xi32>
        %parallel_loop3A_552 = arith.ori %parallel_loop3A_549, %parallel_loop3A_551 : vector<16xi32>
        %parallel_loop3A_553 = tpu.bitcast %parallel_loop3A_552 : vector<16xi32> -> vector<16xf32>
        %parallel_loop3A_554 = arith.constant 1 : i32
        %parallel_loop3A_555 = arith.constant 4 : i32
        %parallel_loop3A_556 = arith.index_cast %parallel_loop3A_554 : i32 to index
        %parallel_loop3A_557 = arith.index_cast %scan3A_342 : i32 to index
        %parallel_loop3A_558 = arith.index_cast %parallel_loop3A_555 : i32 to index
        %parallel_loop3A_559 = arith.index_cast %parallel_loop3A_373 : i32 to index
        %parallel_loop3A_560 = tpu.vector_load %arg5[%parallel_loop3A_556, %parallel_loop3A_557, %parallel_loop3A_558, %parallel_loop3A_559] {strides = array<i32>} : memref<8x8x8x128xf32, #tpu.memory_space<vmem>>, vector<16xf32>,
        %parallel_loop3A_561 = tpu.bitcast %parallel_loop3A_560 : vector<16xf32> -> vector<16xi32>
        %parallel_loop3A_562 = arith.constant -64 : i32
        %parallel_loop3A_563 = vector.broadcast %parallel_loop3A_562 : i32 to vector<16xi32>
        %parallel_loop3A_564 = arith.andi %parallel_loop3A_561, %parallel_loop3A_563 : vector<16xi32>
        %parallel_loop3A_565 = arith.constant 51 : i32
        %parallel_loop3A_566 = vector.broadcast %parallel_loop3A_565 : i32 to vector<16xi32>
        %parallel_loop3A_567 = arith.ori %parallel_loop3A_564, %parallel_loop3A_566 : vector<16xi32>
        %parallel_loop3A_568 = tpu.bitcast %parallel_loop3A_567 : vector<16xi32> -> vector<16xf32>
        %parallel_loop3A_569 = arith.constant 1 : i32
        %parallel_loop3A_570 = arith.constant 5 : i32
        %parallel_loop3A_571 = arith.index_cast %parallel_loop3A_569 : i32 to index
        %parallel_loop3A_572 = arith.index_cast %scan3A_342 : i32 to index
        %parallel_loop3A_573 = arith.index_cast %parallel_loop3A_570 : i32 to index
        %parallel_loop3A_574 = arith.index_cast %parallel_loop3A_373 : i32 to index
        %parallel_loop3A_575 = tpu.vector_load %arg5[%parallel_loop3A_571, %parallel_loop3A_572, %parallel_loop3A_573, %parallel_loop3A_574] {strides = array<i32>} : memref<8x8x8x128xf32, #tpu.memory_space<vmem>>, vector<16xf32>,
        %parallel_loop3A_576 = tpu.bitcast %parallel_loop3A_575 : vector<16xf32> -> vector<16xi32>
        %parallel_loop3A_577 = arith.constant -64 : i32
        %parallel_loop3A_578 = vector.broadcast %parallel_loop3A_577 : i32 to vector<16xi32>
        %parallel_loop3A_579 = arith.andi %parallel_loop3A_576, %parallel_loop3A_578 : vector<16xi32>
        %parallel_loop3A_580 = arith.constant 50 : i32
        %parallel_loop3A_581 = vector.broadcast %parallel_loop3A_580 : i32 to vector<16xi32>
        %parallel_loop3A_582 = arith.ori %parallel_loop3A_579, %parallel_loop3A_581 : vector<16xi32>
        %parallel_loop3A_583 = tpu.bitcast %parallel_loop3A_582 : vector<16xi32> -> vector<16xf32>
        %parallel_loop3A_584 = arith.constant 1 : i32
        %parallel_loop3A_585 = arith.constant 6 : i32
        %parallel_loop3A_586 = arith.index_cast %parallel_loop3A_584 : i32 to index
        %parallel_loop3A_587 = arith.index_cast %scan3A_342 : i32 to index
        %parallel_loop3A_588 = arith.index_cast %parallel_loop3A_585 : i32 to index
        %parallel_loop3A_589 = arith.index_cast %parallel_loop3A_373 : i32 to index
        %parallel_loop3A_590 = tpu.vector_load %arg5[%parallel_loop3A_586, %parallel_loop3A_587, %parallel_loop3A_588, %parallel_loop3A_589] {strides = array<i32>} : memref<8x8x8x128xf32, #tpu.memory_space<vmem>>, vector<16xf32>,
        %parallel_loop3A_591 = tpu.bitcast %parallel_loop3A_590 : vector<16xf32> -> vector<16xi32>
        %parallel_loop3A_592 = arith.constant -64 : i32
        %parallel_loop3A_593 = vector.broadcast %parallel_loop3A_592 : i32 to vector<16xi32>
        %parallel_loop3A_594 = arith.andi %parallel_loop3A_591, %parallel_loop3A_593 : vector<16xi32>
        %parallel_loop3A_595 = arith.constant 49 : i32
        %parallel_loop3A_596 = vector.broadcast %parallel_loop3A_595 : i32 to vector<16xi32>
        %parallel_loop3A_597 = arith.ori %parallel_loop3A_594, %parallel_loop3A_596 : vector<16xi32>
        %parallel_loop3A_598 = tpu.bitcast %parallel_loop3A_597 : vector<16xi32> -> vector<16xf32>
        %parallel_loop3A_599 = arith.constant 1 : i32
        %parallel_loop3A_600 = arith.constant 7 : i32
        %parallel_loop3A_601 = arith.index_cast %parallel_loop3A_599 : i32 to index
        %parallel_loop3A_602 = arith.index_cast %scan3A_342 : i32 to index
        %parallel_loop3A_603 = arith.index_cast %parallel_loop3A_600 : i32 to index
        %parallel_loop3A_604 = arith.index_cast %parallel_loop3A_373 : i32 to index
        %parallel_loop3A_605 = tpu.vector_load %arg5[%parallel_loop3A_601, %parallel_loop3A_602, %parallel_loop3A_603, %parallel_loop3A_604] {strides = array<i32>} : memref<8x8x8x128xf32, #tpu.memory_space<vmem>>, vector<16xf32>,
        %parallel_loop3A_606 = tpu.bitcast %parallel_loop3A_605 : vector<16xf32> -> vector<16xi32>
        %parallel_loop3A_607 = arith.constant -64 : i32
        %parallel_loop3A_608 = vector.broadcast %parallel_loop3A_607 : i32 to vector<16xi32>
        %parallel_loop3A_609 = arith.andi %parallel_loop3A_606, %parallel_loop3A_608 : vector<16xi32>
        %parallel_loop3A_610 = arith.constant 48 : i32
        %parallel_loop3A_611 = vector.broadcast %parallel_loop3A_610 : i32 to vector<16xi32>
        %parallel_loop3A_612 = arith.ori %parallel_loop3A_609, %parallel_loop3A_611 : vector<16xi32>
        %parallel_loop3A_613 = tpu.bitcast %parallel_loop3A_612 : vector<16xi32> -> vector<16xf32>
        %parallel_loop3A_614 = arith.constant 2 : i32
        %parallel_loop3A_615 = arith.constant 0 : i32
        %parallel_loop3A_616 = arith.index_cast %parallel_loop3A_614 : i32 to index
        %parallel_loop3A_617 = arith.index_cast %scan3A_342 : i32 to index
        %parallel_loop3A_618 = arith.index_cast %parallel_loop3A_615 : i32 to index
        %parallel_loop3A_619 = arith.index_cast %parallel_loop3A_373 : i32 to index
        %parallel_loop3A_620 = tpu.vector_load %arg5[%parallel_loop3A_616, %parallel_loop3A_617, %parallel_loop3A_618, %parallel_loop3A_619] {strides = array<i32>} : memref<8x8x8x128xf32, #tpu.memory_space<vmem>>, vector<16xf32>,
        %parallel_loop3A_621 = tpu.bitcast %parallel_loop3A_620 : vector<16xf32> -> vector<16xi32>
        %parallel_loop3A_622 = arith.constant -64 : i32
        %parallel_loop3A_623 = vector.broadcast %parallel_loop3A_622 : i32 to vector<16xi32>
        %parallel_loop3A_624 = arith.andi %parallel_loop3A_621, %parallel_loop3A_623 : vector<16xi32>
        %parallel_loop3A_625 = arith.constant 47 : i32
        %parallel_loop3A_626 = vector.broadcast %parallel_loop3A_625 : i32 to vector<16xi32>
        %parallel_loop3A_627 = arith.ori %parallel_loop3A_624, %parallel_loop3A_626 : vector<16xi32>
        %parallel_loop3A_628 = tpu.bitcast %parallel_loop3A_627 : vector<16xi32> -> vector<16xf32>
        %parallel_loop3A_629 = arith.constant 2 : i32
        %parallel_loop3A_630 = arith.constant 1 : i32
        %parallel_loop3A_631 = arith.index_cast %parallel_loop3A_629 : i32 to index
        %parallel_loop3A_632 = arith.index_cast %scan3A_342 : i32 to index
        %parallel_loop3A_633 = arith.index_cast %parallel_loop3A_630 : i32 to index
        %parallel_loop3A_634 = arith.index_cast %parallel_loop3A_373 : i32 to index
        %parallel_loop3A_635 = tpu.vector_load %arg5[%parallel_loop3A_631, %parallel_loop3A_632, %parallel_loop3A_633, %parallel_loop3A_634] {strides = array<i32>} : memref<8x8x8x128xf32, #tpu.memory_space<vmem>>, vector<16xf32>,
        %parallel_loop3A_636 = tpu.bitcast %parallel_loop3A_635 : vector<16xf32> -> vector<16xi32>
        %parallel_loop3A_637 = arith.constant -64 : i32
        %parallel_loop3A_638 = vector.broadcast %parallel_loop3A_637 : i32 to vector<16xi32>
        %parallel_loop3A_639 = arith.andi %parallel_loop3A_636, %parallel_loop3A_638 : vector<16xi32>
        %parallel_loop3A_640 = arith.constant 46 : i32
        %parallel_loop3A_641 = vector.broadcast %parallel_loop3A_640 : i32 to vector<16xi32>
        %parallel_loop3A_642 = arith.ori %parallel_loop3A_639, %parallel_loop3A_641 : vector<16xi32>
        %parallel_loop3A_643 = tpu.bitcast %parallel_loop3A_642 : vector<16xi32> -> vector<16xf32>
        %parallel_loop3A_644 = arith.constant 2 : i32
        %parallel_loop3A_645 = arith.constant 2 : i32
        %parallel_loop3A_646 = arith.index_cast %parallel_loop3A_644 : i32 to index
        %parallel_loop3A_647 = arith.index_cast %scan3A_342 : i32 to index
        %parallel_loop3A_648 = arith.index_cast %parallel_loop3A_645 : i32 to index
        %parallel_loop3A_649 = arith.index_cast %parallel_loop3A_373 : i32 to index
        %parallel_loop3A_650 = tpu.vector_load %arg5[%parallel_loop3A_646, %parallel_loop3A_647, %parallel_loop3A_648, %parallel_loop3A_649] {strides = array<i32>} : memref<8x8x8x128xf32, #tpu.memory_space<vmem>>, vector<16xf32>,
        %parallel_loop3A_651 = tpu.bitcast %parallel_loop3A_650 : vector<16xf32> -> vector<16xi32>
        %parallel_loop3A_652 = arith.constant -64 : i32
        %parallel_loop3A_653 = vector.broadcast %parallel_loop3A_652 : i32 to vector<16xi32>
        %parallel_loop3A_654 = arith.andi %parallel_loop3A_651, %parallel_loop3A_653 : vector<16xi32>
        %parallel_loop3A_655 = arith.constant 45 : i32
        %parallel_loop3A_656 = vector.broadcast %parallel_loop3A_655 : i32 to vector<16xi32>
        %parallel_loop3A_657 = arith.ori %parallel_loop3A_654, %parallel_loop3A_656 : vector<16xi32>
        %parallel_loop3A_658 = tpu.bitcast %parallel_loop3A_657 : vector<16xi32> -> vector<16xf32>
        %parallel_loop3A_659 = arith.constant 2 : i32
        %parallel_loop3A_660 = arith.constant 3 : i32
        %parallel_loop3A_661 = arith.index_cast %parallel_loop3A_659 : i32 to index
        %parallel_loop3A_662 = arith.index_cast %scan3A_342 : i32 to index
        %parallel_loop3A_663 = arith.index_cast %parallel_loop3A_660 : i32 to index
        %parallel_loop3A_664 = arith.index_cast %parallel_loop3A_373 : i32 to index
        %parallel_loop3A_665 = tpu.vector_load %arg5[%parallel_loop3A_661, %parallel_loop3A_662, %parallel_loop3A_663, %parallel_loop3A_664] {strides = array<i32>} : memref<8x8x8x128xf32, #tpu.memory_space<vmem>>, vector<16xf32>,
        %parallel_loop3A_666 = tpu.bitcast %parallel_loop3A_665 : vector<16xf32> -> vector<16xi32>
        %parallel_loop3A_667 = arith.constant -64 : i32
        %parallel_loop3A_668 = vector.broadcast %parallel_loop3A_667 : i32 to vector<16xi32>
        %parallel_loop3A_669 = arith.andi %parallel_loop3A_666, %parallel_loop3A_668 : vector<16xi32>
        %parallel_loop3A_670 = arith.constant 44 : i32
        %parallel_loop3A_671 = vector.broadcast %parallel_loop3A_670 : i32 to vector<16xi32>
        %parallel_loop3A_672 = arith.ori %parallel_loop3A_669, %parallel_loop3A_671 : vector<16xi32>
        %parallel_loop3A_673 = tpu.bitcast %parallel_loop3A_672 : vector<16xi32> -> vector<16xf32>
        %parallel_loop3A_674 = arith.constant 2 : i32
        %parallel_loop3A_675 = arith.constant 4 : i32
        %parallel_loop3A_676 = arith.index_cast %parallel_loop3A_674 : i32 to index
        %parallel_loop3A_677 = arith.index_cast %scan3A_342 : i32 to index
        %parallel_loop3A_678 = arith.index_cast %parallel_loop3A_675 : i32 to index
        %parallel_loop3A_679 = arith.index_cast %parallel_loop3A_373 : i32 to index
        %parallel_loop3A_680 = tpu.vector_load %arg5[%parallel_loop3A_676, %parallel_loop3A_677, %parallel_loop3A_678, %parallel_loop3A_679] {strides = array<i32>} : memref<8x8x8x128xf32, #tpu.memory_space<vmem>>, vector<16xf32>,
        %parallel_loop3A_681 = tpu.bitcast %parallel_loop3A_680 : vector<16xf32> -> vector<16xi32>
        %parallel_loop3A_682 = arith.constant -64 : i32
        %parallel_loop3A_683 = vector.broadcast %parallel_loop3A_682 : i32 to vector<16xi32>
        %parallel_loop3A_684 = arith.andi %parallel_loop3A_681, %parallel_loop3A_683 : vector<16xi32>
        %parallel_loop3A_685 = arith.constant 43 : i32
        %parallel_loop3A_686 = vector.broadcast %parallel_loop3A_685 : i32 to vector<16xi32>
        %parallel_loop3A_687 = arith.ori %parallel_loop3A_684, %parallel_loop3A_686 : vector<16xi32>
        %parallel_loop3A_688 = tpu.bitcast %parallel_loop3A_687 : vector<16xi32> -> vector<16xf32>
        %parallel_loop3A_689 = arith.constant 2 : i32
        %parallel_loop3A_690 = arith.constant 5 : i32
        %parallel_loop3A_691 = arith.index_cast %parallel_loop3A_689 : i32 to index
        %parallel_loop3A_692 = arith.index_cast %scan3A_342 : i32 to index
        %parallel_loop3A_693 = arith.index_cast %parallel_loop3A_690 : i32 to index
        %parallel_loop3A_694 = arith.index_cast %parallel_loop3A_373 : i32 to index
        %parallel_loop3A_695 = tpu.vector_load %arg5[%parallel_loop3A_691, %parallel_loop3A_692, %parallel_loop3A_693, %parallel_loop3A_694] {strides = array<i32>} : memref<8x8x8x128xf32, #tpu.memory_space<vmem>>, vector<16xf32>,
        %parallel_loop3A_696 = tpu.bitcast %parallel_loop3A_695 : vector<16xf32> -> vector<16xi32>
        %parallel_loop3A_697 = arith.constant -64 : i32
        %parallel_loop3A_698 = vector.broadcast %parallel_loop3A_697 : i32 to vector<16xi32>
        %parallel_loop3A_699 = arith.andi %parallel_loop3A_696, %parallel_loop3A_698 : vector<16xi32>
        %parallel_loop3A_700 = arith.constant 42 : i32
        %parallel_loop3A_701 = vector.broadcast %parallel_loop3A_700 : i32 to vector<16xi32>
        %parallel_loop3A_702 = arith.ori %parallel_loop3A_699, %parallel_loop3A_701 : vector<16xi32>
        %parallel_loop3A_703 = tpu.bitcast %parallel_loop3A_702 : vector<16xi32> -> vector<16xf32>
        %parallel_loop3A_704 = arith.constant 2 : i32
        %parallel_loop3A_705 = arith.constant 6 : i32
        %parallel_loop3A_706 = arith.index_cast %parallel_loop3A_704 : i32 to index
        %parallel_loop3A_707 = arith.index_cast %scan3A_342 : i32 to index
        %parallel_loop3A_708 = arith.index_cast %parallel_loop3A_705 : i32 to index
        %parallel_loop3A_709 = arith.index_cast %parallel_loop3A_373 : i32 to index
        %parallel_loop3A_710 = tpu.vector_load %arg5[%parallel_loop3A_706, %parallel_loop3A_707, %parallel_loop3A_708, %parallel_loop3A_709] {strides = array<i32>} : memref<8x8x8x128xf32, #tpu.memory_space<vmem>>, vector<16xf32>,
        %parallel_loop3A_711 = tpu.bitcast %parallel_loop3A_710 : vector<16xf32> -> vector<16xi32>
        %parallel_loop3A_712 = arith.constant -64 : i32
        %parallel_loop3A_713 = vector.broadcast %parallel_loop3A_712 : i32 to vector<16xi32>
        %parallel_loop3A_714 = arith.andi %parallel_loop3A_711, %parallel_loop3A_713 : vector<16xi32>
        %parallel_loop3A_715 = arith.constant 41 : i32
        %parallel_loop3A_716 = vector.broadcast %parallel_loop3A_715 : i32 to vector<16xi32>
        %parallel_loop3A_717 = arith.ori %parallel_loop3A_714, %parallel_loop3A_716 : vector<16xi32>
        %parallel_loop3A_718 = tpu.bitcast %parallel_loop3A_717 : vector<16xi32> -> vector<16xf32>
        %parallel_loop3A_719 = arith.constant 2 : i32
        %parallel_loop3A_720 = arith.constant 7 : i32
        %parallel_loop3A_721 = arith.index_cast %parallel_loop3A_719 : i32 to index
        %parallel_loop3A_722 = arith.index_cast %scan3A_342 : i32 to index
        %parallel_loop3A_723 = arith.index_cast %parallel_loop3A_720 : i32 to index
        %parallel_loop3A_724 = arith.index_cast %parallel_loop3A_373 : i32 to index
        %parallel_loop3A_725 = tpu.vector_load %arg5[%parallel_loop3A_721, %parallel_loop3A_722, %parallel_loop3A_723, %parallel_loop3A_724] {strides = array<i32>} : memref<8x8x8x128xf32, #tpu.memory_space<vmem>>, vector<16xf32>,
        %parallel_loop3A_726 = tpu.bitcast %parallel_loop3A_725 : vector<16xf32> -> vector<16xi32>
        %parallel_loop3A_727 = arith.constant -64 : i32
        %parallel_loop3A_728 = vector.broadcast %parallel_loop3A_727 : i32 to vector<16xi32>
        %parallel_loop3A_729 = arith.andi %parallel_loop3A_726, %parallel_loop3A_728 : vector<16xi32>
        %parallel_loop3A_730 = arith.constant 40 : i32
        %parallel_loop3A_731 = vector.broadcast %parallel_loop3A_730 : i32 to vector<16xi32>
        %parallel_loop3A_732 = arith.ori %parallel_loop3A_729, %parallel_loop3A_731 : vector<16xi32>
        %parallel_loop3A_733 = tpu.bitcast %parallel_loop3A_732 : vector<16xi32> -> vector<16xf32>
        %parallel_loop3A_734 = arith.constant 3 : i32
        %parallel_loop3A_735 = arith.constant 0 : i32
        %parallel_loop3A_736 = arith.index_cast %parallel_loop3A_734 : i32 to index
        %parallel_loop3A_737 = arith.index_cast %scan3A_342 : i32 to index
        %parallel_loop3A_738 = arith.index_cast %parallel_loop3A_735 : i32 to index
        %parallel_loop3A_739 = arith.index_cast %parallel_loop3A_373 : i32 to index
        %parallel_loop3A_740 = tpu.vector_load %arg5[%parallel_loop3A_736, %parallel_loop3A_737, %parallel_loop3A_738, %parallel_loop3A_739] {strides = array<i32>} : memref<8x8x8x128xf32, #tpu.memory_space<vmem>>, vector<16xf32>,
        %parallel_loop3A_741 = tpu.bitcast %parallel_loop3A_740 : vector<16xf32> -> vector<16xi32>
        %parallel_loop3A_742 = arith.constant -64 : i32
        %parallel_loop3A_743 = vector.broadcast %parallel_loop3A_742 : i32 to vector<16xi32>
        %parallel_loop3A_744 = arith.andi %parallel_loop3A_741, %parallel_loop3A_743 : vector<16xi32>
        %parallel_loop3A_745 = arith.constant 39 : i32
        %parallel_loop3A_746 = vector.broadcast %parallel_loop3A_745 : i32 to vector<16xi32>
        %parallel_loop3A_747 = arith.ori %parallel_loop3A_744, %parallel_loop3A_746 : vector<16xi32>
        %parallel_loop3A_748 = tpu.bitcast %parallel_loop3A_747 : vector<16xi32> -> vector<16xf32>
        %parallel_loop3A_749 = arith.constant 3 : i32
        %parallel_loop3A_750 = arith.constant 1 : i32
        %parallel_loop3A_751 = arith.index_cast %parallel_loop3A_749 : i32 to index
        %parallel_loop3A_752 = arith.index_cast %scan3A_342 : i32 to index
        %parallel_loop3A_753 = arith.index_cast %parallel_loop3A_750 : i32 to index
        %parallel_loop3A_754 = arith.index_cast %parallel_loop3A_373 : i32 to index
        %parallel_loop3A_755 = tpu.vector_load %arg5[%parallel_loop3A_751, %parallel_loop3A_752, %parallel_loop3A_753, %parallel_loop3A_754] {strides = array<i32>} : memref<8x8x8x128xf32, #tpu.memory_space<vmem>>, vector<16xf32>,
        %parallel_loop3A_756 = tpu.bitcast %parallel_loop3A_755 : vector<16xf32> -> vector<16xi32>
        %parallel_loop3A_757 = arith.constant -64 : i32
        %parallel_loop3A_758 = vector.broadcast %parallel_loop3A_757 : i32 to vector<16xi32>
        %parallel_loop3A_759 = arith.andi %parallel_loop3A_756, %parallel_loop3A_758 : vector<16xi32>
        %parallel_loop3A_760 = arith.constant 38 : i32
        %parallel_loop3A_761 = vector.broadcast %parallel_loop3A_760 : i32 to vector<16xi32>
        %parallel_loop3A_762 = arith.ori %parallel_loop3A_759, %parallel_loop3A_761 : vector<16xi32>
        %parallel_loop3A_763 = tpu.bitcast %parallel_loop3A_762 : vector<16xi32> -> vector<16xf32>
        %parallel_loop3A_764 = arith.constant 3 : i32
        %parallel_loop3A_765 = arith.constant 2 : i32
        %parallel_loop3A_766 = arith.index_cast %parallel_loop3A_764 : i32 to index
        %parallel_loop3A_767 = arith.index_cast %scan3A_342 : i32 to index
        %parallel_loop3A_768 = arith.index_cast %parallel_loop3A_765 : i32 to index
        %parallel_loop3A_769 = arith.index_cast %parallel_loop3A_373 : i32 to index
        %parallel_loop3A_770 = tpu.vector_load %arg5[%parallel_loop3A_766, %parallel_loop3A_767, %parallel_loop3A_768, %parallel_loop3A_769] {strides = array<i32>} : memref<8x8x8x128xf32, #tpu.memory_space<vmem>>, vector<16xf32>,
        %parallel_loop3A_771 = tpu.bitcast %parallel_loop3A_770 : vector<16xf32> -> vector<16xi32>
        %parallel_loop3A_772 = arith.constant -64 : i32
        %parallel_loop3A_773 = vector.broadcast %parallel_loop3A_772 : i32 to vector<16xi32>
        %parallel_loop3A_774 = arith.andi %parallel_loop3A_771, %parallel_loop3A_773 : vector<16xi32>
        %parallel_loop3A_775 = arith.constant 37 : i32
        %parallel_loop3A_776 = vector.broadcast %parallel_loop3A_775 : i32 to vector<16xi32>
        %parallel_loop3A_777 = arith.ori %parallel_loop3A_774, %parallel_loop3A_776 : vector<16xi32>
        %parallel_loop3A_778 = tpu.bitcast %parallel_loop3A_777 : vector<16xi32> -> vector<16xf32>
        %parallel_loop3A_779 = arith.constant 3 : i32
        %parallel_loop3A_780 = arith.constant 3 : i32
        %parallel_loop3A_781 = arith.index_cast %parallel_loop3A_779 : i32 to index
        %parallel_loop3A_782 = arith.index_cast %scan3A_342 : i32 to index
        %parallel_loop3A_783 = arith.index_cast %parallel_loop3A_780 : i32 to index
        %parallel_loop3A_784 = arith.index_cast %parallel_loop3A_373 : i32 to index
        %parallel_loop3A_785 = tpu.vector_load %arg5[%parallel_loop3A_781, %parallel_loop3A_782, %parallel_loop3A_783, %parallel_loop3A_784] {strides = array<i32>} : memref<8x8x8x128xf32, #tpu.memory_space<vmem>>, vector<16xf32>,
        %parallel_loop3A_786 = tpu.bitcast %parallel_loop3A_785 : vector<16xf32> -> vector<16xi32>
        %parallel_loop3A_787 = arith.constant -64 : i32
        %parallel_loop3A_788 = vector.broadcast %parallel_loop3A_787 : i32 to vector<16xi32>
        %parallel_loop3A_789 = arith.andi %parallel_loop3A_786, %parallel_loop3A_788 : vector<16xi32>
        %parallel_loop3A_790 = arith.constant 36 : i32
        %parallel_loop3A_791 = vector.broadcast %parallel_loop3A_790 : i32 to vector<16xi32>
        %parallel_loop3A_792 = arith.ori %parallel_loop3A_789, %parallel_loop3A_791 : vector<16xi32>
        %parallel_loop3A_793 = tpu.bitcast %parallel_loop3A_792 : vector<16xi32> -> vector<16xf32>
        %parallel_loop3A_794 = arith.constant 3 : i32
        %parallel_loop3A_795 = arith.constant 4 : i32
        %parallel_loop3A_796 = arith.index_cast %parallel_loop3A_794 : i32 to index
        %parallel_loop3A_797 = arith.index_cast %scan3A_342 : i32 to index
        %parallel_loop3A_798 = arith.index_cast %parallel_loop3A_795 : i32 to index
        %parallel_loop3A_799 = arith.index_cast %parallel_loop3A_373 : i32 to index
        %parallel_loop3A_800 = tpu.vector_load %arg5[%parallel_loop3A_796, %parallel_loop3A_797, %parallel_loop3A_798, %parallel_loop3A_799] {strides = array<i32>} : memref<8x8x8x128xf32, #tpu.memory_space<vmem>>, vector<16xf32>,
        %parallel_loop3A_801 = tpu.bitcast %parallel_loop3A_800 : vector<16xf32> -> vector<16xi32>
        %parallel_loop3A_802 = arith.constant -64 : i32
        %parallel_loop3A_803 = vector.broadcast %parallel_loop3A_802 : i32 to vector<16xi32>
        %parallel_loop3A_804 = arith.andi %parallel_loop3A_801, %parallel_loop3A_803 : vector<16xi32>
        %parallel_loop3A_805 = arith.constant 35 : i32
        %parallel_loop3A_806 = vector.broadcast %parallel_loop3A_805 : i32 to vector<16xi32>
        %parallel_loop3A_807 = arith.ori %parallel_loop3A_804, %parallel_loop3A_806 : vector<16xi32>
        %parallel_loop3A_808 = tpu.bitcast %parallel_loop3A_807 : vector<16xi32> -> vector<16xf32>
        %parallel_loop3A_809 = arith.constant 3 : i32
        %parallel_loop3A_810 = arith.constant 5 : i32
        %parallel_loop3A_811 = arith.index_cast %parallel_loop3A_809 : i32 to index
        %parallel_loop3A_812 = arith.index_cast %scan3A_342 : i32 to index
        %parallel_loop3A_813 = arith.index_cast %parallel_loop3A_810 : i32 to index
        %parallel_loop3A_814 = arith.index_cast %parallel_loop3A_373 : i32 to index
        %parallel_loop3A_815 = tpu.vector_load %arg5[%parallel_loop3A_811, %parallel_loop3A_812, %parallel_loop3A_813, %parallel_loop3A_814] {strides = array<i32>} : memref<8x8x8x128xf32, #tpu.memory_space<vmem>>, vector<16xf32>,
        %parallel_loop3A_816 = tpu.bitcast %parallel_loop3A_815 : vector<16xf32> -> vector<16xi32>
        %parallel_loop3A_817 = arith.constant -64 : i32
        %parallel_loop3A_818 = vector.broadcast %parallel_loop3A_817 : i32 to vector<16xi32>
        %parallel_loop3A_819 = arith.andi %parallel_loop3A_816, %parallel_loop3A_818 : vector<16xi32>
        %parallel_loop3A_820 = arith.constant 34 : i32
        %parallel_loop3A_821 = vector.broadcast %parallel_loop3A_820 : i32 to vector<16xi32>
        %parallel_loop3A_822 = arith.ori %parallel_loop3A_819, %parallel_loop3A_821 : vector<16xi32>
        %parallel_loop3A_823 = tpu.bitcast %parallel_loop3A_822 : vector<16xi32> -> vector<16xf32>
        %parallel_loop3A_824 = arith.constant 3 : i32
        %parallel_loop3A_825 = arith.constant 6 : i32
        %parallel_loop3A_826 = arith.index_cast %parallel_loop3A_824 : i32 to index
        %parallel_loop3A_827 = arith.index_cast %scan3A_342 : i32 to index
        %parallel_loop3A_828 = arith.index_cast %parallel_loop3A_825 : i32 to index
        %parallel_loop3A_829 = arith.index_cast %parallel_loop3A_373 : i32 to index
        %parallel_loop3A_830 = tpu.vector_load %arg5[%parallel_loop3A_826, %parallel_loop3A_827, %parallel_loop3A_828, %parallel_loop3A_829] {strides = array<i32>} : memref<8x8x8x128xf32, #tpu.memory_space<vmem>>, vector<16xf32>,
        %parallel_loop3A_831 = tpu.bitcast %parallel_loop3A_830 : vector<16xf32> -> vector<16xi32>
        %parallel_loop3A_832 = arith.constant -64 : i32
        %parallel_loop3A_833 = vector.broadcast %parallel_loop3A_832 : i32 to vector<16xi32>
        %parallel_loop3A_834 = arith.andi %parallel_loop3A_831, %parallel_loop3A_833 : vector<16xi32>
        %parallel_loop3A_835 = arith.constant 33 : i32
        %parallel_loop3A_836 = vector.broadcast %parallel_loop3A_835 : i32 to vector<16xi32>
        %parallel_loop3A_837 = arith.ori %parallel_loop3A_834, %parallel_loop3A_836 : vector<16xi32>
        %parallel_loop3A_838 = tpu.bitcast %parallel_loop3A_837 : vector<16xi32> -> vector<16xf32>
        %parallel_loop3A_839 = arith.constant 3 : i32
        %parallel_loop3A_840 = arith.constant 7 : i32
        %parallel_loop3A_841 = arith.index_cast %parallel_loop3A_839 : i32 to index
        %parallel_loop3A_842 = arith.index_cast %scan3A_342 : i32 to index
        %parallel_loop3A_843 = arith.index_cast %parallel_loop3A_840 : i32 to index
        %parallel_loop3A_844 = arith.index_cast %parallel_loop3A_373 : i32 to index
        %parallel_loop3A_845 = tpu.vector_load %arg5[%parallel_loop3A_841, %parallel_loop3A_842, %parallel_loop3A_843, %parallel_loop3A_844] {strides = array<i32>} : memref<8x8x8x128xf32, #tpu.memory_space<vmem>>, vector<16xf32>,
        %parallel_loop3A_846 = tpu.bitcast %parallel_loop3A_845 : vector<16xf32> -> vector<16xi32>
        %parallel_loop3A_847 = arith.constant -64 : i32
        %parallel_loop3A_848 = vector.broadcast %parallel_loop3A_847 : i32 to vector<16xi32>
        %parallel_loop3A_849 = arith.andi %parallel_loop3A_846, %parallel_loop3A_848 : vector<16xi32>
        %parallel_loop3A_850 = arith.constant 32 : i32
        %parallel_loop3A_851 = vector.broadcast %parallel_loop3A_850 : i32 to vector<16xi32>
        %parallel_loop3A_852 = arith.ori %parallel_loop3A_849, %parallel_loop3A_851 : vector<16xi32>
        %parallel_loop3A_853 = tpu.bitcast %parallel_loop3A_852 : vector<16xi32> -> vector<16xf32>
        %parallel_loop3A_854 = arith.constant 4 : i32
        %parallel_loop3A_855 = arith.constant 0 : i32
        %parallel_loop3A_856 = arith.index_cast %parallel_loop3A_854 : i32 to index
        %parallel_loop3A_857 = arith.index_cast %scan3A_342 : i32 to index
        %parallel_loop3A_858 = arith.index_cast %parallel_loop3A_855 : i32 to index
        %parallel_loop3A_859 = arith.index_cast %parallel_loop3A_373 : i32 to index
        %parallel_loop3A_860 = tpu.vector_load %arg5[%parallel_loop3A_856, %parallel_loop3A_857, %parallel_loop3A_858, %parallel_loop3A_859] {strides = array<i32>} : memref<8x8x8x128xf32, #tpu.memory_space<vmem>>, vector<16xf32>,
        %parallel_loop3A_861 = tpu.bitcast %parallel_loop3A_860 : vector<16xf32> -> vector<16xi32>
        %parallel_loop3A_862 = arith.constant -64 : i32
        %parallel_loop3A_863 = vector.broadcast %parallel_loop3A_862 : i32 to vector<16xi32>
        %parallel_loop3A_864 = arith.andi %parallel_loop3A_861, %parallel_loop3A_863 : vector<16xi32>
        %parallel_loop3A_865 = arith.constant 31 : i32
        %parallel_loop3A_866 = vector.broadcast %parallel_loop3A_865 : i32 to vector<16xi32>
        %parallel_loop3A_867 = arith.ori %parallel_loop3A_864, %parallel_loop3A_866 : vector<16xi32>
        %parallel_loop3A_868 = tpu.bitcast %parallel_loop3A_867 : vector<16xi32> -> vector<16xf32>
        %parallel_loop3A_869 = arith.constant 4 : i32
        %parallel_loop3A_870 = arith.constant 1 : i32
        %parallel_loop3A_871 = arith.index_cast %parallel_loop3A_869 : i32 to index
        %parallel_loop3A_872 = arith.index_cast %scan3A_342 : i32 to index
        %parallel_loop3A_873 = arith.index_cast %parallel_loop3A_870 : i32 to index
        %parallel_loop3A_874 = arith.index_cast %parallel_loop3A_373 : i32 to index
        %parallel_loop3A_875 = tpu.vector_load %arg5[%parallel_loop3A_871, %parallel_loop3A_872, %parallel_loop3A_873, %parallel_loop3A_874] {strides = array<i32>} : memref<8x8x8x128xf32, #tpu.memory_space<vmem>>, vector<16xf32>,
        %parallel_loop3A_876 = tpu.bitcast %parallel_loop3A_875 : vector<16xf32> -> vector<16xi32>
        %parallel_loop3A_877 = arith.constant -64 : i32
        %parallel_loop3A_878 = vector.broadcast %parallel_loop3A_877 : i32 to vector<16xi32>
        %parallel_loop3A_879 = arith.andi %parallel_loop3A_876, %parallel_loop3A_878 : vector<16xi32>
        %parallel_loop3A_880 = arith.constant 30 : i32
        %parallel_loop3A_881 = vector.broadcast %parallel_loop3A_880 : i32 to vector<16xi32>
        %parallel_loop3A_882 = arith.ori %parallel_loop3A_879, %parallel_loop3A_881 : vector<16xi32>
        %parallel_loop3A_883 = tpu.bitcast %parallel_loop3A_882 : vector<16xi32> -> vector<16xf32>
        %parallel_loop3A_884 = arith.constant 4 : i32
        %parallel_loop3A_885 = arith.constant 2 : i32
        %parallel_loop3A_886 = arith.index_cast %parallel_loop3A_884 : i32 to index
        %parallel_loop3A_887 = arith.index_cast %scan3A_342 : i32 to index
        %parallel_loop3A_888 = arith.index_cast %parallel_loop3A_885 : i32 to index
        %parallel_loop3A_889 = arith.index_cast %parallel_loop3A_373 : i32 to index
        %parallel_loop3A_890 = tpu.vector_load %arg5[%parallel_loop3A_886, %parallel_loop3A_887, %parallel_loop3A_888, %parallel_loop3A_889] {strides = array<i32>} : memref<8x8x8x128xf32, #tpu.memory_space<vmem>>, vector<16xf32>,
        %parallel_loop3A_891 = tpu.bitcast %parallel_loop3A_890 : vector<16xf32> -> vector<16xi32>
        %parallel_loop3A_892 = arith.constant -64 : i32
        %parallel_loop3A_893 = vector.broadcast %parallel_loop3A_892 : i32 to vector<16xi32>
        %parallel_loop3A_894 = arith.andi %parallel_loop3A_891, %parallel_loop3A_893 : vector<16xi32>
        %parallel_loop3A_895 = arith.constant 29 : i32
        %parallel_loop3A_896 = vector.broadcast %parallel_loop3A_895 : i32 to vector<16xi32>
        %parallel_loop3A_897 = arith.ori %parallel_loop3A_894, %parallel_loop3A_896 : vector<16xi32>
        %parallel_loop3A_898 = tpu.bitcast %parallel_loop3A_897 : vector<16xi32> -> vector<16xf32>
        %parallel_loop3A_899 = arith.constant 4 : i32
        %parallel_loop3A_900 = arith.constant 3 : i32
        %parallel_loop3A_901 = arith.index_cast %parallel_loop3A_899 : i32 to index
        %parallel_loop3A_902 = arith.index_cast %scan3A_342 : i32 to index
        %parallel_loop3A_903 = arith.index_cast %parallel_loop3A_900 : i32 to index
        %parallel_loop3A_904 = arith.index_cast %parallel_loop3A_373 : i32 to index
        %parallel_loop3A_905 = tpu.vector_load %arg5[%parallel_loop3A_901, %parallel_loop3A_902, %parallel_loop3A_903, %parallel_loop3A_904] {strides = array<i32>} : memref<8x8x8x128xf32, #tpu.memory_space<vmem>>, vector<16xf32>,
        %parallel_loop3A_906 = tpu.bitcast %parallel_loop3A_905 : vector<16xf32> -> vector<16xi32>
        %parallel_loop3A_907 = arith.constant -64 : i32
        %parallel_loop3A_908 = vector.broadcast %parallel_loop3A_907 : i32 to vector<16xi32>
        %parallel_loop3A_909 = arith.andi %parallel_loop3A_906, %parallel_loop3A_908 : vector<16xi32>
        %parallel_loop3A_910 = arith.constant 28 : i32
        %parallel_loop3A_911 = vector.broadcast %parallel_loop3A_910 : i32 to vector<16xi32>
        %parallel_loop3A_912 = arith.ori %parallel_loop3A_909, %parallel_loop3A_911 : vector<16xi32>
        %parallel_loop3A_913 = tpu.bitcast %parallel_loop3A_912 : vector<16xi32> -> vector<16xf32>
        %parallel_loop3A_914 = arith.constant 4 : i32
        %parallel_loop3A_915 = arith.constant 4 : i32
        %parallel_loop3A_916 = arith.index_cast %parallel_loop3A_914 : i32 to index
        %parallel_loop3A_917 = arith.index_cast %scan3A_342 : i32 to index
        %parallel_loop3A_918 = arith.index_cast %parallel_loop3A_915 : i32 to index
        %parallel_loop3A_919 = arith.index_cast %parallel_loop3A_373 : i32 to index
        %parallel_loop3A_920 = tpu.vector_load %arg5[%parallel_loop3A_916, %parallel_loop3A_917, %parallel_loop3A_918, %parallel_loop3A_919] {strides = array<i32>} : memref<8x8x8x128xf32, #tpu.memory_space<vmem>>, vector<16xf32>,
        %parallel_loop3A_921 = tpu.bitcast %parallel_loop3A_920 : vector<16xf32> -> vector<16xi32>
        %parallel_loop3A_922 = arith.constant -64 : i32
        %parallel_loop3A_923 = vector.broadcast %parallel_loop3A_922 : i32 to vector<16xi32>
        %parallel_loop3A_924 = arith.andi %parallel_loop3A_921, %parallel_loop3A_923 : vector<16xi32>
        %parallel_loop3A_925 = arith.constant 27 : i32
        %parallel_loop3A_926 = vector.broadcast %parallel_loop3A_925 : i32 to vector<16xi32>
        %parallel_loop3A_927 = arith.ori %parallel_loop3A_924, %parallel_loop3A_926 : vector<16xi32>
        %parallel_loop3A_928 = tpu.bitcast %parallel_loop3A_927 : vector<16xi32> -> vector<16xf32>
        %parallel_loop3A_929 = arith.constant 4 : i32
        %parallel_loop3A_930 = arith.constant 5 : i32
        %parallel_loop3A_931 = arith.index_cast %parallel_loop3A_929 : i32 to index
        %parallel_loop3A_932 = arith.index_cast %scan3A_342 : i32 to index
        %parallel_loop3A_933 = arith.index_cast %parallel_loop3A_930 : i32 to index
        %parallel_loop3A_934 = arith.index_cast %parallel_loop3A_373 : i32 to index
        %parallel_loop3A_935 = tpu.vector_load %arg5[%parallel_loop3A_931, %parallel_loop3A_932, %parallel_loop3A_933, %parallel_loop3A_934] {strides = array<i32>} : memref<8x8x8x128xf32, #tpu.memory_space<vmem>>, vector<16xf32>,
        %parallel_loop3A_936 = tpu.bitcast %parallel_loop3A_935 : vector<16xf32> -> vector<16xi32>
        %parallel_loop3A_937 = arith.constant -64 : i32
        %parallel_loop3A_938 = vector.broadcast %parallel_loop3A_937 : i32 to vector<16xi32>
        %parallel_loop3A_939 = arith.andi %parallel_loop3A_936, %parallel_loop3A_938 : vector<16xi32>
        %parallel_loop3A_940 = arith.constant 26 : i32
        %parallel_loop3A_941 = vector.broadcast %parallel_loop3A_940 : i32 to vector<16xi32>
        %parallel_loop3A_942 = arith.ori %parallel_loop3A_939, %parallel_loop3A_941 : vector<16xi32>
        %parallel_loop3A_943 = tpu.bitcast %parallel_loop3A_942 : vector<16xi32> -> vector<16xf32>
        %parallel_loop3A_944 = arith.constant 4 : i32
        %parallel_loop3A_945 = arith.constant 6 : i32
        %parallel_loop3A_946 = arith.index_cast %parallel_loop3A_944 : i32 to index
        %parallel_loop3A_947 = arith.index_cast %scan3A_342 : i32 to index
        %parallel_loop3A_948 = arith.index_cast %parallel_loop3A_945 : i32 to index
        %parallel_loop3A_949 = arith.index_cast %parallel_loop3A_373 : i32 to index
        %parallel_loop3A_950 = tpu.vector_load %arg5[%parallel_loop3A_946, %parallel_loop3A_947, %parallel_loop3A_948, %parallel_loop3A_949] {strides = array<i32>} : memref<8x8x8x128xf32, #tpu.memory_space<vmem>>, vector<16xf32>,
        %parallel_loop3A_951 = tpu.bitcast %parallel_loop3A_950 : vector<16xf32> -> vector<16xi32>
        %parallel_loop3A_952 = arith.constant -64 : i32
        %parallel_loop3A_953 = vector.broadcast %parallel_loop3A_952 : i32 to vector<16xi32>
        %parallel_loop3A_954 = arith.andi %parallel_loop3A_951, %parallel_loop3A_953 : vector<16xi32>
        %parallel_loop3A_955 = arith.constant 25 : i32
        %parallel_loop3A_956 = vector.broadcast %parallel_loop3A_955 : i32 to vector<16xi32>
        %parallel_loop3A_957 = arith.ori %parallel_loop3A_954, %parallel_loop3A_956 : vector<16xi32>
        %parallel_loop3A_958 = tpu.bitcast %parallel_loop3A_957 : vector<16xi32> -> vector<16xf32>
        %parallel_loop3A_959 = arith.constant 4 : i32
        %parallel_loop3A_960 = arith.constant 7 : i32
        %parallel_loop3A_961 = arith.index_cast %parallel_loop3A_959 : i32 to index
        %parallel_loop3A_962 = arith.index_cast %scan3A_342 : i32 to index
        %parallel_loop3A_963 = arith.index_cast %parallel_loop3A_960 : i32 to index
        %parallel_loop3A_964 = arith.index_cast %parallel_loop3A_373 : i32 to index
        %parallel_loop3A_965 = tpu.vector_load %arg5[%parallel_loop3A_961, %parallel_loop3A_962, %parallel_loop3A_963, %parallel_loop3A_964] {strides = array<i32>} : memref<8x8x8x128xf32, #tpu.memory_space<vmem>>, vector<16xf32>,
        %parallel_loop3A_966 = tpu.bitcast %parallel_loop3A_965 : vector<16xf32> -> vector<16xi32>
        %parallel_loop3A_967 = arith.constant -64 : i32
        %parallel_loop3A_968 = vector.broadcast %parallel_loop3A_967 : i32 to vector<16xi32>
        %parallel_loop3A_969 = arith.andi %parallel_loop3A_966, %parallel_loop3A_968 : vector<16xi32>
        %parallel_loop3A_970 = arith.constant 24 : i32
        %parallel_loop3A_971 = vector.broadcast %parallel_loop3A_970 : i32 to vector<16xi32>
        %parallel_loop3A_972 = arith.ori %parallel_loop3A_969, %parallel_loop3A_971 : vector<16xi32>
        %parallel_loop3A_973 = tpu.bitcast %parallel_loop3A_972 : vector<16xi32> -> vector<16xf32>
        %parallel_loop3A_974 = arith.constant 5 : i32
        %parallel_loop3A_975 = arith.constant 0 : i32
        %parallel_loop3A_976 = arith.index_cast %parallel_loop3A_974 : i32 to index
        %parallel_loop3A_977 = arith.index_cast %scan3A_342 : i32 to index
        %parallel_loop3A_978 = arith.index_cast %parallel_loop3A_975 : i32 to index
        %parallel_loop3A_979 = arith.index_cast %parallel_loop3A_373 : i32 to index
        %parallel_loop3A_980 = tpu.vector_load %arg5[%parallel_loop3A_976, %parallel_loop3A_977, %parallel_loop3A_978, %parallel_loop3A_979] {strides = array<i32>} : memref<8x8x8x128xf32, #tpu.memory_space<vmem>>, vector<16xf32>,
        %parallel_loop3A_981 = tpu.bitcast %parallel_loop3A_980 : vector<16xf32> -> vector<16xi32>
        %parallel_loop3A_982 = arith.constant -64 : i32
        %parallel_loop3A_983 = vector.broadcast %parallel_loop3A_982 : i32 to vector<16xi32>
        %parallel_loop3A_984 = arith.andi %parallel_loop3A_981, %parallel_loop3A_983 : vector<16xi32>
        %parallel_loop3A_985 = arith.constant 23 : i32
        %parallel_loop3A_986 = vector.broadcast %parallel_loop3A_985 : i32 to vector<16xi32>
        %parallel_loop3A_987 = arith.ori %parallel_loop3A_984, %parallel_loop3A_986 : vector<16xi32>
        %parallel_loop3A_988 = tpu.bitcast %parallel_loop3A_987 : vector<16xi32> -> vector<16xf32>
        %parallel_loop3A_989 = arith.constant 5 : i32
        %parallel_loop3A_990 = arith.constant 1 : i32
        %parallel_loop3A_991 = arith.index_cast %parallel_loop3A_989 : i32 to index
        %parallel_loop3A_992 = arith.index_cast %scan3A_342 : i32 to index
        %parallel_loop3A_993 = arith.index_cast %parallel_loop3A_990 : i32 to index
        %parallel_loop3A_994 = arith.index_cast %parallel_loop3A_373 : i32 to index
        %parallel_loop3A_995 = tpu.vector_load %arg5[%parallel_loop3A_991, %parallel_loop3A_992, %parallel_loop3A_993, %parallel_loop3A_994] {strides = array<i32>} : memref<8x8x8x128xf32, #tpu.memory_space<vmem>>, vector<16xf32>,
        %parallel_loop3A_996 = tpu.bitcast %parallel_loop3A_995 : vector<16xf32> -> vector<16xi32>
        %parallel_loop3A_997 = arith.constant -64 : i32
        %parallel_loop3A_998 = vector.broadcast %parallel_loop3A_997 : i32 to vector<16xi32>
        %parallel_loop3A_999 = arith.andi %parallel_loop3A_996, %parallel_loop3A_998 : vector<16xi32>
        %parallel_loop3A_1000 = arith.constant 22 : i32
        %parallel_loop3A_1001 = vector.broadcast %parallel_loop3A_1000 : i32 to vector<16xi32>
        %parallel_loop3A_1002 = arith.ori %parallel_loop3A_999, %parallel_loop3A_1001 : vector<16xi32>
        %parallel_loop3A_1003 = tpu.bitcast %parallel_loop3A_1002 : vector<16xi32> -> vector<16xf32>
        %parallel_loop3A_1004 = arith.constant 5 : i32
        %parallel_loop3A_1005 = arith.constant 2 : i32
        %parallel_loop3A_1006 = arith.index_cast %parallel_loop3A_1004 : i32 to index
        %parallel_loop3A_1007 = arith.index_cast %scan3A_342 : i32 to index
        %parallel_loop3A_1008 = arith.index_cast %parallel_loop3A_1005 : i32 to index
        %parallel_loop3A_1009 = arith.index_cast %parallel_loop3A_373 : i32 to index
        %parallel_loop3A_1010 = tpu.vector_load %arg5[%parallel_loop3A_1006, %parallel_loop3A_1007, %parallel_loop3A_1008, %parallel_loop3A_1009] {strides = array<i32>} : memref<8x8x8x128xf32, #tpu.memory_space<vmem>>, vector<16xf32>,
        %parallel_loop3A_1011 = tpu.bitcast %parallel_loop3A_1010 : vector<16xf32> -> vector<16xi32>
        %parallel_loop3A_1012 = arith.constant -64 : i32
        %parallel_loop3A_1013 = vector.broadcast %parallel_loop3A_1012 : i32 to vector<16xi32>
        %parallel_loop3A_1014 = arith.andi %parallel_loop3A_1011, %parallel_loop3A_1013 : vector<16xi32>
        %parallel_loop3A_1015 = arith.constant 21 : i32
        %parallel_loop3A_1016 = vector.broadcast %parallel_loop3A_1015 : i32 to vector<16xi32>
        %parallel_loop3A_1017 = arith.ori %parallel_loop3A_1014, %parallel_loop3A_1016 : vector<16xi32>
        %parallel_loop3A_1018 = tpu.bitcast %parallel_loop3A_1017 : vector<16xi32> -> vector<16xf32>
        %parallel_loop3A_1019 = arith.constant 5 : i32
        %parallel_loop3A_1020 = arith.constant 3 : i32
        %parallel_loop3A_1021 = arith.index_cast %parallel_loop3A_1019 : i32 to index
        %parallel_loop3A_1022 = arith.index_cast %scan3A_342 : i32 to index
        %parallel_loop3A_1023 = arith.index_cast %parallel_loop3A_1020 : i32 to index
        %parallel_loop3A_1024 = arith.index_cast %parallel_loop3A_373 : i32 to index
        %parallel_loop3A_1025 = tpu.vector_load %arg5[%parallel_loop3A_1021, %parallel_loop3A_1022, %parallel_loop3A_1023, %parallel_loop3A_1024] {strides = array<i32>} : memref<8x8x8x128xf32, #tpu.memory_space<vmem>>, vector<16xf32>,
        %parallel_loop3A_1026 = tpu.bitcast %parallel_loop3A_1025 : vector<16xf32> -> vector<16xi32>
        %parallel_loop3A_1027 = arith.constant -64 : i32
        %parallel_loop3A_1028 = vector.broadcast %parallel_loop3A_1027 : i32 to vector<16xi32>
        %parallel_loop3A_1029 = arith.andi %parallel_loop3A_1026, %parallel_loop3A_1028 : vector<16xi32>
        %parallel_loop3A_1030 = arith.constant 20 : i32
        %parallel_loop3A_1031 = vector.broadcast %parallel_loop3A_1030 : i32 to vector<16xi32>
        %parallel_loop3A_1032 = arith.ori %parallel_loop3A_1029, %parallel_loop3A_1031 : vector<16xi32>
        %parallel_loop3A_1033 = tpu.bitcast %parallel_loop3A_1032 : vector<16xi32> -> vector<16xf32>
        %parallel_loop3A_1034 = arith.constant 5 : i32
        %parallel_loop3A_1035 = arith.constant 4 : i32
        %parallel_loop3A_1036 = arith.index_cast %parallel_loop3A_1034 : i32 to index
        %parallel_loop3A_1037 = arith.index_cast %scan3A_342 : i32 to index
        %parallel_loop3A_1038 = arith.index_cast %parallel_loop3A_1035 : i32 to index
        %parallel_loop3A_1039 = arith.index_cast %parallel_loop3A_373 : i32 to index
        %parallel_loop3A_1040 = tpu.vector_load %arg5[%parallel_loop3A_1036, %parallel_loop3A_1037, %parallel_loop3A_1038, %parallel_loop3A_1039] {strides = array<i32>} : memref<8x8x8x128xf32, #tpu.memory_space<vmem>>, vector<16xf32>,
        %parallel_loop3A_1041 = tpu.bitcast %parallel_loop3A_1040 : vector<16xf32> -> vector<16xi32>
        %parallel_loop3A_1042 = arith.constant -64 : i32
        %parallel_loop3A_1043 = vector.broadcast %parallel_loop3A_1042 : i32 to vector<16xi32>
        %parallel_loop3A_1044 = arith.andi %parallel_loop3A_1041, %parallel_loop3A_1043 : vector<16xi32>
        %parallel_loop3A_1045 = arith.constant 19 : i32
        %parallel_loop3A_1046 = vector.broadcast %parallel_loop3A_1045 : i32 to vector<16xi32>
        %parallel_loop3A_1047 = arith.ori %parallel_loop3A_1044, %parallel_loop3A_1046 : vector<16xi32>
        %parallel_loop3A_1048 = tpu.bitcast %parallel_loop3A_1047 : vector<16xi32> -> vector<16xf32>
        %parallel_loop3A_1049 = arith.constant 5 : i32
        %parallel_loop3A_1050 = arith.constant 5 : i32
        %parallel_loop3A_1051 = arith.index_cast %parallel_loop3A_1049 : i32 to index
        %parallel_loop3A_1052 = arith.index_cast %scan3A_342 : i32 to index
        %parallel_loop3A_1053 = arith.index_cast %parallel_loop3A_1050 : i32 to index
        %parallel_loop3A_1054 = arith.index_cast %parallel_loop3A_373 : i32 to index
        %parallel_loop3A_1055 = tpu.vector_load %arg5[%parallel_loop3A_1051, %parallel_loop3A_1052, %parallel_loop3A_1053, %parallel_loop3A_1054] {strides = array<i32>} : memref<8x8x8x128xf32, #tpu.memory_space<vmem>>, vector<16xf32>,
        %parallel_loop3A_1056 = tpu.bitcast %parallel_loop3A_1055 : vector<16xf32> -> vector<16xi32>
        %parallel_loop3A_1057 = arith.constant -64 : i32
        %parallel_loop3A_1058 = vector.broadcast %parallel_loop3A_1057 : i32 to vector<16xi32>
        %parallel_loop3A_1059 = arith.andi %parallel_loop3A_1056, %parallel_loop3A_1058 : vector<16xi32>
        %parallel_loop3A_1060 = arith.constant 18 : i32
        %parallel_loop3A_1061 = vector.broadcast %parallel_loop3A_1060 : i32 to vector<16xi32>
        %parallel_loop3A_1062 = arith.ori %parallel_loop3A_1059, %parallel_loop3A_1061 : vector<16xi32>
        %parallel_loop3A_1063 = tpu.bitcast %parallel_loop3A_1062 : vector<16xi32> -> vector<16xf32>
        %parallel_loop3A_1064 = arith.constant 5 : i32
        %parallel_loop3A_1065 = arith.constant 6 : i32
        %parallel_loop3A_1066 = arith.index_cast %parallel_loop3A_1064 : i32 to index
        %parallel_loop3A_1067 = arith.index_cast %scan3A_342 : i32 to index
        %parallel_loop3A_1068 = arith.index_cast %parallel_loop3A_1065 : i32 to index
        %parallel_loop3A_1069 = arith.index_cast %parallel_loop3A_373 : i32 to index
        %parallel_loop3A_1070 = tpu.vector_load %arg5[%parallel_loop3A_1066, %parallel_loop3A_1067, %parallel_loop3A_1068, %parallel_loop3A_1069] {strides = array<i32>} : memref<8x8x8x128xf32, #tpu.memory_space<vmem>>, vector<16xf32>,
        %parallel_loop3A_1071 = tpu.bitcast %parallel_loop3A_1070 : vector<16xf32> -> vector<16xi32>
        %parallel_loop3A_1072 = arith.constant -64 : i32
        %parallel_loop3A_1073 = vector.broadcast %parallel_loop3A_1072 : i32 to vector<16xi32>
        %parallel_loop3A_1074 = arith.andi %parallel_loop3A_1071, %parallel_loop3A_1073 : vector<16xi32>
        %parallel_loop3A_1075 = arith.constant 17 : i32
        %parallel_loop3A_1076 = vector.broadcast %parallel_loop3A_1075 : i32 to vector<16xi32>
        %parallel_loop3A_1077 = arith.ori %parallel_loop3A_1074, %parallel_loop3A_1076 : vector<16xi32>
        %parallel_loop3A_1078 = tpu.bitcast %parallel_loop3A_1077 : vector<16xi32> -> vector<16xf32>
        %parallel_loop3A_1079 = arith.constant 5 : i32
        %parallel_loop3A_1080 = arith.constant 7 : i32
        %parallel_loop3A_1081 = arith.index_cast %parallel_loop3A_1079 : i32 to index
        %parallel_loop3A_1082 = arith.index_cast %scan3A_342 : i32 to index
        %parallel_loop3A_1083 = arith.index_cast %parallel_loop3A_1080 : i32 to index
        %parallel_loop3A_1084 = arith.index_cast %parallel_loop3A_373 : i32 to index
        %parallel_loop3A_1085 = tpu.vector_load %arg5[%parallel_loop3A_1081, %parallel_loop3A_1082, %parallel_loop3A_1083, %parallel_loop3A_1084] {strides = array<i32>} : memref<8x8x8x128xf32, #tpu.memory_space<vmem>>, vector<16xf32>,
        %parallel_loop3A_1086 = tpu.bitcast %parallel_loop3A_1085 : vector<16xf32> -> vector<16xi32>
        %parallel_loop3A_1087 = arith.constant -64 : i32
        %parallel_loop3A_1088 = vector.broadcast %parallel_loop3A_1087 : i32 to vector<16xi32>
        %parallel_loop3A_1089 = arith.andi %parallel_loop3A_1086, %parallel_loop3A_1088 : vector<16xi32>
        %parallel_loop3A_1090 = arith.constant 16 : i32
        %parallel_loop3A_1091 = vector.broadcast %parallel_loop3A_1090 : i32 to vector<16xi32>
        %parallel_loop3A_1092 = arith.ori %parallel_loop3A_1089, %parallel_loop3A_1091 : vector<16xi32>
        %parallel_loop3A_1093 = tpu.bitcast %parallel_loop3A_1092 : vector<16xi32> -> vector<16xf32>
        %parallel_loop3A_1094 = arith.constant 6 : i32
        %parallel_loop3A_1095 = arith.constant 0 : i32
        %parallel_loop3A_1096 = arith.index_cast %parallel_loop3A_1094 : i32 to index
        %parallel_loop3A_1097 = arith.index_cast %scan3A_342 : i32 to index
        %parallel_loop3A_1098 = arith.index_cast %parallel_loop3A_1095 : i32 to index
        %parallel_loop3A_1099 = arith.index_cast %parallel_loop3A_373 : i32 to index
        %parallel_loop3A_1100 = tpu.vector_load %arg5[%parallel_loop3A_1096, %parallel_loop3A_1097, %parallel_loop3A_1098, %parallel_loop3A_1099] {strides = array<i32>} : memref<8x8x8x128xf32, #tpu.memory_space<vmem>>, vector<16xf32>,
        %parallel_loop3A_1101 = tpu.bitcast %parallel_loop3A_1100 : vector<16xf32> -> vector<16xi32>
        %parallel_loop3A_1102 = arith.constant -64 : i32
        %parallel_loop3A_1103 = vector.broadcast %parallel_loop3A_1102 : i32 to vector<16xi32>
        %parallel_loop3A_1104 = arith.andi %parallel_loop3A_1101, %parallel_loop3A_1103 : vector<16xi32>
        %parallel_loop3A_1105 = arith.constant 15 : i32
        %parallel_loop3A_1106 = vector.broadcast %parallel_loop3A_1105 : i32 to vector<16xi32>
        %parallel_loop3A_1107 = arith.ori %parallel_loop3A_1104, %parallel_loop3A_1106 : vector<16xi32>
        %parallel_loop3A_1108 = tpu.bitcast %parallel_loop3A_1107 : vector<16xi32> -> vector<16xf32>
        %parallel_loop3A_1109 = arith.constant 6 : i32
        %parallel_loop3A_1110 = arith.constant 1 : i32
        %parallel_loop3A_1111 = arith.index_cast %parallel_loop3A_1109 : i32 to index
        %parallel_loop3A_1112 = arith.index_cast %scan3A_342 : i32 to index
        %parallel_loop3A_1113 = arith.index_cast %parallel_loop3A_1110 : i32 to index
        %parallel_loop3A_1114 = arith.index_cast %parallel_loop3A_373 : i32 to index
        %parallel_loop3A_1115 = tpu.vector_load %arg5[%parallel_loop3A_1111, %parallel_loop3A_1112, %parallel_loop3A_1113, %parallel_loop3A_1114] {strides = array<i32>} : memref<8x8x8x128xf32, #tpu.memory_space<vmem>>, vector<16xf32>,
        %parallel_loop3A_1116 = tpu.bitcast %parallel_loop3A_1115 : vector<16xf32> -> vector<16xi32>
        %parallel_loop3A_1117 = arith.constant -64 : i32
        %parallel_loop3A_1118 = vector.broadcast %parallel_loop3A_1117 : i32 to vector<16xi32>
        %parallel_loop3A_1119 = arith.andi %parallel_loop3A_1116, %parallel_loop3A_1118 : vector<16xi32>
        %parallel_loop3A_1120 = arith.constant 14 : i32
        %parallel_loop3A_1121 = vector.broadcast %parallel_loop3A_1120 : i32 to vector<16xi32>
        %parallel_loop3A_1122 = arith.ori %parallel_loop3A_1119, %parallel_loop3A_1121 : vector<16xi32>
        %parallel_loop3A_1123 = tpu.bitcast %parallel_loop3A_1122 : vector<16xi32> -> vector<16xf32>
        %parallel_loop3A_1124 = arith.constant 6 : i32
        %parallel_loop3A_1125 = arith.constant 2 : i32
        %parallel_loop3A_1126 = arith.index_cast %parallel_loop3A_1124 : i32 to index
        %parallel_loop3A_1127 = arith.index_cast %scan3A_342 : i32 to index
        %parallel_loop3A_1128 = arith.index_cast %parallel_loop3A_1125 : i32 to index
        %parallel_loop3A_1129 = arith.index_cast %parallel_loop3A_373 : i32 to index
        %parallel_loop3A_1130 = tpu.vector_load %arg5[%parallel_loop3A_1126, %parallel_loop3A_1127, %parallel_loop3A_1128, %parallel_loop3A_1129] {strides = array<i32>} : memref<8x8x8x128xf32, #tpu.memory_space<vmem>>, vector<16xf32>,
        %parallel_loop3A_1131 = tpu.bitcast %parallel_loop3A_1130 : vector<16xf32> -> vector<16xi32>
        %parallel_loop3A_1132 = arith.constant -64 : i32
        %parallel_loop3A_1133 = vector.broadcast %parallel_loop3A_1132 : i32 to vector<16xi32>
        %parallel_loop3A_1134 = arith.andi %parallel_loop3A_1131, %parallel_loop3A_1133 : vector<16xi32>
        %parallel_loop3A_1135 = arith.constant 13 : i32
        %parallel_loop3A_1136 = vector.broadcast %parallel_loop3A_1135 : i32 to vector<16xi32>
        %parallel_loop3A_1137 = arith.ori %parallel_loop3A_1134, %parallel_loop3A_1136 : vector<16xi32>
        %parallel_loop3A_1138 = tpu.bitcast %parallel_loop3A_1137 : vector<16xi32> -> vector<16xf32>
        %parallel_loop3A_1139 = arith.constant 6 : i32
        %parallel_loop3A_1140 = arith.constant 3 : i32
        %parallel_loop3A_1141 = arith.index_cast %parallel_loop3A_1139 : i32 to index
        %parallel_loop3A_1142 = arith.index_cast %scan3A_342 : i32 to index
        %parallel_loop3A_1143 = arith.index_cast %parallel_loop3A_1140 : i32 to index
        %parallel_loop3A_1144 = arith.index_cast %parallel_loop3A_373 : i32 to index
        %parallel_loop3A_1145 = tpu.vector_load %arg5[%parallel_loop3A_1141, %parallel_loop3A_1142, %parallel_loop3A_1143, %parallel_loop3A_1144] {strides = array<i32>} : memref<8x8x8x128xf32, #tpu.memory_space<vmem>>, vector<16xf32>,
        %parallel_loop3A_1146 = tpu.bitcast %parallel_loop3A_1145 : vector<16xf32> -> vector<16xi32>
        %parallel_loop3A_1147 = arith.constant -64 : i32
        %parallel_loop3A_1148 = vector.broadcast %parallel_loop3A_1147 : i32 to vector<16xi32>
        %parallel_loop3A_1149 = arith.andi %parallel_loop3A_1146, %parallel_loop3A_1148 : vector<16xi32>
        %parallel_loop3A_1150 = arith.constant 12 : i32
        %parallel_loop3A_1151 = vector.broadcast %parallel_loop3A_1150 : i32 to vector<16xi32>
        %parallel_loop3A_1152 = arith.ori %parallel_loop3A_1149, %parallel_loop3A_1151 : vector<16xi32>
        %parallel_loop3A_1153 = tpu.bitcast %parallel_loop3A_1152 : vector<16xi32> -> vector<16xf32>
        %parallel_loop3A_1154 = arith.constant 6 : i32
        %parallel_loop3A_1155 = arith.constant 4 : i32
        %parallel_loop3A_1156 = arith.index_cast %parallel_loop3A_1154 : i32 to index
        %parallel_loop3A_1157 = arith.index_cast %scan3A_342 : i32 to index
        %parallel_loop3A_1158 = arith.index_cast %parallel_loop3A_1155 : i32 to index
        %parallel_loop3A_1159 = arith.index_cast %parallel_loop3A_373 : i32 to index
        %parallel_loop3A_1160 = tpu.vector_load %arg5[%parallel_loop3A_1156, %parallel_loop3A_1157, %parallel_loop3A_1158, %parallel_loop3A_1159] {strides = array<i32>} : memref<8x8x8x128xf32, #tpu.memory_space<vmem>>, vector<16xf32>,
        %parallel_loop3A_1161 = tpu.bitcast %parallel_loop3A_1160 : vector<16xf32> -> vector<16xi32>
        %parallel_loop3A_1162 = arith.constant -64 : i32
        %parallel_loop3A_1163 = vector.broadcast %parallel_loop3A_1162 : i32 to vector<16xi32>
        %parallel_loop3A_1164 = arith.andi %parallel_loop3A_1161, %parallel_loop3A_1163 : vector<16xi32>
        %parallel_loop3A_1165 = arith.constant 11 : i32
        %parallel_loop3A_1166 = vector.broadcast %parallel_loop3A_1165 : i32 to vector<16xi32>
        %parallel_loop3A_1167 = arith.ori %parallel_loop3A_1164, %parallel_loop3A_1166 : vector<16xi32>
        %parallel_loop3A_1168 = tpu.bitcast %parallel_loop3A_1167 : vector<16xi32> -> vector<16xf32>
        %parallel_loop3A_1169 = arith.constant 6 : i32
        %parallel_loop3A_1170 = arith.constant 5 : i32
        %parallel_loop3A_1171 = arith.index_cast %parallel_loop3A_1169 : i32 to index
        %parallel_loop3A_1172 = arith.index_cast %scan3A_342 : i32 to index
        %parallel_loop3A_1173 = arith.index_cast %parallel_loop3A_1170 : i32 to index
        %parallel_loop3A_1174 = arith.index_cast %parallel_loop3A_373 : i32 to index
        %parallel_loop3A_1175 = tpu.vector_load %arg5[%parallel_loop3A_1171, %parallel_loop3A_1172, %parallel_loop3A_1173, %parallel_loop3A_1174] {strides = array<i32>} : memref<8x8x8x128xf32, #tpu.memory_space<vmem>>, vector<16xf32>,
        %parallel_loop3A_1176 = tpu.bitcast %parallel_loop3A_1175 : vector<16xf32> -> vector<16xi32>
        %parallel_loop3A_1177 = arith.constant -64 : i32
        %parallel_loop3A_1178 = vector.broadcast %parallel_loop3A_1177 : i32 to vector<16xi32>
        %parallel_loop3A_1179 = arith.andi %parallel_loop3A_1176, %parallel_loop3A_1178 : vector<16xi32>
        %parallel_loop3A_1180 = arith.constant 10 : i32
        %parallel_loop3A_1181 = vector.broadcast %parallel_loop3A_1180 : i32 to vector<16xi32>
        %parallel_loop3A_1182 = arith.ori %parallel_loop3A_1179, %parallel_loop3A_1181 : vector<16xi32>
        %parallel_loop3A_1183 = tpu.bitcast %parallel_loop3A_1182 : vector<16xi32> -> vector<16xf32>
        %parallel_loop3A_1184 = arith.constant 6 : i32
        %parallel_loop3A_1185 = arith.constant 6 : i32
        %parallel_loop3A_1186 = arith.index_cast %parallel_loop3A_1184 : i32 to index
        %parallel_loop3A_1187 = arith.index_cast %scan3A_342 : i32 to index
        %parallel_loop3A_1188 = arith.index_cast %parallel_loop3A_1185 : i32 to index
        %parallel_loop3A_1189 = arith.index_cast %parallel_loop3A_373 : i32 to index
        %parallel_loop3A_1190 = tpu.vector_load %arg5[%parallel_loop3A_1186, %parallel_loop3A_1187, %parallel_loop3A_1188, %parallel_loop3A_1189] {strides = array<i32>} : memref<8x8x8x128xf32, #tpu.memory_space<vmem>>, vector<16xf32>,
        %parallel_loop3A_1191 = tpu.bitcast %parallel_loop3A_1190 : vector<16xf32> -> vector<16xi32>
        %parallel_loop3A_1192 = arith.constant -64 : i32
        %parallel_loop3A_1193 = vector.broadcast %parallel_loop3A_1192 : i32 to vector<16xi32>
        %parallel_loop3A_1194 = arith.andi %parallel_loop3A_1191, %parallel_loop3A_1193 : vector<16xi32>
        %parallel_loop3A_1195 = arith.constant 9 : i32
        %parallel_loop3A_1196 = vector.broadcast %parallel_loop3A_1195 : i32 to vector<16xi32>
        %parallel_loop3A_1197 = arith.ori %parallel_loop3A_1194, %parallel_loop3A_1196 : vector<16xi32>
        %parallel_loop3A_1198 = tpu.bitcast %parallel_loop3A_1197 : vector<16xi32> -> vector<16xf32>
        %parallel_loop3A_1199 = arith.constant 6 : i32
        %parallel_loop3A_1200 = arith.constant 7 : i32
        %parallel_loop3A_1201 = arith.index_cast %parallel_loop3A_1199 : i32 to index
        %parallel_loop3A_1202 = arith.index_cast %scan3A_342 : i32 to index
        %parallel_loop3A_1203 = arith.index_cast %parallel_loop3A_1200 : i32 to index
        %parallel_loop3A_1204 = arith.index_cast %parallel_loop3A_373 : i32 to index
        %parallel_loop3A_1205 = tpu.vector_load %arg5[%parallel_loop3A_1201, %parallel_loop3A_1202, %parallel_loop3A_1203, %parallel_loop3A_1204] {strides = array<i32>} : memref<8x8x8x128xf32, #tpu.memory_space<vmem>>, vector<16xf32>,
        %parallel_loop3A_1206 = tpu.bitcast %parallel_loop3A_1205 : vector<16xf32> -> vector<16xi32>
        %parallel_loop3A_1207 = arith.constant -64 : i32
        %parallel_loop3A_1208 = vector.broadcast %parallel_loop3A_1207 : i32 to vector<16xi32>
        %parallel_loop3A_1209 = arith.andi %parallel_loop3A_1206, %parallel_loop3A_1208 : vector<16xi32>
        %parallel_loop3A_1210 = arith.constant 8 : i32
        %parallel_loop3A_1211 = vector.broadcast %parallel_loop3A_1210 : i32 to vector<16xi32>
        %parallel_loop3A_1212 = arith.ori %parallel_loop3A_1209, %parallel_loop3A_1211 : vector<16xi32>
        %parallel_loop3A_1213 = tpu.bitcast %parallel_loop3A_1212 : vector<16xi32> -> vector<16xf32>
        %parallel_loop3A_1214 = arith.constant 7 : i32
        %parallel_loop3A_1215 = arith.constant 0 : i32
        %parallel_loop3A_1216 = arith.index_cast %parallel_loop3A_1214 : i32 to index
        %parallel_loop3A_1217 = arith.index_cast %scan3A_342 : i32 to index
        %parallel_loop3A_1218 = arith.index_cast %parallel_loop3A_1215 : i32 to index
        %parallel_loop3A_1219 = arith.index_cast %parallel_loop3A_373 : i32 to index
        %parallel_loop3A_1220 = tpu.vector_load %arg5[%parallel_loop3A_1216, %parallel_loop3A_1217, %parallel_loop3A_1218, %parallel_loop3A_1219] {strides = array<i32>} : memref<8x8x8x128xf32, #tpu.memory_space<vmem>>, vector<16xf32>,
        %parallel_loop3A_1221 = tpu.bitcast %parallel_loop3A_1220 : vector<16xf32> -> vector<16xi32>
        %parallel_loop3A_1222 = arith.constant -64 : i32
        %parallel_loop3A_1223 = vector.broadcast %parallel_loop3A_1222 : i32 to vector<16xi32>
        %parallel_loop3A_1224 = arith.andi %parallel_loop3A_1221, %parallel_loop3A_1223 : vector<16xi32>
        %parallel_loop3A_1225 = arith.constant 7 : i32
        %parallel_loop3A_1226 = vector.broadcast %parallel_loop3A_1225 : i32 to vector<16xi32>
        %parallel_loop3A_1227 = arith.ori %parallel_loop3A_1224, %parallel_loop3A_1226 : vector<16xi32>
        %parallel_loop3A_1228 = tpu.bitcast %parallel_loop3A_1227 : vector<16xi32> -> vector<16xf32>
        %parallel_loop3A_1229 = arith.constant 7 : i32
        %parallel_loop3A_1230 = arith.constant 1 : i32
        %parallel_loop3A_1231 = arith.index_cast %parallel_loop3A_1229 : i32 to index
        %parallel_loop3A_1232 = arith.index_cast %scan3A_342 : i32 to index
        %parallel_loop3A_1233 = arith.index_cast %parallel_loop3A_1230 : i32 to index
        %parallel_loop3A_1234 = arith.index_cast %parallel_loop3A_373 : i32 to index
        %parallel_loop3A_1235 = tpu.vector_load %arg5[%parallel_loop3A_1231, %parallel_loop3A_1232, %parallel_loop3A_1233, %parallel_loop3A_1234] {strides = array<i32>} : memref<8x8x8x128xf32, #tpu.memory_space<vmem>>, vector<16xf32>,
        %parallel_loop3A_1236 = tpu.bitcast %parallel_loop3A_1235 : vector<16xf32> -> vector<16xi32>
        %parallel_loop3A_1237 = arith.constant -64 : i32
        %parallel_loop3A_1238 = vector.broadcast %parallel_loop3A_1237 : i32 to vector<16xi32>
        %parallel_loop3A_1239 = arith.andi %parallel_loop3A_1236, %parallel_loop3A_1238 : vector<16xi32>
        %parallel_loop3A_1240 = arith.constant 6 : i32
        %parallel_loop3A_1241 = vector.broadcast %parallel_loop3A_1240 : i32 to vector<16xi32>
        %parallel_loop3A_1242 = arith.ori %parallel_loop3A_1239, %parallel_loop3A_1241 : vector<16xi32>
        %parallel_loop3A_1243 = tpu.bitcast %parallel_loop3A_1242 : vector<16xi32> -> vector<16xf32>
        %parallel_loop3A_1244 = arith.constant 7 : i32
        %parallel_loop3A_1245 = arith.constant 2 : i32
        %parallel_loop3A_1246 = arith.index_cast %parallel_loop3A_1244 : i32 to index
        %parallel_loop3A_1247 = arith.index_cast %scan3A_342 : i32 to index
        %parallel_loop3A_1248 = arith.index_cast %parallel_loop3A_1245 : i32 to index
        %parallel_loop3A_1249 = arith.index_cast %parallel_loop3A_373 : i32 to index
        %parallel_loop3A_1250 = tpu.vector_load %arg5[%parallel_loop3A_1246, %parallel_loop3A_1247, %parallel_loop3A_1248, %parallel_loop3A_1249] {strides = array<i32>} : memref<8x8x8x128xf32, #tpu.memory_space<vmem>>, vector<16xf32>,
        %parallel_loop3A_1251 = tpu.bitcast %parallel_loop3A_1250 : vector<16xf32> -> vector<16xi32>
        %parallel_loop3A_1252 = arith.constant -64 : i32
        %parallel_loop3A_1253 = vector.broadcast %parallel_loop3A_1252 : i32 to vector<16xi32>
        %parallel_loop3A_1254 = arith.andi %parallel_loop3A_1251, %parallel_loop3A_1253 : vector<16xi32>
        %parallel_loop3A_1255 = arith.constant 5 : i32
        %parallel_loop3A_1256 = vector.broadcast %parallel_loop3A_1255 : i32 to vector<16xi32>
        %parallel_loop3A_1257 = arith.ori %parallel_loop3A_1254, %parallel_loop3A_1256 : vector<16xi32>
        %parallel_loop3A_1258 = tpu.bitcast %parallel_loop3A_1257 : vector<16xi32> -> vector<16xf32>
        %parallel_loop3A_1259 = arith.constant 7 : i32
        %parallel_loop3A_1260 = arith.constant 3 : i32
        %parallel_loop3A_1261 = arith.index_cast %parallel_loop3A_1259 : i32 to index
        %parallel_loop3A_1262 = arith.index_cast %scan3A_342 : i32 to index
        %parallel_loop3A_1263 = arith.index_cast %parallel_loop3A_1260 : i32 to index
        %parallel_loop3A_1264 = arith.index_cast %parallel_loop3A_373 : i32 to index
        %parallel_loop3A_1265 = tpu.vector_load %arg5[%parallel_loop3A_1261, %parallel_loop3A_1262, %parallel_loop3A_1263, %parallel_loop3A_1264] {strides = array<i32>} : memref<8x8x8x128xf32, #tpu.memory_space<vmem>>, vector<16xf32>,
        %parallel_loop3A_1266 = tpu.bitcast %parallel_loop3A_1265 : vector<16xf32> -> vector<16xi32>
        %parallel_loop3A_1267 = arith.constant -64 : i32
        %parallel_loop3A_1268 = vector.broadcast %parallel_loop3A_1267 : i32 to vector<16xi32>
        %parallel_loop3A_1269 = arith.andi %parallel_loop3A_1266, %parallel_loop3A_1268 : vector<16xi32>
        %parallel_loop3A_1270 = arith.constant 4 : i32
        %parallel_loop3A_1271 = vector.broadcast %parallel_loop3A_1270 : i32 to vector<16xi32>
        %parallel_loop3A_1272 = arith.ori %parallel_loop3A_1269, %parallel_loop3A_1271 : vector<16xi32>
        %parallel_loop3A_1273 = tpu.bitcast %parallel_loop3A_1272 : vector<16xi32> -> vector<16xf32>
        %parallel_loop3A_1274 = arith.constant 7 : i32
        %parallel_loop3A_1275 = arith.constant 4 : i32
        %parallel_loop3A_1276 = arith.index_cast %parallel_loop3A_1274 : i32 to index
        %parallel_loop3A_1277 = arith.index_cast %scan3A_342 : i32 to index
        %parallel_loop3A_1278 = arith.index_cast %parallel_loop3A_1275 : i32 to index
        %parallel_loop3A_1279 = arith.index_cast %parallel_loop3A_373 : i32 to index
        %parallel_loop3A_1280 = tpu.vector_load %arg5[%parallel_loop3A_1276, %parallel_loop3A_1277, %parallel_loop3A_1278, %parallel_loop3A_1279] {strides = array<i32>} : memref<8x8x8x128xf32, #tpu.memory_space<vmem>>, vector<16xf32>,
        %parallel_loop3A_1281 = tpu.bitcast %parallel_loop3A_1280 : vector<16xf32> -> vector<16xi32>
        %parallel_loop3A_1282 = arith.constant -64 : i32
        %parallel_loop3A_1283 = vector.broadcast %parallel_loop3A_1282 : i32 to vector<16xi32>
        %parallel_loop3A_1284 = arith.andi %parallel_loop3A_1281, %parallel_loop3A_1283 : vector<16xi32>
        %parallel_loop3A_1285 = arith.constant 3 : i32
        %parallel_loop3A_1286 = vector.broadcast %parallel_loop3A_1285 : i32 to vector<16xi32>
        %parallel_loop3A_1287 = arith.ori %parallel_loop3A_1284, %parallel_loop3A_1286 : vector<16xi32>
        %parallel_loop3A_1288 = tpu.bitcast %parallel_loop3A_1287 : vector<16xi32> -> vector<16xf32>
        %parallel_loop3A_1289 = arith.constant 7 : i32
        %parallel_loop3A_1290 = arith.constant 5 : i32
        %parallel_loop3A_1291 = arith.index_cast %parallel_loop3A_1289 : i32 to index
        %parallel_loop3A_1292 = arith.index_cast %scan3A_342 : i32 to index
        %parallel_loop3A_1293 = arith.index_cast %parallel_loop3A_1290 : i32 to index
        %parallel_loop3A_1294 = arith.index_cast %parallel_loop3A_373 : i32 to index
        %parallel_loop3A_1295 = tpu.vector_load %arg5[%parallel_loop3A_1291, %parallel_loop3A_1292, %parallel_loop3A_1293, %parallel_loop3A_1294] {strides = array<i32>} : memref<8x8x8x128xf32, #tpu.memory_space<vmem>>, vector<16xf32>,
        %parallel_loop3A_1296 = tpu.bitcast %parallel_loop3A_1295 : vector<16xf32> -> vector<16xi32>
        %parallel_loop3A_1297 = arith.constant -64 : i32
        %parallel_loop3A_1298 = vector.broadcast %parallel_loop3A_1297 : i32 to vector<16xi32>
        %parallel_loop3A_1299 = arith.andi %parallel_loop3A_1296, %parallel_loop3A_1298 : vector<16xi32>
        %parallel_loop3A_1300 = arith.constant 2 : i32
        %parallel_loop3A_1301 = vector.broadcast %parallel_loop3A_1300 : i32 to vector<16xi32>
        %parallel_loop3A_1302 = arith.ori %parallel_loop3A_1299, %parallel_loop3A_1301 : vector<16xi32>
        %parallel_loop3A_1303 = tpu.bitcast %parallel_loop3A_1302 : vector<16xi32> -> vector<16xf32>
        %parallel_loop3A_1304 = arith.constant 7 : i32
        %parallel_loop3A_1305 = arith.constant 6 : i32
        %parallel_loop3A_1306 = arith.index_cast %parallel_loop3A_1304 : i32 to index
        %parallel_loop3A_1307 = arith.index_cast %scan3A_342 : i32 to index
        %parallel_loop3A_1308 = arith.index_cast %parallel_loop3A_1305 : i32 to index
        %parallel_loop3A_1309 = arith.index_cast %parallel_loop3A_373 : i32 to index
        %parallel_loop3A_1310 = tpu.vector_load %arg5[%parallel_loop3A_1306, %parallel_loop3A_1307, %parallel_loop3A_1308, %parallel_loop3A_1309] {strides = array<i32>} : memref<8x8x8x128xf32, #tpu.memory_space<vmem>>, vector<16xf32>,
        %parallel_loop3A_1311 = tpu.bitcast %parallel_loop3A_1310 : vector<16xf32> -> vector<16xi32>
        %parallel_loop3A_1312 = arith.constant -64 : i32
        %parallel_loop3A_1313 = vector.broadcast %parallel_loop3A_1312 : i32 to vector<16xi32>
        %parallel_loop3A_1314 = arith.andi %parallel_loop3A_1311, %parallel_loop3A_1313 : vector<16xi32>
        %parallel_loop3A_1315 = arith.constant 1 : i32
        %parallel_loop3A_1316 = vector.broadcast %parallel_loop3A_1315 : i32 to vector<16xi32>
        %parallel_loop3A_1317 = arith.ori %parallel_loop3A_1314, %parallel_loop3A_1316 : vector<16xi32>
        %parallel_loop3A_1318 = tpu.bitcast %parallel_loop3A_1317 : vector<16xi32> -> vector<16xf32>
        %parallel_loop3A_1319 = arith.constant 7 : i32
        %parallel_loop3A_1320 = arith.constant 7 : i32
        %parallel_loop3A_1321 = arith.index_cast %parallel_loop3A_1319 : i32 to index
        %parallel_loop3A_1322 = arith.index_cast %scan3A_342 : i32 to index
        %parallel_loop3A_1323 = arith.index_cast %parallel_loop3A_1320 : i32 to index
        %parallel_loop3A_1324 = arith.index_cast %parallel_loop3A_373 : i32 to index
        %parallel_loop3A_1325 = tpu.vector_load %arg5[%parallel_loop3A_1321, %parallel_loop3A_1322, %parallel_loop3A_1323, %parallel_loop3A_1324] {strides = array<i32>} : memref<8x8x8x128xf32, #tpu.memory_space<vmem>>, vector<16xf32>,
        %parallel_loop3A_1326 = tpu.bitcast %parallel_loop3A_1325 : vector<16xf32> -> vector<16xi32>
        %parallel_loop3A_1327 = arith.constant -64 : i32
        %parallel_loop3A_1328 = vector.broadcast %parallel_loop3A_1327 : i32 to vector<16xi32>
        %parallel_loop3A_1329 = arith.andi %parallel_loop3A_1326, %parallel_loop3A_1328 : vector<16xi32>
        %parallel_loop3A_1330 = arith.constant 0 : i32
        %parallel_loop3A_1331 = vector.broadcast %parallel_loop3A_1330 : i32 to vector<16xi32>
        %parallel_loop3A_1332 = arith.ori %parallel_loop3A_1329, %parallel_loop3A_1331 : vector<16xi32>
        %parallel_loop3A_1333 = tpu.bitcast %parallel_loop3A_1332 : vector<16xi32> -> vector<16xf32>
        %parallel_loop3A_1334 = arith.maximumf %parallel_loop3A_388, %parallel_loop3A_403 : vector<16xf32>
        %parallel_loop3A_1335 = arith.minimumf %parallel_loop3A_388, %parallel_loop3A_403 : vector<16xf32>
        %parallel_loop3A_1336 = arith.maximumf %parallel_loop3A_418, %parallel_loop3A_433 : vector<16xf32>
        %parallel_loop3A_1337 = arith.minimumf %parallel_loop3A_418, %parallel_loop3A_433 : vector<16xf32>
        %parallel_loop3A_1338 = arith.maximumf %parallel_loop3A_448, %parallel_loop3A_463 : vector<16xf32>
        %parallel_loop3A_1339 = arith.minimumf %parallel_loop3A_448, %parallel_loop3A_463 : vector<16xf32>
        %parallel_loop3A_1340 = arith.maximumf %parallel_loop3A_478, %parallel_loop3A_493 : vector<16xf32>
        %parallel_loop3A_1341 = arith.minimumf %parallel_loop3A_478, %parallel_loop3A_493 : vector<16xf32>
        %parallel_loop3A_1342 = arith.maximumf %parallel_loop3A_1334, %parallel_loop3A_1336 : vector<16xf32>
        %parallel_loop3A_1343 = arith.minimumf %parallel_loop3A_1334, %parallel_loop3A_1336 : vector<16xf32>
        %parallel_loop3A_1344 = arith.maximumf %parallel_loop3A_1335, %parallel_loop3A_1337 : vector<16xf32>
        %parallel_loop3A_1345 = arith.minimumf %parallel_loop3A_1335, %parallel_loop3A_1337 : vector<16xf32>
        %parallel_loop3A_1346 = arith.maximumf %parallel_loop3A_1338, %parallel_loop3A_1340 : vector<16xf32>
        %parallel_loop3A_1347 = arith.minimumf %parallel_loop3A_1338, %parallel_loop3A_1340 : vector<16xf32>
        %parallel_loop3A_1348 = arith.maximumf %parallel_loop3A_1339, %parallel_loop3A_1341 : vector<16xf32>
        %parallel_loop3A_1349 = arith.minimumf %parallel_loop3A_1339, %parallel_loop3A_1341 : vector<16xf32>
        %parallel_loop3A_1350 = arith.maximumf %parallel_loop3A_1344, %parallel_loop3A_1343 : vector<16xf32>
        %parallel_loop3A_1351 = arith.minimumf %parallel_loop3A_1344, %parallel_loop3A_1343 : vector<16xf32>
        %parallel_loop3A_1352 = arith.maximumf %parallel_loop3A_1348, %parallel_loop3A_1347 : vector<16xf32>
        %parallel_loop3A_1353 = arith.minimumf %parallel_loop3A_1348, %parallel_loop3A_1347 : vector<16xf32>
        %parallel_loop3A_1354 = arith.maximumf %parallel_loop3A_1342, %parallel_loop3A_1346 : vector<16xf32>
        %parallel_loop3A_1355 = arith.minimumf %parallel_loop3A_1342, %parallel_loop3A_1346 : vector<16xf32>
        %parallel_loop3A_1356 = arith.maximumf %parallel_loop3A_1345, %parallel_loop3A_1349 : vector<16xf32>
        %parallel_loop3A_1357 = arith.minimumf %parallel_loop3A_1345, %parallel_loop3A_1349 : vector<16xf32>
        %parallel_loop3A_1358 = arith.maximumf %parallel_loop3A_1350, %parallel_loop3A_1352 : vector<16xf32>
        %parallel_loop3A_1359 = arith.minimumf %parallel_loop3A_1350, %parallel_loop3A_1352 : vector<16xf32>
        %parallel_loop3A_1360 = arith.maximumf %parallel_loop3A_1351, %parallel_loop3A_1353 : vector<16xf32>
        %parallel_loop3A_1361 = arith.minimumf %parallel_loop3A_1351, %parallel_loop3A_1353 : vector<16xf32>
        %parallel_loop3A_1362 = arith.maximumf %parallel_loop3A_1358, %parallel_loop3A_1355 : vector<16xf32>
        %parallel_loop3A_1363 = arith.minimumf %parallel_loop3A_1358, %parallel_loop3A_1355 : vector<16xf32>
        %parallel_loop3A_1364 = arith.maximumf %parallel_loop3A_1356, %parallel_loop3A_1361 : vector<16xf32>
        %parallel_loop3A_1365 = arith.minimumf %parallel_loop3A_1356, %parallel_loop3A_1361 : vector<16xf32>
        %parallel_loop3A_1366 = arith.maximumf %parallel_loop3A_1360, %parallel_loop3A_1363 : vector<16xf32>
        %parallel_loop3A_1367 = arith.minimumf %parallel_loop3A_1360, %parallel_loop3A_1363 : vector<16xf32>
        %parallel_loop3A_1368 = arith.maximumf %parallel_loop3A_1364, %parallel_loop3A_1359 : vector<16xf32>
        %parallel_loop3A_1369 = arith.minimumf %parallel_loop3A_1364, %parallel_loop3A_1359 : vector<16xf32>
        %parallel_loop3A_1370 = arith.maximumf %parallel_loop3A_1368, %parallel_loop3A_1367 : vector<16xf32>
        %parallel_loop3A_1371 = arith.minimumf %parallel_loop3A_1368, %parallel_loop3A_1367 : vector<16xf32>
        %parallel_loop3A_1372 = arith.maximumf %parallel_loop3A_508, %parallel_loop3A_523 : vector<16xf32>
        %parallel_loop3A_1373 = arith.minimumf %parallel_loop3A_508, %parallel_loop3A_523 : vector<16xf32>
        %parallel_loop3A_1374 = arith.maximumf %parallel_loop3A_538, %parallel_loop3A_553 : vector<16xf32>
        %parallel_loop3A_1375 = arith.minimumf %parallel_loop3A_538, %parallel_loop3A_553 : vector<16xf32>
        %parallel_loop3A_1376 = arith.maximumf %parallel_loop3A_568, %parallel_loop3A_583 : vector<16xf32>
        %parallel_loop3A_1377 = arith.minimumf %parallel_loop3A_568, %parallel_loop3A_583 : vector<16xf32>
        %parallel_loop3A_1378 = arith.maximumf %parallel_loop3A_598, %parallel_loop3A_613 : vector<16xf32>
        %parallel_loop3A_1379 = arith.minimumf %parallel_loop3A_598, %parallel_loop3A_613 : vector<16xf32>
        %parallel_loop3A_1380 = arith.maximumf %parallel_loop3A_1372, %parallel_loop3A_1374 : vector<16xf32>
        %parallel_loop3A_1381 = arith.minimumf %parallel_loop3A_1372, %parallel_loop3A_1374 : vector<16xf32>
        %parallel_loop3A_1382 = arith.maximumf %parallel_loop3A_1373, %parallel_loop3A_1375 : vector<16xf32>
        %parallel_loop3A_1383 = arith.minimumf %parallel_loop3A_1373, %parallel_loop3A_1375 : vector<16xf32>
        %parallel_loop3A_1384 = arith.maximumf %parallel_loop3A_1376, %parallel_loop3A_1378 : vector<16xf32>
        %parallel_loop3A_1385 = arith.minimumf %parallel_loop3A_1376, %parallel_loop3A_1378 : vector<16xf32>
        %parallel_loop3A_1386 = arith.maximumf %parallel_loop3A_1377, %parallel_loop3A_1379 : vector<16xf32>
        %parallel_loop3A_1387 = arith.minimumf %parallel_loop3A_1377, %parallel_loop3A_1379 : vector<16xf32>
        %parallel_loop3A_1388 = arith.maximumf %parallel_loop3A_1382, %parallel_loop3A_1381 : vector<16xf32>
        %parallel_loop3A_1389 = arith.minimumf %parallel_loop3A_1382, %parallel_loop3A_1381 : vector<16xf32>
        %parallel_loop3A_1390 = arith.maximumf %parallel_loop3A_1386, %parallel_loop3A_1385 : vector<16xf32>
        %parallel_loop3A_1391 = arith.minimumf %parallel_loop3A_1386, %parallel_loop3A_1385 : vector<16xf32>
        %parallel_loop3A_1392 = arith.maximumf %parallel_loop3A_1380, %parallel_loop3A_1384 : vector<16xf32>
        %parallel_loop3A_1393 = arith.minimumf %parallel_loop3A_1380, %parallel_loop3A_1384 : vector<16xf32>
        %parallel_loop3A_1394 = arith.maximumf %parallel_loop3A_1383, %parallel_loop3A_1387 : vector<16xf32>
        %parallel_loop3A_1395 = arith.minimumf %parallel_loop3A_1383, %parallel_loop3A_1387 : vector<16xf32>
        %parallel_loop3A_1396 = arith.maximumf %parallel_loop3A_1388, %parallel_loop3A_1390 : vector<16xf32>
        %parallel_loop3A_1397 = arith.minimumf %parallel_loop3A_1388, %parallel_loop3A_1390 : vector<16xf32>
        %parallel_loop3A_1398 = arith.maximumf %parallel_loop3A_1389, %parallel_loop3A_1391 : vector<16xf32>
        %parallel_loop3A_1399 = arith.minimumf %parallel_loop3A_1389, %parallel_loop3A_1391 : vector<16xf32>
        %parallel_loop3A_1400 = arith.maximumf %parallel_loop3A_1396, %parallel_loop3A_1393 : vector<16xf32>
        %parallel_loop3A_1401 = arith.minimumf %parallel_loop3A_1396, %parallel_loop3A_1393 : vector<16xf32>
        %parallel_loop3A_1402 = arith.maximumf %parallel_loop3A_1394, %parallel_loop3A_1399 : vector<16xf32>
        %parallel_loop3A_1403 = arith.minimumf %parallel_loop3A_1394, %parallel_loop3A_1399 : vector<16xf32>
        %parallel_loop3A_1404 = arith.maximumf %parallel_loop3A_1398, %parallel_loop3A_1401 : vector<16xf32>
        %parallel_loop3A_1405 = arith.minimumf %parallel_loop3A_1398, %parallel_loop3A_1401 : vector<16xf32>
        %parallel_loop3A_1406 = arith.maximumf %parallel_loop3A_1402, %parallel_loop3A_1397 : vector<16xf32>
        %parallel_loop3A_1407 = arith.minimumf %parallel_loop3A_1402, %parallel_loop3A_1397 : vector<16xf32>
        %parallel_loop3A_1408 = arith.maximumf %parallel_loop3A_1406, %parallel_loop3A_1405 : vector<16xf32>
        %parallel_loop3A_1409 = arith.minimumf %parallel_loop3A_1406, %parallel_loop3A_1405 : vector<16xf32>
        %parallel_loop3A_1410 = arith.maximumf %parallel_loop3A_1354, %parallel_loop3A_1395 : vector<16xf32>
        %parallel_loop3A_1411 = arith.maximumf %parallel_loop3A_1362, %parallel_loop3A_1403 : vector<16xf32>
        %parallel_loop3A_1412 = arith.maximumf %parallel_loop3A_1366, %parallel_loop3A_1407 : vector<16xf32>
        %parallel_loop3A_1413 = arith.maximumf %parallel_loop3A_1370, %parallel_loop3A_1409 : vector<16xf32>
        %parallel_loop3A_1414 = arith.maximumf %parallel_loop3A_1371, %parallel_loop3A_1408 : vector<16xf32>
        %parallel_loop3A_1415 = arith.maximumf %parallel_loop3A_1369, %parallel_loop3A_1404 : vector<16xf32>
        %parallel_loop3A_1416 = arith.maximumf %parallel_loop3A_1365, %parallel_loop3A_1400 : vector<16xf32>
        %parallel_loop3A_1417 = arith.maximumf %parallel_loop3A_1357, %parallel_loop3A_1392 : vector<16xf32>
        %parallel_loop3A_1418 = arith.maximumf %parallel_loop3A_1410, %parallel_loop3A_1414 : vector<16xf32>
        %parallel_loop3A_1419 = arith.minimumf %parallel_loop3A_1410, %parallel_loop3A_1414 : vector<16xf32>
        %parallel_loop3A_1420 = arith.maximumf %parallel_loop3A_1411, %parallel_loop3A_1415 : vector<16xf32>
        %parallel_loop3A_1421 = arith.minimumf %parallel_loop3A_1411, %parallel_loop3A_1415 : vector<16xf32>
        %parallel_loop3A_1422 = arith.maximumf %parallel_loop3A_1412, %parallel_loop3A_1416 : vector<16xf32>
        %parallel_loop3A_1423 = arith.minimumf %parallel_loop3A_1412, %parallel_loop3A_1416 : vector<16xf32>
        %parallel_loop3A_1424 = arith.maximumf %parallel_loop3A_1413, %parallel_loop3A_1417 : vector<16xf32>
        %parallel_loop3A_1425 = arith.minimumf %parallel_loop3A_1413, %parallel_loop3A_1417 : vector<16xf32>
        %parallel_loop3A_1426 = arith.maximumf %parallel_loop3A_1418, %parallel_loop3A_1422 : vector<16xf32>
        %parallel_loop3A_1427 = arith.minimumf %parallel_loop3A_1418, %parallel_loop3A_1422 : vector<16xf32>
        %parallel_loop3A_1428 = arith.maximumf %parallel_loop3A_1420, %parallel_loop3A_1424 : vector<16xf32>
        %parallel_loop3A_1429 = arith.minimumf %parallel_loop3A_1420, %parallel_loop3A_1424 : vector<16xf32>
        %parallel_loop3A_1430 = arith.maximumf %parallel_loop3A_1419, %parallel_loop3A_1423 : vector<16xf32>
        %parallel_loop3A_1431 = arith.minimumf %parallel_loop3A_1419, %parallel_loop3A_1423 : vector<16xf32>
        %parallel_loop3A_1432 = arith.maximumf %parallel_loop3A_1421, %parallel_loop3A_1425 : vector<16xf32>
        %parallel_loop3A_1433 = arith.minimumf %parallel_loop3A_1421, %parallel_loop3A_1425 : vector<16xf32>
        %parallel_loop3A_1434 = arith.maximumf %parallel_loop3A_1426, %parallel_loop3A_1428 : vector<16xf32>
        %parallel_loop3A_1435 = arith.minimumf %parallel_loop3A_1426, %parallel_loop3A_1428 : vector<16xf32>
        %parallel_loop3A_1436 = arith.maximumf %parallel_loop3A_1427, %parallel_loop3A_1429 : vector<16xf32>
        %parallel_loop3A_1437 = arith.minimumf %parallel_loop3A_1427, %parallel_loop3A_1429 : vector<16xf32>
        %parallel_loop3A_1438 = arith.maximumf %parallel_loop3A_1430, %parallel_loop3A_1432 : vector<16xf32>
        %parallel_loop3A_1439 = arith.minimumf %parallel_loop3A_1430, %parallel_loop3A_1432 : vector<16xf32>
        %parallel_loop3A_1440 = arith.maximumf %parallel_loop3A_1431, %parallel_loop3A_1433 : vector<16xf32>
        %parallel_loop3A_1441 = arith.minimumf %parallel_loop3A_1431, %parallel_loop3A_1433 : vector<16xf32>
        %parallel_loop3A_1442 = arith.maximumf %parallel_loop3A_628, %parallel_loop3A_643 : vector<16xf32>
        %parallel_loop3A_1443 = arith.minimumf %parallel_loop3A_628, %parallel_loop3A_643 : vector<16xf32>
        %parallel_loop3A_1444 = arith.maximumf %parallel_loop3A_658, %parallel_loop3A_673 : vector<16xf32>
        %parallel_loop3A_1445 = arith.minimumf %parallel_loop3A_658, %parallel_loop3A_673 : vector<16xf32>
        %parallel_loop3A_1446 = arith.maximumf %parallel_loop3A_688, %parallel_loop3A_703 : vector<16xf32>
        %parallel_loop3A_1447 = arith.minimumf %parallel_loop3A_688, %parallel_loop3A_703 : vector<16xf32>
        %parallel_loop3A_1448 = arith.maximumf %parallel_loop3A_718, %parallel_loop3A_733 : vector<16xf32>
        %parallel_loop3A_1449 = arith.minimumf %parallel_loop3A_718, %parallel_loop3A_733 : vector<16xf32>
        %parallel_loop3A_1450 = arith.maximumf %parallel_loop3A_1442, %parallel_loop3A_1444 : vector<16xf32>
        %parallel_loop3A_1451 = arith.minimumf %parallel_loop3A_1442, %parallel_loop3A_1444 : vector<16xf32>
        %parallel_loop3A_1452 = arith.maximumf %parallel_loop3A_1443, %parallel_loop3A_1445 : vector<16xf32>
        %parallel_loop3A_1453 = arith.minimumf %parallel_loop3A_1443, %parallel_loop3A_1445 : vector<16xf32>
        %parallel_loop3A_1454 = arith.maximumf %parallel_loop3A_1446, %parallel_loop3A_1448 : vector<16xf32>
        %parallel_loop3A_1455 = arith.minimumf %parallel_loop3A_1446, %parallel_loop3A_1448 : vector<16xf32>
        %parallel_loop3A_1456 = arith.maximumf %parallel_loop3A_1447, %parallel_loop3A_1449 : vector<16xf32>
        %parallel_loop3A_1457 = arith.minimumf %parallel_loop3A_1447, %parallel_loop3A_1449 : vector<16xf32>
        %parallel_loop3A_1458 = arith.maximumf %parallel_loop3A_1452, %parallel_loop3A_1451 : vector<16xf32>
        %parallel_loop3A_1459 = arith.minimumf %parallel_loop3A_1452, %parallel_loop3A_1451 : vector<16xf32>
        %parallel_loop3A_1460 = arith.maximumf %parallel_loop3A_1456, %parallel_loop3A_1455 : vector<16xf32>
        %parallel_loop3A_1461 = arith.minimumf %parallel_loop3A_1456, %parallel_loop3A_1455 : vector<16xf32>
        %parallel_loop3A_1462 = arith.maximumf %parallel_loop3A_1450, %parallel_loop3A_1454 : vector<16xf32>
        %parallel_loop3A_1463 = arith.minimumf %parallel_loop3A_1450, %parallel_loop3A_1454 : vector<16xf32>
        %parallel_loop3A_1464 = arith.maximumf %parallel_loop3A_1453, %parallel_loop3A_1457 : vector<16xf32>
        %parallel_loop3A_1465 = arith.minimumf %parallel_loop3A_1453, %parallel_loop3A_1457 : vector<16xf32>
        %parallel_loop3A_1466 = arith.maximumf %parallel_loop3A_1458, %parallel_loop3A_1460 : vector<16xf32>
        %parallel_loop3A_1467 = arith.minimumf %parallel_loop3A_1458, %parallel_loop3A_1460 : vector<16xf32>
        %parallel_loop3A_1468 = arith.maximumf %parallel_loop3A_1459, %parallel_loop3A_1461 : vector<16xf32>
        %parallel_loop3A_1469 = arith.minimumf %parallel_loop3A_1459, %parallel_loop3A_1461 : vector<16xf32>
        %parallel_loop3A_1470 = arith.maximumf %parallel_loop3A_1466, %parallel_loop3A_1463 : vector<16xf32>
        %parallel_loop3A_1471 = arith.minimumf %parallel_loop3A_1466, %parallel_loop3A_1463 : vector<16xf32>
        %parallel_loop3A_1472 = arith.maximumf %parallel_loop3A_1464, %parallel_loop3A_1469 : vector<16xf32>
        %parallel_loop3A_1473 = arith.minimumf %parallel_loop3A_1464, %parallel_loop3A_1469 : vector<16xf32>
        %parallel_loop3A_1474 = arith.maximumf %parallel_loop3A_1468, %parallel_loop3A_1471 : vector<16xf32>
        %parallel_loop3A_1475 = arith.minimumf %parallel_loop3A_1468, %parallel_loop3A_1471 : vector<16xf32>
        %parallel_loop3A_1476 = arith.maximumf %parallel_loop3A_1472, %parallel_loop3A_1467 : vector<16xf32>
        %parallel_loop3A_1477 = arith.minimumf %parallel_loop3A_1472, %parallel_loop3A_1467 : vector<16xf32>
        %parallel_loop3A_1478 = arith.maximumf %parallel_loop3A_1476, %parallel_loop3A_1475 : vector<16xf32>
        %parallel_loop3A_1479 = arith.minimumf %parallel_loop3A_1476, %parallel_loop3A_1475 : vector<16xf32>
        %parallel_loop3A_1480 = arith.maximumf %parallel_loop3A_1434, %parallel_loop3A_1465 : vector<16xf32>
        %parallel_loop3A_1481 = arith.maximumf %parallel_loop3A_1435, %parallel_loop3A_1473 : vector<16xf32>
        %parallel_loop3A_1482 = arith.maximumf %parallel_loop3A_1436, %parallel_loop3A_1477 : vector<16xf32>
        %parallel_loop3A_1483 = arith.maximumf %parallel_loop3A_1437, %parallel_loop3A_1479 : vector<16xf32>
        %parallel_loop3A_1484 = arith.maximumf %parallel_loop3A_1438, %parallel_loop3A_1478 : vector<16xf32>
        %parallel_loop3A_1485 = arith.maximumf %parallel_loop3A_1439, %parallel_loop3A_1474 : vector<16xf32>
        %parallel_loop3A_1486 = arith.maximumf %parallel_loop3A_1440, %parallel_loop3A_1470 : vector<16xf32>
        %parallel_loop3A_1487 = arith.maximumf %parallel_loop3A_1441, %parallel_loop3A_1462 : vector<16xf32>
        %parallel_loop3A_1488 = arith.maximumf %parallel_loop3A_1480, %parallel_loop3A_1484 : vector<16xf32>
        %parallel_loop3A_1489 = arith.minimumf %parallel_loop3A_1480, %parallel_loop3A_1484 : vector<16xf32>
        %parallel_loop3A_1490 = arith.maximumf %parallel_loop3A_1481, %parallel_loop3A_1485 : vector<16xf32>
        %parallel_loop3A_1491 = arith.minimumf %parallel_loop3A_1481, %parallel_loop3A_1485 : vector<16xf32>
        %parallel_loop3A_1492 = arith.maximumf %parallel_loop3A_1482, %parallel_loop3A_1486 : vector<16xf32>
        %parallel_loop3A_1493 = arith.minimumf %parallel_loop3A_1482, %parallel_loop3A_1486 : vector<16xf32>
        %parallel_loop3A_1494 = arith.maximumf %parallel_loop3A_1483, %parallel_loop3A_1487 : vector<16xf32>
        %parallel_loop3A_1495 = arith.minimumf %parallel_loop3A_1483, %parallel_loop3A_1487 : vector<16xf32>
        %parallel_loop3A_1496 = arith.maximumf %parallel_loop3A_1488, %parallel_loop3A_1492 : vector<16xf32>
        %parallel_loop3A_1497 = arith.minimumf %parallel_loop3A_1488, %parallel_loop3A_1492 : vector<16xf32>
        %parallel_loop3A_1498 = arith.maximumf %parallel_loop3A_1490, %parallel_loop3A_1494 : vector<16xf32>
        %parallel_loop3A_1499 = arith.minimumf %parallel_loop3A_1490, %parallel_loop3A_1494 : vector<16xf32>
        %parallel_loop3A_1500 = arith.maximumf %parallel_loop3A_1489, %parallel_loop3A_1493 : vector<16xf32>
        %parallel_loop3A_1501 = arith.minimumf %parallel_loop3A_1489, %parallel_loop3A_1493 : vector<16xf32>
        %parallel_loop3A_1502 = arith.maximumf %parallel_loop3A_1491, %parallel_loop3A_1495 : vector<16xf32>
        %parallel_loop3A_1503 = arith.minimumf %parallel_loop3A_1491, %parallel_loop3A_1495 : vector<16xf32>
        %parallel_loop3A_1504 = arith.maximumf %parallel_loop3A_1496, %parallel_loop3A_1498 : vector<16xf32>
        %parallel_loop3A_1505 = arith.minimumf %parallel_loop3A_1496, %parallel_loop3A_1498 : vector<16xf32>
        %parallel_loop3A_1506 = arith.maximumf %parallel_loop3A_1497, %parallel_loop3A_1499 : vector<16xf32>
        %parallel_loop3A_1507 = arith.minimumf %parallel_loop3A_1497, %parallel_loop3A_1499 : vector<16xf32>
        %parallel_loop3A_1508 = arith.maximumf %parallel_loop3A_1500, %parallel_loop3A_1502 : vector<16xf32>
        %parallel_loop3A_1509 = arith.minimumf %parallel_loop3A_1500, %parallel_loop3A_1502 : vector<16xf32>
        %parallel_loop3A_1510 = arith.maximumf %parallel_loop3A_1501, %parallel_loop3A_1503 : vector<16xf32>
        %parallel_loop3A_1511 = arith.minimumf %parallel_loop3A_1501, %parallel_loop3A_1503 : vector<16xf32>
        %parallel_loop3A_1512 = arith.maximumf %parallel_loop3A_748, %parallel_loop3A_763 : vector<16xf32>
        %parallel_loop3A_1513 = arith.minimumf %parallel_loop3A_748, %parallel_loop3A_763 : vector<16xf32>
        %parallel_loop3A_1514 = arith.maximumf %parallel_loop3A_778, %parallel_loop3A_793 : vector<16xf32>
        %parallel_loop3A_1515 = arith.minimumf %parallel_loop3A_778, %parallel_loop3A_793 : vector<16xf32>
        %parallel_loop3A_1516 = arith.maximumf %parallel_loop3A_808, %parallel_loop3A_823 : vector<16xf32>
        %parallel_loop3A_1517 = arith.minimumf %parallel_loop3A_808, %parallel_loop3A_823 : vector<16xf32>
        %parallel_loop3A_1518 = arith.maximumf %parallel_loop3A_838, %parallel_loop3A_853 : vector<16xf32>
        %parallel_loop3A_1519 = arith.minimumf %parallel_loop3A_838, %parallel_loop3A_853 : vector<16xf32>
        %parallel_loop3A_1520 = arith.maximumf %parallel_loop3A_1512, %parallel_loop3A_1514 : vector<16xf32>
        %parallel_loop3A_1521 = arith.minimumf %parallel_loop3A_1512, %parallel_loop3A_1514 : vector<16xf32>
        %parallel_loop3A_1522 = arith.maximumf %parallel_loop3A_1513, %parallel_loop3A_1515 : vector<16xf32>
        %parallel_loop3A_1523 = arith.minimumf %parallel_loop3A_1513, %parallel_loop3A_1515 : vector<16xf32>
        %parallel_loop3A_1524 = arith.maximumf %parallel_loop3A_1516, %parallel_loop3A_1518 : vector<16xf32>
        %parallel_loop3A_1525 = arith.minimumf %parallel_loop3A_1516, %parallel_loop3A_1518 : vector<16xf32>
        %parallel_loop3A_1526 = arith.maximumf %parallel_loop3A_1517, %parallel_loop3A_1519 : vector<16xf32>
        %parallel_loop3A_1527 = arith.minimumf %parallel_loop3A_1517, %parallel_loop3A_1519 : vector<16xf32>
        %parallel_loop3A_1528 = arith.maximumf %parallel_loop3A_1522, %parallel_loop3A_1521 : vector<16xf32>
        %parallel_loop3A_1529 = arith.minimumf %parallel_loop3A_1522, %parallel_loop3A_1521 : vector<16xf32>
        %parallel_loop3A_1530 = arith.maximumf %parallel_loop3A_1526, %parallel_loop3A_1525 : vector<16xf32>
        %parallel_loop3A_1531 = arith.minimumf %parallel_loop3A_1526, %parallel_loop3A_1525 : vector<16xf32>
        %parallel_loop3A_1532 = arith.maximumf %parallel_loop3A_1520, %parallel_loop3A_1524 : vector<16xf32>
        %parallel_loop3A_1533 = arith.minimumf %parallel_loop3A_1520, %parallel_loop3A_1524 : vector<16xf32>
        %parallel_loop3A_1534 = arith.maximumf %parallel_loop3A_1523, %parallel_loop3A_1527 : vector<16xf32>
        %parallel_loop3A_1535 = arith.minimumf %parallel_loop3A_1523, %parallel_loop3A_1527 : vector<16xf32>
        %parallel_loop3A_1536 = arith.maximumf %parallel_loop3A_1528, %parallel_loop3A_1530 : vector<16xf32>
        %parallel_loop3A_1537 = arith.minimumf %parallel_loop3A_1528, %parallel_loop3A_1530 : vector<16xf32>
        %parallel_loop3A_1538 = arith.maximumf %parallel_loop3A_1529, %parallel_loop3A_1531 : vector<16xf32>
        %parallel_loop3A_1539 = arith.minimumf %parallel_loop3A_1529, %parallel_loop3A_1531 : vector<16xf32>
        %parallel_loop3A_1540 = arith.maximumf %parallel_loop3A_1536, %parallel_loop3A_1533 : vector<16xf32>
        %parallel_loop3A_1541 = arith.minimumf %parallel_loop3A_1536, %parallel_loop3A_1533 : vector<16xf32>
        %parallel_loop3A_1542 = arith.maximumf %parallel_loop3A_1534, %parallel_loop3A_1539 : vector<16xf32>
        %parallel_loop3A_1543 = arith.minimumf %parallel_loop3A_1534, %parallel_loop3A_1539 : vector<16xf32>
        %parallel_loop3A_1544 = arith.maximumf %parallel_loop3A_1538, %parallel_loop3A_1541 : vector<16xf32>
        %parallel_loop3A_1545 = arith.minimumf %parallel_loop3A_1538, %parallel_loop3A_1541 : vector<16xf32>
        %parallel_loop3A_1546 = arith.maximumf %parallel_loop3A_1542, %parallel_loop3A_1537 : vector<16xf32>
        %parallel_loop3A_1547 = arith.minimumf %parallel_loop3A_1542, %parallel_loop3A_1537 : vector<16xf32>
        %parallel_loop3A_1548 = arith.maximumf %parallel_loop3A_1546, %parallel_loop3A_1545 : vector<16xf32>
        %parallel_loop3A_1549 = arith.minimumf %parallel_loop3A_1546, %parallel_loop3A_1545 : vector<16xf32>
        %parallel_loop3A_1550 = arith.maximumf %parallel_loop3A_1504, %parallel_loop3A_1535 : vector<16xf32>
        %parallel_loop3A_1551 = arith.maximumf %parallel_loop3A_1505, %parallel_loop3A_1543 : vector<16xf32>
        %parallel_loop3A_1552 = arith.maximumf %parallel_loop3A_1506, %parallel_loop3A_1547 : vector<16xf32>
        %parallel_loop3A_1553 = arith.maximumf %parallel_loop3A_1507, %parallel_loop3A_1549 : vector<16xf32>
        %parallel_loop3A_1554 = arith.maximumf %parallel_loop3A_1508, %parallel_loop3A_1548 : vector<16xf32>
        %parallel_loop3A_1555 = arith.maximumf %parallel_loop3A_1509, %parallel_loop3A_1544 : vector<16xf32>
        %parallel_loop3A_1556 = arith.maximumf %parallel_loop3A_1510, %parallel_loop3A_1540 : vector<16xf32>
        %parallel_loop3A_1557 = arith.maximumf %parallel_loop3A_1511, %parallel_loop3A_1532 : vector<16xf32>
        %parallel_loop3A_1558 = arith.maximumf %parallel_loop3A_1550, %parallel_loop3A_1554 : vector<16xf32>
        %parallel_loop3A_1559 = arith.minimumf %parallel_loop3A_1550, %parallel_loop3A_1554 : vector<16xf32>
        %parallel_loop3A_1560 = arith.maximumf %parallel_loop3A_1551, %parallel_loop3A_1555 : vector<16xf32>
        %parallel_loop3A_1561 = arith.minimumf %parallel_loop3A_1551, %parallel_loop3A_1555 : vector<16xf32>
        %parallel_loop3A_1562 = arith.maximumf %parallel_loop3A_1552, %parallel_loop3A_1556 : vector<16xf32>
        %parallel_loop3A_1563 = arith.minimumf %parallel_loop3A_1552, %parallel_loop3A_1556 : vector<16xf32>
        %parallel_loop3A_1564 = arith.maximumf %parallel_loop3A_1553, %parallel_loop3A_1557 : vector<16xf32>
        %parallel_loop3A_1565 = arith.minimumf %parallel_loop3A_1553, %parallel_loop3A_1557 : vector<16xf32>
        %parallel_loop3A_1566 = arith.maximumf %parallel_loop3A_1558, %parallel_loop3A_1562 : vector<16xf32>
        %parallel_loop3A_1567 = arith.minimumf %parallel_loop3A_1558, %parallel_loop3A_1562 : vector<16xf32>
        %parallel_loop3A_1568 = arith.maximumf %parallel_loop3A_1560, %parallel_loop3A_1564 : vector<16xf32>
        %parallel_loop3A_1569 = arith.minimumf %parallel_loop3A_1560, %parallel_loop3A_1564 : vector<16xf32>
        %parallel_loop3A_1570 = arith.maximumf %parallel_loop3A_1559, %parallel_loop3A_1563 : vector<16xf32>
        %parallel_loop3A_1571 = arith.minimumf %parallel_loop3A_1559, %parallel_loop3A_1563 : vector<16xf32>
        %parallel_loop3A_1572 = arith.maximumf %parallel_loop3A_1561, %parallel_loop3A_1565 : vector<16xf32>
        %parallel_loop3A_1573 = arith.minimumf %parallel_loop3A_1561, %parallel_loop3A_1565 : vector<16xf32>
        %parallel_loop3A_1574 = arith.maximumf %parallel_loop3A_1566, %parallel_loop3A_1568 : vector<16xf32>
        %parallel_loop3A_1575 = arith.minimumf %parallel_loop3A_1566, %parallel_loop3A_1568 : vector<16xf32>
        %parallel_loop3A_1576 = arith.maximumf %parallel_loop3A_1567, %parallel_loop3A_1569 : vector<16xf32>
        %parallel_loop3A_1577 = arith.minimumf %parallel_loop3A_1567, %parallel_loop3A_1569 : vector<16xf32>
        %parallel_loop3A_1578 = arith.maximumf %parallel_loop3A_1570, %parallel_loop3A_1572 : vector<16xf32>
        %parallel_loop3A_1579 = arith.minimumf %parallel_loop3A_1570, %parallel_loop3A_1572 : vector<16xf32>
        %parallel_loop3A_1580 = arith.maximumf %parallel_loop3A_1571, %parallel_loop3A_1573 : vector<16xf32>
        %parallel_loop3A_1581 = arith.minimumf %parallel_loop3A_1571, %parallel_loop3A_1573 : vector<16xf32>
        %parallel_loop3A_1582 = arith.maximumf %parallel_loop3A_868, %parallel_loop3A_883 : vector<16xf32>
        %parallel_loop3A_1583 = arith.minimumf %parallel_loop3A_868, %parallel_loop3A_883 : vector<16xf32>
        %parallel_loop3A_1584 = arith.maximumf %parallel_loop3A_898, %parallel_loop3A_913 : vector<16xf32>
        %parallel_loop3A_1585 = arith.minimumf %parallel_loop3A_898, %parallel_loop3A_913 : vector<16xf32>
        %parallel_loop3A_1586 = arith.maximumf %parallel_loop3A_928, %parallel_loop3A_943 : vector<16xf32>
        %parallel_loop3A_1587 = arith.minimumf %parallel_loop3A_928, %parallel_loop3A_943 : vector<16xf32>
        %parallel_loop3A_1588 = arith.maximumf %parallel_loop3A_958, %parallel_loop3A_973 : vector<16xf32>
        %parallel_loop3A_1589 = arith.minimumf %parallel_loop3A_958, %parallel_loop3A_973 : vector<16xf32>
        %parallel_loop3A_1590 = arith.maximumf %parallel_loop3A_1582, %parallel_loop3A_1584 : vector<16xf32>
        %parallel_loop3A_1591 = arith.minimumf %parallel_loop3A_1582, %parallel_loop3A_1584 : vector<16xf32>
        %parallel_loop3A_1592 = arith.maximumf %parallel_loop3A_1583, %parallel_loop3A_1585 : vector<16xf32>
        %parallel_loop3A_1593 = arith.minimumf %parallel_loop3A_1583, %parallel_loop3A_1585 : vector<16xf32>
        %parallel_loop3A_1594 = arith.maximumf %parallel_loop3A_1586, %parallel_loop3A_1588 : vector<16xf32>
        %parallel_loop3A_1595 = arith.minimumf %parallel_loop3A_1586, %parallel_loop3A_1588 : vector<16xf32>
        %parallel_loop3A_1596 = arith.maximumf %parallel_loop3A_1587, %parallel_loop3A_1589 : vector<16xf32>
        %parallel_loop3A_1597 = arith.minimumf %parallel_loop3A_1587, %parallel_loop3A_1589 : vector<16xf32>
        %parallel_loop3A_1598 = arith.maximumf %parallel_loop3A_1592, %parallel_loop3A_1591 : vector<16xf32>
        %parallel_loop3A_1599 = arith.minimumf %parallel_loop3A_1592, %parallel_loop3A_1591 : vector<16xf32>
        %parallel_loop3A_1600 = arith.maximumf %parallel_loop3A_1596, %parallel_loop3A_1595 : vector<16xf32>
        %parallel_loop3A_1601 = arith.minimumf %parallel_loop3A_1596, %parallel_loop3A_1595 : vector<16xf32>
        %parallel_loop3A_1602 = arith.maximumf %parallel_loop3A_1590, %parallel_loop3A_1594 : vector<16xf32>
        %parallel_loop3A_1603 = arith.minimumf %parallel_loop3A_1590, %parallel_loop3A_1594 : vector<16xf32>
        %parallel_loop3A_1604 = arith.maximumf %parallel_loop3A_1593, %parallel_loop3A_1597 : vector<16xf32>
        %parallel_loop3A_1605 = arith.minimumf %parallel_loop3A_1593, %parallel_loop3A_1597 : vector<16xf32>
        %parallel_loop3A_1606 = arith.maximumf %parallel_loop3A_1598, %parallel_loop3A_1600 : vector<16xf32>
        %parallel_loop3A_1607 = arith.minimumf %parallel_loop3A_1598, %parallel_loop3A_1600 : vector<16xf32>
        %parallel_loop3A_1608 = arith.maximumf %parallel_loop3A_1599, %parallel_loop3A_1601 : vector<16xf32>
        %parallel_loop3A_1609 = arith.minimumf %parallel_loop3A_1599, %parallel_loop3A_1601 : vector<16xf32>
        %parallel_loop3A_1610 = arith.maximumf %parallel_loop3A_1606, %parallel_loop3A_1603 : vector<16xf32>
        %parallel_loop3A_1611 = arith.minimumf %parallel_loop3A_1606, %parallel_loop3A_1603 : vector<16xf32>
        %parallel_loop3A_1612 = arith.maximumf %parallel_loop3A_1604, %parallel_loop3A_1609 : vector<16xf32>
        %parallel_loop3A_1613 = arith.minimumf %parallel_loop3A_1604, %parallel_loop3A_1609 : vector<16xf32>
        %parallel_loop3A_1614 = arith.maximumf %parallel_loop3A_1608, %parallel_loop3A_1611 : vector<16xf32>
        %parallel_loop3A_1615 = arith.minimumf %parallel_loop3A_1608, %parallel_loop3A_1611 : vector<16xf32>
        %parallel_loop3A_1616 = arith.maximumf %parallel_loop3A_1612, %parallel_loop3A_1607 : vector<16xf32>
        %parallel_loop3A_1617 = arith.minimumf %parallel_loop3A_1612, %parallel_loop3A_1607 : vector<16xf32>
        %parallel_loop3A_1618 = arith.maximumf %parallel_loop3A_1616, %parallel_loop3A_1615 : vector<16xf32>
        %parallel_loop3A_1619 = arith.minimumf %parallel_loop3A_1616, %parallel_loop3A_1615 : vector<16xf32>
        %parallel_loop3A_1620 = arith.maximumf %parallel_loop3A_1574, %parallel_loop3A_1605 : vector<16xf32>
        %parallel_loop3A_1621 = arith.maximumf %parallel_loop3A_1575, %parallel_loop3A_1613 : vector<16xf32>
        %parallel_loop3A_1622 = arith.maximumf %parallel_loop3A_1576, %parallel_loop3A_1617 : vector<16xf32>
        %parallel_loop3A_1623 = arith.maximumf %parallel_loop3A_1577, %parallel_loop3A_1619 : vector<16xf32>
        %parallel_loop3A_1624 = arith.maximumf %parallel_loop3A_1578, %parallel_loop3A_1618 : vector<16xf32>
        %parallel_loop3A_1625 = arith.maximumf %parallel_loop3A_1579, %parallel_loop3A_1614 : vector<16xf32>
        %parallel_loop3A_1626 = arith.maximumf %parallel_loop3A_1580, %parallel_loop3A_1610 : vector<16xf32>
        %parallel_loop3A_1627 = arith.maximumf %parallel_loop3A_1581, %parallel_loop3A_1602 : vector<16xf32>
        %parallel_loop3A_1628 = arith.maximumf %parallel_loop3A_1620, %parallel_loop3A_1624 : vector<16xf32>
        %parallel_loop3A_1629 = arith.minimumf %parallel_loop3A_1620, %parallel_loop3A_1624 : vector<16xf32>
        %parallel_loop3A_1630 = arith.maximumf %parallel_loop3A_1621, %parallel_loop3A_1625 : vector<16xf32>
        %parallel_loop3A_1631 = arith.minimumf %parallel_loop3A_1621, %parallel_loop3A_1625 : vector<16xf32>
        %parallel_loop3A_1632 = arith.maximumf %parallel_loop3A_1622, %parallel_loop3A_1626 : vector<16xf32>
        %parallel_loop3A_1633 = arith.minimumf %parallel_loop3A_1622, %parallel_loop3A_1626 : vector<16xf32>
        %parallel_loop3A_1634 = arith.maximumf %parallel_loop3A_1623, %parallel_loop3A_1627 : vector<16xf32>
        %parallel_loop3A_1635 = arith.minimumf %parallel_loop3A_1623, %parallel_loop3A_1627 : vector<16xf32>
        %parallel_loop3A_1636 = arith.maximumf %parallel_loop3A_1628, %parallel_loop3A_1632 : vector<16xf32>
        %parallel_loop3A_1637 = arith.minimumf %parallel_loop3A_1628, %parallel_loop3A_1632 : vector<16xf32>
        %parallel_loop3A_1638 = arith.maximumf %parallel_loop3A_1630, %parallel_loop3A_1634 : vector<16xf32>
        %parallel_loop3A_1639 = arith.minimumf %parallel_loop3A_1630, %parallel_loop3A_1634 : vector<16xf32>
        %parallel_loop3A_1640 = arith.maximumf %parallel_loop3A_1629, %parallel_loop3A_1633 : vector<16xf32>
        %parallel_loop3A_1641 = arith.minimumf %parallel_loop3A_1629, %parallel_loop3A_1633 : vector<16xf32>
        %parallel_loop3A_1642 = arith.maximumf %parallel_loop3A_1631, %parallel_loop3A_1635 : vector<16xf32>
        %parallel_loop3A_1643 = arith.minimumf %parallel_loop3A_1631, %parallel_loop3A_1635 : vector<16xf32>
        %parallel_loop3A_1644 = arith.maximumf %parallel_loop3A_1636, %parallel_loop3A_1638 : vector<16xf32>
        %parallel_loop3A_1645 = arith.minimumf %parallel_loop3A_1636, %parallel_loop3A_1638 : vector<16xf32>
        %parallel_loop3A_1646 = arith.maximumf %parallel_loop3A_1637, %parallel_loop3A_1639 : vector<16xf32>
        %parallel_loop3A_1647 = arith.minimumf %parallel_loop3A_1637, %parallel_loop3A_1639 : vector<16xf32>
        %parallel_loop3A_1648 = arith.maximumf %parallel_loop3A_1640, %parallel_loop3A_1642 : vector<16xf32>
        %parallel_loop3A_1649 = arith.minimumf %parallel_loop3A_1640, %parallel_loop3A_1642 : vector<16xf32>
        %parallel_loop3A_1650 = arith.maximumf %parallel_loop3A_1641, %parallel_loop3A_1643 : vector<16xf32>
        %parallel_loop3A_1651 = arith.minimumf %parallel_loop3A_1641, %parallel_loop3A_1643 : vector<16xf32>
        %parallel_loop3A_1652 = arith.maximumf %parallel_loop3A_988, %parallel_loop3A_1003 : vector<16xf32>
        %parallel_loop3A_1653 = arith.minimumf %parallel_loop3A_988, %parallel_loop3A_1003 : vector<16xf32>
        %parallel_loop3A_1654 = arith.maximumf %parallel_loop3A_1018, %parallel_loop3A_1033 : vector<16xf32>
        %parallel_loop3A_1655 = arith.minimumf %parallel_loop3A_1018, %parallel_loop3A_1033 : vector<16xf32>
        %parallel_loop3A_1656 = arith.maximumf %parallel_loop3A_1048, %parallel_loop3A_1063 : vector<16xf32>
        %parallel_loop3A_1657 = arith.minimumf %parallel_loop3A_1048, %parallel_loop3A_1063 : vector<16xf32>
        %parallel_loop3A_1658 = arith.maximumf %parallel_loop3A_1078, %parallel_loop3A_1093 : vector<16xf32>
        %parallel_loop3A_1659 = arith.minimumf %parallel_loop3A_1078, %parallel_loop3A_1093 : vector<16xf32>
        %parallel_loop3A_1660 = arith.maximumf %parallel_loop3A_1652, %parallel_loop3A_1654 : vector<16xf32>
        %parallel_loop3A_1661 = arith.minimumf %parallel_loop3A_1652, %parallel_loop3A_1654 : vector<16xf32>
        %parallel_loop3A_1662 = arith.maximumf %parallel_loop3A_1653, %parallel_loop3A_1655 : vector<16xf32>
        %parallel_loop3A_1663 = arith.minimumf %parallel_loop3A_1653, %parallel_loop3A_1655 : vector<16xf32>
        %parallel_loop3A_1664 = arith.maximumf %parallel_loop3A_1656, %parallel_loop3A_1658 : vector<16xf32>
        %parallel_loop3A_1665 = arith.minimumf %parallel_loop3A_1656, %parallel_loop3A_1658 : vector<16xf32>
        %parallel_loop3A_1666 = arith.maximumf %parallel_loop3A_1657, %parallel_loop3A_1659 : vector<16xf32>
        %parallel_loop3A_1667 = arith.minimumf %parallel_loop3A_1657, %parallel_loop3A_1659 : vector<16xf32>
        %parallel_loop3A_1668 = arith.maximumf %parallel_loop3A_1662, %parallel_loop3A_1661 : vector<16xf32>
        %parallel_loop3A_1669 = arith.minimumf %parallel_loop3A_1662, %parallel_loop3A_1661 : vector<16xf32>
        %parallel_loop3A_1670 = arith.maximumf %parallel_loop3A_1666, %parallel_loop3A_1665 : vector<16xf32>
        %parallel_loop3A_1671 = arith.minimumf %parallel_loop3A_1666, %parallel_loop3A_1665 : vector<16xf32>
        %parallel_loop3A_1672 = arith.maximumf %parallel_loop3A_1660, %parallel_loop3A_1664 : vector<16xf32>
        %parallel_loop3A_1673 = arith.minimumf %parallel_loop3A_1660, %parallel_loop3A_1664 : vector<16xf32>
        %parallel_loop3A_1674 = arith.maximumf %parallel_loop3A_1663, %parallel_loop3A_1667 : vector<16xf32>
        %parallel_loop3A_1675 = arith.minimumf %parallel_loop3A_1663, %parallel_loop3A_1667 : vector<16xf32>
        %parallel_loop3A_1676 = arith.maximumf %parallel_loop3A_1668, %parallel_loop3A_1670 : vector<16xf32>
        %parallel_loop3A_1677 = arith.minimumf %parallel_loop3A_1668, %parallel_loop3A_1670 : vector<16xf32>
        %parallel_loop3A_1678 = arith.maximumf %parallel_loop3A_1669, %parallel_loop3A_1671 : vector<16xf32>
        %parallel_loop3A_1679 = arith.minimumf %parallel_loop3A_1669, %parallel_loop3A_1671 : vector<16xf32>
        %parallel_loop3A_1680 = arith.maximumf %parallel_loop3A_1676, %parallel_loop3A_1673 : vector<16xf32>
        %parallel_loop3A_1681 = arith.minimumf %parallel_loop3A_1676, %parallel_loop3A_1673 : vector<16xf32>
        %parallel_loop3A_1682 = arith.maximumf %parallel_loop3A_1674, %parallel_loop3A_1679 : vector<16xf32>
        %parallel_loop3A_1683 = arith.minimumf %parallel_loop3A_1674, %parallel_loop3A_1679 : vector<16xf32>
        %parallel_loop3A_1684 = arith.maximumf %parallel_loop3A_1678, %parallel_loop3A_1681 : vector<16xf32>
        %parallel_loop3A_1685 = arith.minimumf %parallel_loop3A_1678, %parallel_loop3A_1681 : vector<16xf32>
        %parallel_loop3A_1686 = arith.maximumf %parallel_loop3A_1682, %parallel_loop3A_1677 : vector<16xf32>
        %parallel_loop3A_1687 = arith.minimumf %parallel_loop3A_1682, %parallel_loop3A_1677 : vector<16xf32>
        %parallel_loop3A_1688 = arith.maximumf %parallel_loop3A_1686, %parallel_loop3A_1685 : vector<16xf32>
        %parallel_loop3A_1689 = arith.minimumf %parallel_loop3A_1686, %parallel_loop3A_1685 : vector<16xf32>
        %parallel_loop3A_1690 = arith.maximumf %parallel_loop3A_1644, %parallel_loop3A_1675 : vector<16xf32>
        %parallel_loop3A_1691 = arith.maximumf %parallel_loop3A_1645, %parallel_loop3A_1683 : vector<16xf32>
        %parallel_loop3A_1692 = arith.maximumf %parallel_loop3A_1646, %parallel_loop3A_1687 : vector<16xf32>
        %parallel_loop3A_1693 = arith.maximumf %parallel_loop3A_1647, %parallel_loop3A_1689 : vector<16xf32>
        %parallel_loop3A_1694 = arith.maximumf %parallel_loop3A_1648, %parallel_loop3A_1688 : vector<16xf32>
        %parallel_loop3A_1695 = arith.maximumf %parallel_loop3A_1649, %parallel_loop3A_1684 : vector<16xf32>
        %parallel_loop3A_1696 = arith.maximumf %parallel_loop3A_1650, %parallel_loop3A_1680 : vector<16xf32>
        %parallel_loop3A_1697 = arith.maximumf %parallel_loop3A_1651, %parallel_loop3A_1672 : vector<16xf32>
        %parallel_loop3A_1698 = arith.maximumf %parallel_loop3A_1690, %parallel_loop3A_1694 : vector<16xf32>
        %parallel_loop3A_1699 = arith.minimumf %parallel_loop3A_1690, %parallel_loop3A_1694 : vector<16xf32>
        %parallel_loop3A_1700 = arith.maximumf %parallel_loop3A_1691, %parallel_loop3A_1695 : vector<16xf32>
        %parallel_loop3A_1701 = arith.minimumf %parallel_loop3A_1691, %parallel_loop3A_1695 : vector<16xf32>
        %parallel_loop3A_1702 = arith.maximumf %parallel_loop3A_1692, %parallel_loop3A_1696 : vector<16xf32>
        %parallel_loop3A_1703 = arith.minimumf %parallel_loop3A_1692, %parallel_loop3A_1696 : vector<16xf32>
        %parallel_loop3A_1704 = arith.maximumf %parallel_loop3A_1693, %parallel_loop3A_1697 : vector<16xf32>
        %parallel_loop3A_1705 = arith.minimumf %parallel_loop3A_1693, %parallel_loop3A_1697 : vector<16xf32>
        %parallel_loop3A_1706 = arith.maximumf %parallel_loop3A_1698, %parallel_loop3A_1702 : vector<16xf32>
        %parallel_loop3A_1707 = arith.minimumf %parallel_loop3A_1698, %parallel_loop3A_1702 : vector<16xf32>
        %parallel_loop3A_1708 = arith.maximumf %parallel_loop3A_1700, %parallel_loop3A_1704 : vector<16xf32>
        %parallel_loop3A_1709 = arith.minimumf %parallel_loop3A_1700, %parallel_loop3A_1704 : vector<16xf32>
        %parallel_loop3A_1710 = arith.maximumf %parallel_loop3A_1699, %parallel_loop3A_1703 : vector<16xf32>
        %parallel_loop3A_1711 = arith.minimumf %parallel_loop3A_1699, %parallel_loop3A_1703 : vector<16xf32>
        %parallel_loop3A_1712 = arith.maximumf %parallel_loop3A_1701, %parallel_loop3A_1705 : vector<16xf32>
        %parallel_loop3A_1713 = arith.minimumf %parallel_loop3A_1701, %parallel_loop3A_1705 : vector<16xf32>
        %parallel_loop3A_1714 = arith.maximumf %parallel_loop3A_1706, %parallel_loop3A_1708 : vector<16xf32>
        %parallel_loop3A_1715 = arith.minimumf %parallel_loop3A_1706, %parallel_loop3A_1708 : vector<16xf32>
        %parallel_loop3A_1716 = arith.maximumf %parallel_loop3A_1707, %parallel_loop3A_1709 : vector<16xf32>
        %parallel_loop3A_1717 = arith.minimumf %parallel_loop3A_1707, %parallel_loop3A_1709 : vector<16xf32>
        %parallel_loop3A_1718 = arith.maximumf %parallel_loop3A_1710, %parallel_loop3A_1712 : vector<16xf32>
        %parallel_loop3A_1719 = arith.minimumf %parallel_loop3A_1710, %parallel_loop3A_1712 : vector<16xf32>
        %parallel_loop3A_1720 = arith.maximumf %parallel_loop3A_1711, %parallel_loop3A_1713 : vector<16xf32>
        %parallel_loop3A_1721 = arith.minimumf %parallel_loop3A_1711, %parallel_loop3A_1713 : vector<16xf32>
        %parallel_loop3A_1722 = arith.maximumf %parallel_loop3A_1108, %parallel_loop3A_1123 : vector<16xf32>
        %parallel_loop3A_1723 = arith.minimumf %parallel_loop3A_1108, %parallel_loop3A_1123 : vector<16xf32>
        %parallel_loop3A_1724 = arith.maximumf %parallel_loop3A_1138, %parallel_loop3A_1153 : vector<16xf32>
        %parallel_loop3A_1725 = arith.minimumf %parallel_loop3A_1138, %parallel_loop3A_1153 : vector<16xf32>
        %parallel_loop3A_1726 = arith.maximumf %parallel_loop3A_1168, %parallel_loop3A_1183 : vector<16xf32>
        %parallel_loop3A_1727 = arith.minimumf %parallel_loop3A_1168, %parallel_loop3A_1183 : vector<16xf32>
        %parallel_loop3A_1728 = arith.maximumf %parallel_loop3A_1198, %parallel_loop3A_1213 : vector<16xf32>
        %parallel_loop3A_1729 = arith.minimumf %parallel_loop3A_1198, %parallel_loop3A_1213 : vector<16xf32>
        %parallel_loop3A_1730 = arith.maximumf %parallel_loop3A_1722, %parallel_loop3A_1724 : vector<16xf32>
        %parallel_loop3A_1731 = arith.minimumf %parallel_loop3A_1722, %parallel_loop3A_1724 : vector<16xf32>
        %parallel_loop3A_1732 = arith.maximumf %parallel_loop3A_1723, %parallel_loop3A_1725 : vector<16xf32>
        %parallel_loop3A_1733 = arith.minimumf %parallel_loop3A_1723, %parallel_loop3A_1725 : vector<16xf32>
        %parallel_loop3A_1734 = arith.maximumf %parallel_loop3A_1726, %parallel_loop3A_1728 : vector<16xf32>
        %parallel_loop3A_1735 = arith.minimumf %parallel_loop3A_1726, %parallel_loop3A_1728 : vector<16xf32>
        %parallel_loop3A_1736 = arith.maximumf %parallel_loop3A_1727, %parallel_loop3A_1729 : vector<16xf32>
        %parallel_loop3A_1737 = arith.minimumf %parallel_loop3A_1727, %parallel_loop3A_1729 : vector<16xf32>
        %parallel_loop3A_1738 = arith.maximumf %parallel_loop3A_1732, %parallel_loop3A_1731 : vector<16xf32>
        %parallel_loop3A_1739 = arith.minimumf %parallel_loop3A_1732, %parallel_loop3A_1731 : vector<16xf32>
        %parallel_loop3A_1740 = arith.maximumf %parallel_loop3A_1736, %parallel_loop3A_1735 : vector<16xf32>
        %parallel_loop3A_1741 = arith.minimumf %parallel_loop3A_1736, %parallel_loop3A_1735 : vector<16xf32>
        %parallel_loop3A_1742 = arith.maximumf %parallel_loop3A_1730, %parallel_loop3A_1734 : vector<16xf32>
        %parallel_loop3A_1743 = arith.minimumf %parallel_loop3A_1730, %parallel_loop3A_1734 : vector<16xf32>
        %parallel_loop3A_1744 = arith.maximumf %parallel_loop3A_1733, %parallel_loop3A_1737 : vector<16xf32>
        %parallel_loop3A_1745 = arith.minimumf %parallel_loop3A_1733, %parallel_loop3A_1737 : vector<16xf32>
        %parallel_loop3A_1746 = arith.maximumf %parallel_loop3A_1738, %parallel_loop3A_1740 : vector<16xf32>
        %parallel_loop3A_1747 = arith.minimumf %parallel_loop3A_1738, %parallel_loop3A_1740 : vector<16xf32>
        %parallel_loop3A_1748 = arith.maximumf %parallel_loop3A_1739, %parallel_loop3A_1741 : vector<16xf32>
        %parallel_loop3A_1749 = arith.minimumf %parallel_loop3A_1739, %parallel_loop3A_1741 : vector<16xf32>
        %parallel_loop3A_1750 = arith.maximumf %parallel_loop3A_1746, %parallel_loop3A_1743 : vector<16xf32>
        %parallel_loop3A_1751 = arith.minimumf %parallel_loop3A_1746, %parallel_loop3A_1743 : vector<16xf32>
        %parallel_loop3A_1752 = arith.maximumf %parallel_loop3A_1744, %parallel_loop3A_1749 : vector<16xf32>
        %parallel_loop3A_1753 = arith.minimumf %parallel_loop3A_1744, %parallel_loop3A_1749 : vector<16xf32>
        %parallel_loop3A_1754 = arith.maximumf %parallel_loop3A_1748, %parallel_loop3A_1751 : vector<16xf32>
        %parallel_loop3A_1755 = arith.minimumf %parallel_loop3A_1748, %parallel_loop3A_1751 : vector<16xf32>
        %parallel_loop3A_1756 = arith.maximumf %parallel_loop3A_1752, %parallel_loop3A_1747 : vector<16xf32>
        %parallel_loop3A_1757 = arith.minimumf %parallel_loop3A_1752, %parallel_loop3A_1747 : vector<16xf32>
        %parallel_loop3A_1758 = arith.maximumf %parallel_loop3A_1756, %parallel_loop3A_1755 : vector<16xf32>
        %parallel_loop3A_1759 = arith.minimumf %parallel_loop3A_1756, %parallel_loop3A_1755 : vector<16xf32>
        %parallel_loop3A_1760 = arith.maximumf %parallel_loop3A_1714, %parallel_loop3A_1745 : vector<16xf32>
        %parallel_loop3A_1761 = arith.maximumf %parallel_loop3A_1715, %parallel_loop3A_1753 : vector<16xf32>
        %parallel_loop3A_1762 = arith.maximumf %parallel_loop3A_1716, %parallel_loop3A_1757 : vector<16xf32>
        %parallel_loop3A_1763 = arith.maximumf %parallel_loop3A_1717, %parallel_loop3A_1759 : vector<16xf32>
        %parallel_loop3A_1764 = arith.maximumf %parallel_loop3A_1718, %parallel_loop3A_1758 : vector<16xf32>
        %parallel_loop3A_1765 = arith.maximumf %parallel_loop3A_1719, %parallel_loop3A_1754 : vector<16xf32>
        %parallel_loop3A_1766 = arith.maximumf %parallel_loop3A_1720, %parallel_loop3A_1750 : vector<16xf32>
        %parallel_loop3A_1767 = arith.maximumf %parallel_loop3A_1721, %parallel_loop3A_1742 : vector<16xf32>
        %parallel_loop3A_1768 = arith.maximumf %parallel_loop3A_1760, %parallel_loop3A_1764 : vector<16xf32>
        %parallel_loop3A_1769 = arith.minimumf %parallel_loop3A_1760, %parallel_loop3A_1764 : vector<16xf32>
        %parallel_loop3A_1770 = arith.maximumf %parallel_loop3A_1761, %parallel_loop3A_1765 : vector<16xf32>
        %parallel_loop3A_1771 = arith.minimumf %parallel_loop3A_1761, %parallel_loop3A_1765 : vector<16xf32>
        %parallel_loop3A_1772 = arith.maximumf %parallel_loop3A_1762, %parallel_loop3A_1766 : vector<16xf32>
        %parallel_loop3A_1773 = arith.minimumf %parallel_loop3A_1762, %parallel_loop3A_1766 : vector<16xf32>
        %parallel_loop3A_1774 = arith.maximumf %parallel_loop3A_1763, %parallel_loop3A_1767 : vector<16xf32>
        %parallel_loop3A_1775 = arith.minimumf %parallel_loop3A_1763, %parallel_loop3A_1767 : vector<16xf32>
        %parallel_loop3A_1776 = arith.maximumf %parallel_loop3A_1768, %parallel_loop3A_1772 : vector<16xf32>
        %parallel_loop3A_1777 = arith.minimumf %parallel_loop3A_1768, %parallel_loop3A_1772 : vector<16xf32>
        %parallel_loop3A_1778 = arith.maximumf %parallel_loop3A_1770, %parallel_loop3A_1774 : vector<16xf32>
        %parallel_loop3A_1779 = arith.minimumf %parallel_loop3A_1770, %parallel_loop3A_1774 : vector<16xf32>
        %parallel_loop3A_1780 = arith.maximumf %parallel_loop3A_1769, %parallel_loop3A_1773 : vector<16xf32>
        %parallel_loop3A_1781 = arith.minimumf %parallel_loop3A_1769, %parallel_loop3A_1773 : vector<16xf32>
        %parallel_loop3A_1782 = arith.maximumf %parallel_loop3A_1771, %parallel_loop3A_1775 : vector<16xf32>
        %parallel_loop3A_1783 = arith.minimumf %parallel_loop3A_1771, %parallel_loop3A_1775 : vector<16xf32>
        %parallel_loop3A_1784 = arith.maximumf %parallel_loop3A_1776, %parallel_loop3A_1778 : vector<16xf32>
        %parallel_loop3A_1785 = arith.minimumf %parallel_loop3A_1776, %parallel_loop3A_1778 : vector<16xf32>
        %parallel_loop3A_1786 = arith.maximumf %parallel_loop3A_1777, %parallel_loop3A_1779 : vector<16xf32>
        %parallel_loop3A_1787 = arith.minimumf %parallel_loop3A_1777, %parallel_loop3A_1779 : vector<16xf32>
        %parallel_loop3A_1788 = arith.maximumf %parallel_loop3A_1780, %parallel_loop3A_1782 : vector<16xf32>
        %parallel_loop3A_1789 = arith.minimumf %parallel_loop3A_1780, %parallel_loop3A_1782 : vector<16xf32>
        %parallel_loop3A_1790 = arith.maximumf %parallel_loop3A_1781, %parallel_loop3A_1783 : vector<16xf32>
        %parallel_loop3A_1791 = arith.minimumf %parallel_loop3A_1781, %parallel_loop3A_1783 : vector<16xf32>
        %parallel_loop3A_1792 = arith.maximumf %parallel_loop3A_1228, %parallel_loop3A_1243 : vector<16xf32>
        %parallel_loop3A_1793 = arith.minimumf %parallel_loop3A_1228, %parallel_loop3A_1243 : vector<16xf32>
        %parallel_loop3A_1794 = arith.maximumf %parallel_loop3A_1258, %parallel_loop3A_1273 : vector<16xf32>
        %parallel_loop3A_1795 = arith.minimumf %parallel_loop3A_1258, %parallel_loop3A_1273 : vector<16xf32>
        %parallel_loop3A_1796 = arith.maximumf %parallel_loop3A_1288, %parallel_loop3A_1303 : vector<16xf32>
        %parallel_loop3A_1797 = arith.minimumf %parallel_loop3A_1288, %parallel_loop3A_1303 : vector<16xf32>
        %parallel_loop3A_1798 = arith.maximumf %parallel_loop3A_1318, %parallel_loop3A_1333 : vector<16xf32>
        %parallel_loop3A_1799 = arith.minimumf %parallel_loop3A_1318, %parallel_loop3A_1333 : vector<16xf32>
        %parallel_loop3A_1800 = arith.maximumf %parallel_loop3A_1792, %parallel_loop3A_1794 : vector<16xf32>
        %parallel_loop3A_1801 = arith.minimumf %parallel_loop3A_1792, %parallel_loop3A_1794 : vector<16xf32>
        %parallel_loop3A_1802 = arith.maximumf %parallel_loop3A_1793, %parallel_loop3A_1795 : vector<16xf32>
        %parallel_loop3A_1803 = arith.minimumf %parallel_loop3A_1793, %parallel_loop3A_1795 : vector<16xf32>
        %parallel_loop3A_1804 = arith.maximumf %parallel_loop3A_1796, %parallel_loop3A_1798 : vector<16xf32>
        %parallel_loop3A_1805 = arith.minimumf %parallel_loop3A_1796, %parallel_loop3A_1798 : vector<16xf32>
        %parallel_loop3A_1806 = arith.maximumf %parallel_loop3A_1797, %parallel_loop3A_1799 : vector<16xf32>
        %parallel_loop3A_1807 = arith.minimumf %parallel_loop3A_1797, %parallel_loop3A_1799 : vector<16xf32>
        %parallel_loop3A_1808 = arith.maximumf %parallel_loop3A_1802, %parallel_loop3A_1801 : vector<16xf32>
        %parallel_loop3A_1809 = arith.minimumf %parallel_loop3A_1802, %parallel_loop3A_1801 : vector<16xf32>
        %parallel_loop3A_1810 = arith.maximumf %parallel_loop3A_1806, %parallel_loop3A_1805 : vector<16xf32>
        %parallel_loop3A_1811 = arith.minimumf %parallel_loop3A_1806, %parallel_loop3A_1805 : vector<16xf32>
        %parallel_loop3A_1812 = arith.maximumf %parallel_loop3A_1800, %parallel_loop3A_1804 : vector<16xf32>
        %parallel_loop3A_1813 = arith.minimumf %parallel_loop3A_1800, %parallel_loop3A_1804 : vector<16xf32>
        %parallel_loop3A_1814 = arith.maximumf %parallel_loop3A_1803, %parallel_loop3A_1807 : vector<16xf32>
        %parallel_loop3A_1815 = arith.minimumf %parallel_loop3A_1803, %parallel_loop3A_1807 : vector<16xf32>
        %parallel_loop3A_1816 = arith.maximumf %parallel_loop3A_1808, %parallel_loop3A_1810 : vector<16xf32>
        %parallel_loop3A_1817 = arith.minimumf %parallel_loop3A_1808, %parallel_loop3A_1810 : vector<16xf32>
        %parallel_loop3A_1818 = arith.maximumf %parallel_loop3A_1809, %parallel_loop3A_1811 : vector<16xf32>
        %parallel_loop3A_1819 = arith.minimumf %parallel_loop3A_1809, %parallel_loop3A_1811 : vector<16xf32>
        %parallel_loop3A_1820 = arith.maximumf %parallel_loop3A_1816, %parallel_loop3A_1813 : vector<16xf32>
        %parallel_loop3A_1821 = arith.minimumf %parallel_loop3A_1816, %parallel_loop3A_1813 : vector<16xf32>
        %parallel_loop3A_1822 = arith.maximumf %parallel_loop3A_1814, %parallel_loop3A_1819 : vector<16xf32>
        %parallel_loop3A_1823 = arith.minimumf %parallel_loop3A_1814, %parallel_loop3A_1819 : vector<16xf32>
        %parallel_loop3A_1824 = arith.maximumf %parallel_loop3A_1818, %parallel_loop3A_1821 : vector<16xf32>
        %parallel_loop3A_1825 = arith.minimumf %parallel_loop3A_1818, %parallel_loop3A_1821 : vector<16xf32>
        %parallel_loop3A_1826 = arith.maximumf %parallel_loop3A_1822, %parallel_loop3A_1817 : vector<16xf32>
        %parallel_loop3A_1827 = arith.minimumf %parallel_loop3A_1822, %parallel_loop3A_1817 : vector<16xf32>
        %parallel_loop3A_1828 = arith.maximumf %parallel_loop3A_1826, %parallel_loop3A_1825 : vector<16xf32>
        %parallel_loop3A_1829 = arith.minimumf %parallel_loop3A_1826, %parallel_loop3A_1825 : vector<16xf32>
        %parallel_loop3A_1830 = arith.maximumf %parallel_loop3A_1784, %parallel_loop3A_1815 : vector<16xf32>
        %parallel_loop3A_1831 = arith.maximumf %parallel_loop3A_1785, %parallel_loop3A_1823 : vector<16xf32>
        %parallel_loop3A_1832 = arith.maximumf %parallel_loop3A_1786, %parallel_loop3A_1827 : vector<16xf32>
        %parallel_loop3A_1833 = arith.maximumf %parallel_loop3A_1787, %parallel_loop3A_1829 : vector<16xf32>
        %parallel_loop3A_1834 = arith.maximumf %parallel_loop3A_1788, %parallel_loop3A_1828 : vector<16xf32>
        %parallel_loop3A_1835 = arith.maximumf %parallel_loop3A_1789, %parallel_loop3A_1824 : vector<16xf32>
        %parallel_loop3A_1836 = arith.maximumf %parallel_loop3A_1790, %parallel_loop3A_1820 : vector<16xf32>
        %parallel_loop3A_1837 = arith.maximumf %parallel_loop3A_1791, %parallel_loop3A_1812 : vector<16xf32>
        %parallel_loop3A_1838 = arith.maximumf %parallel_loop3A_1830, %parallel_loop3A_1834 : vector<16xf32>
        %parallel_loop3A_1839 = arith.minimumf %parallel_loop3A_1830, %parallel_loop3A_1834 : vector<16xf32>
        %parallel_loop3A_1840 = arith.maximumf %parallel_loop3A_1831, %parallel_loop3A_1835 : vector<16xf32>
        %parallel_loop3A_1841 = arith.minimumf %parallel_loop3A_1831, %parallel_loop3A_1835 : vector<16xf32>
        %parallel_loop3A_1842 = arith.maximumf %parallel_loop3A_1832, %parallel_loop3A_1836 : vector<16xf32>
        %parallel_loop3A_1843 = arith.minimumf %parallel_loop3A_1832, %parallel_loop3A_1836 : vector<16xf32>
        %parallel_loop3A_1844 = arith.maximumf %parallel_loop3A_1833, %parallel_loop3A_1837 : vector<16xf32>
        %parallel_loop3A_1845 = arith.minimumf %parallel_loop3A_1833, %parallel_loop3A_1837 : vector<16xf32>
        %parallel_loop3A_1846 = arith.maximumf %parallel_loop3A_1838, %parallel_loop3A_1842 : vector<16xf32>
        %parallel_loop3A_1847 = arith.minimumf %parallel_loop3A_1838, %parallel_loop3A_1842 : vector<16xf32>
        %parallel_loop3A_1848 = arith.maximumf %parallel_loop3A_1840, %parallel_loop3A_1844 : vector<16xf32>
        %parallel_loop3A_1849 = arith.minimumf %parallel_loop3A_1840, %parallel_loop3A_1844 : vector<16xf32>
        %parallel_loop3A_1850 = arith.maximumf %parallel_loop3A_1839, %parallel_loop3A_1843 : vector<16xf32>
        %parallel_loop3A_1851 = arith.minimumf %parallel_loop3A_1839, %parallel_loop3A_1843 : vector<16xf32>
        %parallel_loop3A_1852 = arith.maximumf %parallel_loop3A_1841, %parallel_loop3A_1845 : vector<16xf32>
        %parallel_loop3A_1853 = arith.minimumf %parallel_loop3A_1841, %parallel_loop3A_1845 : vector<16xf32>
        %parallel_loop3A_1854 = arith.maximumf %parallel_loop3A_1846, %parallel_loop3A_1848 : vector<16xf32>
        %parallel_loop3A_1855 = arith.minimumf %parallel_loop3A_1846, %parallel_loop3A_1848 : vector<16xf32>
        %parallel_loop3A_1856 = arith.maximumf %parallel_loop3A_1847, %parallel_loop3A_1849 : vector<16xf32>
        %parallel_loop3A_1857 = arith.minimumf %parallel_loop3A_1847, %parallel_loop3A_1849 : vector<16xf32>
        %parallel_loop3A_1858 = arith.maximumf %parallel_loop3A_1850, %parallel_loop3A_1852 : vector<16xf32>
        %parallel_loop3A_1859 = arith.minimumf %parallel_loop3A_1850, %parallel_loop3A_1852 : vector<16xf32>
        %parallel_loop3A_1860 = arith.maximumf %parallel_loop3A_1851, %parallel_loop3A_1853 : vector<16xf32>
        %parallel_loop3A_1861 = arith.minimumf %parallel_loop3A_1851, %parallel_loop3A_1853 : vector<16xf32>
        %parallel_loop3A_1862 = tpu.bitcast %parallel_loop3A_1854 : vector<16xf32> -> vector<16xi32>
        %parallel_loop3A_1863 = arith.constant 63 : i32
        %parallel_loop3A_1864 = vector.broadcast %parallel_loop3A_1863 : i32 to vector<16xi32>
        %parallel_loop3A_1865 = arith.andi %parallel_loop3A_1862, %parallel_loop3A_1864 : vector<16xi32>
        %parallel_loop3A_1866 = arith.constant 63 : i32
        %parallel_loop3A_1867 = vector.broadcast %parallel_loop3A_1866 : i32 to vector<16xi32>
        %parallel_loop3A_1868 = arith.subi %parallel_loop3A_1867, %parallel_loop3A_1865 : vector<16xi32>
        %parallel_loop3A_1869 = tpu.bitcast %parallel_loop3A_1855 : vector<16xf32> -> vector<16xi32>
        %parallel_loop3A_1870 = arith.constant 63 : i32
        %parallel_loop3A_1871 = vector.broadcast %parallel_loop3A_1870 : i32 to vector<16xi32>
        %parallel_loop3A_1872 = arith.andi %parallel_loop3A_1869, %parallel_loop3A_1871 : vector<16xi32>
        %parallel_loop3A_1873 = arith.constant 63 : i32
        %parallel_loop3A_1874 = vector.broadcast %parallel_loop3A_1873 : i32 to vector<16xi32>
        %parallel_loop3A_1875 = arith.subi %parallel_loop3A_1874, %parallel_loop3A_1872 : vector<16xi32>
        %parallel_loop3A_1876 = tpu.bitcast %parallel_loop3A_1856 : vector<16xf32> -> vector<16xi32>
        %parallel_loop3A_1877 = arith.constant 63 : i32
        %parallel_loop3A_1878 = vector.broadcast %parallel_loop3A_1877 : i32 to vector<16xi32>
        %parallel_loop3A_1879 = arith.andi %parallel_loop3A_1876, %parallel_loop3A_1878 : vector<16xi32>
        %parallel_loop3A_1880 = arith.constant 63 : i32
        %parallel_loop3A_1881 = vector.broadcast %parallel_loop3A_1880 : i32 to vector<16xi32>
        %parallel_loop3A_1882 = arith.subi %parallel_loop3A_1881, %parallel_loop3A_1879 : vector<16xi32>
        %parallel_loop3A_1883 = tpu.bitcast %parallel_loop3A_1857 : vector<16xf32> -> vector<16xi32>
        %parallel_loop3A_1884 = arith.constant 63 : i32
        %parallel_loop3A_1885 = vector.broadcast %parallel_loop3A_1884 : i32 to vector<16xi32>
        %parallel_loop3A_1886 = arith.andi %parallel_loop3A_1883, %parallel_loop3A_1885 : vector<16xi32>
        %parallel_loop3A_1887 = arith.constant 63 : i32
        %parallel_loop3A_1888 = vector.broadcast %parallel_loop3A_1887 : i32 to vector<16xi32>
        %parallel_loop3A_1889 = arith.subi %parallel_loop3A_1888, %parallel_loop3A_1886 : vector<16xi32>
        %parallel_loop3A_1890 = tpu.bitcast %parallel_loop3A_1858 : vector<16xf32> -> vector<16xi32>
        %parallel_loop3A_1891 = arith.constant 63 : i32
        %parallel_loop3A_1892 = vector.broadcast %parallel_loop3A_1891 : i32 to vector<16xi32>
        %parallel_loop3A_1893 = arith.andi %parallel_loop3A_1890, %parallel_loop3A_1892 : vector<16xi32>
        %parallel_loop3A_1894 = arith.constant 63 : i32
        %parallel_loop3A_1895 = vector.broadcast %parallel_loop3A_1894 : i32 to vector<16xi32>
        %parallel_loop3A_1896 = arith.subi %parallel_loop3A_1895, %parallel_loop3A_1893 : vector<16xi32>
        %parallel_loop3A_1897 = tpu.bitcast %parallel_loop3A_1859 : vector<16xf32> -> vector<16xi32>
        %parallel_loop3A_1898 = arith.constant 63 : i32
        %parallel_loop3A_1899 = vector.broadcast %parallel_loop3A_1898 : i32 to vector<16xi32>
        %parallel_loop3A_1900 = arith.andi %parallel_loop3A_1897, %parallel_loop3A_1899 : vector<16xi32>
        %parallel_loop3A_1901 = arith.constant 63 : i32
        %parallel_loop3A_1902 = vector.broadcast %parallel_loop3A_1901 : i32 to vector<16xi32>
        %parallel_loop3A_1903 = arith.subi %parallel_loop3A_1902, %parallel_loop3A_1900 : vector<16xi32>
        %parallel_loop3A_1904 = tpu.bitcast %parallel_loop3A_1860 : vector<16xf32> -> vector<16xi32>
        %parallel_loop3A_1905 = arith.constant 63 : i32
        %parallel_loop3A_1906 = vector.broadcast %parallel_loop3A_1905 : i32 to vector<16xi32>
        %parallel_loop3A_1907 = arith.andi %parallel_loop3A_1904, %parallel_loop3A_1906 : vector<16xi32>
        %parallel_loop3A_1908 = arith.constant 63 : i32
        %parallel_loop3A_1909 = vector.broadcast %parallel_loop3A_1908 : i32 to vector<16xi32>
        %parallel_loop3A_1910 = arith.subi %parallel_loop3A_1909, %parallel_loop3A_1907 : vector<16xi32>
        %parallel_loop3A_1911 = tpu.bitcast %parallel_loop3A_1861 : vector<16xf32> -> vector<16xi32>
        %parallel_loop3A_1912 = arith.constant 63 : i32
        %parallel_loop3A_1913 = vector.broadcast %parallel_loop3A_1912 : i32 to vector<16xi32>
        %parallel_loop3A_1914 = arith.andi %parallel_loop3A_1911, %parallel_loop3A_1913 : vector<16xi32>
        %parallel_loop3A_1915 = arith.constant 63 : i32
        %parallel_loop3A_1916 = vector.broadcast %parallel_loop3A_1915 : i32 to vector<16xi32>
        %parallel_loop3A_1917 = arith.subi %parallel_loop3A_1916, %parallel_loop3A_1914 : vector<16xi32>
        %parallel_loop3A_1918 = arith.constant 1.000000e+00 : f32
        %parallel_loop3A_1919 = vector.broadcast %parallel_loop3A_1918 : f32 to vector<16xf32>
        %parallel_loop3A_1920 = arith.subf %parallel_loop3A_1855, %parallel_loop3A_1854 : vector<16xf32>
        %parallel_loop3A_1921 = math.exp %parallel_loop3A_1920 : vector<16xf32>
        %parallel_loop3A_1922 = arith.subf %parallel_loop3A_1856, %parallel_loop3A_1854 : vector<16xf32>
        %parallel_loop3A_1923 = math.exp %parallel_loop3A_1922 : vector<16xf32>
        %parallel_loop3A_1924 = arith.subf %parallel_loop3A_1857, %parallel_loop3A_1854 : vector<16xf32>
        %parallel_loop3A_1925 = math.exp %parallel_loop3A_1924 : vector<16xf32>
        %parallel_loop3A_1926 = arith.subf %parallel_loop3A_1858, %parallel_loop3A_1854 : vector<16xf32>
        %parallel_loop3A_1927 = math.exp %parallel_loop3A_1926 : vector<16xf32>
        %parallel_loop3A_1928 = arith.subf %parallel_loop3A_1859, %parallel_loop3A_1854 : vector<16xf32>
        %parallel_loop3A_1929 = math.exp %parallel_loop3A_1928 : vector<16xf32>
        %parallel_loop3A_1930 = arith.subf %parallel_loop3A_1860, %parallel_loop3A_1854 : vector<16xf32>
        %parallel_loop3A_1931 = math.exp %parallel_loop3A_1930 : vector<16xf32>
        %parallel_loop3A_1932 = arith.subf %parallel_loop3A_1861, %parallel_loop3A_1854 : vector<16xf32>
        %parallel_loop3A_1933 = math.exp %parallel_loop3A_1932 : vector<16xf32>
        %parallel_loop3A_1934 = arith.addf %parallel_loop3A_1919, %parallel_loop3A_1921 : vector<16xf32>
        %parallel_loop3A_1935 = arith.addf %parallel_loop3A_1934, %parallel_loop3A_1923 : vector<16xf32>
        %parallel_loop3A_1936 = arith.addf %parallel_loop3A_1935, %parallel_loop3A_1925 : vector<16xf32>
        %parallel_loop3A_1937 = arith.addf %parallel_loop3A_1936, %parallel_loop3A_1927 : vector<16xf32>
        %parallel_loop3A_1938 = arith.addf %parallel_loop3A_1937, %parallel_loop3A_1929 : vector<16xf32>
        %parallel_loop3A_1939 = arith.addf %parallel_loop3A_1938, %parallel_loop3A_1931 : vector<16xf32>
        %parallel_loop3A_1940 = arith.addf %parallel_loop3A_1939, %parallel_loop3A_1933 : vector<16xf32>
        %parallel_loop3A_1941 = arith.constant 1.000000e+00 : f32
        %parallel_loop3A_1942 = vector.broadcast %parallel_loop3A_1941 : f32 to vector<16xf32>
        %parallel_loop3A_1943 = arith.divf %parallel_loop3A_1942, %parallel_loop3A_1940 : vector<16xf32>
        %parallel_loop3A_1944 = arith.mulf %parallel_loop3A_1919, %parallel_loop3A_1943 : vector<16xf32>
        %parallel_loop3A_1945 = arith.constant 0 : i32
        %parallel_loop3A_1946 = arith.index_cast %scan3A_342 : i32 to index
        %parallel_loop3A_1947 = arith.index_cast %parallel_loop3A_1945 : i32 to index
        %parallel_loop3A_1948 = arith.index_cast %parallel_loop3A_373 : i32 to index
        %parallel_loop3A_1949 = tpu.vector_load %arg6[%parallel_loop3A_1946, %parallel_loop3A_1947, %parallel_loop3A_1948] {strides = array<i32>} : memref<8x8x128xf32, #tpu.memory_space<vmem>>, vector<16xf32>,
        tpu.vector_store %arg6[%parallel_loop3A_1946, %parallel_loop3A_1947, %parallel_loop3A_1948], %parallel_loop3A_1944 {strides = array<i32>} : memref<8x8x128xf32, #tpu.memory_space<vmem>>, vector<16xf32>,
        %parallel_loop3A_1950 = arith.constant 0 : i32
        %parallel_loop3A_1951 = arith.index_cast %scan3A_342 : i32 to index
        %parallel_loop3A_1952 = arith.index_cast %parallel_loop3A_1950 : i32 to index
        %parallel_loop3A_1953 = arith.index_cast %parallel_loop3A_373 : i32 to index
        %parallel_loop3A_1954 = tpu.vector_load %arg7[%parallel_loop3A_1951, %parallel_loop3A_1952, %parallel_loop3A_1953] {strides = array<i32>} : memref<8x8x128xi32, #tpu.memory_space<vmem>>, vector<16xi32>,
        tpu.vector_store %arg7[%parallel_loop3A_1951, %parallel_loop3A_1952, %parallel_loop3A_1953], %parallel_loop3A_1868 {strides = array<i32>} : memref<8x8x128xi32, #tpu.memory_space<vmem>>, vector<16xi32>,
        %parallel_loop3A_1955 = arith.mulf %parallel_loop3A_1921, %parallel_loop3A_1943 : vector<16xf32>
        %parallel_loop3A_1956 = arith.constant 1 : i32
        %parallel_loop3A_1957 = arith.index_cast %scan3A_342 : i32 to index
        %parallel_loop3A_1958 = arith.index_cast %parallel_loop3A_1956 : i32 to index
        %parallel_loop3A_1959 = arith.index_cast %parallel_loop3A_373 : i32 to index
        %parallel_loop3A_1960 = tpu.vector_load %arg6[%parallel_loop3A_1957, %parallel_loop3A_1958, %parallel_loop3A_1959] {strides = array<i32>} : memref<8x8x128xf32, #tpu.memory_space<vmem>>, vector<16xf32>,
        tpu.vector_store %arg6[%parallel_loop3A_1957, %parallel_loop3A_1958, %parallel_loop3A_1959], %parallel_loop3A_1955 {strides = array<i32>} : memref<8x8x128xf32, #tpu.memory_space<vmem>>, vector<16xf32>,
        %parallel_loop3A_1961 = arith.constant 1 : i32
        %parallel_loop3A_1962 = arith.index_cast %scan3A_342 : i32 to index
        %parallel_loop3A_1963 = arith.index_cast %parallel_loop3A_1961 : i32 to index
        %parallel_loop3A_1964 = arith.index_cast %parallel_loop3A_373 : i32 to index
        %parallel_loop3A_1965 = tpu.vector_load %arg7[%parallel_loop3A_1962, %parallel_loop3A_1963, %parallel_loop3A_1964] {strides = array<i32>} : memref<8x8x128xi32, #tpu.memory_space<vmem>>, vector<16xi32>,
        tpu.vector_store %arg7[%parallel_loop3A_1962, %parallel_loop3A_1963, %parallel_loop3A_1964], %parallel_loop3A_1875 {strides = array<i32>} : memref<8x8x128xi32, #tpu.memory_space<vmem>>, vector<16xi32>,
        %parallel_loop3A_1966 = arith.mulf %parallel_loop3A_1923, %parallel_loop3A_1943 : vector<16xf32>
        %parallel_loop3A_1967 = arith.constant 2 : i32
        %parallel_loop3A_1968 = arith.index_cast %scan3A_342 : i32 to index
        %parallel_loop3A_1969 = arith.index_cast %parallel_loop3A_1967 : i32 to index
        %parallel_loop3A_1970 = arith.index_cast %parallel_loop3A_373 : i32 to index
        %parallel_loop3A_1971 = tpu.vector_load %arg6[%parallel_loop3A_1968, %parallel_loop3A_1969, %parallel_loop3A_1970] {strides = array<i32>} : memref<8x8x128xf32, #tpu.memory_space<vmem>>, vector<16xf32>,
        tpu.vector_store %arg6[%parallel_loop3A_1968, %parallel_loop3A_1969, %parallel_loop3A_1970], %parallel_loop3A_1966 {strides = array<i32>} : memref<8x8x128xf32, #tpu.memory_space<vmem>>, vector<16xf32>,
        %parallel_loop3A_1972 = arith.constant 2 : i32
        %parallel_loop3A_1973 = arith.index_cast %scan3A_342 : i32 to index
        %parallel_loop3A_1974 = arith.index_cast %parallel_loop3A_1972 : i32 to index
        %parallel_loop3A_1975 = arith.index_cast %parallel_loop3A_373 : i32 to index
        %parallel_loop3A_1976 = tpu.vector_load %arg7[%parallel_loop3A_1973, %parallel_loop3A_1974, %parallel_loop3A_1975] {strides = array<i32>} : memref<8x8x128xi32, #tpu.memory_space<vmem>>, vector<16xi32>,
        tpu.vector_store %arg7[%parallel_loop3A_1973, %parallel_loop3A_1974, %parallel_loop3A_1975], %parallel_loop3A_1882 {strides = array<i32>} : memref<8x8x128xi32, #tpu.memory_space<vmem>>, vector<16xi32>,
        %parallel_loop3A_1977 = arith.mulf %parallel_loop3A_1925, %parallel_loop3A_1943 : vector<16xf32>
        %parallel_loop3A_1978 = arith.constant 3 : i32
        %parallel_loop3A_1979 = arith.index_cast %scan3A_342 : i32 to index
        %parallel_loop3A_1980 = arith.index_cast %parallel_loop3A_1978 : i32 to index
        %parallel_loop3A_1981 = arith.index_cast %parallel_loop3A_373 : i32 to index
        %parallel_loop3A_1982 = tpu.vector_load %arg6[%parallel_loop3A_1979, %parallel_loop3A_1980, %parallel_loop3A_1981] {strides = array<i32>} : memref<8x8x128xf32, #tpu.memory_space<vmem>>, vector<16xf32>,
        tpu.vector_store %arg6[%parallel_loop3A_1979, %parallel_loop3A_1980, %parallel_loop3A_1981], %parallel_loop3A_1977 {strides = array<i32>} : memref<8x8x128xf32, #tpu.memory_space<vmem>>, vector<16xf32>,
        %parallel_loop3A_1983 = arith.constant 3 : i32
        %parallel_loop3A_1984 = arith.index_cast %scan3A_342 : i32 to index
        %parallel_loop3A_1985 = arith.index_cast %parallel_loop3A_1983 : i32 to index
        %parallel_loop3A_1986 = arith.index_cast %parallel_loop3A_373 : i32 to index
        %parallel_loop3A_1987 = tpu.vector_load %arg7[%parallel_loop3A_1984, %parallel_loop3A_1985, %parallel_loop3A_1986] {strides = array<i32>} : memref<8x8x128xi32, #tpu.memory_space<vmem>>, vector<16xi32>,
        tpu.vector_store %arg7[%parallel_loop3A_1984, %parallel_loop3A_1985, %parallel_loop3A_1986], %parallel_loop3A_1889 {strides = array<i32>} : memref<8x8x128xi32, #tpu.memory_space<vmem>>, vector<16xi32>,
        %parallel_loop3A_1988 = arith.mulf %parallel_loop3A_1927, %parallel_loop3A_1943 : vector<16xf32>
        %parallel_loop3A_1989 = arith.constant 4 : i32
        %parallel_loop3A_1990 = arith.index_cast %scan3A_342 : i32 to index
        %parallel_loop3A_1991 = arith.index_cast %parallel_loop3A_1989 : i32 to index
        %parallel_loop3A_1992 = arith.index_cast %parallel_loop3A_373 : i32 to index
        %parallel_loop3A_1993 = tpu.vector_load %arg6[%parallel_loop3A_1990, %parallel_loop3A_1991, %parallel_loop3A_1992] {strides = array<i32>} : memref<8x8x128xf32, #tpu.memory_space<vmem>>, vector<16xf32>,
        tpu.vector_store %arg6[%parallel_loop3A_1990, %parallel_loop3A_1991, %parallel_loop3A_1992], %parallel_loop3A_1988 {strides = array<i32>} : memref<8x8x128xf32, #tpu.memory_space<vmem>>, vector<16xf32>,
        %parallel_loop3A_1994 = arith.constant 4 : i32
        %parallel_loop3A_1995 = arith.index_cast %scan3A_342 : i32 to index
        %parallel_loop3A_1996 = arith.index_cast %parallel_loop3A_1994 : i32 to index
        %parallel_loop3A_1997 = arith.index_cast %parallel_loop3A_373 : i32 to index
        %parallel_loop3A_1998 = tpu.vector_load %arg7[%parallel_loop3A_1995, %parallel_loop3A_1996, %parallel_loop3A_1997] {strides = array<i32>} : memref<8x8x128xi32, #tpu.memory_space<vmem>>, vector<16xi32>,
        tpu.vector_store %arg7[%parallel_loop3A_1995, %parallel_loop3A_1996, %parallel_loop3A_1997], %parallel_loop3A_1896 {strides = array<i32>} : memref<8x8x128xi32, #tpu.memory_space<vmem>>, vector<16xi32>,
        %parallel_loop3A_1999 = arith.mulf %parallel_loop3A_1929, %parallel_loop3A_1943 : vector<16xf32>
        %parallel_loop3A_2000 = arith.constant 5 : i32
        %parallel_loop3A_2001 = arith.index_cast %scan3A_342 : i32 to index
        %parallel_loop3A_2002 = arith.index_cast %parallel_loop3A_2000 : i32 to index
        %parallel_loop3A_2003 = arith.index_cast %parallel_loop3A_373 : i32 to index
        %parallel_loop3A_2004 = tpu.vector_load %arg6[%parallel_loop3A_2001, %parallel_loop3A_2002, %parallel_loop3A_2003] {strides = array<i32>} : memref<8x8x128xf32, #tpu.memory_space<vmem>>, vector<16xf32>,
        tpu.vector_store %arg6[%parallel_loop3A_2001, %parallel_loop3A_2002, %parallel_loop3A_2003], %parallel_loop3A_1999 {strides = array<i32>} : memref<8x8x128xf32, #tpu.memory_space<vmem>>, vector<16xf32>,
        %parallel_loop3A_2005 = arith.constant 5 : i32
        %parallel_loop3A_2006 = arith.index_cast %scan3A_342 : i32 to index
        %parallel_loop3A_2007 = arith.index_cast %parallel_loop3A_2005 : i32 to index
        %parallel_loop3A_2008 = arith.index_cast %parallel_loop3A_373 : i32 to index
        %parallel_loop3A_2009 = tpu.vector_load %arg7[%parallel_loop3A_2006, %parallel_loop3A_2007, %parallel_loop3A_2008] {strides = array<i32>} : memref<8x8x128xi32, #tpu.memory_space<vmem>>, vector<16xi32>,
        tpu.vector_store %arg7[%parallel_loop3A_2006, %parallel_loop3A_2007, %parallel_loop3A_2008], %parallel_loop3A_1903 {strides = array<i32>} : memref<8x8x128xi32, #tpu.memory_space<vmem>>, vector<16xi32>,
        %parallel_loop3A_2010 = arith.mulf %parallel_loop3A_1931, %parallel_loop3A_1943 : vector<16xf32>
        %parallel_loop3A_2011 = arith.constant 6 : i32
        %parallel_loop3A_2012 = arith.index_cast %scan3A_342 : i32 to index
        %parallel_loop3A_2013 = arith.index_cast %parallel_loop3A_2011 : i32 to index
        %parallel_loop3A_2014 = arith.index_cast %parallel_loop3A_373 : i32 to index
        %parallel_loop3A_2015 = tpu.vector_load %arg6[%parallel_loop3A_2012, %parallel_loop3A_2013, %parallel_loop3A_2014] {strides = array<i32>} : memref<8x8x128xf32, #tpu.memory_space<vmem>>, vector<16xf32>,
        tpu.vector_store %arg6[%parallel_loop3A_2012, %parallel_loop3A_2013, %parallel_loop3A_2014], %parallel_loop3A_2010 {strides = array<i32>} : memref<8x8x128xf32, #tpu.memory_space<vmem>>, vector<16xf32>,
        %parallel_loop3A_2016 = arith.constant 6 : i32
        %parallel_loop3A_2017 = arith.index_cast %scan3A_342 : i32 to index
        %parallel_loop3A_2018 = arith.index_cast %parallel_loop3A_2016 : i32 to index
        %parallel_loop3A_2019 = arith.index_cast %parallel_loop3A_373 : i32 to index
        %parallel_loop3A_2020 = tpu.vector_load %arg7[%parallel_loop3A_2017, %parallel_loop3A_2018, %parallel_loop3A_2019] {strides = array<i32>} : memref<8x8x128xi32, #tpu.memory_space<vmem>>, vector<16xi32>,
        tpu.vector_store %arg7[%parallel_loop3A_2017, %parallel_loop3A_2018, %parallel_loop3A_2019], %parallel_loop3A_1910 {strides = array<i32>} : memref<8x8x128xi32, #tpu.memory_space<vmem>>, vector<16xi32>,
        %parallel_loop3A_2021 = arith.mulf %parallel_loop3A_1933, %parallel_loop3A_1943 : vector<16xf32>
        %parallel_loop3A_2022 = arith.constant 7 : i32
        %parallel_loop3A_2023 = arith.index_cast %scan3A_342 : i32 to index
        %parallel_loop3A_2024 = arith.index_cast %parallel_loop3A_2022 : i32 to index
        %parallel_loop3A_2025 = arith.index_cast %parallel_loop3A_373 : i32 to index
        %parallel_loop3A_2026 = tpu.vector_load %arg6[%parallel_loop3A_2023, %parallel_loop3A_2024, %parallel_loop3A_2025] {strides = array<i32>} : memref<8x8x128xf32, #tpu.memory_space<vmem>>, vector<16xf32>,
        tpu.vector_store %arg6[%parallel_loop3A_2023, %parallel_loop3A_2024, %parallel_loop3A_2025], %parallel_loop3A_2021 {strides = array<i32>} : memref<8x8x128xf32, #tpu.memory_space<vmem>>, vector<16xf32>,
        %parallel_loop3A_2027 = arith.constant 7 : i32
        %parallel_loop3A_2028 = arith.index_cast %scan3A_342 : i32 to index
        %parallel_loop3A_2029 = arith.index_cast %parallel_loop3A_2027 : i32 to index
        %parallel_loop3A_2030 = arith.index_cast %parallel_loop3A_373 : i32 to index
        %parallel_loop3A_2031 = tpu.vector_load %arg7[%parallel_loop3A_2028, %parallel_loop3A_2029, %parallel_loop3A_2030] {strides = array<i32>} : memref<8x8x128xi32, #tpu.memory_space<vmem>>, vector<16xi32>,
        tpu.vector_store %arg7[%parallel_loop3A_2028, %parallel_loop3A_2029, %parallel_loop3A_2030], %parallel_loop3A_1917 {strides = array<i32>} : memref<8x8x128xi32, #tpu.memory_space<vmem>>, vector<16xi32>,
      } {sc.loop_unroll_factor = 2 : i64, sc.parallel_access}
      %add3A_345 = arith.addi %mul3A_2, %scan3A_342 : i32
      %dma_start3A_346 = arith.constant 0 : i32
      %dma_start3A_347 = arith.constant 0 : i32
      %dma_start3A_348 = tpu.memref_slice %arg6[%scan3A_342, %dma_start3A_346, %dma_start3A_347] : memref<8x8x128xf32, #tpu.memory_space<vmem>> -> memref<1x8x128xf32, #tpu.memory_space<vmem>>
      %dma_start3A_349 = arith.constant 0 : i32
      %dma_start3A_350 = arith.constant 0 : i32
      %dma_start3A_351 = tpu.memref_slice %arg3[%add3A_345, %dma_start3A_349, %dma_start3A_350] : memref<256x8x128xf32, #tpu.memory_space<hbm>> -> memref<1x8x128xf32, #tpu.memory_space<hbm>>
      %dma_start3A_352 = arith.constant 0 : i32
      %dma_start3A_353 = arith.constant 0 : i32
      %dma_start3A_354 = tpu.memref_slice %arg3[%add3A_345, %dma_start3A_352, %dma_start3A_353] : memref<256x8x128xf32, #tpu.memory_space<hbm>> -> memref<1x8x128xf32, #tpu.memory_space<hbm>>
      %dma_start3A_355 = arith.constant 0 : i32
      %dma_start3A_356 = arith.constant 0 : i32
      %dma_start3A_357 = tpu.memref_slice %arg6[%scan3A_342, %dma_start3A_355, %dma_start3A_356] : memref<8x8x128xf32, #tpu.memory_space<vmem>> -> memref<1x8x128xf32, #tpu.memory_space<vmem>>
      tpu.enqueue_dma source(%dma_start3A_357 : memref<1x8x128xf32, #tpu.memory_space<vmem>>) target(%dma_start3A_354 : memref<1x8x128xf32, #tpu.memory_space<hbm>>) target_semaphore(%arg10 : memref<!tpu.dma_semaphore, #tpu.memory_space<semaphore_mem>>)
      %add3A_358 = arith.addi %mul3A_2, %scan3A_342 : i32
      %dma_start3A_359 = arith.constant 0 : i32
      %dma_start3A_360 = arith.constant 0 : i32
      %dma_start3A_361 = tpu.memref_slice %arg7[%scan3A_342, %dma_start3A_359, %dma_start3A_360] : memref<8x8x128xi32, #tpu.memory_space<vmem>> -> memref<1x8x128xi32, #tpu.memory_space<vmem>>
      %dma_start3A_362 = arith.constant 0 : i32
      %dma_start3A_363 = arith.constant 0 : i32
      %dma_start3A_364 = tpu.memref_slice %arg4[%add3A_358, %dma_start3A_362, %dma_start3A_363] : memref<256x8x128xi32, #tpu.memory_space<hbm>> -> memref<1x8x128xi32, #tpu.memory_space<hbm>>
      %dma_start3A_365 = arith.constant 0 : i32
      %dma_start3A_366 = arith.constant 0 : i32
      %dma_start3A_367 = tpu.memref_slice %arg4[%add3A_358, %dma_start3A_365, %dma_start3A_366] : memref<256x8x128xi32, #tpu.memory_space<hbm>> -> memref<1x8x128xi32, #tpu.memory_space<hbm>>
      %dma_start3A_368 = arith.constant 0 : i32
      %dma_start3A_369 = arith.constant 0 : i32
      %dma_start3A_370 = tpu.memref_slice %arg7[%scan3A_342, %dma_start3A_368, %dma_start3A_369] : memref<8x8x128xi32, #tpu.memory_space<vmem>> -> memref<1x8x128xi32, #tpu.memory_space<vmem>>
      tpu.enqueue_dma source(%dma_start3A_370 : memref<1x8x128xi32, #tpu.memory_space<vmem>>) target(%dma_start3A_367 : memref<1x8x128xi32, #tpu.memory_space<hbm>>) target_semaphore(%arg10 : memref<!tpu.dma_semaphore, #tpu.memory_space<semaphore_mem>>)
    }
    %scan3A_85 = arith.constant 4 : i32
    %add3A_86 = arith.constant 0 : i32
    %add3A_87 = arith.addi %mul3A_2, %add3A_86 : i32
    %dma_wait3A_88 = arith.constant 0 : i32
    %dma_wait3A_89 = arith.constant 0 : i32
    %dma_wait3A_90 = arith.constant 0 : i32
    %dma_wait3A_91 = tpu.memref_slice %arg6[%dma_wait3A_88, %dma_wait3A_89, %dma_wait3A_90] : memref<8x8x128xf32, #tpu.memory_space<vmem>> -> memref<1x8x128xf32, #tpu.memory_space<vmem>>
    %dma_wait3A_92 = arith.constant 0 : i32
    %dma_wait3A_93 = arith.constant 0 : i32
    %dma_wait3A_94 = tpu.memref_slice %arg3[%add3A_87, %dma_wait3A_92, %dma_wait3A_93] : memref<256x8x128xf32, #tpu.memory_space<hbm>> -> memref<1x8x128xf32, #tpu.memory_space<hbm>>
    %dma_wait3A_95 = arith.constant 0 : i32
    %dma_wait3A_96 = arith.constant 0 : i32
    %dma_wait3A_97 = arith.constant 0 : i32
    %dma_wait3A_98 = tpu.memref_slice %arg6[%dma_wait3A_95, %dma_wait3A_96, %dma_wait3A_97] : memref<8x8x128xf32, #tpu.memory_space<vmem>> -> memref<1x8x128xf32, #tpu.memory_space<vmem>>
    %dma_wait3A_99 = arith.constant 0 : i32
    %dma_wait3A_100 = arith.constant 0 : i32
    %dma_wait3A_101 = tpu.memref_slice %arg3[%add3A_87, %dma_wait3A_99, %dma_wait3A_100] : memref<256x8x128xf32, #tpu.memory_space<hbm>> -> memref<1x8x128xf32, #tpu.memory_space<hbm>>
    tpu.wait_dma2 semaphore(%arg10 : memref<!tpu.dma_semaphore, #tpu.memory_space<semaphore_mem>>) src(%dma_wait3A_101 : memref<1x8x128xf32, #tpu.memory_space<hbm>>) dst(%dma_wait3A_98 : memref<1x8x128xf32, #tpu.memory_space<vmem>>)
    %add3A_102 = arith.constant 0 : i32
    %add3A_103 = arith.addi %mul3A_2, %add3A_102 : i32
    %dma_wait3A_104 = arith.constant 0 : i32
    %dma_wait3A_105 = arith.constant 0 : i32
    %dma_wait3A_106 = arith.constant 0 : i32
    %dma_wait3A_107 = tpu.memref_slice %arg7[%dma_wait3A_104, %dma_wait3A_105, %dma_wait3A_106] : memref<8x8x128xi32, #tpu.memory_space<vmem>> -> memref<1x8x128xi32, #tpu.memory_space<vmem>>
    %dma_wait3A_108 = arith.constant 0 : i32
    %dma_wait3A_109 = arith.constant 0 : i32
    %dma_wait3A_110 = tpu.memref_slice %arg4[%add3A_103, %dma_wait3A_108, %dma_wait3A_109] : memref<256x8x128xi32, #tpu.memory_space<hbm>> -> memref<1x8x128xi32, #tpu.memory_space<hbm>>
    %dma_wait3A_111 = arith.constant 0 : i32
    %dma_wait3A_112 = arith.constant 0 : i32
    %dma_wait3A_113 = arith.constant 0 : i32
    %dma_wait3A_114 = tpu.memref_slice %arg7[%dma_wait3A_111, %dma_wait3A_112, %dma_wait3A_113] : memref<8x8x128xi32, #tpu.memory_space<vmem>> -> memref<1x8x128xi32, #tpu.memory_space<vmem>>
    %dma_wait3A_115 = arith.constant 0 : i32
    %dma_wait3A_116 = arith.constant 0 : i32
    %dma_wait3A_117 = tpu.memref_slice %arg4[%add3A_103, %dma_wait3A_115, %dma_wait3A_116] : memref<256x8x128xi32, #tpu.memory_space<hbm>> -> memref<1x8x128xi32, #tpu.memory_space<hbm>>
    tpu.wait_dma2 semaphore(%arg10 : memref<!tpu.dma_semaphore, #tpu.memory_space<semaphore_mem>>) src(%dma_wait3A_117 : memref<1x8x128xi32, #tpu.memory_space<hbm>>) dst(%dma_wait3A_114 : memref<1x8x128xi32, #tpu.memory_space<vmem>>)
    %add3A_118 = arith.constant 1 : i32
    %add3A_119 = arith.addi %mul3A_2, %add3A_118 : i32
    %dma_wait3A_120 = arith.constant 1 : i32
    %dma_wait3A_121 = arith.constant 0 : i32
    %dma_wait3A_122 = arith.constant 0 : i32
    %dma_wait3A_123 = tpu.memref_slice %arg6[%dma_wait3A_120, %dma_wait3A_121, %dma_wait3A_122] : memref<8x8x128xf32, #tpu.memory_space<vmem>> -> memref<1x8x128xf32, #tpu.memory_space<vmem>>
    %dma_wait3A_124 = arith.constant 0 : i32
    %dma_wait3A_125 = arith.constant 0 : i32
    %dma_wait3A_126 = tpu.memref_slice %arg3[%add3A_119, %dma_wait3A_124, %dma_wait3A_125] : memref<256x8x128xf32, #tpu.memory_space<hbm>> -> memref<1x8x128xf32, #tpu.memory_space<hbm>>
    %dma_wait3A_127 = arith.constant 1 : i32
    %dma_wait3A_128 = arith.constant 0 : i32
    %dma_wait3A_129 = arith.constant 0 : i32
    %dma_wait3A_130 = tpu.memref_slice %arg6[%dma_wait3A_127, %dma_wait3A_128, %dma_wait3A_129] : memref<8x8x128xf32, #tpu.memory_space<vmem>> -> memref<1x8x128xf32, #tpu.memory_space<vmem>>
    %dma_wait3A_131 = arith.constant 0 : i32
    %dma_wait3A_132 = arith.constant 0 : i32
    %dma_wait3A_133 = tpu.memref_slice %arg3[%add3A_119, %dma_wait3A_131, %dma_wait3A_132] : memref<256x8x128xf32, #tpu.memory_space<hbm>> -> memref<1x8x128xf32, #tpu.memory_space<hbm>>
    tpu.wait_dma2 semaphore(%arg10 : memref<!tpu.dma_semaphore, #tpu.memory_space<semaphore_mem>>) src(%dma_wait3A_133 : memref<1x8x128xf32, #tpu.memory_space<hbm>>) dst(%dma_wait3A_130 : memref<1x8x128xf32, #tpu.memory_space<vmem>>)
    %add3A_134 = arith.constant 1 : i32
    %add3A_135 = arith.addi %mul3A_2, %add3A_134 : i32
    %dma_wait3A_136 = arith.constant 1 : i32
    %dma_wait3A_137 = arith.constant 0 : i32
    %dma_wait3A_138 = arith.constant 0 : i32
    %dma_wait3A_139 = tpu.memref_slice %arg7[%dma_wait3A_136, %dma_wait3A_137, %dma_wait3A_138] : memref<8x8x128xi32, #tpu.memory_space<vmem>> -> memref<1x8x128xi32, #tpu.memory_space<vmem>>
    %dma_wait3A_140 = arith.constant 0 : i32
    %dma_wait3A_141 = arith.constant 0 : i32
    %dma_wait3A_142 = tpu.memref_slice %arg4[%add3A_135, %dma_wait3A_140, %dma_wait3A_141] : memref<256x8x128xi32, #tpu.memory_space<hbm>> -> memref<1x8x128xi32, #tpu.memory_space<hbm>>
    %dma_wait3A_143 = arith.constant 1 : i32
    %dma_wait3A_144 = arith.constant 0 : i32
    %dma_wait3A_145 = arith.constant 0 : i32
    %dma_wait3A_146 = tpu.memref_slice %arg7[%dma_wait3A_143, %dma_wait3A_144, %dma_wait3A_145] : memref<8x8x128xi32, #tpu.memory_space<vmem>> -> memref<1x8x128xi32, #tpu.memory_space<vmem>>
    %dma_wait3A_147 = arith.constant 0 : i32
    %dma_wait3A_148 = arith.constant 0 : i32
    %dma_wait3A_149 = tpu.memref_slice %arg4[%add3A_135, %dma_wait3A_147, %dma_wait3A_148] : memref<256x8x128xi32, #tpu.memory_space<hbm>> -> memref<1x8x128xi32, #tpu.memory_space<hbm>>
    tpu.wait_dma2 semaphore(%arg10 : memref<!tpu.dma_semaphore, #tpu.memory_space<semaphore_mem>>) src(%dma_wait3A_149 : memref<1x8x128xi32, #tpu.memory_space<hbm>>) dst(%dma_wait3A_146 : memref<1x8x128xi32, #tpu.memory_space<vmem>>)
    %add3A_150 = arith.constant 2 : i32
    %add3A_151 = arith.addi %mul3A_2, %add3A_150 : i32
    %dma_wait3A_152 = arith.constant 2 : i32
    %dma_wait3A_153 = arith.constant 0 : i32
    %dma_wait3A_154 = arith.constant 0 : i32
    %dma_wait3A_155 = tpu.memref_slice %arg6[%dma_wait3A_152, %dma_wait3A_153, %dma_wait3A_154] : memref<8x8x128xf32, #tpu.memory_space<vmem>> -> memref<1x8x128xf32, #tpu.memory_space<vmem>>
    %dma_wait3A_156 = arith.constant 0 : i32
    %dma_wait3A_157 = arith.constant 0 : i32
    %dma_wait3A_158 = tpu.memref_slice %arg3[%add3A_151, %dma_wait3A_156, %dma_wait3A_157] : memref<256x8x128xf32, #tpu.memory_space<hbm>> -> memref<1x8x128xf32, #tpu.memory_space<hbm>>
    %dma_wait3A_159 = arith.constant 2 : i32
    %dma_wait3A_160 = arith.constant 0 : i32
    %dma_wait3A_161 = arith.constant 0 : i32
    %dma_wait3A_162 = tpu.memref_slice %arg6[%dma_wait3A_159, %dma_wait3A_160, %dma_wait3A_161] : memref<8x8x128xf32, #tpu.memory_space<vmem>> -> memref<1x8x128xf32, #tpu.memory_space<vmem>>
    %dma_wait3A_163 = arith.constant 0 : i32
    %dma_wait3A_164 = arith.constant 0 : i32
    %dma_wait3A_165 = tpu.memref_slice %arg3[%add3A_151, %dma_wait3A_163, %dma_wait3A_164] : memref<256x8x128xf32, #tpu.memory_space<hbm>> -> memref<1x8x128xf32, #tpu.memory_space<hbm>>
    tpu.wait_dma2 semaphore(%arg10 : memref<!tpu.dma_semaphore, #tpu.memory_space<semaphore_mem>>) src(%dma_wait3A_165 : memref<1x8x128xf32, #tpu.memory_space<hbm>>) dst(%dma_wait3A_162 : memref<1x8x128xf32, #tpu.memory_space<vmem>>)
    %add3A_166 = arith.constant 2 : i32
    %add3A_167 = arith.addi %mul3A_2, %add3A_166 : i32
    %dma_wait3A_168 = arith.constant 2 : i32
    %dma_wait3A_169 = arith.constant 0 : i32
    %dma_wait3A_170 = arith.constant 0 : i32
    %dma_wait3A_171 = tpu.memref_slice %arg7[%dma_wait3A_168, %dma_wait3A_169, %dma_wait3A_170] : memref<8x8x128xi32, #tpu.memory_space<vmem>> -> memref<1x8x128xi32, #tpu.memory_space<vmem>>
    %dma_wait3A_172 = arith.constant 0 : i32
    %dma_wait3A_173 = arith.constant 0 : i32
    %dma_wait3A_174 = tpu.memref_slice %arg4[%add3A_167, %dma_wait3A_172, %dma_wait3A_173] : memref<256x8x128xi32, #tpu.memory_space<hbm>> -> memref<1x8x128xi32, #tpu.memory_space<hbm>>
    %dma_wait3A_175 = arith.constant 2 : i32
    %dma_wait3A_176 = arith.constant 0 : i32
    %dma_wait3A_177 = arith.constant 0 : i32
    %dma_wait3A_178 = tpu.memref_slice %arg7[%dma_wait3A_175, %dma_wait3A_176, %dma_wait3A_177] : memref<8x8x128xi32, #tpu.memory_space<vmem>> -> memref<1x8x128xi32, #tpu.memory_space<vmem>>
    %dma_wait3A_179 = arith.constant 0 : i32
    %dma_wait3A_180 = arith.constant 0 : i32
    %dma_wait3A_181 = tpu.memref_slice %arg4[%add3A_167, %dma_wait3A_179, %dma_wait3A_180] : memref<256x8x128xi32, #tpu.memory_space<hbm>> -> memref<1x8x128xi32, #tpu.memory_space<hbm>>
    tpu.wait_dma2 semaphore(%arg10 : memref<!tpu.dma_semaphore, #tpu.memory_space<semaphore_mem>>) src(%dma_wait3A_181 : memref<1x8x128xi32, #tpu.memory_space<hbm>>) dst(%dma_wait3A_178 : memref<1x8x128xi32, #tpu.memory_space<vmem>>)
    %add3A_182 = arith.constant 3 : i32
    %add3A_183 = arith.addi %mul3A_2, %add3A_182 : i32
    %dma_wait3A_184 = arith.constant 3 : i32
    %dma_wait3A_185 = arith.constant 0 : i32
    %dma_wait3A_186 = arith.constant 0 : i32
    %dma_wait3A_187 = tpu.memref_slice %arg6[%dma_wait3A_184, %dma_wait3A_185, %dma_wait3A_186] : memref<8x8x128xf32, #tpu.memory_space<vmem>> -> memref<1x8x128xf32, #tpu.memory_space<vmem>>
    %dma_wait3A_188 = arith.constant 0 : i32
    %dma_wait3A_189 = arith.constant 0 : i32
    %dma_wait3A_190 = tpu.memref_slice %arg3[%add3A_183, %dma_wait3A_188, %dma_wait3A_189] : memref<256x8x128xf32, #tpu.memory_space<hbm>> -> memref<1x8x128xf32, #tpu.memory_space<hbm>>
    %dma_wait3A_191 = arith.constant 3 : i32
    %dma_wait3A_192 = arith.constant 0 : i32
    %dma_wait3A_193 = arith.constant 0 : i32
    %dma_wait3A_194 = tpu.memref_slice %arg6[%dma_wait3A_191, %dma_wait3A_192, %dma_wait3A_193] : memref<8x8x128xf32, #tpu.memory_space<vmem>> -> memref<1x8x128xf32, #tpu.memory_space<vmem>>
    %dma_wait3A_195 = arith.constant 0 : i32
    %dma_wait3A_196 = arith.constant 0 : i32
    %dma_wait3A_197 = tpu.memref_slice %arg3[%add3A_183, %dma_wait3A_195, %dma_wait3A_196] : memref<256x8x128xf32, #tpu.memory_space<hbm>> -> memref<1x8x128xf32, #tpu.memory_space<hbm>>
    tpu.wait_dma2 semaphore(%arg10 : memref<!tpu.dma_semaphore, #tpu.memory_space<semaphore_mem>>) src(%dma_wait3A_197 : memref<1x8x128xf32, #tpu.memory_space<hbm>>) dst(%dma_wait3A_194 : memref<1x8x128xf32, #tpu.memory_space<vmem>>)
    %add3A_198 = arith.constant 3 : i32
    %add3A_199 = arith.addi %mul3A_2, %add3A_198 : i32
    %dma_wait3A_200 = arith.constant 3 : i32
    %dma_wait3A_201 = arith.constant 0 : i32
    %dma_wait3A_202 = arith.constant 0 : i32
    %dma_wait3A_203 = tpu.memref_slice %arg7[%dma_wait3A_200, %dma_wait3A_201, %dma_wait3A_202] : memref<8x8x128xi32, #tpu.memory_space<vmem>> -> memref<1x8x128xi32, #tpu.memory_space<vmem>>
    %dma_wait3A_204 = arith.constant 0 : i32
    %dma_wait3A_205 = arith.constant 0 : i32
    %dma_wait3A_206 = tpu.memref_slice %arg4[%add3A_199, %dma_wait3A_204, %dma_wait3A_205] : memref<256x8x128xi32, #tpu.memory_space<hbm>> -> memref<1x8x128xi32, #tpu.memory_space<hbm>>
    %dma_wait3A_207 = arith.constant 3 : i32
    %dma_wait3A_208 = arith.constant 0 : i32
    %dma_wait3A_209 = arith.constant 0 : i32
    %dma_wait3A_210 = tpu.memref_slice %arg7[%dma_wait3A_207, %dma_wait3A_208, %dma_wait3A_209] : memref<8x8x128xi32, #tpu.memory_space<vmem>> -> memref<1x8x128xi32, #tpu.memory_space<vmem>>
    %dma_wait3A_211 = arith.constant 0 : i32
    %dma_wait3A_212 = arith.constant 0 : i32
    %dma_wait3A_213 = tpu.memref_slice %arg4[%add3A_199, %dma_wait3A_211, %dma_wait3A_212] : memref<256x8x128xi32, #tpu.memory_space<hbm>> -> memref<1x8x128xi32, #tpu.memory_space<hbm>>
    tpu.wait_dma2 semaphore(%arg10 : memref<!tpu.dma_semaphore, #tpu.memory_space<semaphore_mem>>) src(%dma_wait3A_213 : memref<1x8x128xi32, #tpu.memory_space<hbm>>) dst(%dma_wait3A_210 : memref<1x8x128xi32, #tpu.memory_space<vmem>>)
    %add3A_214 = arith.constant 4 : i32
    %add3A_215 = arith.addi %mul3A_2, %add3A_214 : i32
    %dma_wait3A_216 = arith.constant 4 : i32
    %dma_wait3A_217 = arith.constant 0 : i32
    %dma_wait3A_218 = arith.constant 0 : i32
    %dma_wait3A_219 = tpu.memref_slice %arg6[%dma_wait3A_216, %dma_wait3A_217, %dma_wait3A_218] : memref<8x8x128xf32, #tpu.memory_space<vmem>> -> memref<1x8x128xf32, #tpu.memory_space<vmem>>
    %dma_wait3A_220 = arith.constant 0 : i32
    %dma_wait3A_221 = arith.constant 0 : i32
    %dma_wait3A_222 = tpu.memref_slice %arg3[%add3A_215, %dma_wait3A_220, %dma_wait3A_221] : memref<256x8x128xf32, #tpu.memory_space<hbm>> -> memref<1x8x128xf32, #tpu.memory_space<hbm>>
    %dma_wait3A_223 = arith.constant 4 : i32
    %dma_wait3A_224 = arith.constant 0 : i32
    %dma_wait3A_225 = arith.constant 0 : i32
    %dma_wait3A_226 = tpu.memref_slice %arg6[%dma_wait3A_223, %dma_wait3A_224, %dma_wait3A_225] : memref<8x8x128xf32, #tpu.memory_space<vmem>> -> memref<1x8x128xf32, #tpu.memory_space<vmem>>
    %dma_wait3A_227 = arith.constant 0 : i32
    %dma_wait3A_228 = arith.constant 0 : i32
    %dma_wait3A_229 = tpu.memref_slice %arg3[%add3A_215, %dma_wait3A_227, %dma_wait3A_228] : memref<256x8x128xf32, #tpu.memory_space<hbm>> -> memref<1x8x128xf32, #tpu.memory_space<hbm>>
    tpu.wait_dma2 semaphore(%arg10 : memref<!tpu.dma_semaphore, #tpu.memory_space<semaphore_mem>>) src(%dma_wait3A_229 : memref<1x8x128xf32, #tpu.memory_space<hbm>>) dst(%dma_wait3A_226 : memref<1x8x128xf32, #tpu.memory_space<vmem>>)
    %add3A_230 = arith.constant 4 : i32
    %add3A_231 = arith.addi %mul3A_2, %add3A_230 : i32
    %dma_wait3A_232 = arith.constant 4 : i32
    %dma_wait3A_233 = arith.constant 0 : i32
    %dma_wait3A_234 = arith.constant 0 : i32
    %dma_wait3A_235 = tpu.memref_slice %arg7[%dma_wait3A_232, %dma_wait3A_233, %dma_wait3A_234] : memref<8x8x128xi32, #tpu.memory_space<vmem>> -> memref<1x8x128xi32, #tpu.memory_space<vmem>>
    %dma_wait3A_236 = arith.constant 0 : i32
    %dma_wait3A_237 = arith.constant 0 : i32
    %dma_wait3A_238 = tpu.memref_slice %arg4[%add3A_231, %dma_wait3A_236, %dma_wait3A_237] : memref<256x8x128xi32, #tpu.memory_space<hbm>> -> memref<1x8x128xi32, #tpu.memory_space<hbm>>
    %dma_wait3A_239 = arith.constant 4 : i32
    %dma_wait3A_240 = arith.constant 0 : i32
    %dma_wait3A_241 = arith.constant 0 : i32
    %dma_wait3A_242 = tpu.memref_slice %arg7[%dma_wait3A_239, %dma_wait3A_240, %dma_wait3A_241] : memref<8x8x128xi32, #tpu.memory_space<vmem>> -> memref<1x8x128xi32, #tpu.memory_space<vmem>>
    %dma_wait3A_243 = arith.constant 0 : i32
    %dma_wait3A_244 = arith.constant 0 : i32
    %dma_wait3A_245 = tpu.memref_slice %arg4[%add3A_231, %dma_wait3A_243, %dma_wait3A_244] : memref<256x8x128xi32, #tpu.memory_space<hbm>> -> memref<1x8x128xi32, #tpu.memory_space<hbm>>
    tpu.wait_dma2 semaphore(%arg10 : memref<!tpu.dma_semaphore, #tpu.memory_space<semaphore_mem>>) src(%dma_wait3A_245 : memref<1x8x128xi32, #tpu.memory_space<hbm>>) dst(%dma_wait3A_242 : memref<1x8x128xi32, #tpu.memory_space<vmem>>)
    %add3A_246 = arith.constant 5 : i32
    %add3A_247 = arith.addi %mul3A_2, %add3A_246 : i32
    %dma_wait3A_248 = arith.constant 5 : i32
    %dma_wait3A_249 = arith.constant 0 : i32
    %dma_wait3A_250 = arith.constant 0 : i32
    %dma_wait3A_251 = tpu.memref_slice %arg6[%dma_wait3A_248, %dma_wait3A_249, %dma_wait3A_250] : memref<8x8x128xf32, #tpu.memory_space<vmem>> -> memref<1x8x128xf32, #tpu.memory_space<vmem>>
    %dma_wait3A_252 = arith.constant 0 : i32
    %dma_wait3A_253 = arith.constant 0 : i32
    %dma_wait3A_254 = tpu.memref_slice %arg3[%add3A_247, %dma_wait3A_252, %dma_wait3A_253] : memref<256x8x128xf32, #tpu.memory_space<hbm>> -> memref<1x8x128xf32, #tpu.memory_space<hbm>>
    %dma_wait3A_255 = arith.constant 5 : i32
    %dma_wait3A_256 = arith.constant 0 : i32
    %dma_wait3A_257 = arith.constant 0 : i32
    %dma_wait3A_258 = tpu.memref_slice %arg6[%dma_wait3A_255, %dma_wait3A_256, %dma_wait3A_257] : memref<8x8x128xf32, #tpu.memory_space<vmem>> -> memref<1x8x128xf32, #tpu.memory_space<vmem>>
    %dma_wait3A_259 = arith.constant 0 : i32
    %dma_wait3A_260 = arith.constant 0 : i32
    %dma_wait3A_261 = tpu.memref_slice %arg3[%add3A_247, %dma_wait3A_259, %dma_wait3A_260] : memref<256x8x128xf32, #tpu.memory_space<hbm>> -> memref<1x8x128xf32, #tpu.memory_space<hbm>>
    tpu.wait_dma2 semaphore(%arg10 : memref<!tpu.dma_semaphore, #tpu.memory_space<semaphore_mem>>) src(%dma_wait3A_261 : memref<1x8x128xf32, #tpu.memory_space<hbm>>) dst(%dma_wait3A_258 : memref<1x8x128xf32, #tpu.memory_space<vmem>>)
    %add3A_262 = arith.constant 5 : i32
    %add3A_263 = arith.addi %mul3A_2, %add3A_262 : i32
    %dma_wait3A_264 = arith.constant 5 : i32
    %dma_wait3A_265 = arith.constant 0 : i32
    %dma_wait3A_266 = arith.constant 0 : i32
    %dma_wait3A_267 = tpu.memref_slice %arg7[%dma_wait3A_264, %dma_wait3A_265, %dma_wait3A_266] : memref<8x8x128xi32, #tpu.memory_space<vmem>> -> memref<1x8x128xi32, #tpu.memory_space<vmem>>
    %dma_wait3A_268 = arith.constant 0 : i32
    %dma_wait3A_269 = arith.constant 0 : i32
    %dma_wait3A_270 = tpu.memref_slice %arg4[%add3A_263, %dma_wait3A_268, %dma_wait3A_269] : memref<256x8x128xi32, #tpu.memory_space<hbm>> -> memref<1x8x128xi32, #tpu.memory_space<hbm>>
    %dma_wait3A_271 = arith.constant 5 : i32
    %dma_wait3A_272 = arith.constant 0 : i32
    %dma_wait3A_273 = arith.constant 0 : i32
    %dma_wait3A_274 = tpu.memref_slice %arg7[%dma_wait3A_271, %dma_wait3A_272, %dma_wait3A_273] : memref<8x8x128xi32, #tpu.memory_space<vmem>> -> memref<1x8x128xi32, #tpu.memory_space<vmem>>
    %dma_wait3A_275 = arith.constant 0 : i32
    %dma_wait3A_276 = arith.constant 0 : i32
    %dma_wait3A_277 = tpu.memref_slice %arg4[%add3A_263, %dma_wait3A_275, %dma_wait3A_276] : memref<256x8x128xi32, #tpu.memory_space<hbm>> -> memref<1x8x128xi32, #tpu.memory_space<hbm>>
    tpu.wait_dma2 semaphore(%arg10 : memref<!tpu.dma_semaphore, #tpu.memory_space<semaphore_mem>>) src(%dma_wait3A_277 : memref<1x8x128xi32, #tpu.memory_space<hbm>>) dst(%dma_wait3A_274 : memref<1x8x128xi32, #tpu.memory_space<vmem>>)
    %add3A_278 = arith.constant 6 : i32
    %add3A_279 = arith.addi %mul3A_2, %add3A_278 : i32
    %dma_wait3A_280 = arith.constant 6 : i32
    %dma_wait3A_281 = arith.constant 0 : i32
    %dma_wait3A_282 = arith.constant 0 : i32
    %dma_wait3A_283 = tpu.memref_slice %arg6[%dma_wait3A_280, %dma_wait3A_281, %dma_wait3A_282] : memref<8x8x128xf32, #tpu.memory_space<vmem>> -> memref<1x8x128xf32, #tpu.memory_space<vmem>>
    %dma_wait3A_284 = arith.constant 0 : i32
    %dma_wait3A_285 = arith.constant 0 : i32
    %dma_wait3A_286 = tpu.memref_slice %arg3[%add3A_279, %dma_wait3A_284, %dma_wait3A_285] : memref<256x8x128xf32, #tpu.memory_space<hbm>> -> memref<1x8x128xf32, #tpu.memory_space<hbm>>
    %dma_wait3A_287 = arith.constant 6 : i32
    %dma_wait3A_288 = arith.constant 0 : i32
    %dma_wait3A_289 = arith.constant 0 : i32
    %dma_wait3A_290 = tpu.memref_slice %arg6[%dma_wait3A_287, %dma_wait3A_288, %dma_wait3A_289] : memref<8x8x128xf32, #tpu.memory_space<vmem>> -> memref<1x8x128xf32, #tpu.memory_space<vmem>>
    %dma_wait3A_291 = arith.constant 0 : i32
    %dma_wait3A_292 = arith.constant 0 : i32
    %dma_wait3A_293 = tpu.memref_slice %arg3[%add3A_279, %dma_wait3A_291, %dma_wait3A_292] : memref<256x8x128xf32, #tpu.memory_space<hbm>> -> memref<1x8x128xf32, #tpu.memory_space<hbm>>
    tpu.wait_dma2 semaphore(%arg10 : memref<!tpu.dma_semaphore, #tpu.memory_space<semaphore_mem>>) src(%dma_wait3A_293 : memref<1x8x128xf32, #tpu.memory_space<hbm>>) dst(%dma_wait3A_290 : memref<1x8x128xf32, #tpu.memory_space<vmem>>)
    %add3A_294 = arith.constant 6 : i32
    %add3A_295 = arith.addi %mul3A_2, %add3A_294 : i32
    %dma_wait3A_296 = arith.constant 6 : i32
    %dma_wait3A_297 = arith.constant 0 : i32
    %dma_wait3A_298 = arith.constant 0 : i32
    %dma_wait3A_299 = tpu.memref_slice %arg7[%dma_wait3A_296, %dma_wait3A_297, %dma_wait3A_298] : memref<8x8x128xi32, #tpu.memory_space<vmem>> -> memref<1x8x128xi32, #tpu.memory_space<vmem>>
    %dma_wait3A_300 = arith.constant 0 : i32
    %dma_wait3A_301 = arith.constant 0 : i32
    %dma_wait3A_302 = tpu.memref_slice %arg4[%add3A_295, %dma_wait3A_300, %dma_wait3A_301] : memref<256x8x128xi32, #tpu.memory_space<hbm>> -> memref<1x8x128xi32, #tpu.memory_space<hbm>>
    %dma_wait3A_303 = arith.constant 6 : i32
    %dma_wait3A_304 = arith.constant 0 : i32
    %dma_wait3A_305 = arith.constant 0 : i32
    %dma_wait3A_306 = tpu.memref_slice %arg7[%dma_wait3A_303, %dma_wait3A_304, %dma_wait3A_305] : memref<8x8x128xi32, #tpu.memory_space<vmem>> -> memref<1x8x128xi32, #tpu.memory_space<vmem>>
    %dma_wait3A_307 = arith.constant 0 : i32
    %dma_wait3A_308 = arith.constant 0 : i32
    %dma_wait3A_309 = tpu.memref_slice %arg4[%add3A_295, %dma_wait3A_307, %dma_wait3A_308] : memref<256x8x128xi32, #tpu.memory_space<hbm>> -> memref<1x8x128xi32, #tpu.memory_space<hbm>>
    tpu.wait_dma2 semaphore(%arg10 : memref<!tpu.dma_semaphore, #tpu.memory_space<semaphore_mem>>) src(%dma_wait3A_309 : memref<1x8x128xi32, #tpu.memory_space<hbm>>) dst(%dma_wait3A_306 : memref<1x8x128xi32, #tpu.memory_space<vmem>>)
    %add3A_310 = arith.constant 7 : i32
    %add3A_311 = arith.addi %mul3A_2, %add3A_310 : i32
    %dma_wait3A_312 = arith.constant 7 : i32
    %dma_wait3A_313 = arith.constant 0 : i32
    %dma_wait3A_314 = arith.constant 0 : i32
    %dma_wait3A_315 = tpu.memref_slice %arg6[%dma_wait3A_312, %dma_wait3A_313, %dma_wait3A_314] : memref<8x8x128xf32, #tpu.memory_space<vmem>> -> memref<1x8x128xf32, #tpu.memory_space<vmem>>
    %dma_wait3A_316 = arith.constant 0 : i32
    %dma_wait3A_317 = arith.constant 0 : i32
    %dma_wait3A_318 = tpu.memref_slice %arg3[%add3A_311, %dma_wait3A_316, %dma_wait3A_317] : memref<256x8x128xf32, #tpu.memory_space<hbm>> -> memref<1x8x128xf32, #tpu.memory_space<hbm>>
    %dma_wait3A_319 = arith.constant 7 : i32
    %dma_wait3A_320 = arith.constant 0 : i32
    %dma_wait3A_321 = arith.constant 0 : i32
    %dma_wait3A_322 = tpu.memref_slice %arg6[%dma_wait3A_319, %dma_wait3A_320, %dma_wait3A_321] : memref<8x8x128xf32, #tpu.memory_space<vmem>> -> memref<1x8x128xf32, #tpu.memory_space<vmem>>
    %dma_wait3A_323 = arith.constant 0 : i32
    %dma_wait3A_324 = arith.constant 0 : i32
    %dma_wait3A_325 = tpu.memref_slice %arg3[%add3A_311, %dma_wait3A_323, %dma_wait3A_324] : memref<256x8x128xf32, #tpu.memory_space<hbm>> -> memref<1x8x128xf32, #tpu.memory_space<hbm>>
    tpu.wait_dma2 semaphore(%arg10 : memref<!tpu.dma_semaphore, #tpu.memory_space<semaphore_mem>>) src(%dma_wait3A_325 : memref<1x8x128xf32, #tpu.memory_space<hbm>>) dst(%dma_wait3A_322 : memref<1x8x128xf32, #tpu.memory_space<vmem>>)
    %add3A_326 = arith.constant 7 : i32
    %add3A_327 = arith.addi %mul3A_2, %add3A_326 : i32
    %dma_wait3A_328 = arith.constant 7 : i32
    %dma_wait3A_329 = arith.constant 0 : i32
    %dma_wait3A_330 = arith.constant 0 : i32
    %dma_wait3A_331 = tpu.memref_slice %arg7[%dma_wait3A_328, %dma_wait3A_329, %dma_wait3A_330] : memref<8x8x128xi32, #tpu.memory_space<vmem>> -> memref<1x8x128xi32, #tpu.memory_space<vmem>>
    %dma_wait3A_332 = arith.constant 0 : i32
    %dma_wait3A_333 = arith.constant 0 : i32
    %dma_wait3A_334 = tpu.memref_slice %arg4[%add3A_327, %dma_wait3A_332, %dma_wait3A_333] : memref<256x8x128xi32, #tpu.memory_space<hbm>> -> memref<1x8x128xi32, #tpu.memory_space<hbm>>
    %dma_wait3A_335 = arith.constant 7 : i32
    %dma_wait3A_336 = arith.constant 0 : i32
    %dma_wait3A_337 = arith.constant 0 : i32
    %dma_wait3A_338 = tpu.memref_slice %arg7[%dma_wait3A_335, %dma_wait3A_336, %dma_wait3A_337] : memref<8x8x128xi32, #tpu.memory_space<vmem>> -> memref<1x8x128xi32, #tpu.memory_space<vmem>>
    %dma_wait3A_339 = arith.constant 0 : i32
    %dma_wait3A_340 = arith.constant 0 : i32
    %dma_wait3A_341 = tpu.memref_slice %arg4[%add3A_327, %dma_wait3A_339, %dma_wait3A_340] : memref<256x8x128xi32, #tpu.memory_space<hbm>> -> memref<1x8x128xi32, #tpu.memory_space<hbm>>
    tpu.wait_dma2 semaphore(%arg10 : memref<!tpu.dma_semaphore, #tpu.memory_space<semaphore_mem>>) src(%dma_wait3A_341 : memref<1x8x128xi32, #tpu.memory_space<hbm>>) dst(%dma_wait3A_338 : memref<1x8x128xi32, #tpu.memory_space<vmem>>)
    return
  }
}

</mosaic_0001>

<sc_bundles>
// kernel: kernel.3.cloned.1.call-start
scs
__scs_entry_jumppad:
0x0: {  	(pc) =	sbr.rel $0x88, $3  }
0x1: {  	(tag) =	ssettag $0x0;
	lr =	simm.s32 $0x1  }
0x2: {  	[smem:$0x3FA0] =	sst lr;
	_ =	strace $0xD0000000  }
0x3: {  	_ = 	snop  }
0x4: {  	_ = 	snop  }
0x5: {  	_ = 	snop  }
0x6: {  	_ = 	snop  }
0x7: {  	_ = 	snop  }
__scs_overlays_trampoline_lowered:
0x8: {  	[smem:$0x3FAF] =	sst s0  }
0x9: {  	[smem:$0x3FB0] =	sst s1  }
0xa: {  	[smem:$0x3FB1] =	sst s2  }
0xb: {  	[smem:$0x3FB2] =	sst s3  }
0xc: {  	[smem:$0x3FB3] =	sst s4  }
0xd: {  	[smem:$0x3FB4] =	sst s5  }
0xe: {  	[smem:$0x3FB5] =	sst s6  }
0xf: {  	[smem:$0x3FB6] =	sst s7  }
0x10: {  	[smem:$0x3FB7] =	sst s8  }
0x11: {  	[smem:$0x3FB8] =	sst s9;
	s0 =	simm.s32 @!p0 $0x0  }
0x12: {  	s1 =	sld [smem:$0x3F9E];
	s0 =	simm.s32 @p0 $0x1  }
0x13: {  	[smem:$0x3FB9] =	sst s0;
	s0 =	simm.s32 @!p1 $0x0  }
0x14: {  	s2 =	sld [smem:$0x3F9D];
	s0 =	simm.s32 @p1 $0x1  }
0x15: {  	[smem:$0x3FBA] =	sst s0;
	s0 =	simm.s32 @!p2 $0x0  }
0x16: {  	s3 =	sld [smem:$0x3FDB];
	s0 =	simm.s32 @p2 $0x1  }
0x17: {  	s4 =	simm.s32 $0x1BF5;
	[smem:$0x3FBC] =	sst s0  }
0x18: {  	s0 =	sld [smem:$0x3F9F];
	_ =	swait.ge [sflag:s4], $0x0  }
0x19: {  	s7 =	sld [smem:$0x3FA0]  }
0x1a: {  	s8 =	sadd.s32 $0xFFFFE003, lr  }
0x1b: {  	s9 =	sadd.s32 $0xFFFFFEF7, lr;
	s5 =	simm.s32 $0xFFFFFFFF;
	p2 =	slt.u32 s8, $0xFFFFF086  }
0x1c: {  	p1 =	slt.u32 s9, $0xF7A;
	s5 =	simm.s32 @!p2 $0x0  }
0x1d: {  	s5 =	simm.s32 @p1 $0x1;
	p0 =	seq.s32 s7, s2  }
0x1e: {  	s7 =	smul.u32 @!p0 $0xF7A, s2;
	p2 =	seq.s32 @!p0 s5, $0x0  }
0x1f: {  	s9 =	smul.u32 $0xF7A, s1;
	s8 =	simm.s32 @!p0 $0x1BF5;
	p2 =	por !p2, p0  }
0x20: {  	[sflag:s8] =	ssyncset.s32 @!p0 $0xFFFFF086;
	s6 =	sadd.s32 @!p0 s3, s7;
	s7 =	simm.s32 @!p0 $0x108  }
0x21: {  	s3 =	sadd.s32 s3, s9;
	s6 =	sadd.s32 @!p0 $0x88, s6;
	s7 =	simm.s32 @p2 $0x1082  }
0x22: {  	[simem:s7], [sflag:s8] =	dma.local @!p0 [hbm:s6], $0xF7A  }
0x23: {  	s9 =	sor.u32 $0xD0000000, s2;
	s6 =	simm.s32 $0x108;
	_ =	swait.ge @!p0 [sflag:s8], $0x0  }
0x24: {  	s3 =	sadd.s32 $0x88, s3;
	s6 =	simm.s32 @!p1 $0x1082;
	[sflag:s4] =	ssyncset.s32 $0xFFFFF086  }
0x25: {  	[simem:s6], [sflag:s4] =	dma.local [hbm:s3], $0xF7A  }
0x26: {  	[smem:$0x3FA0] =	sst s1;
	(tag) =	ssettag s2;
	_ =	strace s9  }
0x27: {  	s1 =	sld [smem:$0x3FB0]  }
0x28: {  	s2 =	sld [smem:$0x3FB1]  }
0x29: {  	s4 =	sld [smem:$0x3FB3]  }
0x2a: {  	p0 =	seq.s32 s5, $0x0;
	s5 =	sld [smem:$0x3FB4]  }
0x2b: {  	s6 =	sld [smem:$0x3FB5]  }
0x2c: {  	s7 =	sld [smem:$0x3FB6]  }
0x2d: {  	s3 =	simm.s32 $0x108;
	s8 =	sld [smem:$0x3FB7]  }
0x2e: {  	s3 =	simm.s32 @!p0 $0x1082;
	s9 =	sld [smem:$0x3FB8]  }
0x2f: {  	lr =	sadd.s32 s0, s3;
	s0 =	sld [smem:$0x3FAF]  }
0x30: {  	s3 =	sld [smem:$0x3FB2]  }
0x31: {  	[smem:$0x3FBB] =	sst s10  }
0x32: {  	s10 =	sld [smem:$0x3FB9];
	_ =	sdelay $0x3  }
0x33: {  	p0 =	seq.s32 s10, $0x1;
	s10 =	sld [smem:$0x3FBB];
	_ =	sdelay $0x3  }
0x34: {  	[smem:$0x3FBB] =	sst s10  }
0x35: {  	s10 =	sld [smem:$0x3FBA];
	_ =	sdelay $0x3  }
0x36: {  	p1 =	seq.s32 s10, $0x1;
	s10 =	sld [smem:$0x3FBB];
	_ =	sdelay $0x3  }
0x37: {  	[smem:$0x3FBB] =	sst s10  }
0x38: {  	s10 =	sld [smem:$0x3FBC]  }
0x39: {  	_ = 	snop;
	(pc) =	sbr.ind lr, $3  }
0x3a: {  	_ = 	snop  }
0x3b: {  	_ = 	snop  }
0x3c: {  	p2 =	seq.s32 s10, $0x1;
	s10 =	sld [smem:$0x3FBB]  }
0x3d: {  	_ =	shalt  }
0x3e: {  	_ =	shalt  }
0x3f: {  	_ =	shalt  }
0x40: {  	_ =	shalt  }
0x41: {  	_ =	shalt  }
0x42: {  	_ =	shalt  }
0x43: {  	_ =	shalt  }
0x44: {  	_ =	shalt  }
0x45: {  	_ =	shalt  }
0x46: {  	_ =	shalt  }
0x47: {  	_ =	shalt  }
0x48: {  	_ =	shalt  }
0x49: {  	_ =	shalt  }
0x4a: {  	_ =	shalt  }
0x4b: {  	_ =	shalt  }
0x4c: {  	_ =	shalt  }
0x4d: {  	_ =	shalt  }
0x4e: {  	_ =	shalt  }
0x4f: {  	_ =	shalt  }
0x50: {  	_ =	shalt  }
0x51: {  	_ =	shalt  }
0x52: {  	_ =	shalt  }
0x53: {  	_ =	shalt  }
0x54: {  	_ =	shalt  }
0x55: {  	_ =	shalt  }
0x56: {  	_ =	shalt  }
0x57: {  	_ =	shalt  }
0x58: {  	_ =	shalt  }
0x59: {  	_ =	shalt  }
0x5a: {  	_ =	shalt  }
0x5b: {  	_ =	shalt  }
0x5c: {  	_ =	shalt  }
0x5d: {  	_ =	shalt  }
0x5e: {  	_ =	shalt  }
0x5f: {  	_ =	shalt  }
0x60: {  	_ =	shalt  }
0x61: {  	_ =	shalt  }
0x62: {  	_ =	shalt  }
0x63: {  	_ =	shalt  }
0x64: {  	_ =	shalt  }
0x65: {  	_ =	shalt  }
0x66: {  	_ =	shalt  }
0x67: {  	_ =	shalt  }
0x68: {  	_ =	shalt  }
0x69: {  	_ =	shalt  }
0x6a: {  	_ =	shalt  }
0x6b: {  	_ =	shalt  }
0x6c: {  	_ =	shalt  }
0x6d: {  	_ =	shalt  }
0x6e: {  	_ =	shalt  }
0x6f: {  	_ =	shalt  }
0x70: {  	_ =	shalt  }
0x71: {  	_ =	shalt  }
0x72: {  	_ =	shalt  }
0x73: {  	_ =	shalt  }
0x74: {  	_ =	shalt  }
0x75: {  	_ =	shalt  }
0x76: {  	_ =	shalt  }
0x77: {  	_ =	shalt  }
0x78: {  	_ =	shalt  }
0x79: {  	_ =	shalt  }
0x7a: {  	_ =	shalt  }
0x7b: {  	_ =	shalt  }
0x7c: {  	_ =	shalt  }
0x7d: {  	_ =	shalt  }
0x7e: {  	_ =	shalt  }
0x7f: {  	_ =	shalt  }
0x80: {  	_ =	shalt  }
0x81: {  	_ =	shalt  }
0x82: {  	_ =	shalt  }
0x83: {  	_ =	shalt  }
0x84: {  	_ =	shalt  }
0x85: {  	_ =	shalt  }
0x86: {  	_ =	shalt  }
0x87: {  	_ =	shalt  }
.Lfunc_end0:
.L_simem_size_0:
called_computation_lowered:
.L_overlay_start_0:
0x88: {  	s2 =	sld [smem:$0x3FD9]  }
0x89: {  	s3 =	sld [smem:$0x3FFE];
	_ =	sdelay $0x1  }
0x8a: {  	s1 =	srdreg.scid  }
0x8b: {  	s0 =	sand.u32 $0x1, s1  }
0x8c: {  	s15 =	sshll.u32 s0, $0xA;
	s2 =	sadd.s32 s3, s2  }
0x8d: {  	s2 =	sadd.s32 s2, s15  }
0x8e: {  	[smem:$0x3FC7] =	sst s2  }
0x8f: {  	_ = 	snop  }
0x90: {  	s2 =	sld [smem:$0x3FD0];
	_ =	sdelay $0x2  }
0x91: {  	s4 =	simm.s32 $0xA;
	s5 =	simm.s32 $0x10;
	s16 =	sld [smem:$0x3FC9]  }
0x92: {  	[smem:s5], [sflag:s4] =	dma.local [hbm:s2], $0x1  }
0x93: {  	_ =	swait.eq [sflag:s4], $0x1  }
0x94: {  	[sflag:s4] =	ssyncset.done $0x0  }
0x95: {  	s17 =	sld [smem:$0x10];
	[sflag:s4] =	ssyncadd.s32 $0xFFFFFFFF  }
0x96: {  	s18 =	sld [smem:$0x11];
	(tm) =	ssettm $0x1  }
0x97: {  	s19 =	sld [smem:$0x3FFB];
	_ =	sdelay $0x3  }
0x98: {  	_ =	strace s19  }
0x99: {  	s5 =	sld [smem:$0x3FFC];
	_ =	sdelay $0x3  }
0x9a: {  	_ =	strace s5  }
0x9b: {  	s5 =	sld [smem:$0x3FFD];
	_ =	sdelay $0x3  }
0x9c: {  	_ =	strace s5  }
0x9d: {  	_ =	strace $0x8FFFFFFF  }
0x9e: {  	s20 =	sld [smem:$0x3FDB];
	_ =	sdelay $0x1  }
0x9f: {  	s6 =	simm.s32 $_scs_section_size  }
0xa0: {  	s7 =	simm.s32 $_size__tile_overlayer_lowered;
	s8 =	simm.s32 $_tile_overlayer_lowered  }
0xa1: {  	s23 =	simm.s32 $0x1BFF;
	s22 =	sshll.u32 s8, $0x1;
	s5 =	sadd.s32 s6, s20  }
0xa2: {  	s9 =	simm.s32 $0x0;
	s21 =	sshll.u32 s7, $0x1;
	s7 =	sadd.s32 s22, s5  }
0xa3: {  	[timem:s9], [sflag:s23] =	dma.local [hbm:s7], s21  }
0xa4: {  	_ =	swait.ge [sflag:s23], s21  }
0xa5: {  	s6 =	ssub.s32 $0x0, s21;
	[sflag:s23] =	ssyncset.done $0x0  }
0xa6: {  	[sflag:s23] =	ssyncadd.s32 s6;
	_ =	sdelay $0x1  }
0xa7: {  	s24 =	simm.s32 $0x1B8B  }
0xa8: {  	_ =	swait.ge [sflag:s24], $0x1  }
0xa9: {  	[sflag:s24] =	ssyncset.done $0x0  }
0xaa: {  	s25 =	simm.s32 $0x1B8E;
	[sflag:s24] =	ssyncadd.s32 $0xFFFFFFFF  }
0xab: {  	s26 =	simm.s32 $execute0_lowered;
	[smem:$0x3FD2] =	sst s25  }
0xac: {  	s6 =	sshll.u32 s26, $0x1;
	_ =	strace $0x80000046;
	[dreg:$0x1] =	wrdreg $0xFFFFFFFF  }
0xad: {  	s28 =	simm.s32 $_size_execute0_lowered;
	s5 =	sadd.s32 s5, s6;
	[dreg:$0x0] =	wrdreg $0x0  }
0xae: {  	s6 =	sshll.u32 s28, $0x1;
	[dreg:$0x2] =	wrdreg s5  }
0xaf: {  	[dreg:$0x3] =	wrdreg s6  }
0xb0: {  	[dreg:$0x4] =	wrdreg $0xC0  }
0xb1: {  	_ =	task [dreg:s9], $0x5FFFF  }
0xb2: {  	[dreg:$0x1] =	wrdreg $0xFFFFFFFF  }
0xb3: {  	[dreg:$0x0] =	wrdreg $0x60  }
0xb4: {  	[dreg:$0x2] =	wrdreg s16  }
0xb5: {  	[dreg:$0x3] =	wrdreg s17  }
0xb6: {  	[dreg:$0x4] =	wrdreg s18  }
0xb7: {  	[dreg:$0x5] =	wrdreg $0x9  }
0xb8: {  	_ =	task.clear_ibuf [dreg:s9], $0x6FFFF;
	_ =	strace $0x90000046  }
0xb9: {  	s29 =	simm.s32 $0x9;
	_ =	strace $0x80000048  }
0xba: {  	_ =	swait.ge [sflag:s29], $0x1  }
0xbb: {  	[sflag:s29] =	ssyncadd.s32 $0xFFFFFFFF  }
0xbc: {  	_ =	strace $0x90000048  }
0xbd: {  	_ =	sfence  }
0xbe: {  	s30 =	sld [smem:$0x0];
	_ =	sdelay $0x2  }
0xbf: {  	s31 =	sshll.u32 s1, $0xD;
	s1 =	sshrl.u32 s1, $0x2  }
0xc0: {  	s3 =	sand.u32 $0x4000, s31;
	s1 =	sadd.s32 s1, s30  }
0xc1: {  	s0 =	sor.u32 s3, s0;
	s1 =	sshll.u32 s1, $0x11  }
0xc2: {  	s0 =	sor.u32 s1, s0  }
0xc3: {  	s0 =	sadd.s32 $0x8F2B, s0  }
0xc4: {  	[sflag:s0] =	ssyncadd.remote.s32 $0x1  }
0xc5: {  	_ =	sfence.sel $0xFFFF  }
0xc6: {  	[dreg:$0x0] =	wrdreg $0xFFFFFFFF;
	(pc) =	sbr.abs _section_cstart, $3  }
0xc7: {  	[dreg:$0x1] =	wrdreg $0xFFFFFFFF  }
0xc8: {  	_ =	task.clear_ibuf [dreg:s9], $0x2FFFF;
	_ =	strace $0x9FFFFFFF  }
0xc9: {  	(tm) =	ssettm $0x7FFFFFFF  }
tec
execute0_lowered:
.L_overlay_start_1:
0x0: {  	(tag) =	ssettag $0x1  }
0x1: {  	s0 =	rddreg [dreg:$0x0];
	s1 =	srdreg.scid  }
0x2: {  	s2 =	rddreg [dreg:$0x1];
	s4 =	stileid.u32  }
0x3: {  	s3 =	rddreg [dreg:$0x2];
	s29 =	simm.s32 $0x1;
	s1 =	sand.u32 $0x1, s1  }
0x4: {  	s30 =	simm.s32 $0x2;
	s4 =	sshll.u32 s4, $0x4;
	s5 =	sshll.u32 s1, $0x3  }
0x5: {  	s31 =	simm.s32 $0x3;
	s1 =	ssub.s32 $0x2, s1;
	s4 =	sor.u32 s5, s4  }
0x6: {  	s5 =	simm.s32 $0x0;
	s6 =	sshrl.u32 s1, $0x1;
	s7 =	sshll.u32 s4, $0x7  }
0x7: {  	[smem:$0x7FF] =	sst s5;
	s1 =	ssub.s32 s1, s6;
	s6 =	sadd.s32 s0, s7  }
0x8: {  	_ =	strace $0x80000047;
	s8 =	smax.u32 s1, $0x1;
	s1 =	simm.s32 $0x0  }
0x9: {  	s7 =	sadd.s32 $0x200, s6;
	s9 =	sadd.s32 $0x8000, s6;
	s10 =	sadd.s32 $0x10000, s6  }
0xa: {  	s11 =	sadd.s32 $0x18000, s6;
	s12 =	sadd.s32 $0x20000, s6;
	s13 =	sadd.s32 $0x28000, s6  }
0xb: {  	s14 =	sadd.s32 $0x30000, s6;
	s15 =	sadd.s32 $0x38000, s6;
	s16 =	sadd.s32 $0x8200, s6  }
0xc: {  	s17 =	sadd.s32 $0x10200, s6;
	s18 =	sadd.s32 $0x18200, s6;
	s19 =	sadd.s32 $0x20200, s6  }
0xd: {  	s20 =	sadd.s32 $0x28200, s6;
	s21 =	sadd.s32 $0x30200, s6;
	s22 =	sadd.s32 $0x38200, s6  }
.LBB2_1:
0xe: {  	[tilespmem:s5], [sflag:$0x1] =	stream.linear.gather [hbm4b:s6+s5], $0x1000, $0x38;
	[tilespmem:$0x14000] =	vst v63  }
0xf: {  	s0 =	simm.s32 $0x2000  }
0x10: {  	[tilespmem:s0], [sflag:$0x1] =	stream.linear.gather [hbm4b:s9+s5], $0x1000, $0x38;
	[tilespmem:$0x14000] =	vst v63  }
0x11: {  	s24 =	simm.s32 $0x4000  }
0x12: {  	[tilespmem:s24], [sflag:$0x1] =	stream.linear.gather [hbm4b:s10+s5], $0x1000, $0x38;
	[tilespmem:$0x14000] =	vst v63  }
0x13: {  	s25 =	simm.s32 $0x6000  }
0x14: {  	[tilespmem:s25], [sflag:$0x1] =	stream.linear.gather [hbm4b:s11+s5], $0x1000, $0x38;
	[tilespmem:$0x14000] =	vst v63  }
0x15: {  	s26 =	simm.s32 $0x8000  }
0x16: {  	[tilespmem:s26], [sflag:$0x1] =	stream.linear.gather [hbm4b:s12+s5], $0x1000, $0x38;
	[tilespmem:$0x14000] =	vst v63  }
0x17: {  	s28 =	simm.s32 $0xA000  }
0x18: {  	[tilespmem:s28], [sflag:$0x1] =	stream.linear.gather [hbm4b:s13+s5], $0x1000, $0x38;
	[tilespmem:$0x14000] =	vst v63  }
0x19: {  	s23 =	simm.s32 $0xC000  }
0x1a: {  	[tilespmem:s23], [sflag:$0x1] =	stream.linear.gather [hbm4b:s14+s5], $0x1000, $0x38;
	[tilespmem:$0x14000] =	vst v63  }
0x1b: {  	s24 =	simm.s32 $0xE000  }
0x1c: {  	[tilespmem:s24], [sflag:$0x1] =	stream.linear.gather [hbm4b:s15+s5], $0x1000, $0x38;
	[tilespmem:$0x14000] =	vst v63  }
0x1d: {  	s25 =	simm.s32 $0x1000  }
0x1e: {  	[tilespmem:s25], [sflag:$0x2] =	stream.linear.gather [hbm4b:s7+s5], $0x1000, $0x38;
	[tilespmem:$0x14000] =	vst v63  }
0x1f: {  	s26 =	simm.s32 $0x3000  }
0x20: {  	[tilespmem:s26], [sflag:$0x2] =	stream.linear.gather [hbm4b:s16+s5], $0x1000, $0x38;
	[tilespmem:$0x14000] =	vst v63  }
0x21: {  	s28 =	simm.s32 $0x5000  }
0x22: {  	[tilespmem:s28], [sflag:$0x2] =	stream.linear.gather [hbm4b:s17+s5], $0x1000, $0x38;
	[tilespmem:$0x14000] =	vst v63  }
0x23: {  	s23 =	simm.s32 $0x7000  }
0x24: {  	[tilespmem:s23], [sflag:$0x2] =	stream.linear.gather [hbm4b:s18+s5], $0x1000, $0x38;
	[tilespmem:$0x14000] =	vst v63  }
0x25: {  	s24 =	simm.s32 $0x9000  }
0x26: {  	[tilespmem:s24], [sflag:$0x2] =	stream.linear.gather [hbm4b:s19+s5], $0x1000, $0x38;
	[tilespmem:$0x14000] =	vst v63  }
0x27: {  	s25 =	simm.s32 $0xB000  }
0x28: {  	[tilespmem:s25], [sflag:$0x2] =	stream.linear.gather [hbm4b:s20+s5], $0x1000, $0x38;
	[tilespmem:$0x14000] =	vst v63  }
0x29: {  	s26 =	simm.s32 $0xD000  }
0x2a: {  	[tilespmem:s26], [sflag:$0x2] =	stream.linear.gather [hbm4b:s21+s5], $0x1000, $0x38;
	[tilespmem:$0x14000] =	vst v63  }
0x2b: {  	s28 =	simm.s32 $0xF000  }
0x2c: {  	[tilespmem:s28], [sflag:$0x2] =	stream.linear.gather [hbm4b:s22+s5], $0x1000, $0x38;
	[tilespmem:$0x14000] =	vst v63  }
0x2d: {  	_ =	swait.ge [sflag:s29], $0x8000  }
0x2e: {  	[sflag:s29] =	ssyncset.done $0x0  }
0x2f: {  	s23 =	simm.s32 $0x0;
	s26 =	simm.s32 $0x0;
	[sflag:s29] =	ssyncadd.s32 $0xFFFF8000  }
.LBB2_2:
0x30: {  	s24 =	sshll.u32 s23, $0xA;
	s25 =	simm.s32 $0xFFFFFFFE;
	s0 =	smov.u32 s26  }
.LBB2_3:
0x31: {  	s28 =	sshra.s32 s0, $0x2  }
0x32: {  	v0 =	vld [tilespmem:s28+$0x0]  }
0x33: {  	v1 =	vld [tilespmem:s28+$0x80]  }
0x34: {  	v2 =	vld [tilespmem:s28+$0x100]  }
0x35: {  	v3 =	vld [tilespmem:s28+$0x180]  }
0x36: {  	v4 =	vld [tilespmem:s28+$0x200]  }
0x37: {  	v5 =	vld [tilespmem:s28+$0x280]  }
0x38: {  	v6 =	vld [tilespmem:s28+$0x300]  }
0x39: {  	v7 =	vld [tilespmem:s28+$0x380]  }
0x3a: {  	v8 =	vld [tilespmem:s28+$0x2000]  }
0x3b: {  	v9 =	vld [tilespmem:s28+$0x2080]  }
0x3c: {  	v10 =	vld [tilespmem:s28+$0x2100]  }
0x3d: {  	v11 =	vld [tilespmem:s28+$0x2180]  }
0x3e: {  	v12 =	vld [tilespmem:s28+$0x2200]  }
0x3f: {  	v13 =	vld [tilespmem:s28+$0x2280]  }
0x40: {  	v14 =	vld [tilespmem:s28+$0x2300]  }
0x41: {  	v36 =	vld [tilespmem:s28+$0x2380]  }
0x42: {  	v38 =	vld [tilespmem:s28+$0x4000]  }
0x43: {  	v41 =	vld [tilespmem:s28+$0x4080]  }
0x44: {  	v44 =	vld [tilespmem:s28+$0x4100]  }
0x45: {  	v20 =	vld [tilespmem:s28+$0x4180]  }
0x46: {  	v48 =	vld [tilespmem:s28+$0x4200]  }
0x47: {  	v51 =	vld [tilespmem:s28+$0x4280]  }
0x48: {  	v53 =	vld [tilespmem:s28+$0x4300];
	v15 =	vor.u32 $0x3F, v0;
	v34 =	vand.u32 $0xFFFFFFC0, v1  }
0x49: {  	v56 =	vld [tilespmem:s28+$0x4380];
	v35 =	vand.u32 $0xFFFFFFC0, v2;
	v37 =	vand.u32 $0xFFFFFFC0, v3;
	v39 =	vand.u32 $0xFFFFFFC0, v4  }
0x4a: {  	v59 =	vld [tilespmem:s28+$0x6000];
	v40 =	vand.u32 $0xFFFFFFC0, v5;
	v43 =	vand.u32 $0xFFFFFFC0, v6;
	v45 =	vand.u32 $0xFFFFFFC0, v7  }
0x4b: {  	v62 =	vld [tilespmem:s28+$0x6080];
	v46 =	vand.u32 $0xFFFFFFC0, v8;
	v47 =	vand.u32 $0xFFFFFFC0, v9;
	v49 =	vand.u32 $0xFFFFFFC0, v10  }
0x4c: {  	v28 =	vld [tilespmem:s28+$0x6100];
	v50 =	vand.u32 $0xFFFFFFC0, v11;
	v52 =	vand.u32 $0xFFFFFFC0, v12;
	v54 =	vand.u32 $0xFFFFFFC0, v13  }
0x4d: {  	v55 =	vand.u32 $0xFFFFFFC0, v14;
	v58 =	vand.u32 $0xFFFFFFC0, v36;
	v60 =	vand.u32 $0xFFFFFFC0, v38  }
0x4e: {  	v61 =	vand.u32 $0xFFFFFFC0, v41;
	v3 =	vand.u32 $0xFFFFFFC0, v44;
	v63 =	vand.u32 $0xFFFFFFC0, v20  }
0x4f: {  	v9 =	vand.u32 $0xFFFFFFC0, v48;
	v11 =	vand.u32 $0xFFFFFFC0, v51;
	v20 =	vand.u32 $0xFFFFFFC0, v53  }
0x50: {  	v13 =	vand.u32 $0xFFFFFFC0, v56;
	v2 =	vand.u32 $0xFFFFFFC0, v59;
	v29 =	vand.u32 $0xFFFFFFC0, v62  }
0x51: {  	v30 =	vand.u32 $0xFFFFFFC0, v28;
	v16 =	vor.u32 $0x3E, v34;
	v17 =	vor.u32 $0x3D, v35  }
0x52: {  	v18 =	vor.u32 $0x3C, v37;
	v42 =	vor.u32 $0x3B, v39;
	v19 =	vor.u32 $0x3A, v40  }
0x53: {  	v6 =	vor.u32 $0x39, v43;
	v21 =	vor.u32 $0x38, v45;
	v7 =	vor.u32 $0x37, v46  }
0x54: {  	v22 =	vor.u32 $0x36, v47;
	v23 =	vor.u32 $0x35, v49;
	v24 =	vor.u32 $0x34, v50  }
0x55: {  	v25 =	vor.u32 $0x33, v52;
	v57 =	vor.u32 $0x32, v54;
	v26 =	vor.u32 $0x31, v55  }
0x56: {  	v27 =	vor.u32 $0x30, v58;
	v0 =	vor.u32 $0x2F, v60;
	v1 =	vor.u32 $0x2E, v61  }
0x57: {  	v8 =	vor.u32 $0x2D, v3;
	v10 =	vor.u32 $0x2C, v63;
	v9 =	vor.u32 $0x2B, v9  }
0x58: {  	v11 =	vor.u32 $0x2A, v11;
	v12 =	vor.u32 $0x29, v20;
	v13 =	vor.u32 $0x28, v13  }
0x59: {  	v2 =	vor.u32 $0x27, v2;
	v4 =	vor.u32 $0x26, v29;
	v3 =	vor.u32 $0x25, v30  }
0x5a: {  	v31 =	vmax.f32 v15, v16;
	v15 =	vmin.f32 v15, v16;
	v32 =	vmax.f32 v17, v18  }
0x5b: {  	v17 =	vmin.f32 v17, v18;
	v33 =	vmax.f32 v42, v19;
	v5 =	vmin.f32 v42, v19  }
0x5c: {  	v34 =	vmax.f32 v6, v21;
	v6 =	vmin.f32 v6, v21;
	v47 =	vmax.f32 v7, v22  }
0x5d: {  	v48 =	vmin.f32 v7, v22;
	v49 =	vmax.f32 v23, v24;
	v50 =	vmin.f32 v23, v24  }
0x5e: {  	v51 =	vmax.f32 v25, v57;
	v14 =	vmin.f32 v25, v57;
	v52 =	vmax.f32 v26, v27  }
0x5f: {  	v53 =	vmin.f32 v26, v27;
	v35 =	vmax.f32 v31, v32;
	v16 =	vmin.f32 v31, v32  }
0x60: {  	v36 =	vmax.f32 v15, v17;
	v15 =	vmin.f32 v15, v17;
	v37 =	vmax.f32 v33, v34  }
0x61: {  	v18 =	vmin.f32 v33, v34;
	v38 =	vmax.f32 v5, v6;
	v5 =	vmin.f32 v5, v6  }
0x62: {  	v54 =	vmax.f32 v47, v49;
	v55 =	vmax.f32 v48, v50;
	v56 =	vmax.f32 v51, v52  }
0x63: {  	v58 =	vmax.f32 v14, v53;
	v14 =	vmin.f32 v14, v53;
	v39 =	vmax.f32 v36, v16  }
0x64: {  	v16 =	vmin.f32 v36, v16;
	v40 =	vmax.f32 v38, v18;
	v18 =	vmin.f32 v38, v18  }
0x65: {  	v62 =	vld [tilespmem:s28+$0x6280];
	v19 =	vmax.f32 v35, v37;
	v17 =	vmin.f32 v35, v37;
	v41 =	vmax.f32 v15, v5  }
0x66: {  	v28 =	vmin.f32 v15, v5;
	v63 =	vmax.f32 v54, v56;
	v15 =	vmin.f32 v54, v56  }
0x67: {  	v60 =	vld [tilespmem:s28+$0x6200];
	v42 =	vmax.f32 v39, v40;
	v6 =	vmin.f32 v39, v40;
	v43 =	vmax.f32 v16, v18  }
0x68: {  	v57 =	vld [tilespmem:s28+$0x6180];
	v16 =	vmin.f32 v16, v18;
	v25 =	vmax.f32 v28, v63;
	v20 =	vmax.f32 v42, v17  }
0x69: {  	v5 =	vmin.f32 v42, v17;
	v44 =	vmax.f32 v41, v16;
	v21 =	vmin.f32 v41, v16  }
0x6a: {  	v16 =	vmin.f32 v51, v52;
	v52 =	vand.u32 $0xFFFFFFC0, v62;
	v45 =	vmin.f32 v43, v5  }
0x6b: {  	v34 =	vld [tilespmem:s28+$0x8000];
	v46 =	vmax.f32 v44, v6;
	v29 =	vmax.f32 v43, v5;
	v30 =	vmin.f32 v44, v6  }
0x6c: {  	v5 =	vmin.f32 v47, v49;
	v6 =	vmin.f32 v48, v50;
	v61 =	vmax.f32 v58, v16  }
0x6d: {  	v35 =	vld [tilespmem:s28+$0x8080];
	v16 =	vmin.f32 v58, v16;
	v49 =	vand.u32 $0xFFFFFFC0, v57;
	v50 =	vand.u32 $0xFFFFFFC0, v60  }
0x6e: {  	v31 =	vmax.f32 v46, v45;
	v32 =	vmin.f32 v46, v45;
	v59 =	vmax.f32 v55, v5  }
0x6f: {  	v40 =	vld [tilespmem:s28+$0x6300];
	v5 =	vmin.f32 v55, v5;
	v39 =	vmax.f32 v6, v14;
	v6 =	vmin.f32 v6, v14  }
0x70: {  	v55 =	vand.u32 $0xFFFFFFC0, v34;
	v41 =	vmax.f32 v59, v61;
	v7 =	vmin.f32 v59, v61  }
0x71: {  	v43 =	vmax.f32 v5, v16;
	v5 =	vmin.f32 v5, v16;
	v19 =	vmax.f32 v19, v6  }
0x72: {  	v16 =	vor.u32 $0x22, v52;
	v56 =	vand.u32 $0xFFFFFFC0, v35;
	v33 =	vmax.f32 v41, v15  }
0x73: {  	v42 =	vld [tilespmem:s28+$0x6380];
	v14 =	vmin.f32 v41, v15;
	v44 =	vmax.f32 v39, v5;
	v22 =	vmin.f32 v39, v5  }
0x74: {  	v51 =	vld [tilespmem:s28+$0x8180];
	v15 =	vor.u32 $0x24, v49;
	v53 =	vand.u32 $0xFFFFFFC0, v40;
	v5 =	vor.u32 $0x1F, v55  }
0x75: {  	v39 =	vmax.f32 v9, v11;
	v9 =	vmin.f32 v9, v11;
	v40 =	vmax.f32 v12, v13  }
0x76: {  	v12 =	vmin.f32 v12, v13;
	v36 =	vmax.f32 v43, v14;
	v45 =	vmin.f32 v43, v14  }
0x77: {  	v48 =	vld [tilespmem:s28+$0x8100];
	v46 =	vmax.f32 v44, v7;
	v47 =	vmin.f32 v44, v7;
	v14 =	vor.u32 $0x23, v50  }
0x78: {  	v54 =	vand.u32 $0xFFFFFFC0, v42;
	v17 =	vor.u32 $0x21, v53;
	v7 =	vor.u32 $0x1E, v56  }
0x79: {  	v23 =	vand.u32 $0xFFFFFFC0, v51;
	v20 =	vmax.f32 v20, v22;
	v21 =	vmax.f32 v21, v33  }
0x7a: {  	v43 =	vmax.f32 v39, v40;
	v44 =	vmax.f32 v9, v12;
	v9 =	vmin.f32 v9, v12  }
0x7b: {  	v37 =	vmax.f32 v46, v45;
	v38 =	vmin.f32 v46, v45;
	v18 =	vor.u32 $0x20, v54  }
0x7c: {  	v57 =	vand.u32 $0xFFFFFFC0, v48;
	v58 =	vmax.f32 v29, v47;
	v61 =	vmax.f32 v30, v36  }
0x7d: {  	v6 =	vor.u32 $0x1D, v57;
	v59 =	vmax.f32 v31, v38;
	v60 =	vmax.f32 v32, v37  }
0x7e: {  	v63 =	vmax.f32 v20, v61;
	v20 =	vmin.f32 v20, v61;
	v31 =	vmax.f32 v58, v21  }
0x7f: {  	v21 =	vmin.f32 v58, v21;
	v37 =	vmax.f32 v0, v1;
	v0 =	vmin.f32 v0, v1  }
0x80: {  	v38 =	vmax.f32 v8, v10;
	v8 =	vmin.f32 v8, v10;
	v10 =	vmin.f32 v39, v40  }
0x81: {  	v62 =	vmax.f32 v19, v60;
	v19 =	vmin.f32 v19, v60;
	v32 =	vmax.f32 v59, v25  }
0x82: {  	v24 =	vmin.f32 v59, v25;
	v41 =	vmax.f32 v37, v38;
	v1 =	vmin.f32 v37, v38  }
0x83: {  	v42 =	vmax.f32 v0, v8;
	v0 =	vmin.f32 v0, v8;
	v47 =	vmax.f32 v44, v10  }
0x84: {  	v10 =	vmin.f32 v44, v10;
	v33 =	vmax.f32 v62, v31;
	v27 =	vmin.f32 v62, v31  }
0x85: {  	v34 =	vmax.f32 v63, v32;
	v22 =	vmin.f32 v63, v32;
	v35 =	vmax.f32 v19, v21  }
0x86: {  	v19 =	vmin.f32 v19, v21;
	v36 =	vmax.f32 v20, v24;
	v20 =	vmin.f32 v20, v24  }
0x87: {  	v45 =	vmax.f32 v42, v1;
	v1 =	vmin.f32 v42, v1;
	v49 =	vmax.f32 v41, v43  }
0x88: {  	v51 =	vld [tilespmem:s28+$0x8300];
	v8 =	vmin.f32 v41, v43;
	v50 =	vmax.f32 v0, v9;
	v52 =	vmin.f32 v0, v9  }
0x89: {  	v46 =	vld [tilespmem:s28+$0x8200];
	v24 =	vmax.f32 v33, v34;
	v25 =	vmin.f32 v33, v34;
	v28 =	vmax.f32 v27, v22  }
0x8a: {  	v48 =	vld [tilespmem:s28+$0x8280];
	v22 =	vmin.f32 v27, v22;
	v27 =	vmax.f32 v35, v36;
	v21 =	vmin.f32 v35, v36  }
0x8b: {  	v55 =	vld [tilespmem:s28+$0x8380];
	v26 =	vmax.f32 v19, v20;
	v19 =	vmin.f32 v19, v20;
	v53 =	vmax.f32 v45, v47  }
0x8c: {  	v54 =	vmin.f32 v45, v47;
	v56 =	vmax.f32 v1, v10;
	v1 =	vmin.f32 v1, v10  }
0x8d: {  	v45 =	vand.u32 $0xFFFFFFC0, v51;
	v57 =	vmax.f32 v53, v8;
	v0 =	vmin.f32 v53, v8  }
0x8e: {  	v58 =	vld [tilespmem:s28+$0xA000];
	v59 =	vmax.f32 v50, v1;
	v13 =	vmin.f32 v50, v1;
	v8 =	vor.u32 $0x1C, v23  }
0x8f: {  	v43 =	vand.u32 $0xFFFFFFC0, v46;
	v44 =	vand.u32 $0xFFFFFFC0, v48;
	v11 =	vor.u32 $0x19, v45  }
0x90: {  	v46 =	vand.u32 $0xFFFFFFC0, v55;
	v24 =	vmax.f32 v24, v52;
	v19 =	vmax.f32 v19, v49  }
0x91: {  	v61 =	vmax.f32 v56, v0;
	v0 =	vmin.f32 v56, v0;
	v62 =	vmax.f32 v59, v54  }
0x92: {  	v63 =	vmin.f32 v59, v54;
	v9 =	vor.u32 $0x1B, v43;
	v10 =	vor.u32 $0x1A, v44  }
0x93: {  	v60 =	vld [tilespmem:s28+$0xA080];
	v47 =	vand.u32 $0xFFFFFFC0, v58;
	v12 =	vor.u32 $0x18, v46;
	v13 =	vmax.f32 v25, v13  }
0x94: {  	v26 =	vmax.f32 v26, v57;
	v56 =	vmax.f32 v2, v4;
	v2 =	vmin.f32 v2, v4  }
0x95: {  	v57 =	vmax.f32 v3, v15;
	v3 =	vmin.f32 v3, v15;
	v58 =	vmax.f32 v14, v16  }
0x96: {  	v42 =	vld [tilespmem:s28+$0xA100];
	v14 =	vmin.f32 v14, v16;
	v59 =	vmax.f32 v17, v18;
	v17 =	vmin.f32 v17, v18  }
0x97: {  	v40 =	vmax.f32 v62, v0;
	v41 =	vmin.f32 v62, v0;
	v0 =	vor.u32 $0x17, v47  }
0x98: {  	v1 =	vand.u32 $0xFFFFFFC0, v60;
	v20 =	vmax.f32 v28, v63;
	v21 =	vmax.f32 v21, v61  }
0x99: {  	v60 =	vmax.f32 v56, v57;
	v4 =	vmin.f32 v56, v57;
	v61 =	vmax.f32 v2, v3  }
0x9a: {  	v2 =	vmin.f32 v2, v3;
	v62 =	vmax.f32 v58, v59;
	v15 =	vmin.f32 v58, v59  }
0x9b: {  	v1 =	vor.u32 $0x16, v1;
	v23 =	vand.u32 $0xFFFFFFC0, v42;
	v22 =	vmax.f32 v22, v41  }
0x9c: {  	v48 =	vmax.f32 v27, v40;
	v49 =	vmax.f32 v13, v21;
	v13 =	vmin.f32 v13, v21  }
0x9d: {  	v50 =	vmax.f32 v20, v26;
	v20 =	vmin.f32 v20, v26;
	v40 =	vmax.f32 v14, v17  }
0x9e: {  	v14 =	vmin.f32 v14, v17;
	v41 =	vmax.f32 v61, v4;
	v4 =	vmin.f32 v61, v4  }
0x9f: {  	v45 =	vmax.f32 v60, v62;
	v3 =	vmin.f32 v60, v62;
	v27 =	vmax.f32 v24, v48  }
0xa0: {  	v24 =	vmin.f32 v24, v48;
	v51 =	vmax.f32 v22, v19;
	v19 =	vmin.f32 v22, v19  }
0xa1: {  	v43 =	vmax.f32 v40, v15;
	v15 =	vmin.f32 v40, v15;
	v46 =	vmax.f32 v2, v14  }
0xa2: {  	v48 =	vmin.f32 v2, v14;
	v52 =	vmax.f32 v27, v50;
	v21 =	vmin.f32 v27, v50  }
0xa3: {  	v53 =	vmax.f32 v49, v51;
	v25 =	vmin.f32 v49, v51;
	v54 =	vmax.f32 v24, v20  }
0xa4: {  	v20 =	vmin.f32 v24, v20;
	v55 =	vmax.f32 v13, v19;
	v13 =	vmin.f32 v13, v19  }
0xa5: {  	v44 =	vld [tilespmem:s28+$0xA280];
	v49 =	vmax.f32 v41, v43;
	v51 =	vmax.f32 v4, v15;
	v4 =	vmin.f32 v4, v15  }
0xa6: {  	v19 =	vmax.f32 v52, v53;
	v22 =	vmin.f32 v52, v53;
	v27 =	vmax.f32 v21, v25  }
0xa7: {  	v63 =	vld [tilespmem:s28+$0xA180];
	v21 =	vmin.f32 v21, v25;
	v25 =	vmax.f32 v54, v55;
	v24 =	vmin.f32 v54, v55  }
0xa8: {  	v47 =	vld [tilespmem:s28+$0xA300];
	v26 =	vmax.f32 v20, v13;
	v20 =	vmin.f32 v20, v13;
	v13 =	vmin.f32 v41, v43  }
0xa9: {  	v56 =	vld [tilespmem:s28+$0xC080];
	v52 =	vmax.f32 v49, v3;
	v2 =	vmin.f32 v49, v3;
	v54 =	vmax.f32 v46, v4  }
0xaa: {  	v55 =	vmin.f32 v46, v4;
	v18 =	vand.u32 $0xFFFFFFC0, v44;
	v43 =	vmax.f32 v6, v8  }
0xab: {  	v6 =	vmin.f32 v6, v8;
	v44 =	vmax.f32 v9, v10;
	v9 =	vmin.f32 v9, v10  }
0xac: {  	v42 =	vld [tilespmem:s28+$0xA200];
	v57 =	vmax.f32 v51, v2;
	v2 =	vmin.f32 v51, v2;
	v58 =	vmax.f32 v54, v13  }
0xad: {  	v61 =	vld [tilespmem:s28+$0xC100];
	v59 =	vmin.f32 v54, v13;
	v13 =	vor.u32 $0x15, v23;
	v62 =	vand.u32 $0xFFFFFFC0, v63  }
0xae: {  	v16 =	vor.u32 $0x12, v18;
	v23 =	vand.u32 $0xFFFFFFC0, v47;
	v4 =	vand.u32 $0xFFFFFFC0, v56  }
0xaf: {  	v19 =	vmax.f32 v19, v48;
	v22 =	vmax.f32 v22, v55;
	v26 =	vmax.f32 v26, v52  }
0xb0: {  	v20 =	vmax.f32 v20, v45;
	v45 =	vmax.f32 v11, v12;
	v11 =	vmin.f32 v11, v12  }
0xb1: {  	v60 =	vmax.f32 v58, v2;
	v39 =	vmin.f32 v58, v2;
	v63 =	vand.u32 $0xFFFFFFC0, v42  }
0xb2: {  	v15 =	vor.u32 $0x14, v62;
	v17 =	vor.u32 $0x11, v23;
	v3 =	vand.u32 $0xFFFFFFC0, v61  }
0xb3: {  	v4 =	vor.u32 $0xE, v4;
	v31 =	vmax.f32 v27, v59;
	v24 =	vmax.f32 v24, v57  }
0xb4: {  	v50 =	vld [tilespmem:s28+$0xA380];
	v42 =	vmax.f32 v5, v7;
	v5 =	vmin.f32 v5, v7;
	v48 =	vmax.f32 v44, v45  }
0xb5: {  	v8 =	vmin.f32 v44, v45;
	v14 =	vor.u32 $0x13, v63;
	v3 =	vor.u32 $0xD, v3  }
0xb6: {  	v21 =	vmax.f32 v21, v39;
	v25 =	vmax.f32 v25, v60;
	v33 =	vmax.f32 v22, v24  }
0xb7: {  	v22 =	vmin.f32 v22, v24;
	v34 =	vmax.f32 v31, v26;
	v23 =	vmin.f32 v31, v26  }
0xb8: {  	v53 =	vld [tilespmem:s28+$0xC000];
	v46 =	vmax.f32 v42, v43;
	v7 =	vmin.f32 v42, v43;
	v47 =	vmax.f32 v5, v6  }
0xb9: {  	v5 =	vmin.f32 v5, v6;
	v28 =	vand.u32 $0xFFFFFFC0, v50;
	v32 =	vmax.f32 v19, v25  }
0xba: {  	v19 =	vmin.f32 v19, v25;
	v35 =	vmax.f32 v21, v20;
	v20 =	vmin.f32 v21, v20  }
0xbb: {  	v50 =	vmax.f32 v9, v11;
	v9 =	vmin.f32 v9, v11;
	v51 =	vmax.f32 v47, v7  }
0xbc: {  	v49 =	vld [tilespmem:s28+$0xC180];
	v7 =	vmin.f32 v47, v7;
	v31 =	vmax.f32 v46, v48;
	v6 =	vmin.f32 v46, v48  }
0xbd: {  	v18 =	vor.u32 $0x10, v28;
	v29 =	vand.u32 $0xFFFFFFC0, v53;
	v36 =	vmax.f32 v32, v34  }
0xbe: {  	v24 =	vmin.f32 v32, v34;
	v37 =	vmax.f32 v33, v35;
	v25 =	vmin.f32 v33, v35  }
0xbf: {  	v38 =	vmax.f32 v19, v23;
	v19 =	vmin.f32 v19, v23;
	v39 =	vmax.f32 v22, v20  }
0xc0: {  	v52 =	vld [tilespmem:s28+$0xC200];
	v20 =	vmin.f32 v22, v20;
	v53 =	vmax.f32 v50, v8;
	v8 =	vmin.f32 v50, v8  }
0xc1: {  	v54 =	vld [tilespmem:s28+$0xC280];
	v55 =	vmax.f32 v5, v9;
	v5 =	vmin.f32 v5, v9;
	v10 =	vand.u32 $0xFFFFFFC0, v49  }
0xc2: {  	v56 =	vld [tilespmem:s28+$0xC300];
	v2 =	vor.u32 $0xF, v29;
	v22 =	vmax.f32 v36, v37;
	v21 =	vmin.f32 v36, v37  }
0xc3: {  	v27 =	vmax.f32 v24, v25;
	v24 =	vmin.f32 v24, v25;
	v40 =	vmax.f32 v38, v39  }
0xc4: {  	v58 =	vld [tilespmem:s28+$0xC380];
	v23 =	vmin.f32 v38, v39;
	v26 =	vmax.f32 v19, v20;
	v28 =	vmin.f32 v19, v20  }
0xc5: {  	v62 =	vld [tilespmem:s28+$0xE080];
	v57 =	vmax.f32 v51, v53;
	v11 =	vmin.f32 v51, v53;
	v59 =	vmax.f32 v7, v8  }
0xc6: {  	v45 =	vld [tilespmem:s28+$0xE180];
	v7 =	vmin.f32 v7, v8;
	v44 =	vand.u32 $0xFFFFFFC0, v52;
	v20 =	vor.u32 $0xC, v10  }
0xc7: {  	v47 =	vand.u32 $0xFFFFFFC0, v54;
	v48 =	vand.u32 $0xFFFFFFC0, v56;
	v34 =	vmax.f32 v57, v6  }
0xc8: {  	v6 =	vmin.f32 v57, v6;
	v61 =	vmax.f32 v55, v7;
	v7 =	vmin.f32 v55, v7  }
0xc9: {  	v60 =	vld [tilespmem:s28+$0xE000];
	v22 =	vmax.f32 v22, v5;
	v19 =	vor.u32 $0xB, v44;
	v32 =	vor.u32 $0xA, v47  }
0xca: {  	v43 =	vld [tilespmem:s28+$0xE100];
	v37 =	vor.u32 $0x9, v48;
	v51 =	vand.u32 $0xFFFFFFC0, v58;
	v54 =	vand.u32 $0xFFFFFFC0, v62  }
0xcb: {  	v56 =	vand.u32 $0xFFFFFFC0, v45;
	v28 =	vmax.f32 v28, v31;
	v44 =	vmax.f32 v13, v15  }
0xcc: {  	v13 =	vmin.f32 v13, v15;
	v45 =	vmax.f32 v14, v16;
	v14 =	vmin.f32 v14, v16  }
0xcd: {  	v46 =	vld [tilespmem:s28+$0xE200];
	v63 =	vmax.f32 v59, v6;
	v6 =	vmin.f32 v59, v6;
	v41 =	vmax.f32 v61, v11  }
0xce: {  	v9 =	vmin.f32 v61, v11;
	v21 =	vmax.f32 v21, v7;
	v52 =	vand.u32 $0xFFFFFFC0, v60  }
0xcf: {  	v39 =	vor.u32 $0x8, v51;
	v55 =	vand.u32 $0xFFFFFFC0, v43;
	v8 =	vor.u32 $0x4, v56  }
0xd0: {  	v26 =	vmax.f32 v26, v34;
	v43 =	vmax.f32 v0, v1;
	v0 =	vmin.f32 v0, v1  }
0xd1: {  	v49 =	vld [tilespmem:s28+$0xE280];
	v42 =	vmax.f32 v41, v6;
	v6 =	vmin.f32 v41, v6;
	v27 =	vmax.f32 v27, v9  }
0xd2: {  	v50 =	vld [tilespmem:s28+$0xE300];
	v5 =	vor.u32 $0x7, v52;
	v7 =	vor.u32 $0x5, v55;
	v57 =	vand.u32 $0xFFFFFFC0, v46  }
0xd3: {  	v23 =	vmax.f32 v23, v63;
	v46 =	vmax.f32 v17, v18;
	v17 =	vmin.f32 v17, v18  }
0xd4: {  	v47 =	vmax.f32 v43, v44;
	v1 =	vmin.f32 v43, v44;
	v48 =	vmax.f32 v0, v13  }
0xd5: {  	v0 =	vmin.f32 v0, v13;
	v24 =	vmax.f32 v24, v6;
	v25 =	vmax.f32 v40, v42  }
0xd6: {  	v53 =	vld [tilespmem:s28+$0xE380];
	v6 =	vor.u32 $0x6, v54;
	v9 =	vor.u32 $0x3, v57;
	v58 =	vand.u32 $0xFFFFFFC0, v49  }
0xd7: {  	v59 =	vand.u32 $0xFFFFFFC0, v50;
	v61 =	vmax.f32 v21, v23;
	v21 =	vmin.f32 v21, v23  }
0xd8: {  	v62 =	vmax.f32 v27, v26;
	v26 =	vmin.f32 v27, v26;
	v49 =	vmax.f32 v45, v46  }
0xd9: {  	v15 =	vmin.f32 v45, v46;
	v50 =	vmax.f32 v14, v17;
	v14 =	vmin.f32 v14, v17  }
0xda: {  	v51 =	vmax.f32 v48, v1;
	v1 =	vmin.f32 v48, v1;
	v11 =	vor.u32 $0x2, v58  }
0xdb: {  	v10 =	vor.u32 $0x1, v59;
	v12 =	vand.u32 $0xFFFFFFC0, v53;
	v60 =	vmax.f32 v22, v25  }
0xdc: {  	v22 =	vmin.f32 v22, v25;
	v63 =	vmax.f32 v24, v28;
	v24 =	vmin.f32 v24, v28  }
0xdd: {  	v52 =	vmax.f32 v50, v15;
	v15 =	vmin.f32 v50, v15;
	v53 =	vmax.f32 v47, v49  }
0xde: {  	v13 =	vmin.f32 v47, v49;
	v54 =	vmax.f32 v0, v14;
	v0 =	vmin.f32 v0, v14  }
0xdf: {  	v33 =	vmax.f32 v60, v62;
	v23 =	vmin.f32 v60, v62;
	v34 =	vmax.f32 v61, v63  }
0xe0: {  	v25 =	vmin.f32 v61, v63;
	v35 =	vmax.f32 v22, v26;
	v22 =	vmin.f32 v22, v26  }
0xe1: {  	v36 =	vmax.f32 v21, v24;
	v21 =	vmin.f32 v21, v24;
	v55 =	vmax.f32 v51, v52  }
0xe2: {  	v17 =	vmin.f32 v51, v52;
	v56 =	vmax.f32 v1, v15;
	v1 =	vmin.f32 v1, v15  }
0xe3: {  	v38 =	vmax.f32 v33, v34;
	v28 =	vmin.f32 v33, v34;
	v40 =	vmax.f32 v23, v25  }
0xe4: {  	v23 =	vmin.f32 v23, v25;
	v41 =	vmax.f32 v35, v36;
	v26 =	vmin.f32 v35, v36  }
0xe5: {  	v42 =	vmax.f32 v22, v21;
	v21 =	vmin.f32 v22, v21;
	v57 =	vmax.f32 v55, v13  }
0xe6: {  	v13 =	vmin.f32 v55, v13;
	v58 =	vmax.f32 v54, v1;
	v1 =	vmin.f32 v54, v1  }
0xe7: {  	v34 =	vmax.f32 v2, v4;
	v2 =	vmin.f32 v2, v4;
	v35 =	vmax.f32 v3, v20  }
0xe8: {  	v3 =	vmin.f32 v3, v20;
	v36 =	vmax.f32 v19, v32;
	v19 =	vmin.f32 v19, v32  }
0xe9: {  	v59 =	vmax.f32 v56, v13;
	v13 =	vmin.f32 v56, v13;
	v60 =	vmax.f32 v58, v17  }
0xea: {  	v14 =	vmin.f32 v58, v17;
	v0 =	vmax.f32 v38, v0;
	v1 =	vmax.f32 v28, v1  }
0xeb: {  	v15 =	vmax.f32 v42, v57;
	v16 =	vmax.f32 v21, v53;
	v38 =	vmax.f32 v37, v39  }
0xec: {  	v42 =	vmax.f32 v2, v3;
	v2 =	vmin.f32 v2, v3;
	v61 =	vmax.f32 v60, v13  }
0xed: {  	v13 =	vmin.f32 v60, v13;
	v14 =	vmax.f32 v40, v14;
	v18 =	vmax.f32 v26, v59  }
0xee: {  	v40 =	vmin.f32 v37, v39;
	v43 =	vmax.f32 v36, v38;
	v20 =	vmin.f32 v36, v38  }
0xef: {  	v13 =	vmax.f32 v23, v13;
	v17 =	vmax.f32 v41, v61;
	v63 =	vmax.f32 v1, v18  }
0xf0: {  	v1 =	vmin.f32 v1, v18;
	v23 =	vmax.f32 v14, v15;
	v14 =	vmin.f32 v14, v15  }
0xf1: {  	v41 =	vmax.f32 v34, v35;
	v44 =	vmax.f32 v19, v40;
	v19 =	vmin.f32 v19, v40  }
0xf2: {  	v62 =	vmax.f32 v0, v17;
	v0 =	vmin.f32 v0, v17;
	v24 =	vmax.f32 v13, v16  }
0xf3: {  	v13 =	vmin.f32 v13, v16;
	v46 =	vmax.f32 v44, v20;
	v20 =	vmin.f32 v44, v20  }
0xf4: {  	v47 =	vmax.f32 v41, v43;
	v3 =	vmin.f32 v41, v43;
	v48 =	vmax.f32 v2, v19  }
0xf5: {  	v2 =	vmin.f32 v2, v19;
	v25 =	vmax.f32 v62, v23;
	v18 =	vmin.f32 v62, v23  }
0xf6: {  	v26 =	vmax.f32 v63, v24;
	v15 =	vmin.f32 v63, v24;
	v27 =	vmax.f32 v0, v14  }
0xf7: {  	v0 =	vmin.f32 v0, v14;
	v28 =	vmax.f32 v1, v13;
	v1 =	vmin.f32 v1, v13  }
0xf8: {  	v29 =	vmax.f32 v25, v26;
	v16 =	vmin.f32 v25, v26;
	v30 =	vmax.f32 v18, v15  }
0xf9: {  	v15 =	vmin.f32 v18, v15;
	v31 =	vmax.f32 v27, v28;
	v14 =	vmin.f32 v27, v28  }
0xfa: {  	v33 =	vmax.f32 v0, v1;
	v0 =	vmin.f32 v0, v1;
	v1 =	vmin.f32 v34, v35  }
0xfb: {  	v26 =	vmax.f32 v5, v6;
	v5 =	vmin.f32 v5, v6;
	v27 =	vmax.f32 v7, v8  }
0xfc: {  	v7 =	vmin.f32 v7, v8;
	v28 =	vmax.f32 v9, v11;
	v9 =	vmin.f32 v9, v11  }
0xfd: {  	v45 =	vmax.f32 v42, v1;
	v1 =	vmin.f32 v42, v1;
	v2 =	vmax.f32 v29, v2  }
0xfe: {  	v0 =	vmax.f32 v0, v47;
	v29 =	vmax.f32 v10, v12;
	v10 =	vmin.f32 v10, v12  }
0xff: {  	v49 =	vmax.f32 v45, v46;
	v4 =	vmin.f32 v45, v46;
	v50 =	vmax.f32 v1, v20  }
0x100: {  	v1 =	vmin.f32 v1, v20;
	v32 =	vmax.f32 v28, v29;
	v8 =	vmin.f32 v28, v29  }
0x101: {  	v51 =	vmax.f32 v49, v3;
	v3 =	vmin.f32 v49, v3;
	v52 =	vmax.f32 v48, v1  }
0x102: {  	v1 =	vmin.f32 v48, v1;
	v53 =	vmax.f32 v50, v3;
	v3 =	vmin.f32 v50, v3  }
0x103: {  	v54 =	vmax.f32 v52, v4;
	v4 =	vmin.f32 v52, v4;
	v1 =	vmax.f32 v16, v1  }
0x104: {  	v57 =	vmax.f32 v33, v51;
	v33 =	vmax.f32 v9, v10;
	v9 =	vmin.f32 v9, v10  }
0x105: {  	v55 =	vmax.f32 v54, v3;
	v3 =	vmin.f32 v54, v3;
	v4 =	vmax.f32 v30, v4  }
0x106: {  	v14 =	vmax.f32 v14, v53;
	v30 =	vmax.f32 v26, v27;
	v35 =	vmax.f32 v33, v8  }
0x107: {  	v29 =	vld [tilespmem:s28+$0x310];
	v8 =	vmin.f32 v33, v8;
	v3 =	vmax.f32 v15, v3;
	v56 =	vmax.f32 v31, v55  }
0x108: {  	v59 =	vmax.f32 v1, v14;
	v1 =	vmin.f32 v1, v14;
	v60 =	vmax.f32 v4, v57  }
0x109: {  	v4 =	vmin.f32 v4, v57;
	v31 =	vmax.f32 v5, v7;
	v5 =	vmin.f32 v5, v7  }
0x10a: {  	v36 =	vmax.f32 v30, v32;
	v7 =	vmin.f32 v30, v32;
	v58 =	vmax.f32 v2, v56  }
0x10b: {  	v2 =	vmin.f32 v2, v56;
	v61 =	vmax.f32 v3, v0;
	v0 =	vmin.f32 v3, v0  }
0x10c: {  	v37 =	vmax.f32 v5, v9;
	v5 =	vmin.f32 v5, v9;
	v18 =	vand.u32 $0xFFFFFFC0, v29  }
0x10d: {  	v62 =	vmax.f32 v58, v60;
	v14 =	vmin.f32 v58, v60;
	v63 =	vmax.f32 v59, v61  }
0x10e: {  	v13 =	vmin.f32 v59, v61;
	v20 =	vmax.f32 v2, v4;
	v2 =	vmin.f32 v2, v4  }
0x10f: {  	v21 =	vmax.f32 v1, v0;
	v0 =	vmin.f32 v1, v0;
	v18 =	vor.u32 $0x39, v18  }
0x110: {  	v22 =	vmax.f32 v62, v63;
	v3 =	vmin.f32 v62, v63;
	v23 =	vmax.f32 v14, v13  }
0x111: {  	v13 =	vmin.f32 v14, v13;
	v24 =	vmax.f32 v20, v21;
	v4 =	vmin.f32 v20, v21  }
0x112: {  	v25 =	vmax.f32 v2, v0;
	v0 =	vmin.f32 v2, v0;
	v2 =	vmin.f32 v26, v27  }
0x113: {  	v34 =	vmax.f32 v31, v2;
	v2 =	vmin.f32 v31, v2;
	v1 =	vmax.f32 v22, v5  }
0x114: {  	v0 =	vmax.f32 v0, v36;
	v38 =	vmax.f32 v34, v35;
	v6 =	vmin.f32 v34, v35  }
0x115: {  	v63 =	vld [tilespmem:s28+$0x190];
	v39 =	vmax.f32 v2, v8;
	v2 =	vmin.f32 v2, v8;
	v40 =	vmax.f32 v38, v7  }
0x116: {  	v55 =	vld [tilespmem:s28+$0x10];
	v7 =	vmin.f32 v38, v7;
	v41 =	vmax.f32 v37, v2;
	v2 =	vmin.f32 v37, v2  }
0x117: {  	v58 =	vld [tilespmem:s28+$0x90];
	v42 =	vmin.f32 v39, v7;
	v43 =	vmax.f32 v41, v6;
	v7 =	vmax.f32 v39, v7  }
0x118: {  	v27 =	vld [tilespmem:s28+$0x290];
	v6 =	vmin.f32 v41, v6;
	v2 =	vmax.f32 v3, v2;
	v49 =	vmax.f32 v25, v40  }
0x119: {  	v31 =	vld [tilespmem:s28+$0x390];
	v44 =	vmax.f32 v43, v42;
	v45 =	vmin.f32 v43, v42;
	v46 =	vmax.f32 v23, v6  }
0x11a: {  	v61 =	vld [tilespmem:s28+$0x110];
	v4 =	vmax.f32 v4, v7;
	v8 =	vand.u32 $0xFFFFFFC0, v63;
	v47 =	vmax.f32 v13, v45  }
0x11b: {  	v34 =	vld [tilespmem:s28+$0x2010];
	v48 =	vmax.f32 v24, v44;
	v51 =	vmax.f32 v2, v4;
	v2 =	vmin.f32 v2, v4  }
0x11c: {  	v52 =	vmax.f32 v46, v49;
	v3 =	vmin.f32 v46, v49;
	v46 =	vand.u32 $0xFFFFFFC0, v58  }
0x11d: {  	v49 =	vor.u32 $0x3F, v55;
	v13 =	vand.u32 $0xFFFFFFC0, v27;
	v8 =	vor.u32 $0x3C, v8  }
0x11e: {  	v19 =	vand.u32 $0xFFFFFFC0, v31;
	v50 =	vmax.f32 v1, v48;
	v1 =	vmin.f32 v1, v48  }
0x11f: {  	v37 =	vld [tilespmem:s28+$0x2090];
	v53 =	vmax.f32 v47, v0;
	v0 =	vmin.f32 v47, v0;
	v47 =	vand.u32 $0xFFFFFFC0, v61  }
0x120: {  	v13 =	vor.u32 $0x3A, v13;
	v20 =	vand.u32 $0xFFFFFFC0, v34;
	v19 =	vor.u32 $0x38, v19  }
0x121: {  	v25 =	vld [tilespmem:s28+$0x210];
	v54 =	vmax.f32 v50, v52;
	v4 =	vmin.f32 v50, v52;
	v56 =	vmax.f32 v51, v53  }
0x122: {  	v40 =	vld [tilespmem:s28+$0x2110];
	v57 =	vmin.f32 v51, v53;
	v59 =	vmax.f32 v1, v3;
	v1 =	vmin.f32 v1, v3  }
0x123: {  	v60 =	vmax.f32 v2, v0;
	v62 =	vmin.f32 v2, v0;
	v11 =	vor.u32 $0x3D, v47  }
0x124: {  	v20 =	vor.u32 $0x37, v20;
	v21 =	vand.u32 $0xFFFFFFC0, v37;
	v7 =	vmax.f32 v54, v56  }
0x125: {  	v6 =	vmin.f32 v54, v56;
	v5 =	vmax.f32 v4, v57;
	v4 =	vmin.f32 v4, v57  }
0x126: {  	v42 =	vld [tilespmem:s28+$0x2190];
	v3 =	vmax.f32 v59, v60;
	v2 =	vmin.f32 v59, v60;
	v0 =	vmax.f32 v1, v62  }
0x127: {  	v44 =	vld [tilespmem:s28+$0x2210];
	v1 =	vmin.f32 v1, v62;
	v16 =	vand.u32 $0xFFFFFFC0, v25;
	v22 =	vand.u32 $0xFFFFFFC0, v40  }
0x128: {  	v58 =	vld [tilespmem:s28+$0x4390];
	v21 =	vor.u32 $0x36, v21;
	v24 =	vsub.f32 v6, v7;
	v26 =	vsub.f32 v5, v7  }
0x129: {  	v55 =	vld [tilespmem:s28+$0x4210];
	v62 =	vmax.f32 v11, v8;
	v28 =	vsub.f32 v4, v7;
	v30 =	vsub.f32 v3, v7  }
0x12a: {  	v48 =	vld [tilespmem:s28+$0x2310];
	v8 =	vmin.f32 v11, v8;
	v33 =	vsub.f32 v2, v7;
	v36 =	vsub.f32 v0, v7  }
0x12b: {  	v50 =	vld [tilespmem:s28+$0x2390];
	v39 =	vsub.f32 v1, v7;
	v16 =	vor.u32 $0x3B, v16;
	v15 =	vand.u32 $0xFFFFFFC0, v42  }
0x12c: {  	v51 =	vld [tilespmem:s28+$0x4010];
	v22 =	vor.u32 $0x35, v22;
	v15 =	vor.u32 $0x34, v15;
	v17 =	vand.u32 $0xFFFFFFC0, v44  }
0x12d: {  	v52 =	vld [tilespmem:s28+$0x4090];
	v31 =	vand.u32 $0xFFFFFFC0, v58;
	v10 =	vmul.f32 $1.442695020e+00, v24;
	v12 =	vmul.f32 $1.442695020e+00, v26  }
0x12e: {  	v53 =	vld [tilespmem:s28+$0x4110];
	v63 =	vmax.f32 v16, v13;
	v32 =	vmul.f32 $1.442695020e+00, v28;
	v35 =	vmul.f32 $1.442695020e+00, v30  }
0x12f: {  	v13 =	vmin.f32 v16, v13;
	v38 =	vmul.f32 $1.442695020e+00, v33;
	v41 =	vmul.f32 $1.442695020e+00, v36  }
0x130: {  	v43 =	vmul.f32 $1.442695020e+00, v39;
	v14 =	vand.u32 $0xFFFFFFC0, v48;
	v17 =	vor.u32 $0x33, v17  }
0x131: {  	v28 =	vand.u32 $0xFFFFFFC0, v55;
	v31 =	vor.u32 $0x28, v31;
	v36 =	vmax.f32 v18, v19  }
0x132: {  	v54 =	vld [tilespmem:s28+$0x4190];
	v18 =	vmin.f32 v18, v19;
	v14 =	vor.u32 $0x31, v14;
	v9 =	vand.u32 $0xFFFFFFC0, v50  }
0x133: {  	v56 =	vld [tilespmem:s28+$0x4290];
	v24 =	vand.u32 $0xFFFFFFC0, v51;
	v25 =	vand.u32 $0xFFFFFFC0, v52;
	v26 =	vand.u32 $0xFFFFFFC0, v53  }
0x134: {  	v57 =	vld [tilespmem:s28+$0x4310];
	v28 =	vor.u32 $0x2B, v28;
	v39 =	vmax.f32 v63, v36;
	v11 =	vmin.f32 v63, v36  }
0x135: {  	v60 =	vld [tilespmem:s28+$0x6010];
	v40 =	vmax.f32 v13, v18;
	v13 =	vmin.f32 v13, v18;
	v52 =	vmax.f32 v20, v21  }
0x136: {  	v20 =	vmin.f32 v20, v21;
	v53 =	vmax.f32 v22, v15;
	v15 =	vmin.f32 v22, v15  }
0x137: {  	v45 =	vld [tilespmem:s28+$0x2290];
	(erf) = vpow2.f32 v10;
	v10 =	vor.u32 $0x3E, v46;
	v59 =	vor.u32 $0x30, v9  }
0x138: {  	v24 =	vor.u32 $0x2F, v24;
	v25 =	vor.u32 $0x2E, v25;
	v27 =	vand.u32 $0xFFFFFFC0, v54  }
0x139: {  	v26 =	vor.u32 $0x2D, v26;
	v29 =	vand.u32 $0xFFFFFFC0, v56;
	v30 =	vand.u32 $0xFFFFFFC0, v57  }
0x13a: {  	v9 =	vand.u32 $0xFFFFFFC0, v60;
	v42 =	vmax.f32 v40, v11;
	v11 =	vmin.f32 v40, v11  }
0x13b: {  	v56 =	vmax.f32 v52, v53;
	v21 =	vmin.f32 v52, v53;
	v57 =	vmax.f32 v20, v15  }
0x13c: {  	v15 =	vmin.f32 v20, v15;
	(erf) = vpow2.f32 v12;
	v12 =	vand.u32 $0xFFFFFFC0, v45  }
0x13d: {  	v27 =	vor.u32 $0x2C, v27;
	v29 =	vor.u32 $0x2A, v29;
	v30 =	vor.u32 $0x29, v30  }
0x13e: {  	v61 =	vmax.f32 v49, v10;
	v10 =	vmin.f32 v49, v10;
	v55 =	vmax.f32 v14, v59  }
0x13f: {  	v14 =	vmin.f32 v14, v59;
	v60 =	vmax.f32 v57, v21;
	v21 =	vmin.f32 v57, v21  }
0x140: {  	v52 =	vmax.f32 v24, v25;
	v53 =	vmin.f32 v24, v25;
	v9 =	vor.u32 $0x27, v9  }
0x141: {  	(erf) = vpow2.f32 v32;
	v12 =	vor.u32 $0x32, v12;
	v37 =	vmax.f32 v61, v62  }
0x142: {  	v23 =	vmin.f32 v61, v62;
	v57 =	vmin.f32 v28, v29;
	(erf) = vpow2.f32 v35  }
0x143: {  	v54 =	vmax.f32 v17, v12;
	v12 =	vmin.f32 v17, v12;
	(erf) = vpow2.f32 v38  }
0x144: {  	v38 =	vmax.f32 v10, v8;
	v8 =	vmin.f32 v10, v8;
	v10 =	vmin.f32 v37, v39  }
0x145: {  	v58 =	vmax.f32 v54, v55;
	v17 =	vmin.f32 v54, v55;
	v59 =	vmax.f32 v12, v14  }
0x146: {  	v12 =	vmin.f32 v12, v14;
	v54 =	vmax.f32 v26, v27;
	v55 =	vmin.f32 v26, v27  }
0x147: {  	(erf) = vpow2.f32 v41;
	v41 =	vmax.f32 v38, v23;
	v23 =	vmin.f32 v38, v23  }
0x148: {  	v44 =	vmax.f32 v8, v13;
	v8 =	vmin.f32 v8, v13;
	v61 =	vmax.f32 v59, v17  }
0x149: {  	v17 =	vmin.f32 v59, v17;
	v62 =	vmax.f32 v56, v58;
	v20 =	vmin.f32 v56, v58  }
0x14a: {  	v63 =	vmax.f32 v15, v12;
	v12 =	vmin.f32 v15, v12;
	v56 =	vmax.f32 v28, v29  }
0x14b: {  	v58 =	vmax.f32 v30, v31;
	v59 =	vmin.f32 v30, v31;
	(erf) = vpow2.f32 v43  }
0x14c: {  	v43 =	vmax.f32 v37, v39;
	v45 =	vmax.f32 v41, v42;
	v18 =	vmin.f32 v41, v42  }
0x14d: {  	v46 =	vmax.f32 v23, v11;
	v11 =	vmin.f32 v23, v11;
	v36 =	vmax.f32 v60, v61  }
0x14e: {  	v14 =	vmin.f32 v60, v61;
	v37 =	vmax.f32 v21, v17;
	v17 =	vmin.f32 v21, v17  }
0x14f: {  	v8 =	vmax.f32 v8, v62;
	v60 =	vmax.f32 v52, v54;
	v61 =	vmax.f32 v53, v55  }
0x150: {  	v62 =	vmax.f32 v56, v58;
	v21 =	vmin.f32 v56, v58;
	v22 =	vmin.f32 v57, v59  }
0x151: {  	v47 =	vmax.f32 v45, v10;
	v10 =	vmin.f32 v45, v10;
	v48 =	vmax.f32 v44, v11  }
0x152: {  	v11 =	vmin.f32 v44, v11;
	v38 =	vmax.f32 v36, v20;
	v15 =	vmin.f32 v36, v20  }
0x153: {  	v39 =	vmax.f32 v63, v17;
	v17 =	vmin.f32 v63, v17;
	v12 =	vmax.f32 v43, v12  }
0x154: {  	v36 =	vmax.f32 v57, v59;
	v20 =	vmin.f32 v60, v62;
	v49 =	vmax.f32 v46, v10  }
0x155: {  	v10 =	vmin.f32 v46, v10;
	v50 =	vmax.f32 v48, v18;
	v13 =	vmin.f32 v48, v18  }
0x156: {  	v40 =	vmax.f32 v37, v15;
	v15 =	vmin.f32 v37, v15;
	v41 =	vmax.f32 v39, v14  }
0x157: {  	v14 =	vmin.f32 v39, v14;
	v43 =	vmax.f32 v47, v17;
	v11 =	vmax.f32 v11, v38  }
0x158: {  	v39 =	vmax.f32 v36, v21;
	v21 =	vmin.f32 v36, v21;
	v51 =	vmax.f32 v50, v10  }
0x159: {  	v10 =	vmin.f32 v50, v10;
	v42 =	vmax.f32 v41, v15;
	v15 =	vmin.f32 v41, v15  }
0x15a: {  	v14 =	vmax.f32 v49, v14;
	v13 =	vmax.f32 v13, v40;
	v41 =	vmax.f32 v60, v62  }
0x15b: {  	v15 =	vmax.f32 v51, v15;
	v10 =	vmax.f32 v10, v42;
	v45 =	vmax.f32 v43, v13  }
0x15c: {  	v63 =	vld [tilespmem:s28+$0x6090];
	v13 =	vmin.f32 v43, v13;
	v46 =	vmax.f32 v14, v11;
	v11 =	vmin.f32 v14, v11  }
0x15d: {  	v44 =	vmax.f32 v12, v10;
	v10 =	vmin.f32 v12, v10;
	v47 =	vmax.f32 v15, v8  }
0x15e: {  	v8 =	vmin.f32 v15, v8;
	v48 =	vmax.f32 v44, v46;
	v16 =	vmin.f32 v44, v46  }
0x15f: {  	v38 =	vld [tilespmem:s28+$0x6110];
	v49 =	vmax.f32 v45, v47;
	v12 =	vmin.f32 v45, v47;
	v50 =	vmax.f32 v10, v11  }
0x160: {  	v10 =	vmin.f32 v10, v11;
	v51 =	vmax.f32 v13, v8;
	v8 =	vmin.f32 v13, v8  }
0x161: {  	v40 =	vld [tilespmem:s28+$0x6190];
	v23 =	vand.u32 $0xFFFFFFC0, v63;
	v13 =	vmax.f32 v48, v49;
	v15 =	vmin.f32 v48, v49  }
0x162: {  	v60 =	vld [tilespmem:s28+$0x8310];
	v17 =	vmax.f32 v16, v12;
	v12 =	vmin.f32 v16, v12;
	v16 =	vmax.f32 v50, v51  }
0x163: {  	v11 =	vmin.f32 v50, v51;
	v14 =	vmax.f32 v10, v8;
	v18 =	vmin.f32 v10, v8  }
0x164: {  	v43 =	vld [tilespmem:s28+$0x6210];
	v8 =	vmin.f32 v52, v54;
	v10 =	vmin.f32 v53, v55;
	v27 =	vand.u32 $0xFFFFFFC0, v38  }
0x165: {  	v23 =	vor.u32 $0x26, v23;
	v37 =	vmax.f32 v61, v8;
	v8 =	vmin.f32 v61, v8  }
0x166: {  	v42 =	vmax.f32 v10, v22;
	v22 =	vmin.f32 v10, v22;
	v27 =	vor.u32 $0x25, v27  }
0x167: {  	v59 =	vld [tilespmem:s28+$0x8290];
	v26 =	vand.u32 $0xFFFFFFC0, v40;
	v33 =	vand.u32 $0xFFFFFFC0, v60;
	v18 =	vmax.f32 v18, v41  }
0x168: {  	v44 =	vmax.f32 v37, v39;
	v19 =	vmin.f32 v37, v39;
	v46 =	vmax.f32 v8, v21  }
0x169: {  	v45 =	vld [tilespmem:s28+$0x6290];
	v8 =	vmin.f32 v8, v21;
	v13 =	vmax.f32 v13, v22;
	v29 =	vand.u32 $0xFFFFFFC0, v43  }
0x16a: {  	v56 =	vld [tilespmem:s28+$0x8110];
	v26 =	vor.u32 $0x24, v26;
	v33 =	vor.u32 $0x19, v33;
	v47 =	vmax.f32 v44, v20  }
0x16b: {  	v48 =	vld [tilespmem:s28+$0x6310];
	v10 =	vmin.f32 v44, v20;
	v49 =	vmax.f32 v42, v8;
	v25 =	vmin.f32 v42, v8  }
0x16c: {  	v50 =	vld [tilespmem:s28+$0x6390];
	v29 =	vor.u32 $0x23, v29;
	v20 =	vand.u32 $0xFFFFFFC0, v59;
	v51 =	vmax.f32 v46, v10  }
0x16d: {  	v53 =	vld [tilespmem:s28+$0x8010];
	v10 =	vmin.f32 v46, v10;
	v52 =	vmax.f32 v49, v19;
	v19 =	vmin.f32 v49, v19  }
0x16e: {  	v55 =	vld [tilespmem:s28+$0x8090];
	v15 =	vmax.f32 v15, v25;
	v24 =	vand.u32 $0xFFFFFFC0, v45;
	v14 =	vmax.f32 v14, v47  }
0x16f: {  	v57 =	vld [tilespmem:s28+$0x8190];
	v25 =	vand.u32 $0xFFFFFFC0, v56;
	v20 =	vor.u32 $0x1A, v20;
	v45 =	vmax.f32 v9, v23  }
0x170: {  	v9 =	vmin.f32 v9, v23;
	v46 =	vmax.f32 v27, v26;
	v26 =	vmin.f32 v27, v26  }
0x171: {  	v54 =	vmax.f32 v52, v10;
	v30 =	vmin.f32 v52, v10;
	v17 =	vmax.f32 v17, v19  }
0x172: {  	v58 =	vld [tilespmem:s28+$0x8210];
	v31 =	vand.u32 $0xFFFFFFC0, v48;
	v11 =	vmax.f32 v11, v51;
	v24 =	vor.u32 $0x22, v24  }
0x173: {  	v61 =	vld [tilespmem:s28+$0x8390];
	v32 =	vand.u32 $0xFFFFFFC0, v50;
	v34 =	vand.u32 $0xFFFFFFC0, v53;
	v22 =	vand.u32 $0xFFFFFFC0, v55  }
0x174: {  	v8 =	vpop (erf);
	v19 =	vand.u32 $0xFFFFFFC0, v57;
	v25 =	vor.u32 $0x1D, v25;
	v49 =	vmax.f32 v45, v46  }
0x175: {  	v50 =	vmax.f32 v9, v26;
	v9 =	vmin.f32 v9, v26;
	v10 =	vadd.f32 $1.000000000e+00, v8  }
0x176: {  	v12 =	vmax.f32 v12, v30;
	v16 =	vmax.f32 v16, v54;
	v31 =	vor.u32 $0x21, v31  }
0x177: {  	v32 =	vor.u32 $0x20, v32;
	v34 =	vor.u32 $0x1F, v34;
	v22 =	vor.u32 $0x1E, v22  }
0x178: {  	v30 =	vand.u32 $0xFFFFFFC0, v58;
	v19 =	vor.u32 $0x1C, v19;
	v21 =	vand.u32 $0xFFFFFFC0, v61  }
0x179: {  	v63 =	vmax.f32 v15, v11;
	v11 =	vmin.f32 v15, v11;
	v35 =	vmax.f32 v17, v14  }
0x17a: {  	v14 =	vmin.f32 v17, v14;
	v47 =	vmax.f32 v29, v24;
	v24 =	vmin.f32 v29, v24  }
0x17b: {  	v30 =	vor.u32 $0x1B, v30;
	v21 =	vor.u32 $0x18, v21;
	v62 =	vmax.f32 v13, v16  }
0x17c: {  	v13 =	vmin.f32 v13, v16;
	v36 =	vmax.f32 v12, v18;
	v12 =	vmin.f32 v12, v18  }
0x17d: {  	v48 =	vmax.f32 v31, v32;
	v31 =	vmin.f32 v31, v32;
	v37 =	vmax.f32 v62, v35  }
0x17e: {  	v15 =	vmin.f32 v62, v35;
	v38 =	vmax.f32 v63, v36;
	v16 =	vmin.f32 v63, v36  }
0x17f: {  	v39 =	vmax.f32 v13, v14;
	v13 =	vmin.f32 v13, v14;
	v40 =	vmax.f32 v11, v12  }
0x180: {  	v11 =	vmin.f32 v11, v12;
	v51 =	vmax.f32 v47, v48;
	v27 =	vmin.f32 v47, v48  }
0x181: {  	v52 =	vmax.f32 v24, v31;
	v24 =	vmin.f32 v24, v31;
	v47 =	vmax.f32 v33, v21  }
0x182: {  	v21 =	vmin.f32 v33, v21;
	v41 =	vmax.f32 v37, v38;
	v18 =	vmin.f32 v37, v38  }
0x183: {  	v42 =	vmax.f32 v15, v16;
	v15 =	vmin.f32 v15, v16;
	v43 =	vmax.f32 v39, v40  }
0x184: {  	v14 =	vmin.f32 v39, v40;
	v44 =	vmax.f32 v13, v11;
	v11 =	vmin.f32 v13, v11  }
0x185: {  	v13 =	vmin.f32 v45, v46;
	v54 =	vmax.f32 v52, v27;
	v27 =	vmin.f32 v52, v27  }
0x186: {  	v55 =	vmax.f32 v49, v51;
	v26 =	vmin.f32 v49, v51;
	v56 =	vmax.f32 v9, v24  }
0x187: {  	v9 =	vmin.f32 v9, v24;
	v45 =	vmax.f32 v25, v19;
	v19 =	vmin.f32 v25, v19  }
0x188: {  	v46 =	vmax.f32 v30, v20;
	v20 =	vmin.f32 v30, v20;
	v53 =	vmax.f32 v50, v13  }
0x189: {  	v13 =	vmin.f32 v50, v13;
	v9 =	vmax.f32 v41, v9;
	v11 =	vmax.f32 v11, v55  }
0x18a: {  	v50 =	vmax.f32 v46, v47;
	v52 =	vmax.f32 v20, v21;
	v20 =	vmin.f32 v20, v21  }
0x18b: {  	v57 =	vmax.f32 v53, v54;
	v23 =	vmin.f32 v53, v54;
	v58 =	vmax.f32 v13, v27  }
0x18c: {  	v13 =	vmin.f32 v13, v27;
	v59 =	vmax.f32 v57, v26;
	v24 =	vmin.f32 v57, v26  }
0x18d: {  	v51 =	vld [tilespmem:s28+$0xA010];
	v60 =	vmax.f32 v56, v13;
	v13 =	vmin.f32 v56, v13;
	v61 =	vmax.f32 v58, v24  }
0x18e: {  	v24 =	vmin.f32 v58, v24;
	v62 =	vmax.f32 v60, v23;
	v23 =	vmin.f32 v60, v23  }
0x18f: {  	v31 =	vmax.f32 v18, v13;
	v17 =	vmax.f32 v44, v59;
	v44 =	vmax.f32 v34, v22  }
0x190: {  	v22 =	vmin.f32 v34, v22;
	v63 =	vmax.f32 v62, v24;
	v24 =	vmin.f32 v62, v24  }
0x191: {  	v35 =	vmax.f32 v42, v23;
	v14 =	vmax.f32 v14, v61;
	v48 =	vmax.f32 v44, v45  }
0x192: {  	v49 =	vmax.f32 v22, v19;
	v19 =	vmin.f32 v22, v19;
	v27 =	vand.u32 $0xFFFFFFC0, v51  }
0x193: {  	v53 =	vld [tilespmem:s28+$0xA090];
	v15 =	vmax.f32 v15, v24;
	v16 =	vmax.f32 v43, v63;
	v37 =	vmax.f32 v31, v14  }
0x194: {  	v12 =	vmin.f32 v31, v14;
	v38 =	vmax.f32 v35, v17;
	v13 =	vmin.f32 v35, v17  }
0x195: {  	v24 =	vmin.f32 v46, v47;
	v57 =	vmax.f32 v48, v50;
	v22 =	vmin.f32 v48, v50  }
0x196: {  	v59 =	vmax.f32 v19, v20;
	v19 =	vmin.f32 v19, v20;
	v36 =	vmax.f32 v9, v16  }
0x197: {  	v9 =	vmin.f32 v9, v16;
	v39 =	vmax.f32 v15, v11;
	v11 =	vmin.f32 v15, v11  }
0x198: {  	v55 =	vmax.f32 v52, v24;
	v24 =	vmin.f32 v52, v24;
	v21 =	vand.u32 $0xFFFFFFC0, v53  }
0x199: {  	v56 =	vld [tilespmem:s28+$0xA110];
	v40 =	vmax.f32 v36, v38;
	v14 =	vmin.f32 v36, v38;
	v41 =	vmax.f32 v37, v39  }
0x19a: {  	v58 =	vld [tilespmem:s28+$0xA190];
	v16 =	vmin.f32 v37, v39;
	v42 =	vmax.f32 v9, v13;
	v9 =	vmin.f32 v9, v13  }
0x19b: {  	v61 =	vld [tilespmem:s28+$0xA210];
	v43 =	vmax.f32 v12, v11;
	v11 =	vmin.f32 v12, v11;
	v21 =	vor.u32 $0x16, v21  }
0x19c: {  	v12 =	vmax.f32 v40, v41;
	v15 =	vmin.f32 v40, v41;
	v18 =	vmax.f32 v14, v16  }
0x19d: {  	v14 =	vmin.f32 v14, v16;
	v16 =	vmax.f32 v42, v43;
	v13 =	vmin.f32 v42, v43  }
0x19e: {  	v17 =	vmax.f32 v9, v11;
	v11 =	vmin.f32 v9, v11;
	v9 =	vmin.f32 v44, v45  }
0x19f: {  	v63 =	vld [tilespmem:s28+$0xA290];
	v43 =	vor.u32 $0x17, v27;
	v44 =	vand.u32 $0xFFFFFFC0, v56;
	v26 =	vand.u32 $0xFFFFFFC0, v58  }
0x1a0: {  	v54 =	vmax.f32 v49, v9;
	v9 =	vmin.f32 v49, v9;
	v45 =	vand.u32 $0xFFFFFFC0, v61  }
0x1a1: {  	v27 =	vor.u32 $0x15, v44;
	v26 =	vor.u32 $0x14, v26;
	v12 =	vmax.f32 v12, v19  }
0x1a2: {  	v11 =	vmax.f32 v11, v57;
	v58 =	vmax.f32 v43, v21;
	v60 =	vmax.f32 v54, v55  }
0x1a3: {  	v38 =	vld [tilespmem:s28+$0xA310];
	v23 =	vmin.f32 v54, v55;
	v62 =	vmax.f32 v9, v24;
	v9 =	vmin.f32 v9, v24  }
0x1a4: {  	v29 =	vor.u32 $0x13, v45;
	v24 =	vand.u32 $0xFFFFFFC0, v63;
	v36 =	vmax.f32 v60, v22  }
0x1a5: {  	v20 =	vmin.f32 v60, v22;
	v37 =	vmax.f32 v59, v9;
	v30 =	vmin.f32 v59, v9  }
0x1a6: {  	v41 =	vld [tilespmem:s28+$0xA390];
	v24 =	vor.u32 $0x12, v24;
	v59 =	vmax.f32 v27, v26;
	v60 =	vmin.f32 v27, v26  }
0x1a7: {  	v39 =	vmin.f32 v62, v20;
	v40 =	vmax.f32 v37, v23;
	v20 =	vmax.f32 v62, v20  }
0x1a8: {  	v22 =	vmin.f32 v37, v23;
	v46 =	vand.u32 $0xFFFFFFC0, v38;
	v15 =	vmax.f32 v15, v30  }
0x1a9: {  	v17 =	vmax.f32 v17, v36;
	v61 =	vmax.f32 v29, v24;
	v62 =	vmin.f32 v29, v24  }
0x1aa: {  	v30 =	vmax.f32 v58, v59;
	v42 =	vmax.f32 v40, v39;
	v34 =	vmin.f32 v40, v39  }
0x1ab: {  	v9 =	vpop (erf);
	v28 =	vand.u32 $0xFFFFFFC0, v41;
	v31 =	vor.u32 $0x11, v46;
	v18 =	vmax.f32 v18, v22  }
0x1ac: {  	v13 =	vmax.f32 v13, v20;
	v35 =	vadd.f32 v10, v9;
	v28 =	vor.u32 $0x10, v28  }
0x1ad: {  	v14 =	vmax.f32 v14, v34;
	v16 =	vmax.f32 v16, v42;
	v47 =	vmax.f32 v15, v13  }
0x1ae: {  	v13 =	vmin.f32 v15, v13;
	v48 =	vmax.f32 v18, v17;
	v17 =	vmin.f32 v18, v17  }
0x1af: {  	v10 =	vmin.f32 v43, v21;
	v19 =	vmax.f32 v12, v16;
	v12 =	vmin.f32 v12, v16  }
0x1b0: {  	v49 =	vmax.f32 v14, v11;
	v11 =	vmin.f32 v14, v11;
	v63 =	vmax.f32 v31, v28  }
0x1b1: {  	v29 =	vmin.f32 v31, v28;
	v31 =	vmax.f32 v10, v60;
	v10 =	vmin.f32 v10, v60  }
0x1b2: {  	v50 =	vmax.f32 v19, v48;
	v15 =	vmin.f32 v19, v48;
	v51 =	vmax.f32 v47, v49  }
0x1b3: {  	v16 =	vmin.f32 v47, v49;
	v52 =	vmax.f32 v12, v17;
	v12 =	vmin.f32 v12, v17  }
0x1b4: {  	v53 =	vmax.f32 v13, v11;
	v11 =	vmin.f32 v13, v11;
	v32 =	vmax.f32 v61, v63  }
0x1b5: {  	v22 =	vmin.f32 v61, v63;
	v33 =	vmax.f32 v62, v29;
	v23 =	vmin.f32 v62, v29  }
0x1b6: {  	v37 =	vld [tilespmem:s28+$0xC010];
	v54 =	vmax.f32 v50, v51;
	v14 =	vmin.f32 v50, v51;
	v55 =	vmax.f32 v15, v16  }
0x1b7: {  	v39 =	vld [tilespmem:s28+$0xC090];
	v15 =	vmin.f32 v15, v16;
	v56 =	vmax.f32 v52, v53;
	v17 =	vmin.f32 v52, v53  }
0x1b8: {  	v57 =	vmax.f32 v12, v11;
	v12 =	vmin.f32 v12, v11;
	v11 =	vmin.f32 v58, v59  }
0x1b9: {  	v44 =	vld [tilespmem:s28+$0xC190];
	v36 =	vmax.f32 v33, v22;
	v22 =	vmin.f32 v33, v22;
	v38 =	vmax.f32 v30, v32  }
0x1ba: {  	v42 =	vld [tilespmem:s28+$0xC110];
	v21 =	vmin.f32 v30, v32;
	v40 =	vmax.f32 v10, v23;
	v23 =	vmin.f32 v10, v23  }
0x1bb: {  	v27 =	vand.u32 $0xFFFFFFC0, v37;
	v34 =	vmax.f32 v31, v11;
	v11 =	vmin.f32 v31, v11  }
0x1bc: {  	v13 =	vmax.f32 v54, v23;
	v27 =	vor.u32 $0xF, v27;
	v26 =	vand.u32 $0xFFFFFFC0, v39  }
0x1bd: {  	v10 =	vpop (erf);
	v12 =	vmax.f32 v12, v38;
	v41 =	vmax.f32 v34, v36;
	v20 =	vmin.f32 v34, v36  }
0x1be: {  	v43 =	vmax.f32 v11, v22;
	v11 =	vmin.f32 v11, v22;
	v52 =	vadd.f32 v35, v10  }
0x1bf: {  	v47 =	vld [tilespmem:s28+$0xC210];
	v26 =	vor.u32 $0xE, v26;
	v29 =	vand.u32 $0xFFFFFFC0, v42;
	v22 =	vand.u32 $0xFFFFFFC0, v44  }
0x1c0: {  	v45 =	vmax.f32 v41, v21;
	v21 =	vmin.f32 v41, v21;
	v46 =	vmax.f32 v40, v11  }
0x1c1: {  	v50 =	vld [tilespmem:s28+$0xC290];
	v11 =	vmin.f32 v40, v11;
	v29 =	vor.u32 $0xD, v29;
	v22 =	vor.u32 $0xC, v22  }
0x1c2: {  	v53 =	vld [tilespmem:s28+$0xC310];
	v38 =	vmax.f32 v27, v26;
	v39 =	vmin.f32 v27, v26;
	v48 =	vmin.f32 v43, v21  }
0x1c3: {  	v49 =	vmax.f32 v46, v20;
	v21 =	vmax.f32 v43, v21;
	v20 =	vmin.f32 v46, v20  }
0x1c4: {  	v54 =	vld [tilespmem:s28+$0xC390];
	v14 =	vmax.f32 v14, v11;
	v32 =	vand.u32 $0xFFFFFFC0, v47;
	v18 =	vmax.f32 v57, v45  }
0x1c5: {  	v40 =	vmax.f32 v29, v22;
	v22 =	vmin.f32 v29, v22;
	v51 =	vmax.f32 v49, v48  }
0x1c6: {  	v28 =	vmin.f32 v49, v48;
	v19 =	vmax.f32 v55, v20;
	v32 =	vor.u32 $0xB, v32  }
0x1c7: {  	v25 =	vand.u32 $0xFFFFFFC0, v50;
	v23 =	vand.u32 $0xFFFFFFC0, v53;
	v17 =	vmax.f32 v17, v21  }
0x1c8: {  	v43 =	vmax.f32 v38, v40;
	v44 =	vmax.f32 v39, v22;
	v25 =	vor.u32 $0xA, v25  }
0x1c9: {  	v23 =	vor.u32 $0x9, v23;
	v20 =	vand.u32 $0xFFFFFFC0, v54;
	v15 =	vmax.f32 v15, v28  }
0x1ca: {  	v11 =	vpop (erf);
	v16 =	vmax.f32 v56, v51;
	v56 =	vmax.f32 v14, v17;
	v14 =	vmin.f32 v14, v17  }
0x1cb: {  	v57 =	vmax.f32 v19, v18;
	v18 =	vmin.f32 v19, v18;
	v33 =	vadd.f32 v52, v11  }
0x1cc: {  	v20 =	vor.u32 $0x8, v20;
	v55 =	vmax.f32 v13, v16;
	v13 =	vmin.f32 v13, v16  }
0x1cd: {  	v58 =	vmax.f32 v15, v12;
	v12 =	vmin.f32 v15, v12;
	v41 =	vmax.f32 v32, v25  }
0x1ce: {  	v25 =	vmin.f32 v32, v25;
	v59 =	vmax.f32 v55, v57;
	v17 =	vmin.f32 v55, v57  }
0x1cf: {  	v60 =	vmax.f32 v56, v58;
	v16 =	vmin.f32 v56, v58;
	v61 =	vmax.f32 v13, v18  }
0x1d0: {  	v13 =	vmin.f32 v13, v18;
	v62 =	vmax.f32 v14, v12;
	v12 =	vmin.f32 v14, v12  }
0x1d1: {  	v42 =	vmax.f32 v23, v20;
	v20 =	vmin.f32 v23, v20;
	v63 =	vmax.f32 v59, v60  }
0x1d2: {  	v15 =	vmin.f32 v59, v60;
	v21 =	vmax.f32 v17, v16;
	v16 =	vmin.f32 v17, v16  }
0x1d3: {  	v36 =	vmax.f32 v61, v62;
	v18 =	vmin.f32 v61, v62;
	v37 =	vmax.f32 v13, v12  }
0x1d4: {  	v24 =	vmin.f32 v13, v12;
	v12 =	vmin.f32 v38, v40;
	v13 =	vmin.f32 v39, v22  }
0x1d5: {  	v51 =	vld [tilespmem:s28+$0xE010];
	v45 =	vmax.f32 v41, v42;
	v27 =	vmin.f32 v41, v42;
	v46 =	vmax.f32 v25, v20  }
0x1d6: {  	v20 =	vmin.f32 v25, v20;
	v47 =	vmax.f32 v44, v12;
	v12 =	vmin.f32 v44, v12  }
0x1d7: {  	v48 =	vmax.f32 v46, v27;
	v27 =	vmin.f32 v46, v27;
	v49 =	vmax.f32 v43, v45  }
0x1d8: {  	v22 =	vmin.f32 v43, v45;
	v50 =	vmax.f32 v13, v20;
	v13 =	vmin.f32 v13, v20  }
0x1d9: {  	v54 =	vld [tilespmem:s28+$0xE090];
	v52 =	vmax.f32 v47, v48;
	v25 =	vmin.f32 v47, v48;
	v53 =	vmax.f32 v12, v27  }
0x1da: {  	v56 =	vld [tilespmem:s28+$0xE110];
	v12 =	vmin.f32 v12, v27;
	v14 =	vmax.f32 v63, v13;
	v20 =	vand.u32 $0xFFFFFFC0, v51  }
0x1db: {  	v24 =	vmax.f32 v24, v49;
	v55 =	vmax.f32 v52, v22;
	v22 =	vmin.f32 v52, v22  }
0x1dc: {  	v59 =	vld [tilespmem:s28+$0xE190];
	v57 =	vmax.f32 v50, v12;
	v23 =	vmin.f32 v50, v12;
	v20 =	vor.u32 $0x7, v20  }
0x1dd: {  	v62 =	vld [tilespmem:s28+$0xE210];
	v58 =	vmax.f32 v53, v22;
	v60 =	vmin.f32 v53, v22;
	v61 =	vmax.f32 v57, v25  }
0x1de: {  	v25 =	vmin.f32 v57, v25;
	v15 =	vmax.f32 v15, v23;
	v19 =	vmax.f32 v37, v55  }
0x1df: {  	v35 =	vld [tilespmem:s28+$0xE310];
	v37 =	vand.u32 $0xFFFFFFC0, v54;
	v29 =	vand.u32 $0xFFFFFFC0, v56;
	v26 =	vmax.f32 v61, v60  }
0x1e0: {  	v22 =	vmin.f32 v61, v60;
	v21 =	vmax.f32 v21, v25;
	v18 =	vmax.f32 v18, v58  }
0x1e1: {  	v12 =	vpop (erf);
	v27 =	vor.u32 $0x6, v37;
	v29 =	vor.u32 $0x5, v29;
	v38 =	vand.u32 $0xFFFFFFC0, v59  }
0x1e2: {  	v31 =	vand.u32 $0xFFFFFFC0, v62;
	v63 =	vadd.f32 v33, v12;
	v16 =	vmax.f32 v16, v22  }
0x1e3: {  	v17 =	vmax.f32 v36, v26;
	v30 =	vor.u32 $0x4, v38;
	v31 =	vor.u32 $0x3, v31  }
0x1e4: {  	v22 =	vand.u32 $0xFFFFFFC0, v35;
	v40 =	vmax.f32 v15, v18;
	v15 =	vmin.f32 v15, v18  }
0x1e5: {  	v41 =	vmax.f32 v21, v19;
	v19 =	vmin.f32 v21, v19;
	v51 =	vmax.f32 v20, v27  }
0x1e6: {  	v20 =	vmin.f32 v20, v27;
	v22 =	vor.u32 $0x1, v22;
	v39 =	vmax.f32 v14, v17  }
0x1e7: {  	v13 =	vpop (erf);
	v14 =	vmin.f32 v14, v17;
	v42 =	vmax.f32 v16, v24;
	v16 =	vmin.f32 v16, v24  }
0x1e8: {  	v52 =	vmax.f32 v29, v30;
	v29 =	vmin.f32 v29, v30;
	v23 =	vadd.f32 v63, v13  }
0x1e9: {  	v43 =	vmax.f32 v39, v41;
	v18 =	vmin.f32 v39, v41;
	v44 =	vmax.f32 v40, v42  }
0x1ea: {  	v33 =	vld [tilespmem:s28+$0xE290];
	v17 =	vmin.f32 v40, v42;
	v45 =	vmax.f32 v14, v19;
	v14 =	vmin.f32 v14, v19  }
0x1eb: {  	v36 =	vld [tilespmem:s28+$0xE390];
	v46 =	vmax.f32 v15, v16;
	v15 =	vmin.f32 v15, v16;
	v55 =	vmax.f32 v51, v52  }
0x1ec: {  	v56 =	vmax.f32 v20, v29;
	v20 =	vmin.f32 v20, v29;
	v47 =	vmax.f32 v43, v44  }
0x1ed: {  	v24 =	vmin.f32 v43, v44;
	v48 =	vmax.f32 v18, v17;
	v17 =	vmin.f32 v18, v17  }
0x1ee: {  	v49 =	vmax.f32 v45, v46;
	v19 =	vmin.f32 v45, v46;
	v50 =	vmax.f32 v14, v15  }
0x1ef: {  	v14 =	vmin.f32 v14, v15;
	v15 =	vmin.f32 v51, v52;
	v25 =	vand.u32 $0xFFFFFFC0, v33  }
0x1f0: {  	v59 =	vmax.f32 v56, v15;
	v26 =	vand.u32 $0xFFFFFFC0, v36;
	v25 =	vor.u32 $0x2, v25  }
0x1f1: {  	v15 =	vmin.f32 v56, v15;
	v54 =	vmax.f32 v22, v26;
	v53 =	vmax.f32 v31, v25  }
0x1f2: {  	v22 =	vmin.f32 v22, v26;
	v25 =	vmin.f32 v31, v25;
	v57 =	vmax.f32 v53, v54  }
0x1f3: {  	v30 =	vmin.f32 v53, v54;
	v58 =	vmax.f32 v25, v22;
	v22 =	vmin.f32 v25, v22  }
0x1f4: {  	v60 =	vmax.f32 v58, v30;
	v30 =	vmin.f32 v58, v30;
	v61 =	vmax.f32 v55, v57  }
0x1f5: {  	v26 =	vmin.f32 v55, v57;
	v62 =	vmax.f32 v20, v22;
	v20 =	vmin.f32 v20, v22  }
0x1f6: {  	v63 =	vmax.f32 v59, v60;
	v25 =	vmin.f32 v59, v60;
	v33 =	vmax.f32 v15, v30  }
0x1f7: {  	v15 =	vmin.f32 v15, v30;
	v16 =	vmax.f32 v47, v20;
	v14 =	vmax.f32 v14, v61  }
0x1f8: {  	v34 =	vmax.f32 v63, v26;
	v22 =	vmin.f32 v63, v26;
	v35 =	vmax.f32 v62, v15  }
0x1f9: {  	v15 =	vmin.f32 v62, v15;
	v36 =	vmax.f32 v33, v22;
	v22 =	vmin.f32 v33, v22  }
0x1fa: {  	v37 =	vmax.f32 v35, v25;
	v25 =	vmin.f32 v35, v25;
	v15 =	vmax.f32 v24, v15  }
0x1fb: {  	v20 =	vpop (erf);
	v21 =	vmax.f32 v50, v34;
	v38 =	vmax.f32 v37, v22;
	v22 =	vmin.f32 v37, v22  }
0x1fc: {  	v23 =	vadd.f32 v23, v20;
	v39 =	vmax.f32 v48, v25;
	v19 =	vmax.f32 v19, v36  }
0x1fd: {  	v17 =	vmax.f32 v17, v22;
	v18 =	vmax.f32 v49, v38;
	v41 =	vmax.f32 v15, v19  }
0x1fe: {  	v42 =	vmax.f32 v39, v21;
	v40 =	vmax.f32 v16, v18;
	v43 =	vmax.f32 v17, v14  }
0x1ff: {  	(erf) = vrcp.f32 v23;
	v44 =	vmax.f32 v40, v42;
	v45 =	vmax.f32 v41, v43  }
0x200: {  	v16 =	vmin.f32 v16, v18;
	v18 =	vmax.f32 v44, v45;
	v23 =	vmin.f32 v44, v45  }
0x201: {  	v22 =	vmin.f32 v40, v42;
	v25 =	vmin.f32 v41, v43;
	v46 =	vsub.f32 v23, v18  }
0x202: {  	v15 =	vmin.f32 v15, v19;
	v47 =	vmin.f32 v39, v21;
	v21 =	vmax.f32 v22, v25  }
0x203: {  	v14 =	vmin.f32 v17, v14;
	v49 =	vsub.f32 v21, v18;
	v48 =	vmul.f32 $1.442695020e+00, v46  }
0x204: {  	v50 =	vmax.f32 v16, v47;
	v51 =	vmax.f32 v15, v14;
	v22 =	vmin.f32 v22, v25  }
0x205: {  	v53 =	vsub.f32 v22, v18;
	v52 =	vmul.f32 $1.442695020e+00, v49;
	(erf) = vpow2.f32 v48  }
0x206: {  	v25 =	vmax.f32 v50, v51  }
0x207: {  	v55 =	vsub.f32 v25, v18;
	v54 =	vmul.f32 $1.442695020e+00, v53;
	(erf) = vpow2.f32 v52  }
0x208: {  	v16 =	vmin.f32 v16, v47;
	v14 =	vmin.f32 v15, v14;
	v15 =	vmin.f32 v50, v51  }
0x209: {  	v57 =	vsub.f32 v15, v18;
	v56 =	vmul.f32 $1.442695020e+00, v55;
	(erf) = vpow2.f32 v54  }
0x20a: {  	v24 =	vmax.f32 v16, v14  }
0x20b: {  	v59 =	vsub.f32 v24, v18;
	v58 =	vmul.f32 $1.442695020e+00, v57;
	(erf) = vpow2.f32 v56  }
0x20c: {  	v14 =	vmin.f32 v16, v14  }
0x20d: {  	v62 =	vsub.f32 v14, v18;
	v61 =	vmul.f32 $1.442695020e+00, v59;
	v60 =	vpop (erf);
	(erf) = vpow2.f32 v58  }
0x20e: {  	v7 =	vandn.u32 $0x3F, v7;
	v63 =	vpop (erf)  }
0x20f: {  	v31 =	vmul.f32 $1.442695020e+00, v62;
	(erf) = vpow2.f32 v61;
	v32 =	vadd.f32 $1.000000000e+00, v63  }
0x210: {  	v6 =	vandn.u32 $0x3F, v6;
	[tilespmem:s28+$0x12000] =	vst v7;
	v33 =	vpop (erf)  }
0x211: {  	v5 =	vandn.u32 $0x3F, v5;
	[tilespmem:s28+$0x12080] =	vst v6;
	(erf) = vpow2.f32 v31;
	v34 =	vadd.f32 v32, v33  }
0x212: {  	v4 =	vandn.u32 $0x3F, v4;
	[tilespmem:s28+$0x12100] =	vst v5;
	v35 =	vpop (erf)  }
0x213: {  	v3 =	vandn.u32 $0x3F, v3;
	[tilespmem:s28+$0x12180] =	vst v4;
	v17 =	vadd.f32 v34, v35  }
0x214: {  	v2 =	vandn.u32 $0x3F, v2;
	[tilespmem:s28+$0x12200] =	vst v3;
	v36 =	vpop (erf)  }
0x215: {  	v0 =	vandn.u32 $0x3F, v0;
	[tilespmem:s28+$0x12280] =	vst v2;
	v17 =	vadd.f32 v17, v36  }
0x216: {  	[tilespmem:s28+$0x12300] =	vst v0;
	v47 =	vandn.u32 $0x3F, v1;
	v37 =	vpop (erf)  }
0x217: {  	[tilespmem:s28+$0x12380] =	vst v47;
	v51 =	vandn.u32 $0x3F, v23;
	v17 =	vadd.f32 v17, v37  }
0x218: {  	[tilespmem:s28+$0x12090] =	vst v51;
	v49 =	vandn.u32 $0x3F, v18;
	v38 =	vpop (erf)  }
0x219: {  	v53 =	vandn.u32 $0x3F, v21;
	[tilespmem:s28+$0x12010] =	vst v49;
	v40 =	vadd.f32 v17, v38  }
0x21a: {  	v55 =	vandn.u32 $0x3F, v22;
	[tilespmem:s28+$0x12110] =	vst v53;
	v41 =	vpop (erf)  }
0x21b: {  	v57 =	vandn.u32 $0x3F, v25;
	[tilespmem:s28+$0x12190] =	vst v55;
	v39 =	vmul.f32 v60, v9;
	v9 =	vadd.f32 v40, v41  }
0x21c: {  	v59 =	vandn.u32 $0x3F, v15;
	[tilespmem:s28+$0x12210] =	vst v57  }
0x21d: {  	v62 =	vandn.u32 $0x3F, v24;
	[tilespmem:s28+$0x12290] =	vst v59;
	(erf) = vrcp.f32 v9  }
0x21e: {  	[tilespmem:s28+$0x12310] =	vst v62;
	v8 =	vmul.f32 v60, v8  }
0x21f: {  	[tilespmem:s28+$0x10000] =	vst v60  }
0x220: {  	v42 =	vmul.f32 v60, v10;
	[tilespmem:s28+$0x10080] =	vst v8  }
0x221: {  	v43 =	vmul.f32 v60, v11;
	[tilespmem:s28+$0x10100] =	vst v39  }
0x222: {  	v44 =	vmul.f32 v60, v12;
	[tilespmem:s28+$0x10180] =	vst v42  }
0x223: {  	v45 =	vmul.f32 v60, v13;
	[tilespmem:s28+$0x10200] =	vst v43  }
0x224: {  	v46 =	vmul.f32 v60, v20;
	[tilespmem:s28+$0x10280] =	vst v44  }
0x225: {  	[tilespmem:s28+$0x10300] =	vst v45  }
0x226: {  	[tilespmem:s28+$0x10380] =	vst v46;
	v48 =	vpop (erf)  }
0x227: {  	v50 =	vmul.f32 v48, v63;
	[tilespmem:s28+$0x10010] =	vst v48;
	v63 =	vandn.u32 $0x3F, v14  }
0x228: {  	v52 =	vmul.f32 v48, v33;
	[tilespmem:s28+$0x12390] =	vst v63  }
0x229: {  	s25 =	sadd.s32 $0x2, s25;
	v54 =	vmul.f32 v48, v35;
	[tilespmem:s28+$0x10090] =	vst v50  }
0x22a: {  	p0 =	slt.u32 s25, $0x6;
	v56 =	vmul.f32 v48, v36;
	[tilespmem:s28+$0x10110] =	vst v52  }
.Ltmp0:
0x22b: {  	v58 =	vmul.f32 v48, v37;
	[tilespmem:s28+$0x10190] =	vst v54;
	(pc) =	sbr.rel @p0 .LBB2_3-.Ltmp0, $4  }
0x22c: {  	v60 =	vmul.f32 v48, v38;
	[tilespmem:s28+$0x10210] =	vst v56  }
0x22d: {  	v61 =	vmul.f32 v48, v41;
	[tilespmem:s28+$0x10290] =	vst v58  }
0x22e: {  	[tilespmem:s28+$0x10310] =	vst v60  }
0x22f: {  	s0 =	sadd.s32 $0x80, s0;
	[tilespmem:s28+$0x10390] =	vst v61  }
0x230: {  	s0 =	sor.u32 s4, s23;
	s23 =	sadd.s32 $0x1, s23  }
0x231: {  	p0 =	sne.s32 s23, $0x4  }
.Ltmp1:
0x232: {  	s0 =	sshll.u32 s0, $0x7;
	(pc) =	sbr.rel @p0 .LBB2_2-.Ltmp1, $4  }
0x233: {  	s28 =	sadd.s32 $0x10000, s24;
	s25 =	sadd.s32 s2, s0  }
0x234: {  	[hbm4b:s25+s5] =	stream.linear.scatter [tilespmem:s28], [sflag:$0x3], $0x400, $0x38;
	[tilespmem:$0x14000] =	vst v63  }
0x235: {  	s26 =	sadd.s32 $0x1000, s26;
	s0 =	sadd.s32 s3, s0;
	s28 =	sadd.s32 $0x12000, s24  }
0x236: {  	[hbm4b:s0+s5] =	stream.linear.scatter [tilespmem:s28], [sflag:$0x3], $0x400, $0x38;
	[tilespmem:$0x14000] =	vst v63  }
0x237: {  	_ =	swait.ge [sflag:s30], $0x8000  }
0x238: {  	[sflag:s30] =	ssyncset.done $0x0  }
0x239: {  	s0 =	simm.s32 $0x4;
	s23 =	simm.s32 $0x0;
	[sflag:s30] =	ssyncadd.s32 $0xFFFF8000  }
.LBB2_6:
0x23a: {  	s24 =	sshll.u32 s0, $0xA;
	s25 =	simm.s32 $0xFFFFFFFE;
	s26 =	smov.u32 s23  }
.LBB2_7:
0x23b: {  	s28 =	sshra.s32 s26, $0x2  }
0x23c: {  	v0 =	vld [tilespmem:s28+$0x1000]  }
0x23d: {  	v1 =	vld [tilespmem:s28+$0x1080]  }
0x23e: {  	v2 =	vld [tilespmem:s28+$0x1100]  }
0x23f: {  	v3 =	vld [tilespmem:s28+$0x1180]  }
0x240: {  	v4 =	vld [tilespmem:s28+$0x1200]  }
0x241: {  	v5 =	vld [tilespmem:s28+$0x1280]  }
0x242: {  	v6 =	vld [tilespmem:s28+$0x1300]  }
0x243: {  	v7 =	vld [tilespmem:s28+$0x1380]  }
0x244: {  	v8 =	vld [tilespmem:s28+$0x3000]  }
0x245: {  	v9 =	vld [tilespmem:s28+$0x3080]  }
0x246: {  	v10 =	vld [tilespmem:s28+$0x3100]  }
0x247: {  	v11 =	vld [tilespmem:s28+$0x3180]  }
0x248: {  	v12 =	vld [tilespmem:s28+$0x3200]  }
0x249: {  	v13 =	vld [tilespmem:s28+$0x3280]  }
0x24a: {  	v14 =	vld [tilespmem:s28+$0x3300]  }
0x24b: {  	v36 =	vld [tilespmem:s28+$0x3380]  }
0x24c: {  	v38 =	vld [tilespmem:s28+$0x5000]  }
0x24d: {  	v41 =	vld [tilespmem:s28+$0x5080]  }
0x24e: {  	v44 =	vld [tilespmem:s28+$0x5100]  }
0x24f: {  	v20 =	vld [tilespmem:s28+$0x5180]  }
0x250: {  	v48 =	vld [tilespmem:s28+$0x5200]  }
0x251: {  	v51 =	vld [tilespmem:s28+$0x5280]  }
0x252: {  	v53 =	vld [tilespmem:s28+$0x5300];
	v15 =	vor.u32 $0x3F, v0;
	v34 =	vand.u32 $0xFFFFFFC0, v1  }
0x253: {  	v56 =	vld [tilespmem:s28+$0x5380];
	v35 =	vand.u32 $0xFFFFFFC0, v2;
	v37 =	vand.u32 $0xFFFFFFC0, v3;
	v39 =	vand.u32 $0xFFFFFFC0, v4  }
0x254: {  	v59 =	vld [tilespmem:s28+$0x7000];
	v40 =	vand.u32 $0xFFFFFFC0, v5;
	v43 =	vand.u32 $0xFFFFFFC0, v6;
	v45 =	vand.u32 $0xFFFFFFC0, v7  }
0x255: {  	v62 =	vld [tilespmem:s28+$0x7080];
	v46 =	vand.u32 $0xFFFFFFC0, v8;
	v47 =	vand.u32 $0xFFFFFFC0, v9;
	v49 =	vand.u32 $0xFFFFFFC0, v10  }
0x256: {  	v28 =	vld [tilespmem:s28+$0x7100];
	v50 =	vand.u32 $0xFFFFFFC0, v11;
	v52 =	vand.u32 $0xFFFFFFC0, v12;
	v54 =	vand.u32 $0xFFFFFFC0, v13  }
0x257: {  	v55 =	vand.u32 $0xFFFFFFC0, v14;
	v58 =	vand.u32 $0xFFFFFFC0, v36;
	v60 =	vand.u32 $0xFFFFFFC0, v38  }
0x258: {  	v61 =	vand.u32 $0xFFFFFFC0, v41;
	v3 =	vand.u32 $0xFFFFFFC0, v44;
	v63 =	vand.u32 $0xFFFFFFC0, v20  }
0x259: {  	v9 =	vand.u32 $0xFFFFFFC0, v48;
	v11 =	vand.u32 $0xFFFFFFC0, v51;
	v20 =	vand.u32 $0xFFFFFFC0, v53  }
0x25a: {  	v13 =	vand.u32 $0xFFFFFFC0, v56;
	v2 =	vand.u32 $0xFFFFFFC0, v59;
	v29 =	vand.u32 $0xFFFFFFC0, v62  }
0x25b: {  	v30 =	vand.u32 $0xFFFFFFC0, v28;
	v16 =	vor.u32 $0x3E, v34;
	v17 =	vor.u32 $0x3D, v35  }
0x25c: {  	v18 =	vor.u32 $0x3C, v37;
	v42 =	vor.u32 $0x3B, v39;
	v19 =	vor.u32 $0x3A, v40  }
0x25d: {  	v6 =	vor.u32 $0x39, v43;
	v21 =	vor.u32 $0x38, v45;
	v7 =	vor.u32 $0x37, v46  }
0x25e: {  	v22 =	vor.u32 $0x36, v47;
	v23 =	vor.u32 $0x35, v49;
	v24 =	vor.u32 $0x34, v50  }
0x25f: {  	v25 =	vor.u32 $0x33, v52;
	v57 =	vor.u32 $0x32, v54;
	v26 =	vor.u32 $0x31, v55  }
0x260: {  	v27 =	vor.u32 $0x30, v58;
	v0 =	vor.u32 $0x2F, v60;
	v1 =	vor.u32 $0x2E, v61  }
0x261: {  	v8 =	vor.u32 $0x2D, v3;
	v10 =	vor.u32 $0x2C, v63;
	v9 =	vor.u32 $0x2B, v9  }
0x262: {  	v11 =	vor.u32 $0x2A, v11;
	v12 =	vor.u32 $0x29, v20;
	v13 =	vor.u32 $0x28, v13  }
0x263: {  	v2 =	vor.u32 $0x27, v2;
	v4 =	vor.u32 $0x26, v29;
	v3 =	vor.u32 $0x25, v30  }
0x264: {  	v31 =	vmax.f32 v15, v16;
	v15 =	vmin.f32 v15, v16;
	v32 =	vmax.f32 v17, v18  }
0x265: {  	v17 =	vmin.f32 v17, v18;
	v33 =	vmax.f32 v42, v19;
	v5 =	vmin.f32 v42, v19  }
0x266: {  	v34 =	vmax.f32 v6, v21;
	v6 =	vmin.f32 v6, v21;
	v47 =	vmax.f32 v7, v22  }
0x267: {  	v48 =	vmin.f32 v7, v22;
	v49 =	vmax.f32 v23, v24;
	v50 =	vmin.f32 v23, v24  }
0x268: {  	v51 =	vmax.f32 v25, v57;
	v14 =	vmin.f32 v25, v57;
	v52 =	vmax.f32 v26, v27  }
0x269: {  	v53 =	vmin.f32 v26, v27;
	v35 =	vmax.f32 v31, v32;
	v16 =	vmin.f32 v31, v32  }
0x26a: {  	v36 =	vmax.f32 v15, v17;
	v15 =	vmin.f32 v15, v17;
	v37 =	vmax.f32 v33, v34  }
0x26b: {  	v18 =	vmin.f32 v33, v34;
	v38 =	vmax.f32 v5, v6;
	v5 =	vmin.f32 v5, v6  }
0x26c: {  	v54 =	vmax.f32 v47, v49;
	v55 =	vmax.f32 v48, v50;
	v56 =	vmax.f32 v51, v52  }
0x26d: {  	v58 =	vmax.f32 v14, v53;
	v14 =	vmin.f32 v14, v53;
	v39 =	vmax.f32 v36, v16  }
0x26e: {  	v16 =	vmin.f32 v36, v16;
	v40 =	vmax.f32 v38, v18;
	v18 =	vmin.f32 v38, v18  }
0x26f: {  	v62 =	vld [tilespmem:s28+$0x7280];
	v19 =	vmax.f32 v35, v37;
	v17 =	vmin.f32 v35, v37;
	v41 =	vmax.f32 v15, v5  }
0x270: {  	v28 =	vmin.f32 v15, v5;
	v63 =	vmax.f32 v54, v56;
	v15 =	vmin.f32 v54, v56  }
0x271: {  	v60 =	vld [tilespmem:s28+$0x7200];
	v42 =	vmax.f32 v39, v40;
	v6 =	vmin.f32 v39, v40;
	v43 =	vmax.f32 v16, v18  }
0x272: {  	v57 =	vld [tilespmem:s28+$0x7180];
	v16 =	vmin.f32 v16, v18;
	v25 =	vmax.f32 v28, v63;
	v20 =	vmax.f32 v42, v17  }
0x273: {  	v5 =	vmin.f32 v42, v17;
	v44 =	vmax.f32 v41, v16;
	v21 =	vmin.f32 v41, v16  }
0x274: {  	v16 =	vmin.f32 v51, v52;
	v52 =	vand.u32 $0xFFFFFFC0, v62;
	v45 =	vmin.f32 v43, v5  }
0x275: {  	v34 =	vld [tilespmem:s28+$0x9000];
	v46 =	vmax.f32 v44, v6;
	v29 =	vmax.f32 v43, v5;
	v30 =	vmin.f32 v44, v6  }
0x276: {  	v5 =	vmin.f32 v47, v49;
	v6 =	vmin.f32 v48, v50;
	v61 =	vmax.f32 v58, v16  }
0x277: {  	v35 =	vld [tilespmem:s28+$0x9080];
	v16 =	vmin.f32 v58, v16;
	v49 =	vand.u32 $0xFFFFFFC0, v57;
	v50 =	vand.u32 $0xFFFFFFC0, v60  }
0x278: {  	v31 =	vmax.f32 v46, v45;
	v32 =	vmin.f32 v46, v45;
	v59 =	vmax.f32 v55, v5  }
0x279: {  	v40 =	vld [tilespmem:s28+$0x7300];
	v5 =	vmin.f32 v55, v5;
	v39 =	vmax.f32 v6, v14;
	v6 =	vmin.f32 v6, v14  }
0x27a: {  	v55 =	vand.u32 $0xFFFFFFC0, v34;
	v41 =	vmax.f32 v59, v61;
	v7 =	vmin.f32 v59, v61  }
0x27b: {  	v43 =	vmax.f32 v5, v16;
	v5 =	vmin.f32 v5, v16;
	v19 =	vmax.f32 v19, v6  }
0x27c: {  	v16 =	vor.u32 $0x22, v52;
	v56 =	vand.u32 $0xFFFFFFC0, v35;
	v33 =	vmax.f32 v41, v15  }
0x27d: {  	v42 =	vld [tilespmem:s28+$0x7380];
	v14 =	vmin.f32 v41, v15;
	v44 =	vmax.f32 v39, v5;
	v22 =	vmin.f32 v39, v5  }
0x27e: {  	v51 =	vld [tilespmem:s28+$0x9180];
	v15 =	vor.u32 $0x24, v49;
	v53 =	vand.u32 $0xFFFFFFC0, v40;
	v5 =	vor.u32 $0x1F, v55  }
0x27f: {  	v39 =	vmax.f32 v9, v11;
	v9 =	vmin.f32 v9, v11;
	v40 =	vmax.f32 v12, v13  }
0x280: {  	v12 =	vmin.f32 v12, v13;
	v36 =	vmax.f32 v43, v14;
	v45 =	vmin.f32 v43, v14  }
0x281: {  	v48 =	vld [tilespmem:s28+$0x9100];
	v46 =	vmax.f32 v44, v7;
	v47 =	vmin.f32 v44, v7;
	v14 =	vor.u32 $0x23, v50  }
0x282: {  	v54 =	vand.u32 $0xFFFFFFC0, v42;
	v17 =	vor.u32 $0x21, v53;
	v7 =	vor.u32 $0x1E, v56  }
0x283: {  	v23 =	vand.u32 $0xFFFFFFC0, v51;
	v20 =	vmax.f32 v20, v22;
	v21 =	vmax.f32 v21, v33  }
0x284: {  	v43 =	vmax.f32 v39, v40;
	v44 =	vmax.f32 v9, v12;
	v9 =	vmin.f32 v9, v12  }
0x285: {  	v37 =	vmax.f32 v46, v45;
	v38 =	vmin.f32 v46, v45;
	v18 =	vor.u32 $0x20, v54  }
0x286: {  	v57 =	vand.u32 $0xFFFFFFC0, v48;
	v58 =	vmax.f32 v29, v47;
	v61 =	vmax.f32 v30, v36  }
0x287: {  	v6 =	vor.u32 $0x1D, v57;
	v59 =	vmax.f32 v31, v38;
	v60 =	vmax.f32 v32, v37  }
0x288: {  	v63 =	vmax.f32 v20, v61;
	v20 =	vmin.f32 v20, v61;
	v31 =	vmax.f32 v58, v21  }
0x289: {  	v21 =	vmin.f32 v58, v21;
	v37 =	vmax.f32 v0, v1;
	v0 =	vmin.f32 v0, v1  }
0x28a: {  	v38 =	vmax.f32 v8, v10;
	v8 =	vmin.f32 v8, v10;
	v10 =	vmin.f32 v39, v40  }
0x28b: {  	v62 =	vmax.f32 v19, v60;
	v19 =	vmin.f32 v19, v60;
	v32 =	vmax.f32 v59, v25  }
0x28c: {  	v24 =	vmin.f32 v59, v25;
	v41 =	vmax.f32 v37, v38;
	v1 =	vmin.f32 v37, v38  }
0x28d: {  	v42 =	vmax.f32 v0, v8;
	v0 =	vmin.f32 v0, v8;
	v47 =	vmax.f32 v44, v10  }
0x28e: {  	v10 =	vmin.f32 v44, v10;
	v33 =	vmax.f32 v62, v31;
	v27 =	vmin.f32 v62, v31  }
0x28f: {  	v34 =	vmax.f32 v63, v32;
	v22 =	vmin.f32 v63, v32;
	v35 =	vmax.f32 v19, v21  }
0x290: {  	v19 =	vmin.f32 v19, v21;
	v36 =	vmax.f32 v20, v24;
	v20 =	vmin.f32 v20, v24  }
0x291: {  	v45 =	vmax.f32 v42, v1;
	v1 =	vmin.f32 v42, v1;
	v49 =	vmax.f32 v41, v43  }
0x292: {  	v51 =	vld [tilespmem:s28+$0x9300];
	v8 =	vmin.f32 v41, v43;
	v50 =	vmax.f32 v0, v9;
	v52 =	vmin.f32 v0, v9  }
0x293: {  	v46 =	vld [tilespmem:s28+$0x9200];
	v24 =	vmax.f32 v33, v34;
	v25 =	vmin.f32 v33, v34;
	v28 =	vmax.f32 v27, v22  }
0x294: {  	v48 =	vld [tilespmem:s28+$0x9280];
	v22 =	vmin.f32 v27, v22;
	v27 =	vmax.f32 v35, v36;
	v21 =	vmin.f32 v35, v36  }
0x295: {  	v55 =	vld [tilespmem:s28+$0x9380];
	v26 =	vmax.f32 v19, v20;
	v19 =	vmin.f32 v19, v20;
	v53 =	vmax.f32 v45, v47  }
0x296: {  	v54 =	vmin.f32 v45, v47;
	v56 =	vmax.f32 v1, v10;
	v1 =	vmin.f32 v1, v10  }
0x297: {  	v45 =	vand.u32 $0xFFFFFFC0, v51;
	v57 =	vmax.f32 v53, v8;
	v0 =	vmin.f32 v53, v8  }
0x298: {  	v58 =	vld [tilespmem:s28+$0xB000];
	v59 =	vmax.f32 v50, v1;
	v13 =	vmin.f32 v50, v1;
	v8 =	vor.u32 $0x1C, v23  }
0x299: {  	v43 =	vand.u32 $0xFFFFFFC0, v46;
	v44 =	vand.u32 $0xFFFFFFC0, v48;
	v11 =	vor.u32 $0x19, v45  }
0x29a: {  	v46 =	vand.u32 $0xFFFFFFC0, v55;
	v24 =	vmax.f32 v24, v52;
	v19 =	vmax.f32 v19, v49  }
0x29b: {  	v61 =	vmax.f32 v56, v0;
	v0 =	vmin.f32 v56, v0;
	v62 =	vmax.f32 v59, v54  }
0x29c: {  	v63 =	vmin.f32 v59, v54;
	v9 =	vor.u32 $0x1B, v43;
	v10 =	vor.u32 $0x1A, v44  }
0x29d: {  	v60 =	vld [tilespmem:s28+$0xB080];
	v47 =	vand.u32 $0xFFFFFFC0, v58;
	v12 =	vor.u32 $0x18, v46;
	v13 =	vmax.f32 v25, v13  }
0x29e: {  	v26 =	vmax.f32 v26, v57;
	v56 =	vmax.f32 v2, v4;
	v2 =	vmin.f32 v2, v4  }
0x29f: {  	v57 =	vmax.f32 v3, v15;
	v3 =	vmin.f32 v3, v15;
	v58 =	vmax.f32 v14, v16  }
0x2a0: {  	v42 =	vld [tilespmem:s28+$0xB100];
	v14 =	vmin.f32 v14, v16;
	v59 =	vmax.f32 v17, v18;
	v17 =	vmin.f32 v17, v18  }
0x2a1: {  	v40 =	vmax.f32 v62, v0;
	v41 =	vmin.f32 v62, v0;
	v0 =	vor.u32 $0x17, v47  }
0x2a2: {  	v1 =	vand.u32 $0xFFFFFFC0, v60;
	v20 =	vmax.f32 v28, v63;
	v21 =	vmax.f32 v21, v61  }
0x2a3: {  	v60 =	vmax.f32 v56, v57;
	v4 =	vmin.f32 v56, v57;
	v61 =	vmax.f32 v2, v3  }
0x2a4: {  	v2 =	vmin.f32 v2, v3;
	v62 =	vmax.f32 v58, v59;
	v15 =	vmin.f32 v58, v59  }
0x2a5: {  	v1 =	vor.u32 $0x16, v1;
	v23 =	vand.u32 $0xFFFFFFC0, v42;
	v22 =	vmax.f32 v22, v41  }
0x2a6: {  	v48 =	vmax.f32 v27, v40;
	v49 =	vmax.f32 v13, v21;
	v13 =	vmin.f32 v13, v21  }
0x2a7: {  	v50 =	vmax.f32 v20, v26;
	v20 =	vmin.f32 v20, v26;
	v40 =	vmax.f32 v14, v17  }
0x2a8: {  	v14 =	vmin.f32 v14, v17;
	v41 =	vmax.f32 v61, v4;
	v4 =	vmin.f32 v61, v4  }
0x2a9: {  	v45 =	vmax.f32 v60, v62;
	v3 =	vmin.f32 v60, v62;
	v27 =	vmax.f32 v24, v48  }
0x2aa: {  	v24 =	vmin.f32 v24, v48;
	v51 =	vmax.f32 v22, v19;
	v19 =	vmin.f32 v22, v19  }
0x2ab: {  	v43 =	vmax.f32 v40, v15;
	v15 =	vmin.f32 v40, v15;
	v46 =	vmax.f32 v2, v14  }
0x2ac: {  	v48 =	vmin.f32 v2, v14;
	v52 =	vmax.f32 v27, v50;
	v21 =	vmin.f32 v27, v50  }
0x2ad: {  	v53 =	vmax.f32 v49, v51;
	v25 =	vmin.f32 v49, v51;
	v54 =	vmax.f32 v24, v20  }
0x2ae: {  	v20 =	vmin.f32 v24, v20;
	v55 =	vmax.f32 v13, v19;
	v13 =	vmin.f32 v13, v19  }
0x2af: {  	v44 =	vld [tilespmem:s28+$0xB280];
	v49 =	vmax.f32 v41, v43;
	v51 =	vmax.f32 v4, v15;
	v4 =	vmin.f32 v4, v15  }
0x2b0: {  	v19 =	vmax.f32 v52, v53;
	v22 =	vmin.f32 v52, v53;
	v27 =	vmax.f32 v21, v25  }
0x2b1: {  	v63 =	vld [tilespmem:s28+$0xB180];
	v21 =	vmin.f32 v21, v25;
	v25 =	vmax.f32 v54, v55;
	v24 =	vmin.f32 v54, v55  }
0x2b2: {  	v47 =	vld [tilespmem:s28+$0xB300];
	v26 =	vmax.f32 v20, v13;
	v20 =	vmin.f32 v20, v13;
	v13 =	vmin.f32 v41, v43  }
0x2b3: {  	v56 =	vld [tilespmem:s28+$0xD080];
	v52 =	vmax.f32 v49, v3;
	v2 =	vmin.f32 v49, v3;
	v54 =	vmax.f32 v46, v4  }
0x2b4: {  	v55 =	vmin.f32 v46, v4;
	v18 =	vand.u32 $0xFFFFFFC0, v44;
	v43 =	vmax.f32 v6, v8  }
0x2b5: {  	v6 =	vmin.f32 v6, v8;
	v44 =	vmax.f32 v9, v10;
	v9 =	vmin.f32 v9, v10  }
0x2b6: {  	v42 =	vld [tilespmem:s28+$0xB200];
	v57 =	vmax.f32 v51, v2;
	v2 =	vmin.f32 v51, v2;
	v58 =	vmax.f32 v54, v13  }
0x2b7: {  	v61 =	vld [tilespmem:s28+$0xD100];
	v59 =	vmin.f32 v54, v13;
	v13 =	vor.u32 $0x15, v23;
	v62 =	vand.u32 $0xFFFFFFC0, v63  }
0x2b8: {  	v16 =	vor.u32 $0x12, v18;
	v23 =	vand.u32 $0xFFFFFFC0, v47;
	v4 =	vand.u32 $0xFFFFFFC0, v56  }
0x2b9: {  	v19 =	vmax.f32 v19, v48;
	v22 =	vmax.f32 v22, v55;
	v26 =	vmax.f32 v26, v52  }
0x2ba: {  	v20 =	vmax.f32 v20, v45;
	v45 =	vmax.f32 v11, v12;
	v11 =	vmin.f32 v11, v12  }
0x2bb: {  	v60 =	vmax.f32 v58, v2;
	v39 =	vmin.f32 v58, v2;
	v63 =	vand.u32 $0xFFFFFFC0, v42  }
0x2bc: {  	v15 =	vor.u32 $0x14, v62;
	v17 =	vor.u32 $0x11, v23;
	v3 =	vand.u32 $0xFFFFFFC0, v61  }
0x2bd: {  	v4 =	vor.u32 $0xE, v4;
	v31 =	vmax.f32 v27, v59;
	v24 =	vmax.f32 v24, v57  }
0x2be: {  	v50 =	vld [tilespmem:s28+$0xB380];
	v42 =	vmax.f32 v5, v7;
	v5 =	vmin.f32 v5, v7;
	v48 =	vmax.f32 v44, v45  }
0x2bf: {  	v8 =	vmin.f32 v44, v45;
	v14 =	vor.u32 $0x13, v63;
	v3 =	vor.u32 $0xD, v3  }
0x2c0: {  	v21 =	vmax.f32 v21, v39;
	v25 =	vmax.f32 v25, v60;
	v33 =	vmax.f32 v22, v24  }
0x2c1: {  	v22 =	vmin.f32 v22, v24;
	v34 =	vmax.f32 v31, v26;
	v23 =	vmin.f32 v31, v26  }
0x2c2: {  	v53 =	vld [tilespmem:s28+$0xD000];
	v46 =	vmax.f32 v42, v43;
	v7 =	vmin.f32 v42, v43;
	v47 =	vmax.f32 v5, v6  }
0x2c3: {  	v5 =	vmin.f32 v5, v6;
	v28 =	vand.u32 $0xFFFFFFC0, v50;
	v32 =	vmax.f32 v19, v25  }
0x2c4: {  	v19 =	vmin.f32 v19, v25;
	v35 =	vmax.f32 v21, v20;
	v20 =	vmin.f32 v21, v20  }
0x2c5: {  	v50 =	vmax.f32 v9, v11;
	v9 =	vmin.f32 v9, v11;
	v51 =	vmax.f32 v47, v7  }
0x2c6: {  	v49 =	vld [tilespmem:s28+$0xD180];
	v7 =	vmin.f32 v47, v7;
	v31 =	vmax.f32 v46, v48;
	v6 =	vmin.f32 v46, v48  }
0x2c7: {  	v18 =	vor.u32 $0x10, v28;
	v29 =	vand.u32 $0xFFFFFFC0, v53;
	v36 =	vmax.f32 v32, v34  }
0x2c8: {  	v24 =	vmin.f32 v32, v34;
	v37 =	vmax.f32 v33, v35;
	v25 =	vmin.f32 v33, v35  }
0x2c9: {  	v38 =	vmax.f32 v19, v23;
	v19 =	vmin.f32 v19, v23;
	v39 =	vmax.f32 v22, v20  }
0x2ca: {  	v52 =	vld [tilespmem:s28+$0xD200];
	v20 =	vmin.f32 v22, v20;
	v53 =	vmax.f32 v50, v8;
	v8 =	vmin.f32 v50, v8  }
0x2cb: {  	v54 =	vld [tilespmem:s28+$0xD280];
	v55 =	vmax.f32 v5, v9;
	v5 =	vmin.f32 v5, v9;
	v10 =	vand.u32 $0xFFFFFFC0, v49  }
0x2cc: {  	v56 =	vld [tilespmem:s28+$0xD300];
	v2 =	vor.u32 $0xF, v29;
	v22 =	vmax.f32 v36, v37;
	v21 =	vmin.f32 v36, v37  }
0x2cd: {  	v27 =	vmax.f32 v24, v25;
	v24 =	vmin.f32 v24, v25;
	v40 =	vmax.f32 v38, v39  }
0x2ce: {  	v58 =	vld [tilespmem:s28+$0xD380];
	v23 =	vmin.f32 v38, v39;
	v26 =	vmax.f32 v19, v20;
	v28 =	vmin.f32 v19, v20  }
0x2cf: {  	v62 =	vld [tilespmem:s28+$0xF080];
	v57 =	vmax.f32 v51, v53;
	v11 =	vmin.f32 v51, v53;
	v59 =	vmax.f32 v7, v8  }
0x2d0: {  	v45 =	vld [tilespmem:s28+$0xF180];
	v7 =	vmin.f32 v7, v8;
	v44 =	vand.u32 $0xFFFFFFC0, v52;
	v20 =	vor.u32 $0xC, v10  }
0x2d1: {  	v47 =	vand.u32 $0xFFFFFFC0, v54;
	v48 =	vand.u32 $0xFFFFFFC0, v56;
	v34 =	vmax.f32 v57, v6  }
0x2d2: {  	v6 =	vmin.f32 v57, v6;
	v61 =	vmax.f32 v55, v7;
	v7 =	vmin.f32 v55, v7  }
0x2d3: {  	v60 =	vld [tilespmem:s28+$0xF000];
	v22 =	vmax.f32 v22, v5;
	v19 =	vor.u32 $0xB, v44;
	v32 =	vor.u32 $0xA, v47  }
0x2d4: {  	v43 =	vld [tilespmem:s28+$0xF100];
	v37 =	vor.u32 $0x9, v48;
	v51 =	vand.u32 $0xFFFFFFC0, v58;
	v54 =	vand.u32 $0xFFFFFFC0, v62  }
0x2d5: {  	v56 =	vand.u32 $0xFFFFFFC0, v45;
	v28 =	vmax.f32 v28, v31;
	v44 =	vmax.f32 v13, v15  }
0x2d6: {  	v13 =	vmin.f32 v13, v15;
	v45 =	vmax.f32 v14, v16;
	v14 =	vmin.f32 v14, v16  }
0x2d7: {  	v46 =	vld [tilespmem:s28+$0xF200];
	v63 =	vmax.f32 v59, v6;
	v6 =	vmin.f32 v59, v6;
	v41 =	vmax.f32 v61, v11  }
0x2d8: {  	v9 =	vmin.f32 v61, v11;
	v21 =	vmax.f32 v21, v7;
	v52 =	vand.u32 $0xFFFFFFC0, v60  }
0x2d9: {  	v39 =	vor.u32 $0x8, v51;
	v55 =	vand.u32 $0xFFFFFFC0, v43;
	v8 =	vor.u32 $0x4, v56  }
0x2da: {  	v26 =	vmax.f32 v26, v34;
	v43 =	vmax.f32 v0, v1;
	v0 =	vmin.f32 v0, v1  }
0x2db: {  	v49 =	vld [tilespmem:s28+$0xF280];
	v42 =	vmax.f32 v41, v6;
	v6 =	vmin.f32 v41, v6;
	v27 =	vmax.f32 v27, v9  }
0x2dc: {  	v50 =	vld [tilespmem:s28+$0xF300];
	v5 =	vor.u32 $0x7, v52;
	v7 =	vor.u32 $0x5, v55;
	v57 =	vand.u32 $0xFFFFFFC0, v46  }
0x2dd: {  	v23 =	vmax.f32 v23, v63;
	v46 =	vmax.f32 v17, v18;
	v17 =	vmin.f32 v17, v18  }
0x2de: {  	v47 =	vmax.f32 v43, v44;
	v1 =	vmin.f32 v43, v44;
	v48 =	vmax.f32 v0, v13  }
0x2df: {  	v0 =	vmin.f32 v0, v13;
	v24 =	vmax.f32 v24, v6;
	v25 =	vmax.f32 v40, v42  }
0x2e0: {  	v53 =	vld [tilespmem:s28+$0xF380];
	v6 =	vor.u32 $0x6, v54;
	v9 =	vor.u32 $0x3, v57;
	v58 =	vand.u32 $0xFFFFFFC0, v49  }
0x2e1: {  	v59 =	vand.u32 $0xFFFFFFC0, v50;
	v61 =	vmax.f32 v21, v23;
	v21 =	vmin.f32 v21, v23  }
0x2e2: {  	v62 =	vmax.f32 v27, v26;
	v26 =	vmin.f32 v27, v26;
	v49 =	vmax.f32 v45, v46  }
0x2e3: {  	v15 =	vmin.f32 v45, v46;
	v50 =	vmax.f32 v14, v17;
	v14 =	vmin.f32 v14, v17  }
0x2e4: {  	v51 =	vmax.f32 v48, v1;
	v1 =	vmin.f32 v48, v1;
	v11 =	vor.u32 $0x2, v58  }
0x2e5: {  	v10 =	vor.u32 $0x1, v59;
	v12 =	vand.u32 $0xFFFFFFC0, v53;
	v60 =	vmax.f32 v22, v25  }
0x2e6: {  	v22 =	vmin.f32 v22, v25;
	v63 =	vmax.f32 v24, v28;
	v24 =	vmin.f32 v24, v28  }
0x2e7: {  	v52 =	vmax.f32 v50, v15;
	v15 =	vmin.f32 v50, v15;
	v53 =	vmax.f32 v47, v49  }
0x2e8: {  	v13 =	vmin.f32 v47, v49;
	v54 =	vmax.f32 v0, v14;
	v0 =	vmin.f32 v0, v14  }
0x2e9: {  	v33 =	vmax.f32 v60, v62;
	v23 =	vmin.f32 v60, v62;
	v34 =	vmax.f32 v61, v63  }
0x2ea: {  	v25 =	vmin.f32 v61, v63;
	v35 =	vmax.f32 v22, v26;
	v22 =	vmin.f32 v22, v26  }
0x2eb: {  	v36 =	vmax.f32 v21, v24;
	v21 =	vmin.f32 v21, v24;
	v55 =	vmax.f32 v51, v52  }
0x2ec: {  	v17 =	vmin.f32 v51, v52;
	v56 =	vmax.f32 v1, v15;
	v1 =	vmin.f32 v1, v15  }
0x2ed: {  	v38 =	vmax.f32 v33, v34;
	v28 =	vmin.f32 v33, v34;
	v40 =	vmax.f32 v23, v25  }
0x2ee: {  	v23 =	vmin.f32 v23, v25;
	v41 =	vmax.f32 v35, v36;
	v26 =	vmin.f32 v35, v36  }
0x2ef: {  	v42 =	vmax.f32 v22, v21;
	v21 =	vmin.f32 v22, v21;
	v57 =	vmax.f32 v55, v13  }
0x2f0: {  	v13 =	vmin.f32 v55, v13;
	v58 =	vmax.f32 v54, v1;
	v1 =	vmin.f32 v54, v1  }
0x2f1: {  	v34 =	vmax.f32 v2, v4;
	v2 =	vmin.f32 v2, v4;
	v35 =	vmax.f32 v3, v20  }
0x2f2: {  	v3 =	vmin.f32 v3, v20;
	v36 =	vmax.f32 v19, v32;
	v19 =	vmin.f32 v19, v32  }
0x2f3: {  	v59 =	vmax.f32 v56, v13;
	v13 =	vmin.f32 v56, v13;
	v60 =	vmax.f32 v58, v17  }
0x2f4: {  	v14 =	vmin.f32 v58, v17;
	v0 =	vmax.f32 v38, v0;
	v1 =	vmax.f32 v28, v1  }
0x2f5: {  	v15 =	vmax.f32 v42, v57;
	v16 =	vmax.f32 v21, v53;
	v38 =	vmax.f32 v37, v39  }
0x2f6: {  	v42 =	vmax.f32 v2, v3;
	v2 =	vmin.f32 v2, v3;
	v61 =	vmax.f32 v60, v13  }
0x2f7: {  	v13 =	vmin.f32 v60, v13;
	v14 =	vmax.f32 v40, v14;
	v18 =	vmax.f32 v26, v59  }
0x2f8: {  	v40 =	vmin.f32 v37, v39;
	v43 =	vmax.f32 v36, v38;
	v20 =	vmin.f32 v36, v38  }
0x2f9: {  	v13 =	vmax.f32 v23, v13;
	v17 =	vmax.f32 v41, v61;
	v63 =	vmax.f32 v1, v18  }
0x2fa: {  	v1 =	vmin.f32 v1, v18;
	v23 =	vmax.f32 v14, v15;
	v14 =	vmin.f32 v14, v15  }
0x2fb: {  	v41 =	vmax.f32 v34, v35;
	v44 =	vmax.f32 v19, v40;
	v19 =	vmin.f32 v19, v40  }
0x2fc: {  	v62 =	vmax.f32 v0, v17;
	v0 =	vmin.f32 v0, v17;
	v24 =	vmax.f32 v13, v16  }
0x2fd: {  	v13 =	vmin.f32 v13, v16;
	v46 =	vmax.f32 v44, v20;
	v20 =	vmin.f32 v44, v20  }
0x2fe: {  	v47 =	vmax.f32 v41, v43;
	v3 =	vmin.f32 v41, v43;
	v48 =	vmax.f32 v2, v19  }
0x2ff: {  	v2 =	vmin.f32 v2, v19;
	v25 =	vmax.f32 v62, v23;
	v18 =	vmin.f32 v62, v23  }
0x300: {  	v26 =	vmax.f32 v63, v24;
	v15 =	vmin.f32 v63, v24;
	v27 =	vmax.f32 v0, v14  }
0x301: {  	v0 =	vmin.f32 v0, v14;
	v28 =	vmax.f32 v1, v13;
	v1 =	vmin.f32 v1, v13  }
0x302: {  	v29 =	vmax.f32 v25, v26;
	v16 =	vmin.f32 v25, v26;
	v30 =	vmax.f32 v18, v15  }
0x303: {  	v15 =	vmin.f32 v18, v15;
	v31 =	vmax.f32 v27, v28;
	v14 =	vmin.f32 v27, v28  }
0x304: {  	v33 =	vmax.f32 v0, v1;
	v0 =	vmin.f32 v0, v1;
	v1 =	vmin.f32 v34, v35  }
0x305: {  	v26 =	vmax.f32 v5, v6;
	v5 =	vmin.f32 v5, v6;
	v27 =	vmax.f32 v7, v8  }
0x306: {  	v7 =	vmin.f32 v7, v8;
	v28 =	vmax.f32 v9, v11;
	v9 =	vmin.f32 v9, v11  }
0x307: {  	v45 =	vmax.f32 v42, v1;
	v1 =	vmin.f32 v42, v1;
	v2 =	vmax.f32 v29, v2  }
0x308: {  	v0 =	vmax.f32 v0, v47;
	v29 =	vmax.f32 v10, v12;
	v10 =	vmin.f32 v10, v12  }
0x309: {  	v49 =	vmax.f32 v45, v46;
	v4 =	vmin.f32 v45, v46;
	v50 =	vmax.f32 v1, v20  }
0x30a: {  	v1 =	vmin.f32 v1, v20;
	v32 =	vmax.f32 v28, v29;
	v8 =	vmin.f32 v28, v29  }
0x30b: {  	v51 =	vmax.f32 v49, v3;
	v3 =	vmin.f32 v49, v3;
	v52 =	vmax.f32 v48, v1  }
0x30c: {  	v1 =	vmin.f32 v48, v1;
	v53 =	vmax.f32 v50, v3;
	v3 =	vmin.f32 v50, v3  }
0x30d: {  	v54 =	vmax.f32 v52, v4;
	v4 =	vmin.f32 v52, v4;
	v1 =	vmax.f32 v16, v1  }
0x30e: {  	v57 =	vmax.f32 v33, v51;
	v33 =	vmax.f32 v9, v10;
	v9 =	vmin.f32 v9, v10  }
0x30f: {  	v55 =	vmax.f32 v54, v3;
	v3 =	vmin.f32 v54, v3;
	v4 =	vmax.f32 v30, v4  }
0x310: {  	v14 =	vmax.f32 v14, v53;
	v30 =	vmax.f32 v26, v27;
	v35 =	vmax.f32 v33, v8  }
0x311: {  	v29 =	vld [tilespmem:s28+$0x1310];
	v8 =	vmin.f32 v33, v8;
	v3 =	vmax.f32 v15, v3;
	v56 =	vmax.f32 v31, v55  }
0x312: {  	v59 =	vmax.f32 v1, v14;
	v1 =	vmin.f32 v1, v14;
	v60 =	vmax.f32 v4, v57  }
0x313: {  	v4 =	vmin.f32 v4, v57;
	v31 =	vmax.f32 v5, v7;
	v5 =	vmin.f32 v5, v7  }
0x314: {  	v36 =	vmax.f32 v30, v32;
	v7 =	vmin.f32 v30, v32;
	v58 =	vmax.f32 v2, v56  }
0x315: {  	v2 =	vmin.f32 v2, v56;
	v61 =	vmax.f32 v3, v0;
	v0 =	vmin.f32 v3, v0  }
0x316: {  	v37 =	vmax.f32 v5, v9;
	v5 =	vmin.f32 v5, v9;
	v18 =	vand.u32 $0xFFFFFFC0, v29  }
0x317: {  	v62 =	vmax.f32 v58, v60;
	v14 =	vmin.f32 v58, v60;
	v63 =	vmax.f32 v59, v61  }
0x318: {  	v13 =	vmin.f32 v59, v61;
	v20 =	vmax.f32 v2, v4;
	v2 =	vmin.f32 v2, v4  }
0x319: {  	v21 =	vmax.f32 v1, v0;
	v0 =	vmin.f32 v1, v0;
	v18 =	vor.u32 $0x39, v18  }
0x31a: {  	v22 =	vmax.f32 v62, v63;
	v3 =	vmin.f32 v62, v63;
	v23 =	vmax.f32 v14, v13  }
0x31b: {  	v13 =	vmin.f32 v14, v13;
	v24 =	vmax.f32 v20, v21;
	v4 =	vmin.f32 v20, v21  }
0x31c: {  	v25 =	vmax.f32 v2, v0;
	v0 =	vmin.f32 v2, v0;
	v2 =	vmin.f32 v26, v27  }
0x31d: {  	v34 =	vmax.f32 v31, v2;
	v2 =	vmin.f32 v31, v2;
	v1 =	vmax.f32 v22, v5  }
0x31e: {  	v0 =	vmax.f32 v0, v36;
	v38 =	vmax.f32 v34, v35;
	v6 =	vmin.f32 v34, v35  }
0x31f: {  	v63 =	vld [tilespmem:s28+$0x1190];
	v39 =	vmax.f32 v2, v8;
	v2 =	vmin.f32 v2, v8;
	v40 =	vmax.f32 v38, v7  }
0x320: {  	v55 =	vld [tilespmem:s28+$0x1010];
	v7 =	vmin.f32 v38, v7;
	v41 =	vmax.f32 v37, v2;
	v2 =	vmin.f32 v37, v2  }
0x321: {  	v58 =	vld [tilespmem:s28+$0x1090];
	v42 =	vmin.f32 v39, v7;
	v43 =	vmax.f32 v41, v6;
	v7 =	vmax.f32 v39, v7  }
0x322: {  	v27 =	vld [tilespmem:s28+$0x1290];
	v6 =	vmin.f32 v41, v6;
	v2 =	vmax.f32 v3, v2;
	v49 =	vmax.f32 v25, v40  }
0x323: {  	v31 =	vld [tilespmem:s28+$0x1390];
	v44 =	vmax.f32 v43, v42;
	v45 =	vmin.f32 v43, v42;
	v46 =	vmax.f32 v23, v6  }
0x324: {  	v61 =	vld [tilespmem:s28+$0x1110];
	v4 =	vmax.f32 v4, v7;
	v8 =	vand.u32 $0xFFFFFFC0, v63;
	v47 =	vmax.f32 v13, v45  }
0x325: {  	v34 =	vld [tilespmem:s28+$0x3010];
	v48 =	vmax.f32 v24, v44;
	v51 =	vmax.f32 v2, v4;
	v2 =	vmin.f32 v2, v4  }
0x326: {  	v52 =	vmax.f32 v46, v49;
	v3 =	vmin.f32 v46, v49;
	v46 =	vand.u32 $0xFFFFFFC0, v58  }
0x327: {  	v49 =	vor.u32 $0x3F, v55;
	v13 =	vand.u32 $0xFFFFFFC0, v27;
	v8 =	vor.u32 $0x3C, v8  }
0x328: {  	v19 =	vand.u32 $0xFFFFFFC0, v31;
	v50 =	vmax.f32 v1, v48;
	v1 =	vmin.f32 v1, v48  }
0x329: {  	v37 =	vld [tilespmem:s28+$0x3090];
	v53 =	vmax.f32 v47, v0;
	v0 =	vmin.f32 v47, v0;
	v47 =	vand.u32 $0xFFFFFFC0, v61  }
0x32a: {  	v13 =	vor.u32 $0x3A, v13;
	v20 =	vand.u32 $0xFFFFFFC0, v34;
	v19 =	vor.u32 $0x38, v19  }
0x32b: {  	v25 =	vld [tilespmem:s28+$0x1210];
	v54 =	vmax.f32 v50, v52;
	v4 =	vmin.f32 v50, v52;
	v56 =	vmax.f32 v51, v53  }
0x32c: {  	v40 =	vld [tilespmem:s28+$0x3110];
	v57 =	vmin.f32 v51, v53;
	v59 =	vmax.f32 v1, v3;
	v1 =	vmin.f32 v1, v3  }
0x32d: {  	v60 =	vmax.f32 v2, v0;
	v62 =	vmin.f32 v2, v0;
	v11 =	vor.u32 $0x3D, v47  }
0x32e: {  	v20 =	vor.u32 $0x37, v20;
	v21 =	vand.u32 $0xFFFFFFC0, v37;
	v7 =	vmax.f32 v54, v56  }
0x32f: {  	v6 =	vmin.f32 v54, v56;
	v5 =	vmax.f32 v4, v57;
	v4 =	vmin.f32 v4, v57  }
0x330: {  	v42 =	vld [tilespmem:s28+$0x3190];
	v3 =	vmax.f32 v59, v60;
	v2 =	vmin.f32 v59, v60;
	v0 =	vmax.f32 v1, v62  }
0x331: {  	v44 =	vld [tilespmem:s28+$0x3210];
	v1 =	vmin.f32 v1, v62;
	v16 =	vand.u32 $0xFFFFFFC0, v25;
	v22 =	vand.u32 $0xFFFFFFC0, v40  }
0x332: {  	v58 =	vld [tilespmem:s28+$0x5390];
	v21 =	vor.u32 $0x36, v21;
	v24 =	vsub.f32 v6, v7;
	v26 =	vsub.f32 v5, v7  }
0x333: {  	v55 =	vld [tilespmem:s28+$0x5210];
	v62 =	vmax.f32 v11, v8;
	v28 =	vsub.f32 v4, v7;
	v30 =	vsub.f32 v3, v7  }
0x334: {  	v48 =	vld [tilespmem:s28+$0x3310];
	v8 =	vmin.f32 v11, v8;
	v33 =	vsub.f32 v2, v7;
	v36 =	vsub.f32 v0, v7  }
0x335: {  	v50 =	vld [tilespmem:s28+$0x3390];
	v39 =	vsub.f32 v1, v7;
	v16 =	vor.u32 $0x3B, v16;
	v15 =	vand.u32 $0xFFFFFFC0, v42  }
0x336: {  	v51 =	vld [tilespmem:s28+$0x5010];
	v22 =	vor.u32 $0x35, v22;
	v15 =	vor.u32 $0x34, v15;
	v17 =	vand.u32 $0xFFFFFFC0, v44  }
0x337: {  	v52 =	vld [tilespmem:s28+$0x5090];
	v31 =	vand.u32 $0xFFFFFFC0, v58;
	v10 =	vmul.f32 $1.442695020e+00, v24;
	v12 =	vmul.f32 $1.442695020e+00, v26  }
0x338: {  	v53 =	vld [tilespmem:s28+$0x5110];
	v63 =	vmax.f32 v16, v13;
	v32 =	vmul.f32 $1.442695020e+00, v28;
	v35 =	vmul.f32 $1.442695020e+00, v30  }
0x339: {  	v13 =	vmin.f32 v16, v13;
	v38 =	vmul.f32 $1.442695020e+00, v33;
	v41 =	vmul.f32 $1.442695020e+00, v36  }
0x33a: {  	v43 =	vmul.f32 $1.442695020e+00, v39;
	v14 =	vand.u32 $0xFFFFFFC0, v48;
	v17 =	vor.u32 $0x33, v17  }
0x33b: {  	v28 =	vand.u32 $0xFFFFFFC0, v55;
	v31 =	vor.u32 $0x28, v31;
	v36 =	vmax.f32 v18, v19  }
0x33c: {  	v54 =	vld [tilespmem:s28+$0x5190];
	v18 =	vmin.f32 v18, v19;
	v14 =	vor.u32 $0x31, v14;
	v9 =	vand.u32 $0xFFFFFFC0, v50  }
0x33d: {  	v56 =	vld [tilespmem:s28+$0x5290];
	v24 =	vand.u32 $0xFFFFFFC0, v51;
	v25 =	vand.u32 $0xFFFFFFC0, v52;
	v26 =	vand.u32 $0xFFFFFFC0, v53  }
0x33e: {  	v57 =	vld [tilespmem:s28+$0x5310];
	v28 =	vor.u32 $0x2B, v28;
	v39 =	vmax.f32 v63, v36;
	v11 =	vmin.f32 v63, v36  }
0x33f: {  	v60 =	vld [tilespmem:s28+$0x7010];
	v40 =	vmax.f32 v13, v18;
	v13 =	vmin.f32 v13, v18;
	v52 =	vmax.f32 v20, v21  }
0x340: {  	v20 =	vmin.f32 v20, v21;
	v53 =	vmax.f32 v22, v15;
	v15 =	vmin.f32 v22, v15  }
0x341: {  	v45 =	vld [tilespmem:s28+$0x3290];
	(erf) = vpow2.f32 v10;
	v10 =	vor.u32 $0x3E, v46;
	v59 =	vor.u32 $0x30, v9  }
0x342: {  	v24 =	vor.u32 $0x2F, v24;
	v25 =	vor.u32 $0x2E, v25;
	v27 =	vand.u32 $0xFFFFFFC0, v54  }
0x343: {  	v26 =	vor.u32 $0x2D, v26;
	v29 =	vand.u32 $0xFFFFFFC0, v56;
	v30 =	vand.u32 $0xFFFFFFC0, v57  }
0x344: {  	v9 =	vand.u32 $0xFFFFFFC0, v60;
	v42 =	vmax.f32 v40, v11;
	v11 =	vmin.f32 v40, v11  }
0x345: {  	v56 =	vmax.f32 v52, v53;
	v21 =	vmin.f32 v52, v53;
	v57 =	vmax.f32 v20, v15  }
0x346: {  	v15 =	vmin.f32 v20, v15;
	(erf) = vpow2.f32 v12;
	v12 =	vand.u32 $0xFFFFFFC0, v45  }
0x347: {  	v27 =	vor.u32 $0x2C, v27;
	v29 =	vor.u32 $0x2A, v29;
	v30 =	vor.u32 $0x29, v30  }
0x348: {  	v61 =	vmax.f32 v49, v10;
	v10 =	vmin.f32 v49, v10;
	v55 =	vmax.f32 v14, v59  }
0x349: {  	v14 =	vmin.f32 v14, v59;
	v60 =	vmax.f32 v57, v21;
	v21 =	vmin.f32 v57, v21  }
0x34a: {  	v52 =	vmax.f32 v24, v25;
	v53 =	vmin.f32 v24, v25;
	v9 =	vor.u32 $0x27, v9  }
0x34b: {  	(erf) = vpow2.f32 v32;
	v12 =	vor.u32 $0x32, v12;
	v37 =	vmax.f32 v61, v62  }
0x34c: {  	v23 =	vmin.f32 v61, v62;
	v57 =	vmin.f32 v28, v29;
	(erf) = vpow2.f32 v35  }
0x34d: {  	v54 =	vmax.f32 v17, v12;
	v12 =	vmin.f32 v17, v12;
	(erf) = vpow2.f32 v38  }
0x34e: {  	v38 =	vmax.f32 v10, v8;
	v8 =	vmin.f32 v10, v8;
	v10 =	vmin.f32 v37, v39  }
0x34f: {  	v58 =	vmax.f32 v54, v55;
	v17 =	vmin.f32 v54, v55;
	v59 =	vmax.f32 v12, v14  }
0x350: {  	v12 =	vmin.f32 v12, v14;
	v54 =	vmax.f32 v26, v27;
	v55 =	vmin.f32 v26, v27  }
0x351: {  	(erf) = vpow2.f32 v41;
	v41 =	vmax.f32 v38, v23;
	v23 =	vmin.f32 v38, v23  }
0x352: {  	v44 =	vmax.f32 v8, v13;
	v8 =	vmin.f32 v8, v13;
	v61 =	vmax.f32 v59, v17  }
0x353: {  	v17 =	vmin.f32 v59, v17;
	v62 =	vmax.f32 v56, v58;
	v20 =	vmin.f32 v56, v58  }
0x354: {  	v63 =	vmax.f32 v15, v12;
	v12 =	vmin.f32 v15, v12;
	v56 =	vmax.f32 v28, v29  }
0x355: {  	v58 =	vmax.f32 v30, v31;
	v59 =	vmin.f32 v30, v31;
	(erf) = vpow2.f32 v43  }
0x356: {  	v43 =	vmax.f32 v37, v39;
	v45 =	vmax.f32 v41, v42;
	v18 =	vmin.f32 v41, v42  }
0x357: {  	v46 =	vmax.f32 v23, v11;
	v11 =	vmin.f32 v23, v11;
	v36 =	vmax.f32 v60, v61  }
0x358: {  	v14 =	vmin.f32 v60, v61;
	v37 =	vmax.f32 v21, v17;
	v17 =	vmin.f32 v21, v17  }
0x359: {  	v8 =	vmax.f32 v8, v62;
	v60 =	vmax.f32 v52, v54;
	v61 =	vmax.f32 v53, v55  }
0x35a: {  	v62 =	vmax.f32 v56, v58;
	v21 =	vmin.f32 v56, v58;
	v22 =	vmin.f32 v57, v59  }
0x35b: {  	v47 =	vmax.f32 v45, v10;
	v10 =	vmin.f32 v45, v10;
	v48 =	vmax.f32 v44, v11  }
0x35c: {  	v11 =	vmin.f32 v44, v11;
	v38 =	vmax.f32 v36, v20;
	v15 =	vmin.f32 v36, v20  }
0x35d: {  	v39 =	vmax.f32 v63, v17;
	v17 =	vmin.f32 v63, v17;
	v12 =	vmax.f32 v43, v12  }
0x35e: {  	v36 =	vmax.f32 v57, v59;
	v20 =	vmin.f32 v60, v62;
	v49 =	vmax.f32 v46, v10  }
0x35f: {  	v10 =	vmin.f32 v46, v10;
	v50 =	vmax.f32 v48, v18;
	v13 =	vmin.f32 v48, v18  }
0x360: {  	v40 =	vmax.f32 v37, v15;
	v15 =	vmin.f32 v37, v15;
	v41 =	vmax.f32 v39, v14  }
0x361: {  	v14 =	vmin.f32 v39, v14;
	v43 =	vmax.f32 v47, v17;
	v11 =	vmax.f32 v11, v38  }
0x362: {  	v39 =	vmax.f32 v36, v21;
	v21 =	vmin.f32 v36, v21;
	v51 =	vmax.f32 v50, v10  }
0x363: {  	v10 =	vmin.f32 v50, v10;
	v42 =	vmax.f32 v41, v15;
	v15 =	vmin.f32 v41, v15  }
0x364: {  	v14 =	vmax.f32 v49, v14;
	v13 =	vmax.f32 v13, v40;
	v41 =	vmax.f32 v60, v62  }
0x365: {  	v15 =	vmax.f32 v51, v15;
	v10 =	vmax.f32 v10, v42;
	v45 =	vmax.f32 v43, v13  }
0x366: {  	v63 =	vld [tilespmem:s28+$0x7090];
	v13 =	vmin.f32 v43, v13;
	v46 =	vmax.f32 v14, v11;
	v11 =	vmin.f32 v14, v11  }
0x367: {  	v44 =	vmax.f32 v12, v10;
	v10 =	vmin.f32 v12, v10;
	v47 =	vmax.f32 v15, v8  }
0x368: {  	v8 =	vmin.f32 v15, v8;
	v48 =	vmax.f32 v44, v46;
	v16 =	vmin.f32 v44, v46  }
0x369: {  	v38 =	vld [tilespmem:s28+$0x7110];
	v49 =	vmax.f32 v45, v47;
	v12 =	vmin.f32 v45, v47;
	v50 =	vmax.f32 v10, v11  }
0x36a: {  	v10 =	vmin.f32 v10, v11;
	v51 =	vmax.f32 v13, v8;
	v8 =	vmin.f32 v13, v8  }
0x36b: {  	v40 =	vld [tilespmem:s28+$0x7190];
	v23 =	vand.u32 $0xFFFFFFC0, v63;
	v13 =	vmax.f32 v48, v49;
	v15 =	vmin.f32 v48, v49  }
0x36c: {  	v60 =	vld [tilespmem:s28+$0x9310];
	v17 =	vmax.f32 v16, v12;
	v12 =	vmin.f32 v16, v12;
	v16 =	vmax.f32 v50, v51  }
0x36d: {  	v11 =	vmin.f32 v50, v51;
	v14 =	vmax.f32 v10, v8;
	v18 =	vmin.f32 v10, v8  }
0x36e: {  	v43 =	vld [tilespmem:s28+$0x7210];
	v8 =	vmin.f32 v52, v54;
	v10 =	vmin.f32 v53, v55;
	v27 =	vand.u32 $0xFFFFFFC0, v38  }
0x36f: {  	v23 =	vor.u32 $0x26, v23;
	v37 =	vmax.f32 v61, v8;
	v8 =	vmin.f32 v61, v8  }
0x370: {  	v42 =	vmax.f32 v10, v22;
	v22 =	vmin.f32 v10, v22;
	v27 =	vor.u32 $0x25, v27  }
0x371: {  	v59 =	vld [tilespmem:s28+$0x9290];
	v26 =	vand.u32 $0xFFFFFFC0, v40;
	v33 =	vand.u32 $0xFFFFFFC0, v60;
	v18 =	vmax.f32 v18, v41  }
0x372: {  	v44 =	vmax.f32 v37, v39;
	v19 =	vmin.f32 v37, v39;
	v46 =	vmax.f32 v8, v21  }
0x373: {  	v45 =	vld [tilespmem:s28+$0x7290];
	v8 =	vmin.f32 v8, v21;
	v13 =	vmax.f32 v13, v22;
	v29 =	vand.u32 $0xFFFFFFC0, v43  }
0x374: {  	v56 =	vld [tilespmem:s28+$0x9110];
	v26 =	vor.u32 $0x24, v26;
	v33 =	vor.u32 $0x19, v33;
	v47 =	vmax.f32 v44, v20  }
0x375: {  	v48 =	vld [tilespmem:s28+$0x7310];
	v10 =	vmin.f32 v44, v20;
	v49 =	vmax.f32 v42, v8;
	v25 =	vmin.f32 v42, v8  }
0x376: {  	v50 =	vld [tilespmem:s28+$0x7390];
	v29 =	vor.u32 $0x23, v29;
	v20 =	vand.u32 $0xFFFFFFC0, v59;
	v51 =	vmax.f32 v46, v10  }
0x377: {  	v53 =	vld [tilespmem:s28+$0x9010];
	v10 =	vmin.f32 v46, v10;
	v52 =	vmax.f32 v49, v19;
	v19 =	vmin.f32 v49, v19  }
0x378: {  	v55 =	vld [tilespmem:s28+$0x9090];
	v15 =	vmax.f32 v15, v25;
	v24 =	vand.u32 $0xFFFFFFC0, v45;
	v14 =	vmax.f32 v14, v47  }
0x379: {  	v57 =	vld [tilespmem:s28+$0x9190];
	v25 =	vand.u32 $0xFFFFFFC0, v56;
	v20 =	vor.u32 $0x1A, v20;
	v45 =	vmax.f32 v9, v23  }
0x37a: {  	v9 =	vmin.f32 v9, v23;
	v46 =	vmax.f32 v27, v26;
	v26 =	vmin.f32 v27, v26  }
0x37b: {  	v54 =	vmax.f32 v52, v10;
	v30 =	vmin.f32 v52, v10;
	v17 =	vmax.f32 v17, v19  }
0x37c: {  	v58 =	vld [tilespmem:s28+$0x9210];
	v31 =	vand.u32 $0xFFFFFFC0, v48;
	v11 =	vmax.f32 v11, v51;
	v24 =	vor.u32 $0x22, v24  }
0x37d: {  	v61 =	vld [tilespmem:s28+$0x9390];
	v32 =	vand.u32 $0xFFFFFFC0, v50;
	v34 =	vand.u32 $0xFFFFFFC0, v53;
	v22 =	vand.u32 $0xFFFFFFC0, v55  }
0x37e: {  	v8 =	vpop (erf);
	v19 =	vand.u32 $0xFFFFFFC0, v57;
	v25 =	vor.u32 $0x1D, v25;
	v49 =	vmax.f32 v45, v46  }
0x37f: {  	v50 =	vmax.f32 v9, v26;
	v9 =	vmin.f32 v9, v26;
	v10 =	vadd.f32 $1.000000000e+00, v8  }
0x380: {  	v12 =	vmax.f32 v12, v30;
	v16 =	vmax.f32 v16, v54;
	v31 =	vor.u32 $0x21, v31  }
0x381: {  	v32 =	vor.u32 $0x20, v32;
	v34 =	vor.u32 $0x1F, v34;
	v22 =	vor.u32 $0x1E, v22  }
0x382: {  	v30 =	vand.u32 $0xFFFFFFC0, v58;
	v19 =	vor.u32 $0x1C, v19;
	v21 =	vand.u32 $0xFFFFFFC0, v61  }
0x383: {  	v63 =	vmax.f32 v15, v11;
	v11 =	vmin.f32 v15, v11;
	v35 =	vmax.f32 v17, v14  }
0x384: {  	v14 =	vmin.f32 v17, v14;
	v47 =	vmax.f32 v29, v24;
	v24 =	vmin.f32 v29, v24  }
0x385: {  	v30 =	vor.u32 $0x1B, v30;
	v21 =	vor.u32 $0x18, v21;
	v62 =	vmax.f32 v13, v16  }
0x386: {  	v13 =	vmin.f32 v13, v16;
	v36 =	vmax.f32 v12, v18;
	v12 =	vmin.f32 v12, v18  }
0x387: {  	v48 =	vmax.f32 v31, v32;
	v31 =	vmin.f32 v31, v32;
	v37 =	vmax.f32 v62, v35  }
0x388: {  	v15 =	vmin.f32 v62, v35;
	v38 =	vmax.f32 v63, v36;
	v16 =	vmin.f32 v63, v36  }
0x389: {  	v39 =	vmax.f32 v13, v14;
	v13 =	vmin.f32 v13, v14;
	v40 =	vmax.f32 v11, v12  }
0x38a: {  	v11 =	vmin.f32 v11, v12;
	v51 =	vmax.f32 v47, v48;
	v27 =	vmin.f32 v47, v48  }
0x38b: {  	v52 =	vmax.f32 v24, v31;
	v24 =	vmin.f32 v24, v31;
	v47 =	vmax.f32 v33, v21  }
0x38c: {  	v21 =	vmin.f32 v33, v21;
	v41 =	vmax.f32 v37, v38;
	v18 =	vmin.f32 v37, v38  }
0x38d: {  	v42 =	vmax.f32 v15, v16;
	v15 =	vmin.f32 v15, v16;
	v43 =	vmax.f32 v39, v40  }
0x38e: {  	v14 =	vmin.f32 v39, v40;
	v44 =	vmax.f32 v13, v11;
	v11 =	vmin.f32 v13, v11  }
0x38f: {  	v13 =	vmin.f32 v45, v46;
	v54 =	vmax.f32 v52, v27;
	v27 =	vmin.f32 v52, v27  }
0x390: {  	v55 =	vmax.f32 v49, v51;
	v26 =	vmin.f32 v49, v51;
	v56 =	vmax.f32 v9, v24  }
0x391: {  	v9 =	vmin.f32 v9, v24;
	v45 =	vmax.f32 v25, v19;
	v19 =	vmin.f32 v25, v19  }
0x392: {  	v46 =	vmax.f32 v30, v20;
	v20 =	vmin.f32 v30, v20;
	v53 =	vmax.f32 v50, v13  }
0x393: {  	v13 =	vmin.f32 v50, v13;
	v9 =	vmax.f32 v41, v9;
	v11 =	vmax.f32 v11, v55  }
0x394: {  	v50 =	vmax.f32 v46, v47;
	v52 =	vmax.f32 v20, v21;
	v20 =	vmin.f32 v20, v21  }
0x395: {  	v57 =	vmax.f32 v53, v54;
	v23 =	vmin.f32 v53, v54;
	v58 =	vmax.f32 v13, v27  }
0x396: {  	v13 =	vmin.f32 v13, v27;
	v59 =	vmax.f32 v57, v26;
	v24 =	vmin.f32 v57, v26  }
0x397: {  	v51 =	vld [tilespmem:s28+$0xB010];
	v60 =	vmax.f32 v56, v13;
	v13 =	vmin.f32 v56, v13;
	v61 =	vmax.f32 v58, v24  }
0x398: {  	v24 =	vmin.f32 v58, v24;
	v62 =	vmax.f32 v60, v23;
	v23 =	vmin.f32 v60, v23  }
0x399: {  	v31 =	vmax.f32 v18, v13;
	v17 =	vmax.f32 v44, v59;
	v44 =	vmax.f32 v34, v22  }
0x39a: {  	v22 =	vmin.f32 v34, v22;
	v63 =	vmax.f32 v62, v24;
	v24 =	vmin.f32 v62, v24  }
0x39b: {  	v35 =	vmax.f32 v42, v23;
	v14 =	vmax.f32 v14, v61;
	v48 =	vmax.f32 v44, v45  }
0x39c: {  	v49 =	vmax.f32 v22, v19;
	v19 =	vmin.f32 v22, v19;
	v27 =	vand.u32 $0xFFFFFFC0, v51  }
0x39d: {  	v53 =	vld [tilespmem:s28+$0xB090];
	v15 =	vmax.f32 v15, v24;
	v16 =	vmax.f32 v43, v63;
	v37 =	vmax.f32 v31, v14  }
0x39e: {  	v12 =	vmin.f32 v31, v14;
	v38 =	vmax.f32 v35, v17;
	v13 =	vmin.f32 v35, v17  }
0x39f: {  	v24 =	vmin.f32 v46, v47;
	v57 =	vmax.f32 v48, v50;
	v22 =	vmin.f32 v48, v50  }
0x3a0: {  	v59 =	vmax.f32 v19, v20;
	v19 =	vmin.f32 v19, v20;
	v36 =	vmax.f32 v9, v16  }
0x3a1: {  	v9 =	vmin.f32 v9, v16;
	v39 =	vmax.f32 v15, v11;
	v11 =	vmin.f32 v15, v11  }
0x3a2: {  	v55 =	vmax.f32 v52, v24;
	v24 =	vmin.f32 v52, v24;
	v21 =	vand.u32 $0xFFFFFFC0, v53  }
0x3a3: {  	v56 =	vld [tilespmem:s28+$0xB110];
	v40 =	vmax.f32 v36, v38;
	v14 =	vmin.f32 v36, v38;
	v41 =	vmax.f32 v37, v39  }
0x3a4: {  	v58 =	vld [tilespmem:s28+$0xB190];
	v16 =	vmin.f32 v37, v39;
	v42 =	vmax.f32 v9, v13;
	v9 =	vmin.f32 v9, v13  }
0x3a5: {  	v61 =	vld [tilespmem:s28+$0xB210];
	v43 =	vmax.f32 v12, v11;
	v11 =	vmin.f32 v12, v11;
	v21 =	vor.u32 $0x16, v21  }
0x3a6: {  	v12 =	vmax.f32 v40, v41;
	v15 =	vmin.f32 v40, v41;
	v18 =	vmax.f32 v14, v16  }
0x3a7: {  	v14 =	vmin.f32 v14, v16;
	v16 =	vmax.f32 v42, v43;
	v13 =	vmin.f32 v42, v43  }
0x3a8: {  	v17 =	vmax.f32 v9, v11;
	v11 =	vmin.f32 v9, v11;
	v9 =	vmin.f32 v44, v45  }
0x3a9: {  	v63 =	vld [tilespmem:s28+$0xB290];
	v43 =	vor.u32 $0x17, v27;
	v44 =	vand.u32 $0xFFFFFFC0, v56;
	v26 =	vand.u32 $0xFFFFFFC0, v58  }
0x3aa: {  	v54 =	vmax.f32 v49, v9;
	v9 =	vmin.f32 v49, v9;
	v45 =	vand.u32 $0xFFFFFFC0, v61  }
0x3ab: {  	v27 =	vor.u32 $0x15, v44;
	v26 =	vor.u32 $0x14, v26;
	v12 =	vmax.f32 v12, v19  }
0x3ac: {  	v11 =	vmax.f32 v11, v57;
	v58 =	vmax.f32 v43, v21;
	v60 =	vmax.f32 v54, v55  }
0x3ad: {  	v38 =	vld [tilespmem:s28+$0xB310];
	v23 =	vmin.f32 v54, v55;
	v62 =	vmax.f32 v9, v24;
	v9 =	vmin.f32 v9, v24  }
0x3ae: {  	v29 =	vor.u32 $0x13, v45;
	v24 =	vand.u32 $0xFFFFFFC0, v63;
	v36 =	vmax.f32 v60, v22  }
0x3af: {  	v20 =	vmin.f32 v60, v22;
	v37 =	vmax.f32 v59, v9;
	v30 =	vmin.f32 v59, v9  }
0x3b0: {  	v41 =	vld [tilespmem:s28+$0xB390];
	v24 =	vor.u32 $0x12, v24;
	v59 =	vmax.f32 v27, v26;
	v60 =	vmin.f32 v27, v26  }
0x3b1: {  	v39 =	vmin.f32 v62, v20;
	v40 =	vmax.f32 v37, v23;
	v20 =	vmax.f32 v62, v20  }
0x3b2: {  	v22 =	vmin.f32 v37, v23;
	v46 =	vand.u32 $0xFFFFFFC0, v38;
	v15 =	vmax.f32 v15, v30  }
0x3b3: {  	v17 =	vmax.f32 v17, v36;
	v61 =	vmax.f32 v29, v24;
	v62 =	vmin.f32 v29, v24  }
0x3b4: {  	v30 =	vmax.f32 v58, v59;
	v42 =	vmax.f32 v40, v39;
	v34 =	vmin.f32 v40, v39  }
0x3b5: {  	v9 =	vpop (erf);
	v28 =	vand.u32 $0xFFFFFFC0, v41;
	v31 =	vor.u32 $0x11, v46;
	v18 =	vmax.f32 v18, v22  }
0x3b6: {  	v13 =	vmax.f32 v13, v20;
	v35 =	vadd.f32 v10, v9;
	v28 =	vor.u32 $0x10, v28  }
0x3b7: {  	v14 =	vmax.f32 v14, v34;
	v16 =	vmax.f32 v16, v42;
	v47 =	vmax.f32 v15, v13  }
0x3b8: {  	v13 =	vmin.f32 v15, v13;
	v48 =	vmax.f32 v18, v17;
	v17 =	vmin.f32 v18, v17  }
0x3b9: {  	v10 =	vmin.f32 v43, v21;
	v19 =	vmax.f32 v12, v16;
	v12 =	vmin.f32 v12, v16  }
0x3ba: {  	v49 =	vmax.f32 v14, v11;
	v11 =	vmin.f32 v14, v11;
	v63 =	vmax.f32 v31, v28  }
0x3bb: {  	v29 =	vmin.f32 v31, v28;
	v31 =	vmax.f32 v10, v60;
	v10 =	vmin.f32 v10, v60  }
0x3bc: {  	v50 =	vmax.f32 v19, v48;
	v15 =	vmin.f32 v19, v48;
	v51 =	vmax.f32 v47, v49  }
0x3bd: {  	v16 =	vmin.f32 v47, v49;
	v52 =	vmax.f32 v12, v17;
	v12 =	vmin.f32 v12, v17  }
0x3be: {  	v53 =	vmax.f32 v13, v11;
	v11 =	vmin.f32 v13, v11;
	v32 =	vmax.f32 v61, v63  }
0x3bf: {  	v22 =	vmin.f32 v61, v63;
	v33 =	vmax.f32 v62, v29;
	v23 =	vmin.f32 v62, v29  }
0x3c0: {  	v37 =	vld [tilespmem:s28+$0xD010];
	v54 =	vmax.f32 v50, v51;
	v14 =	vmin.f32 v50, v51;
	v55 =	vmax.f32 v15, v16  }
0x3c1: {  	v39 =	vld [tilespmem:s28+$0xD090];
	v15 =	vmin.f32 v15, v16;
	v56 =	vmax.f32 v52, v53;
	v17 =	vmin.f32 v52, v53  }
0x3c2: {  	v57 =	vmax.f32 v12, v11;
	v12 =	vmin.f32 v12, v11;
	v11 =	vmin.f32 v58, v59  }
0x3c3: {  	v44 =	vld [tilespmem:s28+$0xD190];
	v36 =	vmax.f32 v33, v22;
	v22 =	vmin.f32 v33, v22;
	v38 =	vmax.f32 v30, v32  }
0x3c4: {  	v42 =	vld [tilespmem:s28+$0xD110];
	v21 =	vmin.f32 v30, v32;
	v40 =	vmax.f32 v10, v23;
	v23 =	vmin.f32 v10, v23  }
0x3c5: {  	v27 =	vand.u32 $0xFFFFFFC0, v37;
	v34 =	vmax.f32 v31, v11;
	v11 =	vmin.f32 v31, v11  }
0x3c6: {  	v13 =	vmax.f32 v54, v23;
	v27 =	vor.u32 $0xF, v27;
	v26 =	vand.u32 $0xFFFFFFC0, v39  }
0x3c7: {  	v10 =	vpop (erf);
	v12 =	vmax.f32 v12, v38;
	v41 =	vmax.f32 v34, v36;
	v20 =	vmin.f32 v34, v36  }
0x3c8: {  	v43 =	vmax.f32 v11, v22;
	v11 =	vmin.f32 v11, v22;
	v52 =	vadd.f32 v35, v10  }
0x3c9: {  	v47 =	vld [tilespmem:s28+$0xD210];
	v26 =	vor.u32 $0xE, v26;
	v29 =	vand.u32 $0xFFFFFFC0, v42;
	v22 =	vand.u32 $0xFFFFFFC0, v44  }
0x3ca: {  	v45 =	vmax.f32 v41, v21;
	v21 =	vmin.f32 v41, v21;
	v46 =	vmax.f32 v40, v11  }
0x3cb: {  	v50 =	vld [tilespmem:s28+$0xD290];
	v11 =	vmin.f32 v40, v11;
	v29 =	vor.u32 $0xD, v29;
	v22 =	vor.u32 $0xC, v22  }
0x3cc: {  	v53 =	vld [tilespmem:s28+$0xD310];
	v38 =	vmax.f32 v27, v26;
	v39 =	vmin.f32 v27, v26;
	v48 =	vmin.f32 v43, v21  }
0x3cd: {  	v49 =	vmax.f32 v46, v20;
	v21 =	vmax.f32 v43, v21;
	v20 =	vmin.f32 v46, v20  }
0x3ce: {  	v54 =	vld [tilespmem:s28+$0xD390];
	v14 =	vmax.f32 v14, v11;
	v32 =	vand.u32 $0xFFFFFFC0, v47;
	v18 =	vmax.f32 v57, v45  }
0x3cf: {  	v40 =	vmax.f32 v29, v22;
	v22 =	vmin.f32 v29, v22;
	v51 =	vmax.f32 v49, v48  }
0x3d0: {  	v28 =	vmin.f32 v49, v48;
	v19 =	vmax.f32 v55, v20;
	v32 =	vor.u32 $0xB, v32  }
0x3d1: {  	v25 =	vand.u32 $0xFFFFFFC0, v50;
	v23 =	vand.u32 $0xFFFFFFC0, v53;
	v17 =	vmax.f32 v17, v21  }
0x3d2: {  	v43 =	vmax.f32 v38, v40;
	v44 =	vmax.f32 v39, v22;
	v25 =	vor.u32 $0xA, v25  }
0x3d3: {  	v23 =	vor.u32 $0x9, v23;
	v20 =	vand.u32 $0xFFFFFFC0, v54;
	v15 =	vmax.f32 v15, v28  }
0x3d4: {  	v11 =	vpop (erf);
	v16 =	vmax.f32 v56, v51;
	v56 =	vmax.f32 v14, v17;
	v14 =	vmin.f32 v14, v17  }
0x3d5: {  	v57 =	vmax.f32 v19, v18;
	v18 =	vmin.f32 v19, v18;
	v33 =	vadd.f32 v52, v11  }
0x3d6: {  	v20 =	vor.u32 $0x8, v20;
	v55 =	vmax.f32 v13, v16;
	v13 =	vmin.f32 v13, v16  }
0x3d7: {  	v58 =	vmax.f32 v15, v12;
	v12 =	vmin.f32 v15, v12;
	v41 =	vmax.f32 v32, v25  }
0x3d8: {  	v25 =	vmin.f32 v32, v25;
	v59 =	vmax.f32 v55, v57;
	v17 =	vmin.f32 v55, v57  }
0x3d9: {  	v60 =	vmax.f32 v56, v58;
	v16 =	vmin.f32 v56, v58;
	v61 =	vmax.f32 v13, v18  }
0x3da: {  	v13 =	vmin.f32 v13, v18;
	v62 =	vmax.f32 v14, v12;
	v12 =	vmin.f32 v14, v12  }
0x3db: {  	v42 =	vmax.f32 v23, v20;
	v20 =	vmin.f32 v23, v20;
	v63 =	vmax.f32 v59, v60  }
0x3dc: {  	v15 =	vmin.f32 v59, v60;
	v21 =	vmax.f32 v17, v16;
	v16 =	vmin.f32 v17, v16  }
0x3dd: {  	v36 =	vmax.f32 v61, v62;
	v18 =	vmin.f32 v61, v62;
	v37 =	vmax.f32 v13, v12  }
0x3de: {  	v24 =	vmin.f32 v13, v12;
	v12 =	vmin.f32 v38, v40;
	v13 =	vmin.f32 v39, v22  }
0x3df: {  	v51 =	vld [tilespmem:s28+$0xF010];
	v45 =	vmax.f32 v41, v42;
	v27 =	vmin.f32 v41, v42;
	v46 =	vmax.f32 v25, v20  }
0x3e0: {  	v20 =	vmin.f32 v25, v20;
	v47 =	vmax.f32 v44, v12;
	v12 =	vmin.f32 v44, v12  }
0x3e1: {  	v48 =	vmax.f32 v46, v27;
	v27 =	vmin.f32 v46, v27;
	v49 =	vmax.f32 v43, v45  }
0x3e2: {  	v22 =	vmin.f32 v43, v45;
	v50 =	vmax.f32 v13, v20;
	v13 =	vmin.f32 v13, v20  }
0x3e3: {  	v54 =	vld [tilespmem:s28+$0xF090];
	v52 =	vmax.f32 v47, v48;
	v25 =	vmin.f32 v47, v48;
	v53 =	vmax.f32 v12, v27  }
0x3e4: {  	v56 =	vld [tilespmem:s28+$0xF110];
	v12 =	vmin.f32 v12, v27;
	v14 =	vmax.f32 v63, v13;
	v20 =	vand.u32 $0xFFFFFFC0, v51  }
0x3e5: {  	v24 =	vmax.f32 v24, v49;
	v55 =	vmax.f32 v52, v22;
	v22 =	vmin.f32 v52, v22  }
0x3e6: {  	v59 =	vld [tilespmem:s28+$0xF190];
	v57 =	vmax.f32 v50, v12;
	v23 =	vmin.f32 v50, v12;
	v20 =	vor.u32 $0x7, v20  }
0x3e7: {  	v62 =	vld [tilespmem:s28+$0xF210];
	v58 =	vmax.f32 v53, v22;
	v60 =	vmin.f32 v53, v22;
	v61 =	vmax.f32 v57, v25  }
0x3e8: {  	v25 =	vmin.f32 v57, v25;
	v15 =	vmax.f32 v15, v23;
	v19 =	vmax.f32 v37, v55  }
0x3e9: {  	v35 =	vld [tilespmem:s28+$0xF310];
	v37 =	vand.u32 $0xFFFFFFC0, v54;
	v29 =	vand.u32 $0xFFFFFFC0, v56;
	v26 =	vmax.f32 v61, v60  }
0x3ea: {  	v22 =	vmin.f32 v61, v60;
	v21 =	vmax.f32 v21, v25;
	v18 =	vmax.f32 v18, v58  }
0x3eb: {  	v12 =	vpop (erf);
	v27 =	vor.u32 $0x6, v37;
	v29 =	vor.u32 $0x5, v29;
	v38 =	vand.u32 $0xFFFFFFC0, v59  }
0x3ec: {  	v31 =	vand.u32 $0xFFFFFFC0, v62;
	v63 =	vadd.f32 v33, v12;
	v16 =	vmax.f32 v16, v22  }
0x3ed: {  	v17 =	vmax.f32 v36, v26;
	v30 =	vor.u32 $0x4, v38;
	v31 =	vor.u32 $0x3, v31  }
0x3ee: {  	v22 =	vand.u32 $0xFFFFFFC0, v35;
	v40 =	vmax.f32 v15, v18;
	v15 =	vmin.f32 v15, v18  }
0x3ef: {  	v41 =	vmax.f32 v21, v19;
	v19 =	vmin.f32 v21, v19;
	v51 =	vmax.f32 v20, v27  }
0x3f0: {  	v20 =	vmin.f32 v20, v27;
	v22 =	vor.u32 $0x1, v22;
	v39 =	vmax.f32 v14, v17  }
0x3f1: {  	v13 =	vpop (erf);
	v14 =	vmin.f32 v14, v17;
	v42 =	vmax.f32 v16, v24;
	v16 =	vmin.f32 v16, v24  }
0x3f2: {  	v52 =	vmax.f32 v29, v30;
	v29 =	vmin.f32 v29, v30;
	v23 =	vadd.f32 v63, v13  }
0x3f3: {  	v43 =	vmax.f32 v39, v41;
	v18 =	vmin.f32 v39, v41;
	v44 =	vmax.f32 v40, v42  }
0x3f4: {  	v33 =	vld [tilespmem:s28+$0xF290];
	v17 =	vmin.f32 v40, v42;
	v45 =	vmax.f32 v14, v19;
	v14 =	vmin.f32 v14, v19  }
0x3f5: {  	v36 =	vld [tilespmem:s28+$0xF390];
	v46 =	vmax.f32 v15, v16;
	v15 =	vmin.f32 v15, v16;
	v55 =	vmax.f32 v51, v52  }
0x3f6: {  	v56 =	vmax.f32 v20, v29;
	v20 =	vmin.f32 v20, v29;
	v47 =	vmax.f32 v43, v44  }
0x3f7: {  	v24 =	vmin.f32 v43, v44;
	v48 =	vmax.f32 v18, v17;
	v17 =	vmin.f32 v18, v17  }
0x3f8: {  	v49 =	vmax.f32 v45, v46;
	v19 =	vmin.f32 v45, v46;
	v50 =	vmax.f32 v14, v15  }
0x3f9: {  	v14 =	vmin.f32 v14, v15;
	v15 =	vmin.f32 v51, v52;
	v25 =	vand.u32 $0xFFFFFFC0, v33  }
0x3fa: {  	v59 =	vmax.f32 v56, v15;
	v26 =	vand.u32 $0xFFFFFFC0, v36;
	v25 =	vor.u32 $0x2, v25  }
0x3fb: {  	v15 =	vmin.f32 v56, v15;
	v54 =	vmax.f32 v22, v26;
	v53 =	vmax.f32 v31, v25  }
0x3fc: {  	v22 =	vmin.f32 v22, v26;
	v25 =	vmin.f32 v31, v25;
	v57 =	vmax.f32 v53, v54  }
0x3fd: {  	v30 =	vmin.f32 v53, v54;
	v58 =	vmax.f32 v25, v22;
	v22 =	vmin.f32 v25, v22  }
0x3fe: {  	v60 =	vmax.f32 v58, v30;
	v30 =	vmin.f32 v58, v30;
	v61 =	vmax.f32 v55, v57  }
0x3ff: {  	v26 =	vmin.f32 v55, v57;
	v62 =	vmax.f32 v20, v22;
	v20 =	vmin.f32 v20, v22  }
0x400: {  	v63 =	vmax.f32 v59, v60;
	v25 =	vmin.f32 v59, v60;
	v33 =	vmax.f32 v15, v30  }
0x401: {  	v15 =	vmin.f32 v15, v30;
	v16 =	vmax.f32 v47, v20;
	v14 =	vmax.f32 v14, v61  }
0x402: {  	v34 =	vmax.f32 v63, v26;
	v22 =	vmin.f32 v63, v26;
	v35 =	vmax.f32 v62, v15  }
0x403: {  	v15 =	vmin.f32 v62, v15;
	v36 =	vmax.f32 v33, v22;
	v22 =	vmin.f32 v33, v22  }
0x404: {  	v37 =	vmax.f32 v35, v25;
	v25 =	vmin.f32 v35, v25;
	v15 =	vmax.f32 v24, v15  }
0x405: {  	v20 =	vpop (erf);
	v21 =	vmax.f32 v50, v34;
	v38 =	vmax.f32 v37, v22;
	v22 =	vmin.f32 v37, v22  }
0x406: {  	v23 =	vadd.f32 v23, v20;
	v39 =	vmax.f32 v48, v25;
	v19 =	vmax.f32 v19, v36  }
0x407: {  	v17 =	vmax.f32 v17, v22;
	v18 =	vmax.f32 v49, v38;
	v41 =	vmax.f32 v15, v19  }
0x408: {  	v42 =	vmax.f32 v39, v21;
	v40 =	vmax.f32 v16, v18;
	v43 =	vmax.f32 v17, v14  }
0x409: {  	(erf) = vrcp.f32 v23;
	v44 =	vmax.f32 v40, v42;
	v45 =	vmax.f32 v41, v43  }
0x40a: {  	v16 =	vmin.f32 v16, v18;
	v18 =	vmax.f32 v44, v45;
	v23 =	vmin.f32 v44, v45  }
0x40b: {  	v22 =	vmin.f32 v40, v42;
	v25 =	vmin.f32 v41, v43;
	v46 =	vsub.f32 v23, v18  }
0x40c: {  	v15 =	vmin.f32 v15, v19;
	v47 =	vmin.f32 v39, v21;
	v21 =	vmax.f32 v22, v25  }
0x40d: {  	v14 =	vmin.f32 v17, v14;
	v49 =	vsub.f32 v21, v18;
	v48 =	vmul.f32 $1.442695020e+00, v46  }
0x40e: {  	v50 =	vmax.f32 v16, v47;
	v51 =	vmax.f32 v15, v14;
	v22 =	vmin.f32 v22, v25  }
0x40f: {  	v53 =	vsub.f32 v22, v18;
	v52 =	vmul.f32 $1.442695020e+00, v49;
	(erf) = vpow2.f32 v48  }
0x410: {  	v25 =	vmax.f32 v50, v51  }
0x411: {  	v55 =	vsub.f32 v25, v18;
	v54 =	vmul.f32 $1.442695020e+00, v53;
	(erf) = vpow2.f32 v52  }
0x412: {  	v16 =	vmin.f32 v16, v47;
	v14 =	vmin.f32 v15, v14;
	v15 =	vmin.f32 v50, v51  }
0x413: {  	v57 =	vsub.f32 v15, v18;
	v56 =	vmul.f32 $1.442695020e+00, v55;
	(erf) = vpow2.f32 v54  }
0x414: {  	v24 =	vmax.f32 v16, v14  }
0x415: {  	v59 =	vsub.f32 v24, v18;
	v58 =	vmul.f32 $1.442695020e+00, v57;
	(erf) = vpow2.f32 v56  }
0x416: {  	v14 =	vmin.f32 v16, v14  }
0x417: {  	v62 =	vsub.f32 v14, v18;
	v61 =	vmul.f32 $1.442695020e+00, v59;
	v60 =	vpop (erf);
	(erf) = vpow2.f32 v58  }
0x418: {  	v7 =	vandn.u32 $0x3F, v7;
	v63 =	vpop (erf)  }
0x419: {  	v31 =	vmul.f32 $1.442695020e+00, v62;
	(erf) = vpow2.f32 v61;
	v32 =	vadd.f32 $1.000000000e+00, v63  }
0x41a: {  	v6 =	vandn.u32 $0x3F, v6;
	[tilespmem:s28+$0x13000] =	vst v7;
	v33 =	vpop (erf)  }
0x41b: {  	v5 =	vandn.u32 $0x3F, v5;
	[tilespmem:s28+$0x13080] =	vst v6;
	(erf) = vpow2.f32 v31;
	v34 =	vadd.f32 v32, v33  }
0x41c: {  	v4 =	vandn.u32 $0x3F, v4;
	[tilespmem:s28+$0x13100] =	vst v5;
	v35 =	vpop (erf)  }
0x41d: {  	v3 =	vandn.u32 $0x3F, v3;
	[tilespmem:s28+$0x13180] =	vst v4;
	v17 =	vadd.f32 v34, v35  }
0x41e: {  	v2 =	vandn.u32 $0x3F, v2;
	[tilespmem:s28+$0x13200] =	vst v3;
	v36 =	vpop (erf)  }
0x41f: {  	v0 =	vandn.u32 $0x3F, v0;
	[tilespmem:s28+$0x13280] =	vst v2;
	v17 =	vadd.f32 v17, v36  }
0x420: {  	[tilespmem:s28+$0x13300] =	vst v0;
	v47 =	vandn.u32 $0x3F, v1;
	v37 =	vpop (erf)  }
0x421: {  	[tilespmem:s28+$0x13380] =	vst v47;
	v51 =	vandn.u32 $0x3F, v23;
	v17 =	vadd.f32 v17, v37  }
0x422: {  	[tilespmem:s28+$0x13090] =	vst v51;
	v49 =	vandn.u32 $0x3F, v18;
	v38 =	vpop (erf)  }
0x423: {  	v53 =	vandn.u32 $0x3F, v21;
	[tilespmem:s28+$0x13010] =	vst v49;
	v40 =	vadd.f32 v17, v38  }
0x424: {  	v55 =	vandn.u32 $0x3F, v22;
	[tilespmem:s28+$0x13110] =	vst v53;
	v41 =	vpop (erf)  }
0x425: {  	v57 =	vandn.u32 $0x3F, v25;
	[tilespmem:s28+$0x13190] =	vst v55;
	v39 =	vmul.f32 v60, v9;
	v9 =	vadd.f32 v40, v41  }
0x426: {  	v59 =	vandn.u32 $0x3F, v15;
	[tilespmem:s28+$0x13210] =	vst v57  }
0x427: {  	v62 =	vandn.u32 $0x3F, v24;
	[tilespmem:s28+$0x13290] =	vst v59;
	(erf) = vrcp.f32 v9  }
0x428: {  	[tilespmem:s28+$0x13310] =	vst v62;
	v8 =	vmul.f32 v60, v8  }
0x429: {  	[tilespmem:s28+$0x11000] =	vst v60  }
0x42a: {  	v42 =	vmul.f32 v60, v10;
	[tilespmem:s28+$0x11080] =	vst v8  }
0x42b: {  	v43 =	vmul.f32 v60, v11;
	[tilespmem:s28+$0x11100] =	vst v39  }
0x42c: {  	v44 =	vmul.f32 v60, v12;
	[tilespmem:s28+$0x11180] =	vst v42  }
0x42d: {  	v45 =	vmul.f32 v60, v13;
	[tilespmem:s28+$0x11200] =	vst v43  }
0x42e: {  	v46 =	vmul.f32 v60, v20;
	[tilespmem:s28+$0x11280] =	vst v44  }
0x42f: {  	[tilespmem:s28+$0x11300] =	vst v45  }
0x430: {  	[tilespmem:s28+$0x11380] =	vst v46;
	v48 =	vpop (erf)  }
0x431: {  	v50 =	vmul.f32 v48, v63;
	[tilespmem:s28+$0x11010] =	vst v48;
	v63 =	vandn.u32 $0x3F, v14  }
0x432: {  	v52 =	vmul.f32 v48, v33;
	[tilespmem:s28+$0x13390] =	vst v63  }
0x433: {  	s25 =	sadd.s32 $0x2, s25;
	v54 =	vmul.f32 v48, v35;
	[tilespmem:s28+$0x11090] =	vst v50  }
0x434: {  	p0 =	slt.u32 s25, $0x6;
	v56 =	vmul.f32 v48, v36;
	[tilespmem:s28+$0x11110] =	vst v52  }
.Ltmp2:
0x435: {  	v58 =	vmul.f32 v48, v37;
	[tilespmem:s28+$0x11190] =	vst v54;
	(pc) =	sbr.rel @p0 .LBB2_7-.Ltmp2, $4  }
0x436: {  	v60 =	vmul.f32 v48, v38;
	[tilespmem:s28+$0x11210] =	vst v56  }
0x437: {  	v61 =	vmul.f32 v48, v41;
	[tilespmem:s28+$0x11290] =	vst v58  }
0x438: {  	[tilespmem:s28+$0x11310] =	vst v60  }
0x439: {  	s26 =	sadd.s32 $0x80, s26;
	[tilespmem:s28+$0x11390] =	vst v61  }
0x43a: {  	s25 =	sor.u32 s4, s0;
	s0 =	sadd.s32 $0x1, s0  }
0x43b: {  	p0 =	sne.s32 s0, $0x8  }
.Ltmp3:
0x43c: {  	s25 =	sshll.u32 s25, $0x7;
	(pc) =	sbr.rel @p0 .LBB2_6-.Ltmp3, $4  }
0x43d: {  	s28 =	sadd.s32 $0x10000, s24;
	s26 =	sadd.s32 s2, s25  }
0x43e: {  	[hbm4b:s26+s5] =	stream.linear.scatter [tilespmem:s28], [sflag:$0x3], $0x400, $0x38;
	[tilespmem:$0x14000] =	vst v63  }
0x43f: {  	s23 =	sadd.s32 $0x1000, s23;
	s25 =	sadd.s32 s3, s25;
	s28 =	sadd.s32 $0x12000, s24  }
0x440: {  	[hbm4b:s25+s5] =	stream.linear.scatter [tilespmem:s28], [sflag:$0x3], $0x400, $0x38;
	[tilespmem:$0x14000] =	vst v63  }
0x441: {  	_ =	swait.ge [sflag:s31], $0x400  }
0x442: {  	[sflag:s31] =	ssyncset.done $0x0  }
0x443: {  	[sflag:s31] =	ssyncadd.s32 $0xFFFFFC00  }
0x444: {  	_ =	swait.ge [sflag:s31], $0x400  }
0x445: {  	[sflag:s31] =	ssyncset.done $0x0  }
0x446: {  	[sflag:s31] =	ssyncadd.s32 $0xFFFFFC00  }
0x447: {  	_ =	swait.ge [sflag:s31], $0x400  }
0x448: {  	[sflag:s31] =	ssyncset.done $0x0  }
0x449: {  	[sflag:s31] =	ssyncadd.s32 $0xFFFFFC00  }
0x44a: {  	_ =	swait.ge [sflag:s31], $0x400  }
0x44b: {  	[sflag:s31] =	ssyncset.done $0x0  }
0x44c: {  	[sflag:s31] =	ssyncadd.s32 $0xFFFFFC00  }
0x44d: {  	_ =	swait.ge [sflag:s31], $0x400  }
0x44e: {  	[sflag:s31] =	ssyncset.done $0x0  }
0x44f: {  	[sflag:s31] =	ssyncadd.s32 $0xFFFFFC00  }
0x450: {  	_ =	swait.ge [sflag:s31], $0x400  }
0x451: {  	[sflag:s31] =	ssyncset.done $0x0  }
0x452: {  	[sflag:s31] =	ssyncadd.s32 $0xFFFFFC00  }
0x453: {  	_ =	swait.ge [sflag:s31], $0x400  }
0x454: {  	[sflag:s31] =	ssyncset.done $0x0  }
0x455: {  	[sflag:s31] =	ssyncadd.s32 $0xFFFFFC00  }
0x456: {  	_ =	swait.ge [sflag:s31], $0x400  }
0x457: {  	[sflag:s31] =	ssyncset.done $0x0  }
0x458: {  	[sflag:s31] =	ssyncadd.s32 $0xFFFFFC00  }
0x459: {  	_ =	swait.ge [sflag:s31], $0x400  }
0x45a: {  	[sflag:s31] =	ssyncset.done $0x0  }
0x45b: {  	[sflag:s31] =	ssyncadd.s32 $0xFFFFFC00  }
0x45c: {  	_ =	swait.ge [sflag:s31], $0x400  }
0x45d: {  	[sflag:s31] =	ssyncset.done $0x0  }
0x45e: {  	[sflag:s31] =	ssyncadd.s32 $0xFFFFFC00  }
0x45f: {  	_ =	swait.ge [sflag:s31], $0x400  }
0x460: {  	[sflag:s31] =	ssyncset.done $0x0  }
0x461: {  	[sflag:s31] =	ssyncadd.s32 $0xFFFFFC00  }
0x462: {  	_ =	swait.ge [sflag:s31], $0x400  }
0x463: {  	[sflag:s31] =	ssyncset.done $0x0  }
0x464: {  	[sflag:s31] =	ssyncadd.s32 $0xFFFFFC00  }
0x465: {  	_ =	swait.ge [sflag:s31], $0x400  }
0x466: {  	[sflag:s31] =	ssyncset.done $0x0  }
0x467: {  	[sflag:s31] =	ssyncadd.s32 $0xFFFFFC00  }
0x468: {  	_ =	swait.ge [sflag:s31], $0x400  }
0x469: {  	[sflag:s31] =	ssyncset.done $0x0  }
0x46a: {  	s1 =	sadd.s32 $0x1, s1;
	[sflag:s31] =	ssyncadd.s32 $0xFFFFFC00  }
0x46b: {  	p0 =	sne.s32 s1, s8;
	_ =	swait.ge [sflag:s31], $0x400  }
.Ltmp4:
0x46c: {  	[sflag:s31] =	ssyncset.done $0x0;
	(pc) =	sbr.rel @p0 .LBB2_1-.Ltmp4, $4  }
0x46d: {  	[sflag:s31] =	ssyncadd.s32 $0xFFFFFC00  }
0x46e: {  	_ =	swait.ge [sflag:s31], $0x400  }
0x46f: {  	[sflag:s31] =	ssyncset.done $0x0  }
0x470: {  	[sflag:s31] =	ssyncadd.s32 $0xFFFFFC00  }
0x471: {  	_ =	sfence.sel $0x180000  }
0x472: {  	[bflag:$0x0] =	sbarrier.arrive $0xFFFF  }
0x473: {  	_ =	strace $0x90000047  }
0x474: {  	s0 =	stileid.u32;
	[bflag:$0x2] =	sbarrier.arrive $0xFFFF  }
0x475: {  	p0 =	sne.s32 s0, $0x0;
	s0 =	rddreg [dreg:$0x3]  }
0x476: {  	s0 =	sadd.s32 @!p0 $0x100000, s0  }
0x477: {  	[sflag:s0] =	ssyncadd.tile.s32 @!p0 $0x1;
	_ =	shalt  }
.Lfunc_end2:
_tile_overlayer_lowered:
.L_overlay_start_2:
0x478: {  	(tag) =	ssettag $0x2  }
0x479: {  	s0 =	rddreg [dreg:$0x0];
	s2 =	stileid.u32  }
0x47a: {  	s1 =	rddreg [dreg:$0x1];
	p0 =	sne.s32 s2, $0x0  }
0x47b: {  	s3 =	rddreg [dreg:$0x2];
	[bflag:$0x3] =	sbarrier.arrive $0xFFFF;
	s2 =	simm.s32 @!p0 $0x1C04  }
0x47c: {  	[timem:s3], [sflag:s2] =	dma.local @!p0 [hbm:s0], s1  }
0x47d: {  	s0 =	simm.s32 @!p0 $0x4  }
0x47e: {  	_ =	swait.ge @!p0 [sflag:s0], s1  }
0x47f: {  	s1 =	ssub.s32 @!p0 $0x0, s1;
	[sflag:s0] =	ssyncset.done @!p0 $0x0  }
0x480: {  	[sflag:s0] =	ssyncadd.s32 @!p0 s1  }
0x481: {  	[bflag:$0x3] =	sbarrier.arrive $0xFFFF  }
0x482: {  	_ =	shalt  }

</sc_bundles>
